<compile_context>
chip_gen: v7x
topology: tpu7x:2x2x1
jax: 0.10.2.dev20260603
libtpu: 0.0.44.dev20260713+nightly
codegen_flags: <defaults>
</compile_context>

<pallas_src>
import dataclasses
import functools

import jax
import jax.numpy as jnp
from jax.experimental import pallas as pl
from jax.experimental.pallas import tpu as pltpu
from jax.experimental.pallas import tpu_sc as plsc

N = 10000
E = 320000
F_IN = 128
H = 20
B = 64
C = 10

NW = 32
EPW = E // NW
LANES = 16

FG = 2
NQ = H // FG
NS = 3
E2 = 336384
ET = E2 // NS
CH = 9344
assert ET % CH == 0 and (ET // CH) % 2 == 0 and CH % LANES == 0
assert NQ * NS <= NW
PAD_T = (E2 - E) // NW
MASK14 = (1 << 14) - 1

_MESH = plsc.VectorSubcoreMesh(core_axis_name="c", subcore_axis_name="s")

_SC_CP = pltpu.CompilerParams()
if "needs_layout_passes" in pltpu.CompilerParams.__dataclass_fields__:
    _SC_CP = dataclasses.replace(_SC_CP, needs_layout_passes=False)


def _wid():
    return jax.lax.axis_index("s") * 2 + jax.lax.axis_index("c")




@functools.partial(
    pl.kernel,
    out_type=jax.ShapeDtypeStruct((NW, N), jnp.float32),
    mesh=_MESH,
    scratch_types=[
        pltpu.VMEM((N,), jnp.float32),
        pltpu.VMEM((EPW,), jnp.int32),
        pltpu.VMEM((EPW,), jnp.float32),
    ],
    compiler_params=_SC_CP,
)
def _sc_deg(dst_hbm, ew_hbm, out_hbm, acc, dv, wv):
    wid = _wid()
    base = wid * EPW
    pltpu.sync_copy(dst_hbm.at[pl.ds(base, EPW)], dv)
    pltpu.sync_copy(ew_hbm.at[pl.ds(base, EPW)], wv)

    @plsc.parallel_loop(0, N, LANES, unroll=8)
    def _(i):
        acc[pl.ds(i, LANES)] = jnp.zeros((LANES,), jnp.float32)

    @plsc.parallel_loop(0, EPW, LANES, unroll=8)
    def _(i):
        d = dv[pl.ds(i, LANES)]
        w = wv[pl.ds(i, LANES)]
        plsc.addupdate_scatter(acc, [d], w)

    pltpu.sync_copy(acc, out_hbm.at[wid])




@functools.partial(
    pl.kernel,
    out_type=(
        jax.ShapeDtypeStruct((E2,), jnp.float32),
        jax.ShapeDtypeStruct((E2,), jnp.int32),
    ),
    mesh=_MESH,
    scratch_types=[
        pltpu.VMEM((N,), jnp.float32),
        pltpu.VMEM((EPW,), jnp.int32),
        pltpu.VMEM((EPW,), jnp.int32),
        pltpu.VMEM((EPW,), jnp.float32),
        pltpu.VMEM((EPW,), jnp.float32),
        pltpu.VMEM((EPW,), jnp.int32),
        pltpu.VMEM((PAD_T,), jnp.float32),
        pltpu.VMEM((PAD_T,), jnp.int32),
    ],
    compiler_params=_SC_CP,
)
def _sc_norm(src_hbm, dst_hbm, ew_hbm, dinv_hbm, nrm_hbm, pck_hbm,
             dn, sv, dv, wv, ov, pv, zf, zi):
    wid = _wid()
    base = wid * EPW
    pltpu.sync_copy(dinv_hbm.at[0], dn)
    pltpu.sync_copy(src_hbm.at[pl.ds(base, EPW)], sv)
    pltpu.sync_copy(dst_hbm.at[pl.ds(base, EPW)], dv)
    pltpu.sync_copy(ew_hbm.at[pl.ds(base, EPW)], wv)

    @plsc.parallel_loop(0, EPW, LANES, unroll=8)
    def _(i):
        s = sv[pl.ds(i, LANES)]
        d = dv[pl.ds(i, LANES)]
        w = wv[pl.ds(i, LANES)]
        a = plsc.load_gather(dn, [s])
        b = plsc.load_gather(dn, [d])
        ov[pl.ds(i, LANES)] = a * w * b
        pv[pl.ds(i, LANES)] = jnp.bitwise_or(jax.lax.shift_left(d, 14), s)

    @plsc.parallel_loop(0, PAD_T, LANES, unroll=4)
    def _(i):
        zf[pl.ds(i, LANES)] = jnp.zeros((LANES,), jnp.float32)
        zi[pl.ds(i, LANES)] = jnp.zeros((LANES,), jnp.int32)

    pltpu.sync_copy(ov, nrm_hbm.at[pl.ds(base, EPW)])
    pltpu.sync_copy(pv, pck_hbm.at[pl.ds(base, EPW)])
    pad_base = E + wid * PAD_T
    pltpu.sync_copy(zf, nrm_hbm.at[pl.ds(pad_base, PAD_T)])
    pltpu.sync_copy(zi, pck_hbm.at[pl.ds(pad_base, PAD_T)])




@functools.partial(
    pl.kernel,
    out_type=jax.ShapeDtypeStruct((NS * H, N), jnp.float32),
    mesh=_MESH,
    scratch_types=(
        [pltpu.VMEM((N,), jnp.float32)] * (2 * FG)
        + [
            pltpu.VMEM((CH,), jnp.int32),
            pltpu.VMEM((CH,), jnp.float32),
            pltpu.VMEM((CH,), jnp.int32),
            pltpu.VMEM((CH,), jnp.float32),
            pltpu.SemaphoreType.DMA,
            pltpu.SemaphoreType.DMA,
            pltpu.SemaphoreType.DMA,
        ]
    ),
    compiler_params=_SC_CP,
)
def _sc_msg(ht_hbm, pck_hbm, nrm_hbm, out_hbm, *scratch):
    pv0, nv0, pv1, nv1, sem0, sem1, sem2 = scratch[2 * FG:]
    wid = _wid()
    hcols = scratch[:FG]
    accs = scratch[FG:2 * FG]

    def start(c, pv, nv, sem):
        pltpu.async_copy(pck_hbm.at[pl.ds(c, CH)], pv, sem)
        pltpu.async_copy(nrm_hbm.at[pl.ds(c, CH)], nv, sem)

    def drain(pv, nv, sem):
        pltpu.make_async_copy(pck_hbm.at[pl.ds(0, CH)], pv, sem).wait()
        pltpu.make_async_copy(nrm_hbm.at[pl.ds(0, CH)], nv, sem).wait()

    def process(pv, nv):
        @plsc.parallel_loop(0, CH, LANES, unroll=8 // FG)
        def _(i):
            p = pv[pl.ds(i, LANES)]
            nm = nv[pl.ds(i, LANES)]
            s = jnp.bitwise_and(p, MASK14)
            d = jax.lax.shift_right_logical(p, 14)
            for hc, ac in zip(hcols, accs):
                plsc.addupdate_scatter(ac, [d], plsc.load_gather(hc, [s]) * nm)

    @pl.when(wid < NQ * NS)
    def _():
        quad = wid // NS
        split = wid % NS
        base = split * ET
        start(base, pv0, nv0, sem0)
        for j, hc in enumerate(hcols):
            pltpu.async_copy(ht_hbm.at[quad * FG + j], hc, sem2)

        for ac in accs:
            @plsc.parallel_loop(0, N, LANES, unroll=8)
            def _(i):
                ac[pl.ds(i, LANES)] = jnp.zeros((LANES,), jnp.float32)

        for j, hc in enumerate(hcols):
            pltpu.make_async_copy(ht_hbm.at[quad * FG + j], hc, sem2).wait()

        @pl.loop(0, ET, step=2 * CH)
        def _(c):
            start(base + c + CH, pv1, nv1, sem1)
            drain(pv0, nv0, sem0)
            process(pv0, nv0)

            @pl.when(c + 2 * CH < ET)
            def _():
                start(base + c + 2 * CH, pv0, nv0, sem0)

            drain(pv1, nv1, sem1)
            process(pv1, nv1)

        for j, ac in enumerate(accs):
            pltpu.async_copy(ac, out_hbm.at[split * H + quad * FG + j], sem2)
        for j, ac in enumerate(accs):
            pltpu.make_async_copy(ac, out_hbm.at[split * H + quad * FG + j],
                                  sem2).wait()




def _tc_prep(deg_parts, x, W1):
    def body(parts_ref, x_ref, w_ref, dinv_ref, ht_ref):
        deg = jnp.sum(parts_ref[...], axis=0, keepdims=True) + 1.0
        dinv_ref[...] = jnp.where(deg > 0, 1.0 / jnp.sqrt(deg), 0.0)
        ht_ref[...] = jax.lax.dot_general(
            w_ref[...], x_ref[...], (((0,), (1,)), ((), ())),
            preferred_element_type=jnp.float32)

    return pl.pallas_call(
        body,
        out_shape=(
            jax.ShapeDtypeStruct((1, N), jnp.float32),
            jax.ShapeDtypeStruct((H, N), jnp.float32),
        ),
    )(deg_parts, x, W1)




def _epilogue(msg_parts, ht, dinv, b_col):
    msg = msg_parts[pl.ds(0, H), :]
    for k in range(1, NS):
        msg = msg + msg_parts[pl.ds(k * H, H), :]
    tmp = msg + dinv * dinv * ht + b_col
    ss = jnp.sum(tmp * tmp, axis=0, keepdims=True)
    nrm = jnp.maximum(jnp.sqrt(ss), 1e-12)
    return jnp.maximum(tmp / nrm, 0.0)


def _tc_mid(msg, ht, dinv, b_col, Wn):
    def body(m_ref, h_ref, di_ref, b_ref, w_ref, o_ref):
        emb = _epilogue(m_ref, h_ref[...], di_ref[...], b_ref[...])
        o_ref[...] = jax.lax.dot_general(
            w_ref[...], emb, (((0,), (0,)), ((), ())),
            preferred_element_type=jnp.float32)

    return pl.pallas_call(
        body,
        out_shape=jax.ShapeDtypeStruct((H, N), jnp.float32),
    )(msg, ht, dinv, b_col, Wn)




def _tc_final(msg, ht, dinv, b_col, batch2d, Wl, bl):
    def body(m_ref, h_ref, di_ref, b_ref, bt_ref, wl_ref, bl_ref, o_ref,
             feats_ref):
        emb = _epilogue(m_ref, h_ref[...], di_ref[...], b_ref[...])
        bt = bt_ref[...]
        gids = jax.lax.broadcasted_iota(jnp.int32, (B, 1), 0)
        onehot = (bt == gids).astype(jnp.float32)
        cnt = jnp.sum(onehot, axis=1)
        gsum_t = jax.lax.dot_general(
            emb, onehot, (((1,), (1,)), ((), ())),
            preferred_element_type=jnp.float32)
        gmean_t = gsum_t / jnp.maximum(cnt, 1.0)[None, :]
        for g in range(B):
            mg = jnp.where(bt == g, emb, 0.0)
            feats_ref[g, pl.ds(0, H)] = jnp.max(mg, axis=1)
            feats_ref[g, pl.ds(H, H)] = gmean_t[:, g]
        o_ref[...] = jnp.dot(feats_ref[...], wl_ref[...],
                             preferred_element_type=jnp.float32) + bl_ref[...]

    return pl.pallas_call(
        body,
        out_shape=jax.ShapeDtypeStruct((B, C), jnp.float32),
        scratch_shapes=[pltpu.VMEM((B, 2 * H), jnp.float32)],
    )(msg, ht, dinv, b_col, batch2d, Wl, bl)




def kernel(x, edge_index, batch, edge_weights, W1, b1, W2, b2, W3, b3, Wl, bl):
    src = edge_index[0]
    dst = edge_index[1]
    batch2d = batch.reshape(1, N)

    deg_parts = _sc_deg(dst, edge_weights)
    dinv, ht1 = _tc_prep(deg_parts, x, W1)
    norm, packed = _sc_norm(src, dst, edge_weights, dinv)

    msg1 = _sc_msg(ht1, packed, norm)
    ht2 = _tc_mid(msg1, ht1, dinv, b1.reshape(H, 1), W2)
    msg2 = _sc_msg(ht2, packed, norm)
    ht3 = _tc_mid(msg2, ht2, dinv, b2.reshape(H, 1), W3)
    msg3 = _sc_msg(ht3, packed, norm)
    return _tc_final(msg3, ht3, dinv, b3.reshape(H, 1), batch2d, Wl, bl)

# --- scband reference (transcript-rebuilt; emitter-appended) ---
"""Pipeline reference for scband-graph-gcn-49744311222603 (READ-ONLY COPY).

The authoritative reference and input builder live on the scoring server;
editing this copy changes nothing except your own understanding.
"""

import jax, jax.numpy as jnp
import numpy as np

N = 10000
E = 320000
F_IN = 128
H = 20
B = 64
C = 10


def setup_inputs(seed: int = 0) -> dict:
    key = jax.random.key(seed)
    ks = jax.random.split(key, 12)
    x = jax.random.normal(ks[0], (N, F_IN), dtype=jnp.float32)
    edge_index = jax.random.randint(ks[1], (2, E), 0, N, dtype=jnp.int32)
    batch = jnp.sort(jax.random.randint(ks[2], (N,), 0, B, dtype=jnp.int32))
    edge_weights = jax.random.uniform(ks[3], (E,), dtype=jnp.float32)
    W1 = jax.random.normal(ks[4], (F_IN, H), dtype=jnp.float32) * (1.0 / np.sqrt(F_IN))
    b1 = jnp.zeros((H,), dtype=jnp.float32)
    W2 = jax.random.normal(ks[5], (H, H), dtype=jnp.float32) * (1.0 / np.sqrt(H))
    b2 = jnp.zeros((H,), dtype=jnp.float32)
    W3 = jax.random.normal(ks[6], (H, H), dtype=jnp.float32) * (1.0 / np.sqrt(H))
    b3 = jnp.zeros((H,), dtype=jnp.float32)
    Wl = jax.random.normal(ks[7], (2 * H, C), dtype=jnp.float32) * (1.0 / np.sqrt(2 * H))
    bl = jnp.zeros((C,), dtype=jnp.float32)
    return {"x": x, "edge_index": edge_index, "batch": batch, "edge_weights": edge_weights,
            "W1": W1, "b1": b1, "W2": W2, "b2": b2, "W3": W3, "b3": b3, "Wl": Wl, "bl": bl}


def _gcn_conv(x, edge_index, edge_weight, W, b):
    # PyG GCNConv: add self-loops (weight 1), symmetric normalization, linear first
    n = x.shape[0]
    loop = jnp.arange(n, dtype=edge_index.dtype)
    src = jnp.concatenate([edge_index[0], loop])
    dst = jnp.concatenate([edge_index[1], loop])
    ew = jnp.concatenate([edge_weight, jnp.ones((n,), dtype=x.dtype)])
    deg = jax.ops.segment_sum(ew, dst, num_segments=n)
    dinv = jnp.where(deg > 0, 1.0 / jnp.sqrt(deg), 0.0)
    norm = dinv[src] * ew * dinv[dst]
    h = x @ W
    msg = h[src] * norm[:, None]
    out = jax.ops.segment_sum(msg, dst, num_segments=n)
    return out + b


def _l2norm(x):
    # torch F.normalize(p=2, dim=1)
    n = jnp.sqrt(jnp.sum(x * x, axis=1, keepdims=True))
    return x / jnp.maximum(n, 1e-12)


def reference(x, edge_index, batch, edge_weights, W1, b1, W2, b2, W3, b3, Wl, bl):
    h = _gcn_conv(x, edge_index, edge_weights, W1, b1)
    h = jax.nn.relu(_l2norm(h))
    h = _gcn_conv(h, edge_index, edge_weights, W2, b2)
    h = jax.nn.relu(_l2norm(h))
    h = _gcn_conv(h, edge_index, edge_weights, W3, b3)
    embed = jax.nn.relu(_l2norm(h))
    # global max pool
    gmax = jax.ops.segment_max(embed, batch, num_segments=B)
    gmax = jnp.where(jnp.isfinite(gmax), gmax, 0.0)
    # global mean pool
    gsum = jax.ops.segment_sum(embed, batch, num_segments=B)
    cnt = jax.ops.segment_sum(jnp.ones((embed.shape[0],), dtype=embed.dtype), batch, num_segments=B)
    gmean = gsum / jnp.maximum(cnt, 1.0)[:, None]
    input_lin = jnp.concatenate([gmax, gmean], axis=-1)
    out = input_lin @ Wl + bl
    return out

if __name__ == "__main__":
    import jax
    _d = setup_inputs()
    print(jax.jit(kernel)(*tuple(_d.values())))

</pallas_src>

<mosaic_0001>
#map = affine_map<(d0, d1) -> (0)>
#map1 = affine_map<(d0, d1) -> (0, 0)>
module attributes {stable_mosaic.version = 14 : i64} {
  func.func @_sc_norm(%arg0: i32, %arg1: i32, %arg2: memref<320000xi32, #tpu.memory_space<hbm>>, %arg3: memref<320000xi32, #tpu.memory_space<hbm>>, %arg4: memref<320000xf32, #tpu.memory_space<hbm>>, %arg5: memref<1x10000xf32, #tpu.memory_space<hbm>>, %arg6: memref<336384xf32, #tpu.memory_space<hbm>>, %arg7: memref<336384xi32, #tpu.memory_space<hbm>>, %arg8: memref<10000xf32, #tpu.memory_space<vmem>>, %arg9: memref<10000xi32, #tpu.memory_space<vmem>>, %arg10: memref<10000xi32, #tpu.memory_space<vmem>>, %arg11: memref<10000xf32, #tpu.memory_space<vmem>>, %arg12: memref<10000xf32, #tpu.memory_space<vmem>>, %arg13: memref<10000xi32, #tpu.memory_space<vmem>>, %arg14: memref<512xf32, #tpu.memory_space<vmem>>, %arg15: memref<512xi32, #tpu.memory_space<vmem>>) attributes {dimension_semantics = [#tpu.dimension_semantics<core_parallel>, #tpu.dimension_semantics<subcore_parallel>], iteration_bounds = array<i64: 2, 16>, scalar_prefetch = 0 : i64, scratch_operands = 8 : i64, tpu.core_type = #tpu.core_type<sc_vector_subcore>, window_params = [{transform_indices = #map}, {transform_indices = #map}, {transform_indices = #map}, {transform_indices = #map1}, {transform_indices = #map}, {transform_indices = #map}]} {
    %mul3A = arith.constant 2 : i32
    %mul3A_0 = arith.muli %arg1, %mul3A : i32
    %add3A = arith.addi %mul3A_0, %arg0 : i32
    %mul3A_1 = arith.constant 10000 : i32
    %mul3A_2 = arith.muli %add3A, %mul3A_1 : i32
    %run_scoped3A = arith.constant 0 : i32
    "tpu.region"() ({
      %run_scoped3A_12 = tpu.sem_alloc : memref<!tpu.dma_semaphore, #tpu.memory_space<semaphore_mem>>
      %dma_start3A = arith.constant 0 : i32
      %dma_start3A_13 = tpu.memref_slice %arg5[%run_scoped3A, %dma_start3A] : memref<1x10000xf32, #tpu.memory_space<hbm>> -> memref<1x10000xf32, #tpu.memory_space<hbm>>
      %dma_start3A_14 = tpu.memref_squeeze %dma_start3A_13 : memref<1x10000xf32, #tpu.memory_space<hbm>> -> memref<10000xf32, #tpu.memory_space<hbm>>
      %dma_start3A_15 = arith.constant 0 : i32
      %dma_start3A_16 = tpu.memref_slice %arg5[%run_scoped3A, %dma_start3A_15] : memref<1x10000xf32, #tpu.memory_space<hbm>> -> memref<1x10000xf32, #tpu.memory_space<hbm>>
      %dma_start3A_17 = tpu.memref_squeeze %dma_start3A_16 : memref<1x10000xf32, #tpu.memory_space<hbm>> -> memref<10000xf32, #tpu.memory_space<hbm>>
      tpu.enqueue_dma source(%dma_start3A_17 : memref<10000xf32, #tpu.memory_space<hbm>>) target(%arg8 : memref<10000xf32, #tpu.memory_space<vmem>>) target_semaphore(%run_scoped3A_12 : memref<!tpu.dma_semaphore, #tpu.memory_space<semaphore_mem>>)
      %dma_wait3A = arith.constant 0 : i32
      %dma_wait3A_18 = tpu.memref_slice %arg5[%run_scoped3A, %dma_wait3A] : memref<1x10000xf32, #tpu.memory_space<hbm>> -> memref<1x10000xf32, #tpu.memory_space<hbm>>
      %dma_wait3A_19 = tpu.memref_squeeze %dma_wait3A_18 : memref<1x10000xf32, #tpu.memory_space<hbm>> -> memref<10000xf32, #tpu.memory_space<hbm>>
      %dma_wait3A_20 = arith.constant 0 : i32
      %dma_wait3A_21 = tpu.memref_slice %arg5[%run_scoped3A, %dma_wait3A_20] : memref<1x10000xf32, #tpu.memory_space<hbm>> -> memref<1x10000xf32, #tpu.memory_space<hbm>>
      %dma_wait3A_22 = tpu.memref_squeeze %dma_wait3A_21 : memref<1x10000xf32, #tpu.memory_space<hbm>> -> memref<10000xf32, #tpu.memory_space<hbm>>
      tpu.wait_dma2 semaphore(%run_scoped3A_12 : memref<!tpu.dma_semaphore, #tpu.memory_space<semaphore_mem>>) src(%dma_wait3A_22 : memref<10000xf32, #tpu.memory_space<hbm>>) dst(%arg8 : memref<10000xf32, #tpu.memory_space<vmem>>)
      tpu.yield
    }) : () -> ()
    "tpu.region"() ({
      %run_scoped3A_12 = tpu.sem_alloc : memref<!tpu.dma_semaphore, #tpu.memory_space<semaphore_mem>>
      %dma_start3A = tpu.memref_slice %arg2[%mul3A_2] : memref<320000xi32, #tpu.memory_space<hbm>> -> memref<10000xi32, #tpu.memory_space<hbm>>
      %dma_start3A_13 = tpu.memref_slice %arg2[%mul3A_2] : memref<320000xi32, #tpu.memory_space<hbm>> -> memref<10000xi32, #tpu.memory_space<hbm>>
      tpu.enqueue_dma source(%dma_start3A_13 : memref<10000xi32, #tpu.memory_space<hbm>>) target(%arg9 : memref<10000xi32, #tpu.memory_space<vmem>>) target_semaphore(%run_scoped3A_12 : memref<!tpu.dma_semaphore, #tpu.memory_space<semaphore_mem>>)
      %dma_wait3A = tpu.memref_slice %arg2[%mul3A_2] : memref<320000xi32, #tpu.memory_space<hbm>> -> memref<10000xi32, #tpu.memory_space<hbm>>
      %dma_wait3A_14 = tpu.memref_slice %arg2[%mul3A_2] : memref<320000xi32, #tpu.memory_space<hbm>> -> memref<10000xi32, #tpu.memory_space<hbm>>
      tpu.wait_dma2 semaphore(%run_scoped3A_12 : memref<!tpu.dma_semaphore, #tpu.memory_space<semaphore_mem>>) src(%dma_wait3A_14 : memref<10000xi32, #tpu.memory_space<hbm>>) dst(%arg9 : memref<10000xi32, #tpu.memory_space<vmem>>)
      tpu.yield
    }) : () -> ()
    "tpu.region"() ({
      %run_scoped3A_12 = tpu.sem_alloc : memref<!tpu.dma_semaphore, #tpu.memory_space<semaphore_mem>>
      %dma_start3A = tpu.memref_slice %arg3[%mul3A_2] : memref<320000xi32, #tpu.memory_space<hbm>> -> memref<10000xi32, #tpu.memory_space<hbm>>
      %dma_start3A_13 = tpu.memref_slice %arg3[%mul3A_2] : memref<320000xi32, #tpu.memory_space<hbm>> -> memref<10000xi32, #tpu.memory_space<hbm>>
      tpu.enqueue_dma source(%dma_start3A_13 : memref<10000xi32, #tpu.memory_space<hbm>>) target(%arg10 : memref<10000xi32, #tpu.memory_space<vmem>>) target_semaphore(%run_scoped3A_12 : memref<!tpu.dma_semaphore, #tpu.memory_space<semaphore_mem>>)
      %dma_wait3A = tpu.memref_slice %arg3[%mul3A_2] : memref<320000xi32, #tpu.memory_space<hbm>> -> memref<10000xi32, #tpu.memory_space<hbm>>
      %dma_wait3A_14 = tpu.memref_slice %arg3[%mul3A_2] : memref<320000xi32, #tpu.memory_space<hbm>> -> memref<10000xi32, #tpu.memory_space<hbm>>
      tpu.wait_dma2 semaphore(%run_scoped3A_12 : memref<!tpu.dma_semaphore, #tpu.memory_space<semaphore_mem>>) src(%dma_wait3A_14 : memref<10000xi32, #tpu.memory_space<hbm>>) dst(%arg10 : memref<10000xi32, #tpu.memory_space<vmem>>)
      tpu.yield
    }) : () -> ()
    "tpu.region"() ({
      %run_scoped3A_12 = tpu.sem_alloc : memref<!tpu.dma_semaphore, #tpu.memory_space<semaphore_mem>>
      %dma_start3A = tpu.memref_slice %arg4[%mul3A_2] : memref<320000xf32, #tpu.memory_space<hbm>> -> memref<10000xf32, #tpu.memory_space<hbm>>
      %dma_start3A_13 = tpu.memref_slice %arg4[%mul3A_2] : memref<320000xf32, #tpu.memory_space<hbm>> -> memref<10000xf32, #tpu.memory_space<hbm>>
      tpu.enqueue_dma source(%dma_start3A_13 : memref<10000xf32, #tpu.memory_space<hbm>>) target(%arg11 : memref<10000xf32, #tpu.memory_space<vmem>>) target_semaphore(%run_scoped3A_12 : memref<!tpu.dma_semaphore, #tpu.memory_space<semaphore_mem>>)
      %dma_wait3A = tpu.memref_slice %arg4[%mul3A_2] : memref<320000xf32, #tpu.memory_space<hbm>> -> memref<10000xf32, #tpu.memory_space<hbm>>
      %dma_wait3A_14 = tpu.memref_slice %arg4[%mul3A_2] : memref<320000xf32, #tpu.memory_space<hbm>> -> memref<10000xf32, #tpu.memory_space<hbm>>
      tpu.wait_dma2 semaphore(%run_scoped3A_12 : memref<!tpu.dma_semaphore, #tpu.memory_space<semaphore_mem>>) src(%dma_wait3A_14 : memref<10000xf32, #tpu.memory_space<hbm>>) dst(%arg11 : memref<10000xf32, #tpu.memory_space<vmem>>)
      tpu.yield
    }) : () -> ()
    %parallel_loop3A = arith.constant 0 : i32
    %parallel_loop3A_3 = arith.constant 10000 : i32
    %parallel_loop3A_4 = arith.constant 16 : i32
    scf.for %parallel_loop3A_12 = %parallel_loop3A to %parallel_loop3A_3 step %parallel_loop3A_4  : i32 {
      %parallel_loop3A_13 = arith.index_cast %parallel_loop3A_12 : i32 to index
      %parallel_loop3A_14 = tpu.vector_load %arg9[%parallel_loop3A_13] {strides = array<i32>} : memref<10000xi32, #tpu.memory_space<vmem>>, vector<16xi32>,
      %parallel_loop3A_15 = arith.index_cast %parallel_loop3A_12 : i32 to index
      %parallel_loop3A_16 = tpu.vector_load %arg10[%parallel_loop3A_15] {strides = array<i32>} : memref<10000xi32, #tpu.memory_space<vmem>>, vector<16xi32>,
      %parallel_loop3A_17 = arith.index_cast %parallel_loop3A_12 : i32 to index
      %parallel_loop3A_18 = tpu.vector_load %arg11[%parallel_loop3A_17] {strides = array<i32>} : memref<10000xf32, #tpu.memory_space<vmem>>, vector<16xf32>,
      %parallel_loop3A_19 = tpu.vector_load_idx %arg8[%parallel_loop3A_14] : memref<10000xf32, #tpu.memory_space<vmem>>[vector<16xi32>], vector<16xf32>,
      %parallel_loop3A_20 = tpu.vector_load_idx %arg8[%parallel_loop3A_16] : memref<10000xf32, #tpu.memory_space<vmem>>[vector<16xi32>], vector<16xf32>,
      %parallel_loop3A_21 = arith.mulf %parallel_loop3A_19, %parallel_loop3A_18 : vector<16xf32>
      %parallel_loop3A_22 = arith.mulf %parallel_loop3A_21, %parallel_loop3A_20 : vector<16xf32>
      %parallel_loop3A_23 = arith.index_cast %parallel_loop3A_12 : i32 to index
      %parallel_loop3A_24 = tpu.vector_load %arg12[%parallel_loop3A_23] {strides = array<i32>} : memref<10000xf32, #tpu.memory_space<vmem>>, vector<16xf32>,
      tpu.vector_store %arg12[%parallel_loop3A_23], %parallel_loop3A_22 {strides = array<i32>} : memref<10000xf32, #tpu.memory_space<vmem>>, vector<16xf32>,
      %parallel_loop3A_25 = arith.constant 14 : i32
      %parallel_loop3A_26 = vector.broadcast %parallel_loop3A_25 : i32 to vector<16xi32>
      %parallel_loop3A_27 = arith.shli %parallel_loop3A_16, %parallel_loop3A_26 : vector<16xi32>
      %parallel_loop3A_28 = arith.ori %parallel_loop3A_27, %parallel_loop3A_14 : vector<16xi32>
      %parallel_loop3A_29 = arith.index_cast %parallel_loop3A_12 : i32 to index
      %parallel_loop3A_30 = tpu.vector_load %arg13[%parallel_loop3A_29] {strides = array<i32>} : memref<10000xi32, #tpu.memory_space<vmem>>, vector<16xi32>,
      tpu.vector_store %arg13[%parallel_loop3A_29], %parallel_loop3A_28 {strides = array<i32>} : memref<10000xi32, #tpu.memory_space<vmem>>, vector<16xi32>,
    } {sc.loop_unroll_factor = 8 : i64, sc.parallel_access}
    %parallel_loop3A_5 = arith.constant 0 : i32
    %parallel_loop3A_6 = arith.constant 512 : i32
    %parallel_loop3A_7 = arith.constant 16 : i32
    scf.for %parallel_loop3A_12 = %parallel_loop3A_5 to %parallel_loop3A_6 step %parallel_loop3A_7  : i32 {
      %parallel_loop3A_13 = arith.constant 0.000000e+00 : f32
      %parallel_loop3A_14 = vector.broadcast %parallel_loop3A_13 : f32 to vector<16xf32>
      %parallel_loop3A_15 = arith.index_cast %parallel_loop3A_12 : i32 to index
      %parallel_loop3A_16 = tpu.vector_load %arg14[%parallel_loop3A_15] {strides = array<i32>} : memref<512xf32, #tpu.memory_space<vmem>>, vector<16xf32>,
      tpu.vector_store %arg14[%parallel_loop3A_15], %parallel_loop3A_14 {strides = array<i32>} : memref<512xf32, #tpu.memory_space<vmem>>, vector<16xf32>,
      %parallel_loop3A_17 = arith.constant 0 : i32
      %parallel_loop3A_18 = vector.broadcast %parallel_loop3A_17 : i32 to vector<16xi32>
      %parallel_loop3A_19 = arith.index_cast %parallel_loop3A_12 : i32 to index
      %parallel_loop3A_20 = tpu.vector_load %arg15[%parallel_loop3A_19] {strides = array<i32>} : memref<512xi32, #tpu.memory_space<vmem>>, vector<16xi32>,
      tpu.vector_store %arg15[%parallel_loop3A_19], %parallel_loop3A_18 {strides = array<i32>} : memref<512xi32, #tpu.memory_space<vmem>>, vector<16xi32>,
    } {sc.loop_unroll_factor = 4 : i64, sc.parallel_access}
    "tpu.region"() ({
      %run_scoped3A_12 = tpu.sem_alloc : memref<!tpu.dma_semaphore, #tpu.memory_space<semaphore_mem>>
      %dma_start3A = tpu.memref_slice %arg6[%mul3A_2] : memref<336384xf32, #tpu.memory_space<hbm>> -> memref<10000xf32, #tpu.memory_space<hbm>>
      %dma_start3A_13 = tpu.memref_slice %arg6[%mul3A_2] : memref<336384xf32, #tpu.memory_space<hbm>> -> memref<10000xf32, #tpu.memory_space<hbm>>
      tpu.enqueue_dma source(%arg12 : memref<10000xf32, #tpu.memory_space<vmem>>) target(%dma_start3A_13 : memref<10000xf32, #tpu.memory_space<hbm>>) target_semaphore(%run_scoped3A_12 : memref<!tpu.dma_semaphore, #tpu.memory_space<semaphore_mem>>)
      %dma_wait3A = tpu.memref_slice %arg6[%mul3A_2] : memref<336384xf32, #tpu.memory_space<hbm>> -> memref<10000xf32, #tpu.memory_space<hbm>>
      %dma_wait3A_14 = tpu.memref_slice %arg6[%mul3A_2] : memref<336384xf32, #tpu.memory_space<hbm>> -> memref<10000xf32, #tpu.memory_space<hbm>>
      tpu.wait_dma2 semaphore(%run_scoped3A_12 : memref<!tpu.dma_semaphore, #tpu.memory_space<semaphore_mem>>) src(%arg12 : memref<10000xf32, #tpu.memory_space<vmem>>) dst(%dma_wait3A_14 : memref<10000xf32, #tpu.memory_space<hbm>>)
      tpu.yield
    }) : () -> ()
    "tpu.region"() ({
      %run_scoped3A_12 = tpu.sem_alloc : memref<!tpu.dma_semaphore, #tpu.memory_space<semaphore_mem>>
      %dma_start3A = tpu.memref_slice %arg7[%mul3A_2] : memref<336384xi32, #tpu.memory_space<hbm>> -> memref<10000xi32, #tpu.memory_space<hbm>>
      %dma_start3A_13 = tpu.memref_slice %arg7[%mul3A_2] : memref<336384xi32, #tpu.memory_space<hbm>> -> memref<10000xi32, #tpu.memory_space<hbm>>
      tpu.enqueue_dma source(%arg13 : memref<10000xi32, #tpu.memory_space<vmem>>) target(%dma_start3A_13 : memref<10000xi32, #tpu.memory_space<hbm>>) target_semaphore(%run_scoped3A_12 : memref<!tpu.dma_semaphore, #tpu.memory_space<semaphore_mem>>)
      %dma_wait3A = tpu.memref_slice %arg7[%mul3A_2] : memref<336384xi32, #tpu.memory_space<hbm>> -> memref<10000xi32, #tpu.memory_space<hbm>>
      %dma_wait3A_14 = tpu.memref_slice %arg7[%mul3A_2] : memref<336384xi32, #tpu.memory_space<hbm>> -> memref<10000xi32, #tpu.memory_space<hbm>>
      tpu.wait_dma2 semaphore(%run_scoped3A_12 : memref<!tpu.dma_semaphore, #tpu.memory_space<semaphore_mem>>) src(%arg13 : memref<10000xi32, #tpu.memory_space<vmem>>) dst(%dma_wait3A_14 : memref<10000xi32, #tpu.memory_space<hbm>>)
      tpu.yield
    }) : () -> ()
    %mul3A_8 = arith.constant 512 : i32
    %mul3A_9 = arith.muli %add3A, %mul3A_8 : i32
    %add3A_10 = arith.constant 320000 : i32
    %add3A_11 = arith.addi %add3A_10, %mul3A_9 : i32
    "tpu.region"() ({
      %run_scoped3A_12 = tpu.sem_alloc : memref<!tpu.dma_semaphore, #tpu.memory_space<semaphore_mem>>
      %dma_start3A = tpu.memref_slice %arg6[%add3A_11] : memref<336384xf32, #tpu.memory_space<hbm>> -> memref<512xf32, #tpu.memory_space<hbm>>
      %dma_start3A_13 = tpu.memref_slice %arg6[%add3A_11] : memref<336384xf32, #tpu.memory_space<hbm>> -> memref<512xf32, #tpu.memory_space<hbm>>
      tpu.enqueue_dma source(%arg14 : memref<512xf32, #tpu.memory_space<vmem>>) target(%dma_start3A_13 : memref<512xf32, #tpu.memory_space<hbm>>) target_semaphore(%run_scoped3A_12 : memref<!tpu.dma_semaphore, #tpu.memory_space<semaphore_mem>>)
      %dma_wait3A = tpu.memref_slice %arg6[%add3A_11] : memref<336384xf32, #tpu.memory_space<hbm>> -> memref<512xf32, #tpu.memory_space<hbm>>
      %dma_wait3A_14 = tpu.memref_slice %arg6[%add3A_11] : memref<336384xf32, #tpu.memory_space<hbm>> -> memref<512xf32, #tpu.memory_space<hbm>>
      tpu.wait_dma2 semaphore(%run_scoped3A_12 : memref<!tpu.dma_semaphore, #tpu.memory_space<semaphore_mem>>) src(%arg14 : memref<512xf32, #tpu.memory_space<vmem>>) dst(%dma_wait3A_14 : memref<512xf32, #tpu.memory_space<hbm>>)
      tpu.yield
    }) : () -> ()
    "tpu.region"() ({
      %run_scoped3A_12 = tpu.sem_alloc : memref<!tpu.dma_semaphore, #tpu.memory_space<semaphore_mem>>
      %dma_start3A = tpu.memref_slice %arg7[%add3A_11] : memref<336384xi32, #tpu.memory_space<hbm>> -> memref<512xi32, #tpu.memory_space<hbm>>
      %dma_start3A_13 = tpu.memref_slice %arg7[%add3A_11] : memref<336384xi32, #tpu.memory_space<hbm>> -> memref<512xi32, #tpu.memory_space<hbm>>
      tpu.enqueue_dma source(%arg15 : memref<512xi32, #tpu.memory_space<vmem>>) target(%dma_start3A_13 : memref<512xi32, #tpu.memory_space<hbm>>) target_semaphore(%run_scoped3A_12 : memref<!tpu.dma_semaphore, #tpu.memory_space<semaphore_mem>>)
      %dma_wait3A = tpu.memref_slice %arg7[%add3A_11] : memref<336384xi32, #tpu.memory_space<hbm>> -> memref<512xi32, #tpu.memory_space<hbm>>
      %dma_wait3A_14 = tpu.memref_slice %arg7[%add3A_11] : memref<336384xi32, #tpu.memory_space<hbm>> -> memref<512xi32, #tpu.memory_space<hbm>>
      tpu.wait_dma2 semaphore(%run_scoped3A_12 : memref<!tpu.dma_semaphore, #tpu.memory_space<semaphore_mem>>) src(%arg15 : memref<512xi32, #tpu.memory_space<vmem>>) dst(%dma_wait3A_14 : memref<512xi32, #tpu.memory_space<hbm>>)
      tpu.yield
    }) : () -> ()
    return
  }
}

#map = affine_map<(d0, d1) -> (0, 0)>
#map1 = affine_map<(d0, d1) -> (0)>
module attributes {stable_mosaic.version = 14 : i64} {
  func.func @_sc_msg(%arg0: i32, %arg1: i32, %arg2: memref<20x10000xf32, #tpu.memory_space<hbm>>, %arg3: memref<336384xi32, #tpu.memory_space<hbm>>, %arg4: memref<336384xf32, #tpu.memory_space<hbm>>, %arg5: memref<60x10000xf32, #tpu.memory_space<hbm>>, %arg6: memref<10000xf32, #tpu.memory_space<vmem>>, %arg7: memref<10000xf32, #tpu.memory_space<vmem>>, %arg8: memref<10000xf32, #tpu.memory_space<vmem>>, %arg9: memref<10000xf32, #tpu.memory_space<vmem>>, %arg10: memref<9344xi32, #tpu.memory_space<vmem>>, %arg11: memref<9344xf32, #tpu.memory_space<vmem>>, %arg12: memref<9344xi32, #tpu.memory_space<vmem>>, %arg13: memref<9344xf32, #tpu.memory_space<vmem>>, %arg14: memref<!tpu.dma_semaphore, #tpu.memory_space<semaphore_mem>>, %arg15: memref<!tpu.dma_semaphore, #tpu.memory_space<semaphore_mem>>, %arg16: memref<!tpu.dma_semaphore, #tpu.memory_space<semaphore_mem>>) attributes {dimension_semantics = [#tpu.dimension_semantics<core_parallel>, #tpu.dimension_semantics<subcore_parallel>], iteration_bounds = array<i64: 2, 16>, scalar_prefetch = 0 : i64, scratch_operands = 11 : i64, tpu.core_type = #tpu.core_type<sc_vector_subcore>, window_params = [{transform_indices = #map}, {transform_indices = #map1}, {transform_indices = #map1}, {transform_indices = #map}]} {
    %mul3A = arith.constant 2 : i32
    %mul3A_0 = arith.muli %arg1, %mul3A : i32
    %add3A = arith.addi %mul3A_0, %arg0 : i32
    %lt3A = arith.constant 30 : i32
    %lt3A_1 = arith.cmpi slt, %add3A, %lt3A : i32
    %convert_element_type3A = arith.extui %lt3A_1 : i1 to i32
    %cond3A = arith.constant 0 : i32
    %cond3A_2 = arith.cmpi ne, %convert_element_type3A, %cond3A : i32
    scf.if %cond3A_2 {
      %jit3A = arith.constant 3 : i32
      %div3A = arith.divsi %add3A, %jit3A : i32
      %sign3A = arith.constant 0 : i32
      %sign3A_3 = arith.cmpi sgt, %add3A, %sign3A : i32
      %sign3A_4 = arith.extui %sign3A_3 : i1 to i32
      %sign3A_5 = arith.constant 0 : i32
      %sign3A_6 = arith.cmpi slt, %add3A, %sign3A_5 : i32
      %sign3A_7 = arith.extui %sign3A_6 : i1 to i32
      %sign3A_8 = arith.subi %sign3A_4, %sign3A_7 : i32
      %sign3A_9 = arith.constant 0 : i32
      %sign3A_10 = arith.cmpi sgt, %jit3A, %sign3A_9 : i32
      %sign3A_11 = arith.extui %sign3A_10 : i1 to i32
      %sign3A_12 = arith.constant 0 : i32
      %sign3A_13 = arith.cmpi slt, %jit3A, %sign3A_12 : i32
      %sign3A_14 = arith.extui %sign3A_13 : i1 to i32
      %sign3A_15 = arith.subi %sign3A_11, %sign3A_14 : i32
      %ne3A = arith.cmpi ne, %sign3A_8, %sign3A_15 : i32
      %rem3A = arith.remsi %add3A, %jit3A : i32
      %ne3A_16 = arith.constant 0 : i32
      %ne3A_17 = arith.cmpi ne, %rem3A, %ne3A_16 : i32
      %and3A = arith.andi %ne3A, %ne3A_17 : i1
      %sub3A = arith.constant 1 : i32
      %sub3A_18 = arith.subi %div3A, %sub3A : i32
      %select_n3A = arith.select %and3A, %sub3A_18, %div3A : i32
      %jit3A_19 = arith.constant 3 : i32
      %eq3A = arith.constant 0 : i32
      %eq3A_20 = arith.cmpi eq, %jit3A_19, %eq3A : i32
      %jit3A_21 = arith.constant 1 : i32
      %select_n3A_22 = arith.select %eq3A_20, %jit3A_21, %jit3A_19 : i32
      %rem3A_23 = arith.remsi %add3A, %select_n3A_22 : i32
      %ne3A_24 = arith.constant 0 : i32
      %ne3A_25 = arith.cmpi ne, %rem3A_23, %ne3A_24 : i32
      %lt3A_26 = arith.constant 0 : i32
      %lt3A_27 = arith.cmpi slt, %rem3A_23, %lt3A_26 : i32
      %lt3A_28 = arith.constant 0 : i32
      %lt3A_29 = arith.cmpi slt, %select_n3A_22, %lt3A_28 : i32
      %ne3A_30 = arith.xori %lt3A_27, %lt3A_29 : i1
      %and3A_31 = arith.andi %ne3A_30, %ne3A_25 : i1
      %add3A_32 = arith.addi %rem3A_23, %select_n3A_22 : i32
      %select_n3A_33 = arith.select %and3A_31, %add3A_32, %rem3A_23 : i32
      %mul3A_34 = arith.constant 112128 : i32
      %mul3A_35 = arith.muli %select_n3A_33, %mul3A_34 : i32
      %dma_start3A = tpu.memref_slice %arg3[%mul3A_35] : memref<336384xi32, #tpu.memory_space<hbm>> -> memref<9344xi32, #tpu.memory_space<hbm>>
      %dma_start3A_36 = tpu.memref_slice %arg3[%mul3A_35] : memref<336384xi32, #tpu.memory_space<hbm>> -> memref<9344xi32, #tpu.memory_space<hbm>>
      tpu.enqueue_dma source(%dma_start3A_36 : memref<9344xi32, #tpu.memory_space<hbm>>) target(%arg10 : memref<9344xi32, #tpu.memory_space<vmem>>) target_semaphore(%arg14 : memref<!tpu.dma_semaphore, #tpu.memory_space<semaphore_mem>>)
      %dma_start3A_37 = tpu.memref_slice %arg4[%mul3A_35] : memref<336384xf32, #tpu.memory_space<hbm>> -> memref<9344xf32, #tpu.memory_space<hbm>>
      %dma_start3A_38 = tpu.memref_slice %arg4[%mul3A_35] : memref<336384xf32, #tpu.memory_space<hbm>> -> memref<9344xf32, #tpu.memory_space<hbm>>
      tpu.enqueue_dma source(%dma_start3A_38 : memref<9344xf32, #tpu.memory_space<hbm>>) target(%arg11 : memref<9344xf32, #tpu.memory_space<vmem>>) target_semaphore(%arg14 : memref<!tpu.dma_semaphore, #tpu.memory_space<semaphore_mem>>)
      %mul3A_39 = arith.constant 2 : i32
      %mul3A_40 = arith.muli %select_n3A, %mul3A_39 : i32
      %add3A_41 = arith.constant 0 : i32
      %add3A_42 = arith.addi %mul3A_40, %add3A_41 : i32
      %dma_start3A_43 = arith.constant 0 : i32
      %dma_start3A_44 = tpu.memref_slice %arg2[%add3A_42, %dma_start3A_43] : memref<20x10000xf32, #tpu.memory_space<hbm>> -> memref<1x10000xf32, #tpu.memory_space<hbm>>
      %dma_start3A_45 = tpu.memref_squeeze %dma_start3A_44 : memref<1x10000xf32, #tpu.memory_space<hbm>> -> memref<10000xf32, #tpu.memory_space<hbm>>
      %dma_start3A_46 = arith.constant 0 : i32
      %dma_start3A_47 = tpu.memref_slice %arg2[%add3A_42, %dma_start3A_46] : memref<20x10000xf32, #tpu.memory_space<hbm>> -> memref<1x10000xf32, #tpu.memory_space<hbm>>
      %dma_start3A_48 = tpu.memref_squeeze %dma_start3A_47 : memref<1x10000xf32, #tpu.memory_space<hbm>> -> memref<10000xf32, #tpu.memory_space<hbm>>
      tpu.enqueue_dma source(%dma_start3A_48 : memref<10000xf32, #tpu.memory_space<hbm>>) target(%arg6 : memref<10000xf32, #tpu.memory_space<vmem>>) target_semaphore(%arg16 : memref<!tpu.dma_semaphore, #tpu.memory_space<semaphore_mem>>)
      %mul3A_49 = arith.constant 2 : i32
      %mul3A_50 = arith.muli %select_n3A, %mul3A_49 : i32
      %add3A_51 = arith.constant 1 : i32
      %add3A_52 = arith.addi %mul3A_50, %add3A_51 : i32
      %dma_start3A_53 = arith.constant 0 : i32
      %dma_start3A_54 = tpu.memref_slice %arg2[%add3A_52, %dma_start3A_53] : memref<20x10000xf32, #tpu.memory_space<hbm>> -> memref<1x10000xf32, #tpu.memory_space<hbm>>
      %dma_start3A_55 = tpu.memref_squeeze %dma_start3A_54 : memref<1x10000xf32, #tpu.memory_space<hbm>> -> memref<10000xf32, #tpu.memory_space<hbm>>
      %dma_start3A_56 = arith.constant 0 : i32
      %dma_start3A_57 = tpu.memref_slice %arg2[%add3A_52, %dma_start3A_56] : memref<20x10000xf32, #tpu.memory_space<hbm>> -> memref<1x10000xf32, #tpu.memory_space<hbm>>
      %dma_start3A_58 = tpu.memref_squeeze %dma_start3A_57 : memref<1x10000xf32, #tpu.memory_space<hbm>> -> memref<10000xf32, #tpu.memory_space<hbm>>
      tpu.enqueue_dma source(%dma_start3A_58 : memref<10000xf32, #tpu.memory_space<hbm>>) target(%arg7 : memref<10000xf32, #tpu.memory_space<vmem>>) target_semaphore(%arg16 : memref<!tpu.dma_semaphore, #tpu.memory_space<semaphore_mem>>)
      %parallel_loop3A = arith.constant 0 : i32
      %parallel_loop3A_59 = arith.constant 10000 : i32
      %parallel_loop3A_60 = arith.constant 16 : i32
      scf.for %parallel_loop3A_139 = %parallel_loop3A to %parallel_loop3A_59 step %parallel_loop3A_60  : i32 {
        %parallel_loop3A_140 = arith.constant 0.000000e+00 : f32
        %parallel_loop3A_141 = vector.broadcast %parallel_loop3A_140 : f32 to vector<16xf32>
        %parallel_loop3A_142 = arith.index_cast %parallel_loop3A_139 : i32 to index
        %parallel_loop3A_143 = tpu.vector_load %arg8[%parallel_loop3A_142] {strides = array<i32>} : memref<10000xf32, #tpu.memory_space<vmem>>, vector<16xf32>,
        tpu.vector_store %arg8[%parallel_loop3A_142], %parallel_loop3A_141 {strides = array<i32>} : memref<10000xf32, #tpu.memory_space<vmem>>, vector<16xf32>,
      } {sc.loop_unroll_factor = 8 : i64, sc.parallel_access}
      %parallel_loop3A_61 = arith.constant 0 : i32
      %parallel_loop3A_62 = arith.constant 10000 : i32
      %parallel_loop3A_63 = arith.constant 16 : i32
      scf.for %parallel_loop3A_139 = %parallel_loop3A_61 to %parallel_loop3A_62 step %parallel_loop3A_63  : i32 {
        %parallel_loop3A_140 = arith.constant 0.000000e+00 : f32
        %parallel_loop3A_141 = vector.broadcast %parallel_loop3A_140 : f32 to vector<16xf32>
        %parallel_loop3A_142 = arith.index_cast %parallel_loop3A_139 : i32 to index
        %parallel_loop3A_143 = tpu.vector_load %arg9[%parallel_loop3A_142] {strides = array<i32>} : memref<10000xf32, #tpu.memory_space<vmem>>, vector<16xf32>,
        tpu.vector_store %arg9[%parallel_loop3A_142], %parallel_loop3A_141 {strides = array<i32>} : memref<10000xf32, #tpu.memory_space<vmem>>, vector<16xf32>,
      } {sc.loop_unroll_factor = 8 : i64, sc.parallel_access}
      %mul3A_64 = arith.constant 2 : i32
      %mul3A_65 = arith.muli %select_n3A, %mul3A_64 : i32
      %add3A_66 = arith.constant 0 : i32
      %add3A_67 = arith.addi %mul3A_65, %add3A_66 : i32
      %dma_wait3A = arith.constant 0 : i32
      %dma_wait3A_68 = tpu.memref_slice %arg2[%add3A_67, %dma_wait3A] : memref<20x10000xf32, #tpu.memory_space<hbm>> -> memref<1x10000xf32, #tpu.memory_space<hbm>>
      %dma_wait3A_69 = tpu.memref_squeeze %dma_wait3A_68 : memref<1x10000xf32, #tpu.memory_space<hbm>> -> memref<10000xf32, #tpu.memory_space<hbm>>
      %dma_wait3A_70 = arith.constant 0 : i32
      %dma_wait3A_71 = tpu.memref_slice %arg2[%add3A_67, %dma_wait3A_70] : memref<20x10000xf32, #tpu.memory_space<hbm>> -> memref<1x10000xf32, #tpu.memory_space<hbm>>
      %dma_wait3A_72 = tpu.memref_squeeze %dma_wait3A_71 : memref<1x10000xf32, #tpu.memory_space<hbm>> -> memref<10000xf32, #tpu.memory_space<hbm>>
      tpu.wait_dma2 semaphore(%arg16 : memref<!tpu.dma_semaphore, #tpu.memory_space<semaphore_mem>>) src(%dma_wait3A_72 : memref<10000xf32, #tpu.memory_space<hbm>>) dst(%arg6 : memref<10000xf32, #tpu.memory_space<vmem>>)
      %mul3A_73 = arith.constant 2 : i32
      %mul3A_74 = arith.muli %select_n3A, %mul3A_73 : i32
      %add3A_75 = arith.constant 1 : i32
      %add3A_76 = arith.addi %mul3A_74, %add3A_75 : i32
      %dma_wait3A_77 = arith.constant 0 : i32
      %dma_wait3A_78 = tpu.memref_slice %arg2[%add3A_76, %dma_wait3A_77] : memref<20x10000xf32, #tpu.memory_space<hbm>> -> memref<1x10000xf32, #tpu.memory_space<hbm>>
      %dma_wait3A_79 = tpu.memref_squeeze %dma_wait3A_78 : memref<1x10000xf32, #tpu.memory_space<hbm>> -> memref<10000xf32, #tpu.memory_space<hbm>>
      %dma_wait3A_80 = arith.constant 0 : i32
      %dma_wait3A_81 = tpu.memref_slice %arg2[%add3A_76, %dma_wait3A_80] : memref<20x10000xf32, #tpu.memory_space<hbm>> -> memref<1x10000xf32, #tpu.memory_space<hbm>>
      %dma_wait3A_82 = tpu.memref_squeeze %dma_wait3A_81 : memref<1x10000xf32, #tpu.memory_space<hbm>> -> memref<10000xf32, #tpu.memory_space<hbm>>
      tpu.wait_dma2 semaphore(%arg16 : memref<!tpu.dma_semaphore, #tpu.memory_space<semaphore_mem>>) src(%dma_wait3A_82 : memref<10000xf32, #tpu.memory_space<hbm>>) dst(%arg7 : memref<10000xf32, #tpu.memory_space<vmem>>)
      %scan3A = arith.constant 0 : i32
      %scan3A_83 = arith.constant 6 : i32
      %scan3A_84 = arith.addi %scan3A, %scan3A_83 : i32
      %scan3A_85 = arith.constant 1 : i32
      scf.for %scan3A_139 = %scan3A to %scan3A_84 step %scan3A_85  : i32 {
        %mul3A_140 = arith.constant 18688 : i32
        %mul3A_141 = arith.muli %scan3A_139, %mul3A_140 : i32
        %add3A_142 = arith.constant 0 : i32
        %add3A_143 = arith.addi %add3A_142, %mul3A_141 : i32
        %add3A_144 = arith.addi %mul3A_35, %add3A_143 : i32
        %add3A_145 = arith.constant 9344 : i32
        %add3A_146 = arith.addi %add3A_144, %add3A_145 : i32
        %dma_start3A_147 = tpu.memref_slice %arg3[%add3A_146] : memref<336384xi32, #tpu.memory_space<hbm>> -> memref<9344xi32, #tpu.memory_space<hbm>>
        %dma_start3A_148 = tpu.memref_slice %arg3[%add3A_146] : memref<336384xi32, #tpu.memory_space<hbm>> -> memref<9344xi32, #tpu.memory_space<hbm>>
        tpu.enqueue_dma source(%dma_start3A_148 : memref<9344xi32, #tpu.memory_space<hbm>>) target(%arg12 : memref<9344xi32, #tpu.memory_space<vmem>>) target_semaphore(%arg15 : memref<!tpu.dma_semaphore, #tpu.memory_space<semaphore_mem>>)
        %dma_start3A_149 = tpu.memref_slice %arg4[%add3A_146] : memref<336384xf32, #tpu.memory_space<hbm>> -> memref<9344xf32, #tpu.memory_space<hbm>>
        %dma_start3A_150 = tpu.memref_slice %arg4[%add3A_146] : memref<336384xf32, #tpu.memory_space<hbm>> -> memref<9344xf32, #tpu.memory_space<hbm>>
        tpu.enqueue_dma source(%dma_start3A_150 : memref<9344xf32, #tpu.memory_space<hbm>>) target(%arg13 : memref<9344xf32, #tpu.memory_space<vmem>>) target_semaphore(%arg15 : memref<!tpu.dma_semaphore, #tpu.memory_space<semaphore_mem>>)
        %dma_wait3A_151 = arith.constant 0 : i32
        %dma_wait3A_152 = tpu.memref_slice %arg3[%dma_wait3A_151] : memref<336384xi32, #tpu.memory_space<hbm>> -> memref<9344xi32, #tpu.memory_space<hbm>>
        %dma_wait3A_153 = arith.constant 0 : i32
        %dma_wait3A_154 = tpu.memref_slice %arg3[%dma_wait3A_153] : memref<336384xi32, #tpu.memory_space<hbm>> -> memref<9344xi32, #tpu.memory_space<hbm>>
        tpu.wait_dma2 semaphore(%arg14 : memref<!tpu.dma_semaphore, #tpu.memory_space<semaphore_mem>>) src(%dma_wait3A_154 : memref<9344xi32, #tpu.memory_space<hbm>>) dst(%arg10 : memref<9344xi32, #tpu.memory_space<vmem>>)
        %dma_wait3A_155 = arith.constant 0 : i32
        %dma_wait3A_156 = tpu.memref_slice %arg4[%dma_wait3A_155] : memref<336384xf32, #tpu.memory_space<hbm>> -> memref<9344xf32, #tpu.memory_space<hbm>>
        %dma_wait3A_157 = arith.constant 0 : i32
        %dma_wait3A_158 = tpu.memref_slice %arg4[%dma_wait3A_157] : memref<336384xf32, #tpu.memory_space<hbm>> -> memref<9344xf32, #tpu.memory_space<hbm>>
        tpu.wait_dma2 semaphore(%arg14 : memref<!tpu.dma_semaphore, #tpu.memory_space<semaphore_mem>>) src(%dma_wait3A_158 : memref<9344xf32, #tpu.memory_space<hbm>>) dst(%arg11 : memref<9344xf32, #tpu.memory_space<vmem>>)
        %parallel_loop3A_159 = arith.constant 0 : i32
        %parallel_loop3A_160 = arith.constant 9344 : i32
        %parallel_loop3A_161 = arith.constant 16 : i32
        scf.for %parallel_loop3A_180 = %parallel_loop3A_159 to %parallel_loop3A_160 step %parallel_loop3A_161  : i32 {
          %parallel_loop3A_181 = arith.index_cast %parallel_loop3A_180 : i32 to index
          %parallel_loop3A_182 = tpu.vector_load %arg10[%parallel_loop3A_181] {strides = array<i32>} : memref<9344xi32, #tpu.memory_space<vmem>>, vector<16xi32>,
          %parallel_loop3A_183 = arith.index_cast %parallel_loop3A_180 : i32 to index
          %parallel_loop3A_184 = tpu.vector_load %arg11[%parallel_loop3A_183] {strides = array<i32>} : memref<9344xf32, #tpu.memory_space<vmem>>, vector<16xf32>,
          %parallel_loop3A_185 = arith.constant 16383 : i32
          %parallel_loop3A_186 = vector.broadcast %parallel_loop3A_185 : i32 to vector<16xi32>
          %parallel_loop3A_187 = arith.andi %parallel_loop3A_182, %parallel_loop3A_186 : vector<16xi32>
          %parallel_loop3A_188 = arith.constant 14 : i32
          %parallel_loop3A_189 = vector.broadcast %parallel_loop3A_188 : i32 to vector<16xi32>
          %parallel_loop3A_190 = arith.shrui %parallel_loop3A_182, %parallel_loop3A_189 : vector<16xi32>
          %parallel_loop3A_191 = tpu.vector_load_idx %arg6[%parallel_loop3A_187] : memref<10000xf32, #tpu.memory_space<vmem>>[vector<16xi32>], vector<16xf32>,
          %parallel_loop3A_192 = arith.mulf %parallel_loop3A_191, %parallel_loop3A_184 : vector<16xf32>
          tpu.vector_store_idx %arg8[%parallel_loop3A_190], %parallel_loop3A_192 {add = true} : memref<10000xf32, #tpu.memory_space<vmem>>[vector<16xi32>], vector<16xf32>,
          %parallel_loop3A_193 = tpu.vector_load_idx %arg7[%parallel_loop3A_187] : memref<10000xf32, #tpu.memory_space<vmem>>[vector<16xi32>], vector<16xf32>,
          %parallel_loop3A_194 = arith.mulf %parallel_loop3A_193, %parallel_loop3A_184 : vector<16xf32>
          tpu.vector_store_idx %arg9[%parallel_loop3A_190], %parallel_loop3A_194 {add = true} : memref<10000xf32, #tpu.memory_space<vmem>>[vector<16xi32>], vector<16xf32>,
        } {sc.loop_unroll_factor = 4 : i64, sc.parallel_access}
        %add3A_162 = arith.constant 18688 : i32
        %add3A_163 = arith.addi %add3A_143, %add3A_162 : i32
        %lt3A_164 = arith.constant 112128 : i32
        %lt3A_165 = arith.cmpi slt, %add3A_163, %lt3A_164 : i32
        %convert_element_type3A_166 = arith.extui %lt3A_165 : i1 to i32
        %cond3A_167 = arith.constant 0 : i32
        %cond3A_168 = arith.cmpi ne, %convert_element_type3A_166, %cond3A_167 : i32
        scf.if %cond3A_168 {
          %add3A_180 = arith.addi %mul3A_35, %add3A_143 : i32
          %add3A_181 = arith.constant 18688 : i32
          %add3A_182 = arith.addi %add3A_180, %add3A_181 : i32
          %dma_start3A_183 = tpu.memref_slice %arg3[%add3A_182] : memref<336384xi32, #tpu.memory_space<hbm>> -> memref<9344xi32, #tpu.memory_space<hbm>>
          %dma_start3A_184 = tpu.memref_slice %arg3[%add3A_182] : memref<336384xi32, #tpu.memory_space<hbm>> -> memref<9344xi32, #tpu.memory_space<hbm>>
          tpu.enqueue_dma source(%dma_start3A_184 : memref<9344xi32, #tpu.memory_space<hbm>>) target(%arg10 : memref<9344xi32, #tpu.memory_space<vmem>>) target_semaphore(%arg14 : memref<!tpu.dma_semaphore, #tpu.memory_space<semaphore_mem>>)
          %dma_start3A_185 = tpu.memref_slice %arg4[%add3A_182] : memref<336384xf32, #tpu.memory_space<hbm>> -> memref<9344xf32, #tpu.memory_space<hbm>>
          %dma_start3A_186 = tpu.memref_slice %arg4[%add3A_182] : memref<336384xf32, #tpu.memory_space<hbm>> -> memref<9344xf32, #tpu.memory_space<hbm>>
          tpu.enqueue_dma source(%dma_start3A_186 : memref<9344xf32, #tpu.memory_space<hbm>>) target(%arg11 : memref<9344xf32, #tpu.memory_space<vmem>>) target_semaphore(%arg14 : memref<!tpu.dma_semaphore, #tpu.memory_space<semaphore_mem>>)
        } else {
        }
        %dma_wait3A_169 = arith.constant 0 : i32
        %dma_wait3A_170 = tpu.memref_slice %arg3[%dma_wait3A_169] : memref<336384xi32, #tpu.memory_space<hbm>> -> memref<9344xi32, #tpu.memory_space<hbm>>
        %dma_wait3A_171 = arith.constant 0 : i32
        %dma_wait3A_172 = tpu.memref_slice %arg3[%dma_wait3A_171] : memref<336384xi32, #tpu.memory_space<hbm>> -> memref<9344xi32, #tpu.memory_space<hbm>>
        tpu.wait_dma2 semaphore(%arg15 : memref<!tpu.dma_semaphore, #tpu.memory_space<semaphore_mem>>) src(%dma_wait3A_172 : memref<9344xi32, #tpu.memory_space<hbm>>) dst(%arg12 : memref<9344xi32, #tpu.memory_space<vmem>>)
        %dma_wait3A_173 = arith.constant 0 : i32
        %dma_wait3A_174 = tpu.memref_slice %arg4[%dma_wait3A_173] : memref<336384xf32, #tpu.memory_space<hbm>> -> memref<9344xf32, #tpu.memory_space<hbm>>
        %dma_wait3A_175 = arith.constant 0 : i32
        %dma_wait3A_176 = tpu.memref_slice %arg4[%dma_wait3A_175] : memref<336384xf32, #tpu.memory_space<hbm>> -> memref<9344xf32, #tpu.memory_space<hbm>>
        tpu.wait_dma2 semaphore(%arg15 : memref<!tpu.dma_semaphore, #tpu.memory_space<semaphore_mem>>) src(%dma_wait3A_176 : memref<9344xf32, #tpu.memory_space<hbm>>) dst(%arg13 : memref<9344xf32, #tpu.memory_space<vmem>>)
        %parallel_loop3A_177 = arith.constant 0 : i32
        %parallel_loop3A_178 = arith.constant 9344 : i32
        %parallel_loop3A_179 = arith.constant 16 : i32
        scf.for %parallel_loop3A_180 = %parallel_loop3A_177 to %parallel_loop3A_178 step %parallel_loop3A_179  : i32 {
          %parallel_loop3A_181 = arith.index_cast %parallel_loop3A_180 : i32 to index
          %parallel_loop3A_182 = tpu.vector_load %arg12[%parallel_loop3A_181] {strides = array<i32>} : memref<9344xi32, #tpu.memory_space<vmem>>, vector<16xi32>,
          %parallel_loop3A_183 = arith.index_cast %parallel_loop3A_180 : i32 to index
          %parallel_loop3A_184 = tpu.vector_load %arg13[%parallel_loop3A_183] {strides = array<i32>} : memref<9344xf32, #tpu.memory_space<vmem>>, vector<16xf32>,
          %parallel_loop3A_185 = arith.constant 16383 : i32
          %parallel_loop3A_186 = vector.broadcast %parallel_loop3A_185 : i32 to vector<16xi32>
          %parallel_loop3A_187 = arith.andi %parallel_loop3A_182, %parallel_loop3A_186 : vector<16xi32>
          %parallel_loop3A_188 = arith.constant 14 : i32
          %parallel_loop3A_189 = vector.broadcast %parallel_loop3A_188 : i32 to vector<16xi32>
          %parallel_loop3A_190 = arith.shrui %parallel_loop3A_182, %parallel_loop3A_189 : vector<16xi32>
          %parallel_loop3A_191 = tpu.vector_load_idx %arg6[%parallel_loop3A_187] : memref<10000xf32, #tpu.memory_space<vmem>>[vector<16xi32>], vector<16xf32>,
          %parallel_loop3A_192 = arith.mulf %parallel_loop3A_191, %parallel_loop3A_184 : vector<16xf32>
          tpu.vector_store_idx %arg8[%parallel_loop3A_190], %parallel_loop3A_192 {add = true} : memref<10000xf32, #tpu.memory_space<vmem>>[vector<16xi32>], vector<16xf32>,
          %parallel_loop3A_193 = tpu.vector_load_idx %arg7[%parallel_loop3A_187] : memref<10000xf32, #tpu.memory_space<vmem>>[vector<16xi32>], vector<16xf32>,
          %parallel_loop3A_194 = arith.mulf %parallel_loop3A_193, %parallel_loop3A_184 : vector<16xf32>
          tpu.vector_store_idx %arg9[%parallel_loop3A_190], %parallel_loop3A_194 {add = true} : memref<10000xf32, #tpu.memory_space<vmem>>[vector<16xi32>], vector<16xf32>,
        } {sc.loop_unroll_factor = 4 : i64, sc.parallel_access}
      }
      %scan3A_86 = arith.constant 6 : i32
      %mul3A_87 = arith.constant 20 : i32
      %mul3A_88 = arith.muli %select_n3A_33, %mul3A_87 : i32
      %mul3A_89 = arith.constant 2 : i32
      %mul3A_90 = arith.muli %select_n3A, %mul3A_89 : i32
      %add3A_91 = arith.addi %mul3A_88, %mul3A_90 : i32
      %add3A_92 = arith.constant 0 : i32
      %add3A_93 = arith.addi %add3A_91, %add3A_92 : i32
      %dma_start3A_94 = arith.constant 0 : i32
      %dma_start3A_95 = tpu.memref_slice %arg5[%add3A_93, %dma_start3A_94] : memref<60x10000xf32, #tpu.memory_space<hbm>> -> memref<1x10000xf32, #tpu.memory_space<hbm>>
      %dma_start3A_96 = tpu.memref_squeeze %dma_start3A_95 : memref<1x10000xf32, #tpu.memory_space<hbm>> -> memref<10000xf32, #tpu.memory_space<hbm>>
      %dma_start3A_97 = arith.constant 0 : i32
      %dma_start3A_98 = tpu.memref_slice %arg5[%add3A_93, %dma_start3A_97] : memref<60x10000xf32, #tpu.memory_space<hbm>> -> memref<1x10000xf32, #tpu.memory_space<hbm>>
      %dma_start3A_99 = tpu.memref_squeeze %dma_start3A_98 : memref<1x10000xf32, #tpu.memory_space<hbm>> -> memref<10000xf32, #tpu.memory_space<hbm>>
      tpu.enqueue_dma source(%arg8 : memref<10000xf32, #tpu.memory_space<vmem>>) target(%dma_start3A_99 : memref<10000xf32, #tpu.memory_space<hbm>>) target_semaphore(%arg16 : memref<!tpu.dma_semaphore, #tpu.memory_space<semaphore_mem>>)
      %mul3A_100 = arith.constant 20 : i32
      %mul3A_101 = arith.muli %select_n3A_33, %mul3A_100 : i32
      %mul3A_102 = arith.constant 2 : i32
      %mul3A_103 = arith.muli %select_n3A, %mul3A_102 : i32
      %add3A_104 = arith.addi %mul3A_101, %mul3A_103 : i32
      %add3A_105 = arith.constant 1 : i32
      %add3A_106 = arith.addi %add3A_104, %add3A_105 : i32
      %dma_start3A_107 = arith.constant 0 : i32
      %dma_start3A_108 = tpu.memref_slice %arg5[%add3A_106, %dma_start3A_107] : memref<60x10000xf32, #tpu.memory_space<hbm>> -> memref<1x10000xf32, #tpu.memory_space<hbm>>
      %dma_start3A_109 = tpu.memref_squeeze %dma_start3A_108 : memref<1x10000xf32, #tpu.memory_space<hbm>> -> memref<10000xf32, #tpu.memory_space<hbm>>
      %dma_start3A_110 = arith.constant 0 : i32
      %dma_start3A_111 = tpu.memref_slice %arg5[%add3A_106, %dma_start3A_110] : memref<60x10000xf32, #tpu.memory_space<hbm>> -> memref<1x10000xf32, #tpu.memory_space<hbm>>
      %dma_start3A_112 = tpu.memref_squeeze %dma_start3A_111 : memref<1x10000xf32, #tpu.memory_space<hbm>> -> memref<10000xf32, #tpu.memory_space<hbm>>
      tpu.enqueue_dma source(%arg9 : memref<10000xf32, #tpu.memory_space<vmem>>) target(%dma_start3A_112 : memref<10000xf32, #tpu.memory_space<hbm>>) target_semaphore(%arg16 : memref<!tpu.dma_semaphore, #tpu.memory_space<semaphore_mem>>)
      %mul3A_113 = arith.constant 20 : i32
      %mul3A_114 = arith.muli %select_n3A_33, %mul3A_113 : i32
      %mul3A_115 = arith.constant 2 : i32
      %mul3A_116 = arith.muli %select_n3A, %mul3A_115 : i32
      %add3A_117 = arith.addi %mul3A_114, %mul3A_116 : i32
      %add3A_118 = arith.constant 0 : i32
      %add3A_119 = arith.addi %add3A_117, %add3A_118 : i32
      %dma_wait3A_120 = arith.constant 0 : i32
      %dma_wait3A_121 = tpu.memref_slice %arg5[%add3A_119, %dma_wait3A_120] : memref<60x10000xf32, #tpu.memory_space<hbm>> -> memref<1x10000xf32, #tpu.memory_space<hbm>>
      %dma_wait3A_122 = tpu.memref_squeeze %dma_wait3A_121 : memref<1x10000xf32, #tpu.memory_space<hbm>> -> memref<10000xf32, #tpu.memory_space<hbm>>
      %dma_wait3A_123 = arith.constant 0 : i32
      %dma_wait3A_124 = tpu.memref_slice %arg5[%add3A_119, %dma_wait3A_123] : memref<60x10000xf32, #tpu.memory_space<hbm>> -> memref<1x10000xf32, #tpu.memory_space<hbm>>
      %dma_wait3A_125 = tpu.memref_squeeze %dma_wait3A_124 : memref<1x10000xf32, #tpu.memory_space<hbm>> -> memref<10000xf32, #tpu.memory_space<hbm>>
      tpu.wait_dma2 semaphore(%arg16 : memref<!tpu.dma_semaphore, #tpu.memory_space<semaphore_mem>>) src(%arg8 : memref<10000xf32, #tpu.memory_space<vmem>>) dst(%dma_wait3A_125 : memref<10000xf32, #tpu.memory_space<hbm>>)
      %mul3A_126 = arith.constant 20 : i32
      %mul3A_127 = arith.muli %select_n3A_33, %mul3A_126 : i32
      %mul3A_128 = arith.constant 2 : i32
      %mul3A_129 = arith.muli %select_n3A, %mul3A_128 : i32
      %add3A_130 = arith.addi %mul3A_127, %mul3A_129 : i32
      %add3A_131 = arith.constant 1 : i32
      %add3A_132 = arith.addi %add3A_130, %add3A_131 : i32
      %dma_wait3A_133 = arith.constant 0 : i32
      %dma_wait3A_134 = tpu.memref_slice %arg5[%add3A_132, %dma_wait3A_133] : memref<60x10000xf32, #tpu.memory_space<hbm>> -> memref<1x10000xf32, #tpu.memory_space<hbm>>
      %dma_wait3A_135 = tpu.memref_squeeze %dma_wait3A_134 : memref<1x10000xf32, #tpu.memory_space<hbm>> -> memref<10000xf32, #tpu.memory_space<hbm>>
      %dma_wait3A_136 = arith.constant 0 : i32
      %dma_wait3A_137 = tpu.memref_slice %arg5[%add3A_132, %dma_wait3A_136] : memref<60x10000xf32, #tpu.memory_space<hbm>> -> memref<1x10000xf32, #tpu.memory_space<hbm>>
      %dma_wait3A_138 = tpu.memref_squeeze %dma_wait3A_137 : memref<1x10000xf32, #tpu.memory_space<hbm>> -> memref<10000xf32, #tpu.memory_space<hbm>>
      tpu.wait_dma2 semaphore(%arg16 : memref<!tpu.dma_semaphore, #tpu.memory_space<semaphore_mem>>) src(%arg9 : memref<10000xf32, #tpu.memory_space<vmem>>) dst(%dma_wait3A_138 : memref<10000xf32, #tpu.memory_space<hbm>>)
    } else {
    }
    return
  }
}

#map = affine_map<(d0, d1) -> (0)>
#map1 = affine_map<(d0, d1) -> (0, 0)>
module attributes {stable_mosaic.version = 14 : i64} {
  func.func @_sc_deg(%arg0: i32, %arg1: i32, %arg2: memref<320000xi32, #tpu.memory_space<hbm>>, %arg3: memref<320000xf32, #tpu.memory_space<hbm>>, %arg4: memref<32x10000xf32, #tpu.memory_space<hbm>>, %arg5: memref<10000xf32, #tpu.memory_space<vmem>>, %arg6: memref<10000xi32, #tpu.memory_space<vmem>>, %arg7: memref<10000xf32, #tpu.memory_space<vmem>>) attributes {dimension_semantics = [#tpu.dimension_semantics<core_parallel>, #tpu.dimension_semantics<subcore_parallel>], iteration_bounds = array<i64: 2, 16>, scalar_prefetch = 0 : i64, scratch_operands = 3 : i64, tpu.core_type = #tpu.core_type<sc_vector_subcore>, window_params = [{transform_indices = #map}, {transform_indices = #map}, {transform_indices = #map1}]} {
    %mul3A = arith.constant 2 : i32
    %mul3A_0 = arith.muli %arg1, %mul3A : i32
    %add3A = arith.addi %mul3A_0, %arg0 : i32
    %mul3A_1 = arith.constant 10000 : i32
    %mul3A_2 = arith.muli %add3A, %mul3A_1 : i32
    "tpu.region"() ({
      %run_scoped3A = tpu.sem_alloc : memref<!tpu.dma_semaphore, #tpu.memory_space<semaphore_mem>>
      %dma_start3A = tpu.memref_slice %arg2[%mul3A_2] : memref<320000xi32, #tpu.memory_space<hbm>> -> memref<10000xi32, #tpu.memory_space<hbm>>
      %dma_start3A_8 = tpu.memref_slice %arg2[%mul3A_2] : memref<320000xi32, #tpu.memory_space<hbm>> -> memref<10000xi32, #tpu.memory_space<hbm>>
      tpu.enqueue_dma source(%dma_start3A_8 : memref<10000xi32, #tpu.memory_space<hbm>>) target(%arg6 : memref<10000xi32, #tpu.memory_space<vmem>>) target_semaphore(%run_scoped3A : memref<!tpu.dma_semaphore, #tpu.memory_space<semaphore_mem>>)
      %dma_wait3A = tpu.memref_slice %arg2[%mul3A_2] : memref<320000xi32, #tpu.memory_space<hbm>> -> memref<10000xi32, #tpu.memory_space<hbm>>
      %dma_wait3A_9 = tpu.memref_slice %arg2[%mul3A_2] : memref<320000xi32, #tpu.memory_space<hbm>> -> memref<10000xi32, #tpu.memory_space<hbm>>
      tpu.wait_dma2 semaphore(%run_scoped3A : memref<!tpu.dma_semaphore, #tpu.memory_space<semaphore_mem>>) src(%dma_wait3A_9 : memref<10000xi32, #tpu.memory_space<hbm>>) dst(%arg6 : memref<10000xi32, #tpu.memory_space<vmem>>)
      tpu.yield
    }) : () -> ()
    "tpu.region"() ({
      %run_scoped3A = tpu.sem_alloc : memref<!tpu.dma_semaphore, #tpu.memory_space<semaphore_mem>>
      %dma_start3A = tpu.memref_slice %arg3[%mul3A_2] : memref<320000xf32, #tpu.memory_space<hbm>> -> memref<10000xf32, #tpu.memory_space<hbm>>
      %dma_start3A_8 = tpu.memref_slice %arg3[%mul3A_2] : memref<320000xf32, #tpu.memory_space<hbm>> -> memref<10000xf32, #tpu.memory_space<hbm>>
      tpu.enqueue_dma source(%dma_start3A_8 : memref<10000xf32, #tpu.memory_space<hbm>>) target(%arg7 : memref<10000xf32, #tpu.memory_space<vmem>>) target_semaphore(%run_scoped3A : memref<!tpu.dma_semaphore, #tpu.memory_space<semaphore_mem>>)
      %dma_wait3A = tpu.memref_slice %arg3[%mul3A_2] : memref<320000xf32, #tpu.memory_space<hbm>> -> memref<10000xf32, #tpu.memory_space<hbm>>
      %dma_wait3A_9 = tpu.memref_slice %arg3[%mul3A_2] : memref<320000xf32, #tpu.memory_space<hbm>> -> memref<10000xf32, #tpu.memory_space<hbm>>
      tpu.wait_dma2 semaphore(%run_scoped3A : memref<!tpu.dma_semaphore, #tpu.memory_space<semaphore_mem>>) src(%dma_wait3A_9 : memref<10000xf32, #tpu.memory_space<hbm>>) dst(%arg7 : memref<10000xf32, #tpu.memory_space<vmem>>)
      tpu.yield
    }) : () -> ()
    %parallel_loop3A = arith.constant 0 : i32
    %parallel_loop3A_3 = arith.constant 10000 : i32
    %parallel_loop3A_4 = arith.constant 16 : i32
    scf.for %parallel_loop3A_8 = %parallel_loop3A to %parallel_loop3A_3 step %parallel_loop3A_4  : i32 {
      %parallel_loop3A_9 = arith.constant 0.000000e+00 : f32
      %parallel_loop3A_10 = vector.broadcast %parallel_loop3A_9 : f32 to vector<16xf32>
      %parallel_loop3A_11 = arith.index_cast %parallel_loop3A_8 : i32 to index
      %parallel_loop3A_12 = tpu.vector_load %arg5[%parallel_loop3A_11] {strides = array<i32>} : memref<10000xf32, #tpu.memory_space<vmem>>, vector<16xf32>,
      tpu.vector_store %arg5[%parallel_loop3A_11], %parallel_loop3A_10 {strides = array<i32>} : memref<10000xf32, #tpu.memory_space<vmem>>, vector<16xf32>,
    } {sc.loop_unroll_factor = 8 : i64, sc.parallel_access}
    %parallel_loop3A_5 = arith.constant 0 : i32
    %parallel_loop3A_6 = arith.constant 10000 : i32
    %parallel_loop3A_7 = arith.constant 16 : i32
    scf.for %parallel_loop3A_8 = %parallel_loop3A_5 to %parallel_loop3A_6 step %parallel_loop3A_7  : i32 {
      %parallel_loop3A_9 = arith.index_cast %parallel_loop3A_8 : i32 to index
      %parallel_loop3A_10 = tpu.vector_load %arg6[%parallel_loop3A_9] {strides = array<i32>} : memref<10000xi32, #tpu.memory_space<vmem>>, vector<16xi32>,
      %parallel_loop3A_11 = arith.index_cast %parallel_loop3A_8 : i32 to index
      %parallel_loop3A_12 = tpu.vector_load %arg7[%parallel_loop3A_11] {strides = array<i32>} : memref<10000xf32, #tpu.memory_space<vmem>>, vector<16xf32>,
      tpu.vector_store_idx %arg5[%parallel_loop3A_10], %parallel_loop3A_12 {add = true} : memref<10000xf32, #tpu.memory_space<vmem>>[vector<16xi32>], vector<16xf32>,
    } {sc.loop_unroll_factor = 8 : i64, sc.parallel_access}
    "tpu.region"() ({
      %run_scoped3A = tpu.sem_alloc : memref<!tpu.dma_semaphore, #tpu.memory_space<semaphore_mem>>
      %dma_start3A = arith.constant 0 : i32
      %dma_start3A_8 = tpu.memref_slice %arg4[%add3A, %dma_start3A] : memref<32x10000xf32, #tpu.memory_space<hbm>> -> memref<1x10000xf32, #tpu.memory_space<hbm>>
      %dma_start3A_9 = tpu.memref_squeeze %dma_start3A_8 : memref<1x10000xf32, #tpu.memory_space<hbm>> -> memref<10000xf32, #tpu.memory_space<hbm>>
      %dma_start3A_10 = arith.constant 0 : i32
      %dma_start3A_11 = tpu.memref_slice %arg4[%add3A, %dma_start3A_10] : memref<32x10000xf32, #tpu.memory_space<hbm>> -> memref<1x10000xf32, #tpu.memory_space<hbm>>
      %dma_start3A_12 = tpu.memref_squeeze %dma_start3A_11 : memref<1x10000xf32, #tpu.memory_space<hbm>> -> memref<10000xf32, #tpu.memory_space<hbm>>
      tpu.enqueue_dma source(%arg5 : memref<10000xf32, #tpu.memory_space<vmem>>) target(%dma_start3A_12 : memref<10000xf32, #tpu.memory_space<hbm>>) target_semaphore(%run_scoped3A : memref<!tpu.dma_semaphore, #tpu.memory_space<semaphore_mem>>)
      %dma_wait3A = arith.constant 0 : i32
      %dma_wait3A_13 = tpu.memref_slice %arg4[%add3A, %dma_wait3A] : memref<32x10000xf32, #tpu.memory_space<hbm>> -> memref<1x10000xf32, #tpu.memory_space<hbm>>
      %dma_wait3A_14 = tpu.memref_squeeze %dma_wait3A_13 : memref<1x10000xf32, #tpu.memory_space<hbm>> -> memref<10000xf32, #tpu.memory_space<hbm>>
      %dma_wait3A_15 = arith.constant 0 : i32
      %dma_wait3A_16 = tpu.memref_slice %arg4[%add3A, %dma_wait3A_15] : memref<32x10000xf32, #tpu.memory_space<hbm>> -> memref<1x10000xf32, #tpu.memory_space<hbm>>
      %dma_wait3A_17 = tpu.memref_squeeze %dma_wait3A_16 : memref<1x10000xf32, #tpu.memory_space<hbm>> -> memref<10000xf32, #tpu.memory_space<hbm>>
      tpu.wait_dma2 semaphore(%run_scoped3A : memref<!tpu.dma_semaphore, #tpu.memory_space<semaphore_mem>>) src(%arg5 : memref<10000xf32, #tpu.memory_space<vmem>>) dst(%dma_wait3A_17 : memref<10000xf32, #tpu.memory_space<hbm>>)
      tpu.yield
    }) : () -> ()
    return
  }
}

#map = affine_map<(d0, d1) -> (0, 0)>
#map1 = affine_map<(d0, d1) -> (0)>
module attributes {stable_mosaic.version = 14 : i64} {
  func.func @_sc_msg(%arg0: i32, %arg1: i32, %arg2: memref<20x10000xf32, #tpu.memory_space<hbm>>, %arg3: memref<336384xi32, #tpu.memory_space<hbm>>, %arg4: memref<336384xf32, #tpu.memory_space<hbm>>, %arg5: memref<60x10000xf32, #tpu.memory_space<hbm>>, %arg6: memref<10000xf32, #tpu.memory_space<vmem>>, %arg7: memref<10000xf32, #tpu.memory_space<vmem>>, %arg8: memref<10000xf32, #tpu.memory_space<vmem>>, %arg9: memref<10000xf32, #tpu.memory_space<vmem>>, %arg10: memref<9344xi32, #tpu.memory_space<vmem>>, %arg11: memref<9344xf32, #tpu.memory_space<vmem>>, %arg12: memref<9344xi32, #tpu.memory_space<vmem>>, %arg13: memref<9344xf32, #tpu.memory_space<vmem>>, %arg14: memref<!tpu.dma_semaphore, #tpu.memory_space<semaphore_mem>>, %arg15: memref<!tpu.dma_semaphore, #tpu.memory_space<semaphore_mem>>, %arg16: memref<!tpu.dma_semaphore, #tpu.memory_space<semaphore_mem>>) attributes {dimension_semantics = [#tpu.dimension_semantics<core_parallel>, #tpu.dimension_semantics<subcore_parallel>], iteration_bounds = array<i64: 2, 16>, scalar_prefetch = 0 : i64, scratch_operands = 11 : i64, tpu.core_type = #tpu.core_type<sc_vector_subcore>, window_params = [{transform_indices = #map}, {transform_indices = #map1}, {transform_indices = #map1}, {transform_indices = #map}]} {
    %mul3A = arith.constant 2 : i32
    %mul3A_0 = arith.muli %arg1, %mul3A : i32
    %add3A = arith.addi %mul3A_0, %arg0 : i32
    %lt3A = arith.constant 30 : i32
    %lt3A_1 = arith.cmpi slt, %add3A, %lt3A : i32
    %convert_element_type3A = arith.extui %lt3A_1 : i1 to i32
    %cond3A = arith.constant 0 : i32
    %cond3A_2 = arith.cmpi ne, %convert_element_type3A, %cond3A : i32
    scf.if %cond3A_2 {
      %jit3A = arith.constant 3 : i32
      %div3A = arith.divsi %add3A, %jit3A : i32
      %sign3A = arith.constant 0 : i32
      %sign3A_3 = arith.cmpi sgt, %add3A, %sign3A : i32
      %sign3A_4 = arith.extui %sign3A_3 : i1 to i32
      %sign3A_5 = arith.constant 0 : i32
      %sign3A_6 = arith.cmpi slt, %add3A, %sign3A_5 : i32
      %sign3A_7 = arith.extui %sign3A_6 : i1 to i32
      %sign3A_8 = arith.subi %sign3A_4, %sign3A_7 : i32
      %sign3A_9 = arith.constant 0 : i32
      %sign3A_10 = arith.cmpi sgt, %jit3A, %sign3A_9 : i32
      %sign3A_11 = arith.extui %sign3A_10 : i1 to i32
      %sign3A_12 = arith.constant 0 : i32
      %sign3A_13 = arith.cmpi slt, %jit3A, %sign3A_12 : i32
      %sign3A_14 = arith.extui %sign3A_13 : i1 to i32
      %sign3A_15 = arith.subi %sign3A_11, %sign3A_14 : i32
      %ne3A = arith.cmpi ne, %sign3A_8, %sign3A_15 : i32
      %rem3A = arith.remsi %add3A, %jit3A : i32
      %ne3A_16 = arith.constant 0 : i32
      %ne3A_17 = arith.cmpi ne, %rem3A, %ne3A_16 : i32
      %and3A = arith.andi %ne3A, %ne3A_17 : i1
      %sub3A = arith.constant 1 : i32
      %sub3A_18 = arith.subi %div3A, %sub3A : i32
      %select_n3A = arith.select %and3A, %sub3A_18, %div3A : i32
      %jit3A_19 = arith.constant 3 : i32
      %eq3A = arith.constant 0 : i32
      %eq3A_20 = arith.cmpi eq, %jit3A_19, %eq3A : i32
      %jit3A_21 = arith.constant 1 : i32
      %select_n3A_22 = arith.select %eq3A_20, %jit3A_21, %jit3A_19 : i32
      %rem3A_23 = arith.remsi %add3A, %select_n3A_22 : i32
      %ne3A_24 = arith.constant 0 : i32
      %ne3A_25 = arith.cmpi ne, %rem3A_23, %ne3A_24 : i32
      %lt3A_26 = arith.constant 0 : i32
      %lt3A_27 = arith.cmpi slt, %rem3A_23, %lt3A_26 : i32
      %lt3A_28 = arith.constant 0 : i32
      %lt3A_29 = arith.cmpi slt, %select_n3A_22, %lt3A_28 : i32
      %ne3A_30 = arith.xori %lt3A_27, %lt3A_29 : i1
      %and3A_31 = arith.andi %ne3A_30, %ne3A_25 : i1
      %add3A_32 = arith.addi %rem3A_23, %select_n3A_22 : i32
      %select_n3A_33 = arith.select %and3A_31, %add3A_32, %rem3A_23 : i32
      %mul3A_34 = arith.constant 112128 : i32
      %mul3A_35 = arith.muli %select_n3A_33, %mul3A_34 : i32
      %dma_start3A = tpu.memref_slice %arg3[%mul3A_35] : memref<336384xi32, #tpu.memory_space<hbm>> -> memref<9344xi32, #tpu.memory_space<hbm>>
      %dma_start3A_36 = tpu.memref_slice %arg3[%mul3A_35] : memref<336384xi32, #tpu.memory_space<hbm>> -> memref<9344xi32, #tpu.memory_space<hbm>>
      tpu.enqueue_dma source(%dma_start3A_36 : memref<9344xi32, #tpu.memory_space<hbm>>) target(%arg10 : memref<9344xi32, #tpu.memory_space<vmem>>) target_semaphore(%arg14 : memref<!tpu.dma_semaphore, #tpu.memory_space<semaphore_mem>>)
      %dma_start3A_37 = tpu.memref_slice %arg4[%mul3A_35] : memref<336384xf32, #tpu.memory_space<hbm>> -> memref<9344xf32, #tpu.memory_space<hbm>>
      %dma_start3A_38 = tpu.memref_slice %arg4[%mul3A_35] : memref<336384xf32, #tpu.memory_space<hbm>> -> memref<9344xf32, #tpu.memory_space<hbm>>
      tpu.enqueue_dma source(%dma_start3A_38 : memref<9344xf32, #tpu.memory_space<hbm>>) target(%arg11 : memref<9344xf32, #tpu.memory_space<vmem>>) target_semaphore(%arg14 : memref<!tpu.dma_semaphore, #tpu.memory_space<semaphore_mem>>)
      %mul3A_39 = arith.constant 2 : i32
      %mul3A_40 = arith.muli %select_n3A, %mul3A_39 : i32
      %add3A_41 = arith.constant 0 : i32
      %add3A_42 = arith.addi %mul3A_40, %add3A_41 : i32
      %dma_start3A_43 = arith.constant 0 : i32
      %dma_start3A_44 = tpu.memref_slice %arg2[%add3A_42, %dma_start3A_43] : memref<20x10000xf32, #tpu.memory_space<hbm>> -> memref<1x10000xf32, #tpu.memory_space<hbm>>
      %dma_start3A_45 = tpu.memref_squeeze %dma_start3A_44 : memref<1x10000xf32, #tpu.memory_space<hbm>> -> memref<10000xf32, #tpu.memory_space<hbm>>
      %dma_start3A_46 = arith.constant 0 : i32
      %dma_start3A_47 = tpu.memref_slice %arg2[%add3A_42, %dma_start3A_46] : memref<20x10000xf32, #tpu.memory_space<hbm>> -> memref<1x10000xf32, #tpu.memory_space<hbm>>
      %dma_start3A_48 = tpu.memref_squeeze %dma_start3A_47 : memref<1x10000xf32, #tpu.memory_space<hbm>> -> memref<10000xf32, #tpu.memory_space<hbm>>
      tpu.enqueue_dma source(%dma_start3A_48 : memref<10000xf32, #tpu.memory_space<hbm>>) target(%arg6 : memref<10000xf32, #tpu.memory_space<vmem>>) target_semaphore(%arg16 : memref<!tpu.dma_semaphore, #tpu.memory_space<semaphore_mem>>)
      %mul3A_49 = arith.constant 2 : i32
      %mul3A_50 = arith.muli %select_n3A, %mul3A_49 : i32
      %add3A_51 = arith.constant 1 : i32
      %add3A_52 = arith.addi %mul3A_50, %add3A_51 : i32
      %dma_start3A_53 = arith.constant 0 : i32
      %dma_start3A_54 = tpu.memref_slice %arg2[%add3A_52, %dma_start3A_53] : memref<20x10000xf32, #tpu.memory_space<hbm>> -> memref<1x10000xf32, #tpu.memory_space<hbm>>
      %dma_start3A_55 = tpu.memref_squeeze %dma_start3A_54 : memref<1x10000xf32, #tpu.memory_space<hbm>> -> memref<10000xf32, #tpu.memory_space<hbm>>
      %dma_start3A_56 = arith.constant 0 : i32
      %dma_start3A_57 = tpu.memref_slice %arg2[%add3A_52, %dma_start3A_56] : memref<20x10000xf32, #tpu.memory_space<hbm>> -> memref<1x10000xf32, #tpu.memory_space<hbm>>
      %dma_start3A_58 = tpu.memref_squeeze %dma_start3A_57 : memref<1x10000xf32, #tpu.memory_space<hbm>> -> memref<10000xf32, #tpu.memory_space<hbm>>
      tpu.enqueue_dma source(%dma_start3A_58 : memref<10000xf32, #tpu.memory_space<hbm>>) target(%arg7 : memref<10000xf32, #tpu.memory_space<vmem>>) target_semaphore(%arg16 : memref<!tpu.dma_semaphore, #tpu.memory_space<semaphore_mem>>)
      %parallel_loop3A = arith.constant 0 : i32
      %parallel_loop3A_59 = arith.constant 10000 : i32
      %parallel_loop3A_60 = arith.constant 16 : i32
      scf.for %parallel_loop3A_139 = %parallel_loop3A to %parallel_loop3A_59 step %parallel_loop3A_60  : i32 {
        %parallel_loop3A_140 = arith.constant 0.000000e+00 : f32
        %parallel_loop3A_141 = vector.broadcast %parallel_loop3A_140 : f32 to vector<16xf32>
        %parallel_loop3A_142 = arith.index_cast %parallel_loop3A_139 : i32 to index
        %parallel_loop3A_143 = tpu.vector_load %arg8[%parallel_loop3A_142] {strides = array<i32>} : memref<10000xf32, #tpu.memory_space<vmem>>, vector<16xf32>,
        tpu.vector_store %arg8[%parallel_loop3A_142], %parallel_loop3A_141 {strides = array<i32>} : memref<10000xf32, #tpu.memory_space<vmem>>, vector<16xf32>,
      } {sc.loop_unroll_factor = 8 : i64, sc.parallel_access}
      %parallel_loop3A_61 = arith.constant 0 : i32
      %parallel_loop3A_62 = arith.constant 10000 : i32
      %parallel_loop3A_63 = arith.constant 16 : i32
      scf.for %parallel_loop3A_139 = %parallel_loop3A_61 to %parallel_loop3A_62 step %parallel_loop3A_63  : i32 {
        %parallel_loop3A_140 = arith.constant 0.000000e+00 : f32
        %parallel_loop3A_141 = vector.broadcast %parallel_loop3A_140 : f32 to vector<16xf32>
        %parallel_loop3A_142 = arith.index_cast %parallel_loop3A_139 : i32 to index
        %parallel_loop3A_143 = tpu.vector_load %arg9[%parallel_loop3A_142] {strides = array<i32>} : memref<10000xf32, #tpu.memory_space<vmem>>, vector<16xf32>,
        tpu.vector_store %arg9[%parallel_loop3A_142], %parallel_loop3A_141 {strides = array<i32>} : memref<10000xf32, #tpu.memory_space<vmem>>, vector<16xf32>,
      } {sc.loop_unroll_factor = 8 : i64, sc.parallel_access}
      %mul3A_64 = arith.constant 2 : i32
      %mul3A_65 = arith.muli %select_n3A, %mul3A_64 : i32
      %add3A_66 = arith.constant 0 : i32
      %add3A_67 = arith.addi %mul3A_65, %add3A_66 : i32
      %dma_wait3A = arith.constant 0 : i32
      %dma_wait3A_68 = tpu.memref_slice %arg2[%add3A_67, %dma_wait3A] : memref<20x10000xf32, #tpu.memory_space<hbm>> -> memref<1x10000xf32, #tpu.memory_space<hbm>>
      %dma_wait3A_69 = tpu.memref_squeeze %dma_wait3A_68 : memref<1x10000xf32, #tpu.memory_space<hbm>> -> memref<10000xf32, #tpu.memory_space<hbm>>
      %dma_wait3A_70 = arith.constant 0 : i32
      %dma_wait3A_71 = tpu.memref_slice %arg2[%add3A_67, %dma_wait3A_70] : memref<20x10000xf32, #tpu.memory_space<hbm>> -> memref<1x10000xf32, #tpu.memory_space<hbm>>
      %dma_wait3A_72 = tpu.memref_squeeze %dma_wait3A_71 : memref<1x10000xf32, #tpu.memory_space<hbm>> -> memref<10000xf32, #tpu.memory_space<hbm>>
      tpu.wait_dma2 semaphore(%arg16 : memref<!tpu.dma_semaphore, #tpu.memory_space<semaphore_mem>>) src(%dma_wait3A_72 : memref<10000xf32, #tpu.memory_space<hbm>>) dst(%arg6 : memref<10000xf32, #tpu.memory_space<vmem>>)
      %mul3A_73 = arith.constant 2 : i32
      %mul3A_74 = arith.muli %select_n3A, %mul3A_73 : i32
      %add3A_75 = arith.constant 1 : i32
      %add3A_76 = arith.addi %mul3A_74, %add3A_75 : i32
      %dma_wait3A_77 = arith.constant 0 : i32
      %dma_wait3A_78 = tpu.memref_slice %arg2[%add3A_76, %dma_wait3A_77] : memref<20x10000xf32, #tpu.memory_space<hbm>> -> memref<1x10000xf32, #tpu.memory_space<hbm>>
      %dma_wait3A_79 = tpu.memref_squeeze %dma_wait3A_78 : memref<1x10000xf32, #tpu.memory_space<hbm>> -> memref<10000xf32, #tpu.memory_space<hbm>>
      %dma_wait3A_80 = arith.constant 0 : i32
      %dma_wait3A_81 = tpu.memref_slice %arg2[%add3A_76, %dma_wait3A_80] : memref<20x10000xf32, #tpu.memory_space<hbm>> -> memref<1x10000xf32, #tpu.memory_space<hbm>>
      %dma_wait3A_82 = tpu.memref_squeeze %dma_wait3A_81 : memref<1x10000xf32, #tpu.memory_space<hbm>> -> memref<10000xf32, #tpu.memory_space<hbm>>
      tpu.wait_dma2 semaphore(%arg16 : memref<!tpu.dma_semaphore, #tpu.memory_space<semaphore_mem>>) src(%dma_wait3A_82 : memref<10000xf32, #tpu.memory_space<hbm>>) dst(%arg7 : memref<10000xf32, #tpu.memory_space<vmem>>)
      %scan3A = arith.constant 0 : i32
      %scan3A_83 = arith.constant 6 : i32
      %scan3A_84 = arith.addi %scan3A, %scan3A_83 : i32
      %scan3A_85 = arith.constant 1 : i32
      scf.for %scan3A_139 = %scan3A to %scan3A_84 step %scan3A_85  : i32 {
        %mul3A_140 = arith.constant 18688 : i32
        %mul3A_141 = arith.muli %scan3A_139, %mul3A_140 : i32
        %add3A_142 = arith.constant 0 : i32
        %add3A_143 = arith.addi %add3A_142, %mul3A_141 : i32
        %add3A_144 = arith.addi %mul3A_35, %add3A_143 : i32
        %add3A_145 = arith.constant 9344 : i32
        %add3A_146 = arith.addi %add3A_144, %add3A_145 : i32
        %dma_start3A_147 = tpu.memref_slice %arg3[%add3A_146] : memref<336384xi32, #tpu.memory_space<hbm>> -> memref<9344xi32, #tpu.memory_space<hbm>>
        %dma_start3A_148 = tpu.memref_slice %arg3[%add3A_146] : memref<336384xi32, #tpu.memory_space<hbm>> -> memref<9344xi32, #tpu.memory_space<hbm>>
        tpu.enqueue_dma source(%dma_start3A_148 : memref<9344xi32, #tpu.memory_space<hbm>>) target(%arg12 : memref<9344xi32, #tpu.memory_space<vmem>>) target_semaphore(%arg15 : memref<!tpu.dma_semaphore, #tpu.memory_space<semaphore_mem>>)
        %dma_start3A_149 = tpu.memref_slice %arg4[%add3A_146] : memref<336384xf32, #tpu.memory_space<hbm>> -> memref<9344xf32, #tpu.memory_space<hbm>>
        %dma_start3A_150 = tpu.memref_slice %arg4[%add3A_146] : memref<336384xf32, #tpu.memory_space<hbm>> -> memref<9344xf32, #tpu.memory_space<hbm>>
        tpu.enqueue_dma source(%dma_start3A_150 : memref<9344xf32, #tpu.memory_space<hbm>>) target(%arg13 : memref<9344xf32, #tpu.memory_space<vmem>>) target_semaphore(%arg15 : memref<!tpu.dma_semaphore, #tpu.memory_space<semaphore_mem>>)
        %dma_wait3A_151 = arith.constant 0 : i32
        %dma_wait3A_152 = tpu.memref_slice %arg3[%dma_wait3A_151] : memref<336384xi32, #tpu.memory_space<hbm>> -> memref<9344xi32, #tpu.memory_space<hbm>>
        %dma_wait3A_153 = arith.constant 0 : i32
        %dma_wait3A_154 = tpu.memref_slice %arg3[%dma_wait3A_153] : memref<336384xi32, #tpu.memory_space<hbm>> -> memref<9344xi32, #tpu.memory_space<hbm>>
        tpu.wait_dma2 semaphore(%arg14 : memref<!tpu.dma_semaphore, #tpu.memory_space<semaphore_mem>>) src(%dma_wait3A_154 : memref<9344xi32, #tpu.memory_space<hbm>>) dst(%arg10 : memref<9344xi32, #tpu.memory_space<vmem>>)
        %dma_wait3A_155 = arith.constant 0 : i32
        %dma_wait3A_156 = tpu.memref_slice %arg4[%dma_wait3A_155] : memref<336384xf32, #tpu.memory_space<hbm>> -> memref<9344xf32, #tpu.memory_space<hbm>>
        %dma_wait3A_157 = arith.constant 0 : i32
        %dma_wait3A_158 = tpu.memref_slice %arg4[%dma_wait3A_157] : memref<336384xf32, #tpu.memory_space<hbm>> -> memref<9344xf32, #tpu.memory_space<hbm>>
        tpu.wait_dma2 semaphore(%arg14 : memref<!tpu.dma_semaphore, #tpu.memory_space<semaphore_mem>>) src(%dma_wait3A_158 : memref<9344xf32, #tpu.memory_space<hbm>>) dst(%arg11 : memref<9344xf32, #tpu.memory_space<vmem>>)
        %parallel_loop3A_159 = arith.constant 0 : i32
        %parallel_loop3A_160 = arith.constant 9344 : i32
        %parallel_loop3A_161 = arith.constant 16 : i32
        scf.for %parallel_loop3A_180 = %parallel_loop3A_159 to %parallel_loop3A_160 step %parallel_loop3A_161  : i32 {
          %parallel_loop3A_181 = arith.index_cast %parallel_loop3A_180 : i32 to index
          %parallel_loop3A_182 = tpu.vector_load %arg10[%parallel_loop3A_181] {strides = array<i32>} : memref<9344xi32, #tpu.memory_space<vmem>>, vector<16xi32>,
          %parallel_loop3A_183 = arith.index_cast %parallel_loop3A_180 : i32 to index
          %parallel_loop3A_184 = tpu.vector_load %arg11[%parallel_loop3A_183] {strides = array<i32>} : memref<9344xf32, #tpu.memory_space<vmem>>, vector<16xf32>,
          %parallel_loop3A_185 = arith.constant 16383 : i32
          %parallel_loop3A_186 = vector.broadcast %parallel_loop3A_185 : i32 to vector<16xi32>
          %parallel_loop3A_187 = arith.andi %parallel_loop3A_182, %parallel_loop3A_186 : vector<16xi32>
          %parallel_loop3A_188 = arith.constant 14 : i32
          %parallel_loop3A_189 = vector.broadcast %parallel_loop3A_188 : i32 to vector<16xi32>
          %parallel_loop3A_190 = arith.shrui %parallel_loop3A_182, %parallel_loop3A_189 : vector<16xi32>
          %parallel_loop3A_191 = tpu.vector_load_idx %arg6[%parallel_loop3A_187] : memref<10000xf32, #tpu.memory_space<vmem>>[vector<16xi32>], vector<16xf32>,
          %parallel_loop3A_192 = arith.mulf %parallel_loop3A_191, %parallel_loop3A_184 : vector<16xf32>
          tpu.vector_store_idx %arg8[%parallel_loop3A_190], %parallel_loop3A_192 {add = true} : memref<10000xf32, #tpu.memory_space<vmem>>[vector<16xi32>], vector<16xf32>,
          %parallel_loop3A_193 = tpu.vector_load_idx %arg7[%parallel_loop3A_187] : memref<10000xf32, #tpu.memory_space<vmem>>[vector<16xi32>], vector<16xf32>,
          %parallel_loop3A_194 = arith.mulf %parallel_loop3A_193, %parallel_loop3A_184 : vector<16xf32>
          tpu.vector_store_idx %arg9[%parallel_loop3A_190], %parallel_loop3A_194 {add = true} : memref<10000xf32, #tpu.memory_space<vmem>>[vector<16xi32>], vector<16xf32>,
        } {sc.loop_unroll_factor = 4 : i64, sc.parallel_access}
        %add3A_162 = arith.constant 18688 : i32
        %add3A_163 = arith.addi %add3A_143, %add3A_162 : i32
        %lt3A_164 = arith.constant 112128 : i32
        %lt3A_165 = arith.cmpi slt, %add3A_163, %lt3A_164 : i32
        %convert_element_type3A_166 = arith.extui %lt3A_165 : i1 to i32
        %cond3A_167 = arith.constant 0 : i32
        %cond3A_168 = arith.cmpi ne, %convert_element_type3A_166, %cond3A_167 : i32
        scf.if %cond3A_168 {
          %add3A_180 = arith.addi %mul3A_35, %add3A_143 : i32
          %add3A_181 = arith.constant 18688 : i32
          %add3A_182 = arith.addi %add3A_180, %add3A_181 : i32
          %dma_start3A_183 = tpu.memref_slice %arg3[%add3A_182] : memref<336384xi32, #tpu.memory_space<hbm>> -> memref<9344xi32, #tpu.memory_space<hbm>>
          %dma_start3A_184 = tpu.memref_slice %arg3[%add3A_182] : memref<336384xi32, #tpu.memory_space<hbm>> -> memref<9344xi32, #tpu.memory_space<hbm>>
          tpu.enqueue_dma source(%dma_start3A_184 : memref<9344xi32, #tpu.memory_space<hbm>>) target(%arg10 : memref<9344xi32, #tpu.memory_space<vmem>>) target_semaphore(%arg14 : memref<!tpu.dma_semaphore, #tpu.memory_space<semaphore_mem>>)
          %dma_start3A_185 = tpu.memref_slice %arg4[%add3A_182] : memref<336384xf32, #tpu.memory_space<hbm>> -> memref<9344xf32, #tpu.memory_space<hbm>>
          %dma_start3A_186 = tpu.memref_slice %arg4[%add3A_182] : memref<336384xf32, #tpu.memory_space<hbm>> -> memref<9344xf32, #tpu.memory_space<hbm>>
          tpu.enqueue_dma source(%dma_start3A_186 : memref<9344xf32, #tpu.memory_space<hbm>>) target(%arg11 : memref<9344xf32, #tpu.memory_space<vmem>>) target_semaphore(%arg14 : memref<!tpu.dma_semaphore, #tpu.memory_space<semaphore_mem>>)
        } else {
        }
        %dma_wait3A_169 = arith.constant 0 : i32
        %dma_wait3A_170 = tpu.memref_slice %arg3[%dma_wait3A_169] : memref<336384xi32, #tpu.memory_space<hbm>> -> memref<9344xi32, #tpu.memory_space<hbm>>
        %dma_wait3A_171 = arith.constant 0 : i32
        %dma_wait3A_172 = tpu.memref_slice %arg3[%dma_wait3A_171] : memref<336384xi32, #tpu.memory_space<hbm>> -> memref<9344xi32, #tpu.memory_space<hbm>>
        tpu.wait_dma2 semaphore(%arg15 : memref<!tpu.dma_semaphore, #tpu.memory_space<semaphore_mem>>) src(%dma_wait3A_172 : memref<9344xi32, #tpu.memory_space<hbm>>) dst(%arg12 : memref<9344xi32, #tpu.memory_space<vmem>>)
        %dma_wait3A_173 = arith.constant 0 : i32
        %dma_wait3A_174 = tpu.memref_slice %arg4[%dma_wait3A_173] : memref<336384xf32, #tpu.memory_space<hbm>> -> memref<9344xf32, #tpu.memory_space<hbm>>
        %dma_wait3A_175 = arith.constant 0 : i32
        %dma_wait3A_176 = tpu.memref_slice %arg4[%dma_wait3A_175] : memref<336384xf32, #tpu.memory_space<hbm>> -> memref<9344xf32, #tpu.memory_space<hbm>>
        tpu.wait_dma2 semaphore(%arg15 : memref<!tpu.dma_semaphore, #tpu.memory_space<semaphore_mem>>) src(%dma_wait3A_176 : memref<9344xf32, #tpu.memory_space<hbm>>) dst(%arg13 : memref<9344xf32, #tpu.memory_space<vmem>>)
        %parallel_loop3A_177 = arith.constant 0 : i32
        %parallel_loop3A_178 = arith.constant 9344 : i32
        %parallel_loop3A_179 = arith.constant 16 : i32
        scf.for %parallel_loop3A_180 = %parallel_loop3A_177 to %parallel_loop3A_178 step %parallel_loop3A_179  : i32 {
          %parallel_loop3A_181 = arith.index_cast %parallel_loop3A_180 : i32 to index
          %parallel_loop3A_182 = tpu.vector_load %arg12[%parallel_loop3A_181] {strides = array<i32>} : memref<9344xi32, #tpu.memory_space<vmem>>, vector<16xi32>,
          %parallel_loop3A_183 = arith.index_cast %parallel_loop3A_180 : i32 to index
          %parallel_loop3A_184 = tpu.vector_load %arg13[%parallel_loop3A_183] {strides = array<i32>} : memref<9344xf32, #tpu.memory_space<vmem>>, vector<16xf32>,
          %parallel_loop3A_185 = arith.constant 16383 : i32
          %parallel_loop3A_186 = vector.broadcast %parallel_loop3A_185 : i32 to vector<16xi32>
          %parallel_loop3A_187 = arith.andi %parallel_loop3A_182, %parallel_loop3A_186 : vector<16xi32>
          %parallel_loop3A_188 = arith.constant 14 : i32
          %parallel_loop3A_189 = vector.broadcast %parallel_loop3A_188 : i32 to vector<16xi32>
          %parallel_loop3A_190 = arith.shrui %parallel_loop3A_182, %parallel_loop3A_189 : vector<16xi32>
          %parallel_loop3A_191 = tpu.vector_load_idx %arg6[%parallel_loop3A_187] : memref<10000xf32, #tpu.memory_space<vmem>>[vector<16xi32>], vector<16xf32>,
          %parallel_loop3A_192 = arith.mulf %parallel_loop3A_191, %parallel_loop3A_184 : vector<16xf32>
          tpu.vector_store_idx %arg8[%parallel_loop3A_190], %parallel_loop3A_192 {add = true} : memref<10000xf32, #tpu.memory_space<vmem>>[vector<16xi32>], vector<16xf32>,
          %parallel_loop3A_193 = tpu.vector_load_idx %arg7[%parallel_loop3A_187] : memref<10000xf32, #tpu.memory_space<vmem>>[vector<16xi32>], vector<16xf32>,
          %parallel_loop3A_194 = arith.mulf %parallel_loop3A_193, %parallel_loop3A_184 : vector<16xf32>
          tpu.vector_store_idx %arg9[%parallel_loop3A_190], %parallel_loop3A_194 {add = true} : memref<10000xf32, #tpu.memory_space<vmem>>[vector<16xi32>], vector<16xf32>,
        } {sc.loop_unroll_factor = 4 : i64, sc.parallel_access}
      }
      %scan3A_86 = arith.constant 6 : i32
      %mul3A_87 = arith.constant 20 : i32
      %mul3A_88 = arith.muli %select_n3A_33, %mul3A_87 : i32
      %mul3A_89 = arith.constant 2 : i32
      %mul3A_90 = arith.muli %select_n3A, %mul3A_89 : i32
      %add3A_91 = arith.addi %mul3A_88, %mul3A_90 : i32
      %add3A_92 = arith.constant 0 : i32
      %add3A_93 = arith.addi %add3A_91, %add3A_92 : i32
      %dma_start3A_94 = arith.constant 0 : i32
      %dma_start3A_95 = tpu.memref_slice %arg5[%add3A_93, %dma_start3A_94] : memref<60x10000xf32, #tpu.memory_space<hbm>> -> memref<1x10000xf32, #tpu.memory_space<hbm>>
      %dma_start3A_96 = tpu.memref_squeeze %dma_start3A_95 : memref<1x10000xf32, #tpu.memory_space<hbm>> -> memref<10000xf32, #tpu.memory_space<hbm>>
      %dma_start3A_97 = arith.constant 0 : i32
      %dma_start3A_98 = tpu.memref_slice %arg5[%add3A_93, %dma_start3A_97] : memref<60x10000xf32, #tpu.memory_space<hbm>> -> memref<1x10000xf32, #tpu.memory_space<hbm>>
      %dma_start3A_99 = tpu.memref_squeeze %dma_start3A_98 : memref<1x10000xf32, #tpu.memory_space<hbm>> -> memref<10000xf32, #tpu.memory_space<hbm>>
      tpu.enqueue_dma source(%arg8 : memref<10000xf32, #tpu.memory_space<vmem>>) target(%dma_start3A_99 : memref<10000xf32, #tpu.memory_space<hbm>>) target_semaphore(%arg16 : memref<!tpu.dma_semaphore, #tpu.memory_space<semaphore_mem>>)
      %mul3A_100 = arith.constant 20 : i32
      %mul3A_101 = arith.muli %select_n3A_33, %mul3A_100 : i32
      %mul3A_102 = arith.constant 2 : i32
      %mul3A_103 = arith.muli %select_n3A, %mul3A_102 : i32
      %add3A_104 = arith.addi %mul3A_101, %mul3A_103 : i32
      %add3A_105 = arith.constant 1 : i32
      %add3A_106 = arith.addi %add3A_104, %add3A_105 : i32
      %dma_start3A_107 = arith.constant 0 : i32
      %dma_start3A_108 = tpu.memref_slice %arg5[%add3A_106, %dma_start3A_107] : memref<60x10000xf32, #tpu.memory_space<hbm>> -> memref<1x10000xf32, #tpu.memory_space<hbm>>
      %dma_start3A_109 = tpu.memref_squeeze %dma_start3A_108 : memref<1x10000xf32, #tpu.memory_space<hbm>> -> memref<10000xf32, #tpu.memory_space<hbm>>
      %dma_start3A_110 = arith.constant 0 : i32
      %dma_start3A_111 = tpu.memref_slice %arg5[%add3A_106, %dma_start3A_110] : memref<60x10000xf32, #tpu.memory_space<hbm>> -> memref<1x10000xf32, #tpu.memory_space<hbm>>
      %dma_start3A_112 = tpu.memref_squeeze %dma_start3A_111 : memref<1x10000xf32, #tpu.memory_space<hbm>> -> memref<10000xf32, #tpu.memory_space<hbm>>
      tpu.enqueue_dma source(%arg9 : memref<10000xf32, #tpu.memory_space<vmem>>) target(%dma_start3A_112 : memref<10000xf32, #tpu.memory_space<hbm>>) target_semaphore(%arg16 : memref<!tpu.dma_semaphore, #tpu.memory_space<semaphore_mem>>)
      %mul3A_113 = arith.constant 20 : i32
      %mul3A_114 = arith.muli %select_n3A_33, %mul3A_113 : i32
      %mul3A_115 = arith.constant 2 : i32
      %mul3A_116 = arith.muli %select_n3A, %mul3A_115 : i32
      %add3A_117 = arith.addi %mul3A_114, %mul3A_116 : i32
      %add3A_118 = arith.constant 0 : i32
      %add3A_119 = arith.addi %add3A_117, %add3A_118 : i32
      %dma_wait3A_120 = arith.constant 0 : i32
      %dma_wait3A_121 = tpu.memref_slice %arg5[%add3A_119, %dma_wait3A_120] : memref<60x10000xf32, #tpu.memory_space<hbm>> -> memref<1x10000xf32, #tpu.memory_space<hbm>>
      %dma_wait3A_122 = tpu.memref_squeeze %dma_wait3A_121 : memref<1x10000xf32, #tpu.memory_space<hbm>> -> memref<10000xf32, #tpu.memory_space<hbm>>
      %dma_wait3A_123 = arith.constant 0 : i32
      %dma_wait3A_124 = tpu.memref_slice %arg5[%add3A_119, %dma_wait3A_123] : memref<60x10000xf32, #tpu.memory_space<hbm>> -> memref<1x10000xf32, #tpu.memory_space<hbm>>
      %dma_wait3A_125 = tpu.memref_squeeze %dma_wait3A_124 : memref<1x10000xf32, #tpu.memory_space<hbm>> -> memref<10000xf32, #tpu.memory_space<hbm>>
      tpu.wait_dma2 semaphore(%arg16 : memref<!tpu.dma_semaphore, #tpu.memory_space<semaphore_mem>>) src(%arg8 : memref<10000xf32, #tpu.memory_space<vmem>>) dst(%dma_wait3A_125 : memref<10000xf32, #tpu.memory_space<hbm>>)
      %mul3A_126 = arith.constant 20 : i32
      %mul3A_127 = arith.muli %select_n3A_33, %mul3A_126 : i32
      %mul3A_128 = arith.constant 2 : i32
      %mul3A_129 = arith.muli %select_n3A, %mul3A_128 : i32
      %add3A_130 = arith.addi %mul3A_127, %mul3A_129 : i32
      %add3A_131 = arith.constant 1 : i32
      %add3A_132 = arith.addi %add3A_130, %add3A_131 : i32
      %dma_wait3A_133 = arith.constant 0 : i32
      %dma_wait3A_134 = tpu.memref_slice %arg5[%add3A_132, %dma_wait3A_133] : memref<60x10000xf32, #tpu.memory_space<hbm>> -> memref<1x10000xf32, #tpu.memory_space<hbm>>
      %dma_wait3A_135 = tpu.memref_squeeze %dma_wait3A_134 : memref<1x10000xf32, #tpu.memory_space<hbm>> -> memref<10000xf32, #tpu.memory_space<hbm>>
      %dma_wait3A_136 = arith.constant 0 : i32
      %dma_wait3A_137 = tpu.memref_slice %arg5[%add3A_132, %dma_wait3A_136] : memref<60x10000xf32, #tpu.memory_space<hbm>> -> memref<1x10000xf32, #tpu.memory_space<hbm>>
      %dma_wait3A_138 = tpu.memref_squeeze %dma_wait3A_137 : memref<1x10000xf32, #tpu.memory_space<hbm>> -> memref<10000xf32, #tpu.memory_space<hbm>>
      tpu.wait_dma2 semaphore(%arg16 : memref<!tpu.dma_semaphore, #tpu.memory_space<semaphore_mem>>) src(%arg9 : memref<10000xf32, #tpu.memory_space<vmem>>) dst(%dma_wait3A_138 : memref<10000xf32, #tpu.memory_space<hbm>>)
    } else {
    }
    return
  }
}

#map = affine_map<(d0, d1) -> (0, 0)>
#map1 = affine_map<(d0, d1) -> (0)>
module attributes {stable_mosaic.version = 14 : i64} {
  func.func @_sc_msg(%arg0: i32, %arg1: i32, %arg2: memref<20x10000xf32, #tpu.memory_space<hbm>>, %arg3: memref<336384xi32, #tpu.memory_space<hbm>>, %arg4: memref<336384xf32, #tpu.memory_space<hbm>>, %arg5: memref<60x10000xf32, #tpu.memory_space<hbm>>, %arg6: memref<10000xf32, #tpu.memory_space<vmem>>, %arg7: memref<10000xf32, #tpu.memory_space<vmem>>, %arg8: memref<10000xf32, #tpu.memory_space<vmem>>, %arg9: memref<10000xf32, #tpu.memory_space<vmem>>, %arg10: memref<9344xi32, #tpu.memory_space<vmem>>, %arg11: memref<9344xf32, #tpu.memory_space<vmem>>, %arg12: memref<9344xi32, #tpu.memory_space<vmem>>, %arg13: memref<9344xf32, #tpu.memory_space<vmem>>, %arg14: memref<!tpu.dma_semaphore, #tpu.memory_space<semaphore_mem>>, %arg15: memref<!tpu.dma_semaphore, #tpu.memory_space<semaphore_mem>>, %arg16: memref<!tpu.dma_semaphore, #tpu.memory_space<semaphore_mem>>) attributes {dimension_semantics = [#tpu.dimension_semantics<core_parallel>, #tpu.dimension_semantics<subcore_parallel>], iteration_bounds = array<i64: 2, 16>, scalar_prefetch = 0 : i64, scratch_operands = 11 : i64, tpu.core_type = #tpu.core_type<sc_vector_subcore>, window_params = [{transform_indices = #map}, {transform_indices = #map1}, {transform_indices = #map1}, {transform_indices = #map}]} {
    %mul3A = arith.constant 2 : i32
    %mul3A_0 = arith.muli %arg1, %mul3A : i32
    %add3A = arith.addi %mul3A_0, %arg0 : i32
    %lt3A = arith.constant 30 : i32
    %lt3A_1 = arith.cmpi slt, %add3A, %lt3A : i32
    %convert_element_type3A = arith.extui %lt3A_1 : i1 to i32
    %cond3A = arith.constant 0 : i32
    %cond3A_2 = arith.cmpi ne, %convert_element_type3A, %cond3A : i32
    scf.if %cond3A_2 {
      %jit3A = arith.constant 3 : i32
      %div3A = arith.divsi %add3A, %jit3A : i32
      %sign3A = arith.constant 0 : i32
      %sign3A_3 = arith.cmpi sgt, %add3A, %sign3A : i32
      %sign3A_4 = arith.extui %sign3A_3 : i1 to i32
      %sign3A_5 = arith.constant 0 : i32
      %sign3A_6 = arith.cmpi slt, %add3A, %sign3A_5 : i32
      %sign3A_7 = arith.extui %sign3A_6 : i1 to i32
      %sign3A_8 = arith.subi %sign3A_4, %sign3A_7 : i32
      %sign3A_9 = arith.constant 0 : i32
      %sign3A_10 = arith.cmpi sgt, %jit3A, %sign3A_9 : i32
      %sign3A_11 = arith.extui %sign3A_10 : i1 to i32
      %sign3A_12 = arith.constant 0 : i32
      %sign3A_13 = arith.cmpi slt, %jit3A, %sign3A_12 : i32
      %sign3A_14 = arith.extui %sign3A_13 : i1 to i32
      %sign3A_15 = arith.subi %sign3A_11, %sign3A_14 : i32
      %ne3A = arith.cmpi ne, %sign3A_8, %sign3A_15 : i32
      %rem3A = arith.remsi %add3A, %jit3A : i32
      %ne3A_16 = arith.constant 0 : i32
      %ne3A_17 = arith.cmpi ne, %rem3A, %ne3A_16 : i32
      %and3A = arith.andi %ne3A, %ne3A_17 : i1
      %sub3A = arith.constant 1 : i32
      %sub3A_18 = arith.subi %div3A, %sub3A : i32
      %select_n3A = arith.select %and3A, %sub3A_18, %div3A : i32
      %jit3A_19 = arith.constant 3 : i32
      %eq3A = arith.constant 0 : i32
      %eq3A_20 = arith.cmpi eq, %jit3A_19, %eq3A : i32
      %jit3A_21 = arith.constant 1 : i32
      %select_n3A_22 = arith.select %eq3A_20, %jit3A_21, %jit3A_19 : i32
      %rem3A_23 = arith.remsi %add3A, %select_n3A_22 : i32
      %ne3A_24 = arith.constant 0 : i32
      %ne3A_25 = arith.cmpi ne, %rem3A_23, %ne3A_24 : i32
      %lt3A_26 = arith.constant 0 : i32
      %lt3A_27 = arith.cmpi slt, %rem3A_23, %lt3A_26 : i32
      %lt3A_28 = arith.constant 0 : i32
      %lt3A_29 = arith.cmpi slt, %select_n3A_22, %lt3A_28 : i32
      %ne3A_30 = arith.xori %lt3A_27, %lt3A_29 : i1
      %and3A_31 = arith.andi %ne3A_30, %ne3A_25 : i1
      %add3A_32 = arith.addi %rem3A_23, %select_n3A_22 : i32
      %select_n3A_33 = arith.select %and3A_31, %add3A_32, %rem3A_23 : i32
      %mul3A_34 = arith.constant 112128 : i32
      %mul3A_35 = arith.muli %select_n3A_33, %mul3A_34 : i32
      %dma_start3A = tpu.memref_slice %arg3[%mul3A_35] : memref<336384xi32, #tpu.memory_space<hbm>> -> memref<9344xi32, #tpu.memory_space<hbm>>
      %dma_start3A_36 = tpu.memref_slice %arg3[%mul3A_35] : memref<336384xi32, #tpu.memory_space<hbm>> -> memref<9344xi32, #tpu.memory_space<hbm>>
      tpu.enqueue_dma source(%dma_start3A_36 : memref<9344xi32, #tpu.memory_space<hbm>>) target(%arg10 : memref<9344xi32, #tpu.memory_space<vmem>>) target_semaphore(%arg14 : memref<!tpu.dma_semaphore, #tpu.memory_space<semaphore_mem>>)
      %dma_start3A_37 = tpu.memref_slice %arg4[%mul3A_35] : memref<336384xf32, #tpu.memory_space<hbm>> -> memref<9344xf32, #tpu.memory_space<hbm>>
      %dma_start3A_38 = tpu.memref_slice %arg4[%mul3A_35] : memref<336384xf32, #tpu.memory_space<hbm>> -> memref<9344xf32, #tpu.memory_space<hbm>>
      tpu.enqueue_dma source(%dma_start3A_38 : memref<9344xf32, #tpu.memory_space<hbm>>) target(%arg11 : memref<9344xf32, #tpu.memory_space<vmem>>) target_semaphore(%arg14 : memref<!tpu.dma_semaphore, #tpu.memory_space<semaphore_mem>>)
      %mul3A_39 = arith.constant 2 : i32
      %mul3A_40 = arith.muli %select_n3A, %mul3A_39 : i32
      %add3A_41 = arith.constant 0 : i32
      %add3A_42 = arith.addi %mul3A_40, %add3A_41 : i32
      %dma_start3A_43 = arith.constant 0 : i32
      %dma_start3A_44 = tpu.memref_slice %arg2[%add3A_42, %dma_start3A_43] : memref<20x10000xf32, #tpu.memory_space<hbm>> -> memref<1x10000xf32, #tpu.memory_space<hbm>>
      %dma_start3A_45 = tpu.memref_squeeze %dma_start3A_44 : memref<1x10000xf32, #tpu.memory_space<hbm>> -> memref<10000xf32, #tpu.memory_space<hbm>>
      %dma_start3A_46 = arith.constant 0 : i32
      %dma_start3A_47 = tpu.memref_slice %arg2[%add3A_42, %dma_start3A_46] : memref<20x10000xf32, #tpu.memory_space<hbm>> -> memref<1x10000xf32, #tpu.memory_space<hbm>>
      %dma_start3A_48 = tpu.memref_squeeze %dma_start3A_47 : memref<1x10000xf32, #tpu.memory_space<hbm>> -> memref<10000xf32, #tpu.memory_space<hbm>>
      tpu.enqueue_dma source(%dma_start3A_48 : memref<10000xf32, #tpu.memory_space<hbm>>) target(%arg6 : memref<10000xf32, #tpu.memory_space<vmem>>) target_semaphore(%arg16 : memref<!tpu.dma_semaphore, #tpu.memory_space<semaphore_mem>>)
      %mul3A_49 = arith.constant 2 : i32
      %mul3A_50 = arith.muli %select_n3A, %mul3A_49 : i32
      %add3A_51 = arith.constant 1 : i32
      %add3A_52 = arith.addi %mul3A_50, %add3A_51 : i32
      %dma_start3A_53 = arith.constant 0 : i32
      %dma_start3A_54 = tpu.memref_slice %arg2[%add3A_52, %dma_start3A_53] : memref<20x10000xf32, #tpu.memory_space<hbm>> -> memref<1x10000xf32, #tpu.memory_space<hbm>>
      %dma_start3A_55 = tpu.memref_squeeze %dma_start3A_54 : memref<1x10000xf32, #tpu.memory_space<hbm>> -> memref<10000xf32, #tpu.memory_space<hbm>>
      %dma_start3A_56 = arith.constant 0 : i32
      %dma_start3A_57 = tpu.memref_slice %arg2[%add3A_52, %dma_start3A_56] : memref<20x10000xf32, #tpu.memory_space<hbm>> -> memref<1x10000xf32, #tpu.memory_space<hbm>>
      %dma_start3A_58 = tpu.memref_squeeze %dma_start3A_57 : memref<1x10000xf32, #tpu.memory_space<hbm>> -> memref<10000xf32, #tpu.memory_space<hbm>>
      tpu.enqueue_dma source(%dma_start3A_58 : memref<10000xf32, #tpu.memory_space<hbm>>) target(%arg7 : memref<10000xf32, #tpu.memory_space<vmem>>) target_semaphore(%arg16 : memref<!tpu.dma_semaphore, #tpu.memory_space<semaphore_mem>>)
      %parallel_loop3A = arith.constant 0 : i32
      %parallel_loop3A_59 = arith.constant 10000 : i32
      %parallel_loop3A_60 = arith.constant 16 : i32
      scf.for %parallel_loop3A_139 = %parallel_loop3A to %parallel_loop3A_59 step %parallel_loop3A_60  : i32 {
        %parallel_loop3A_140 = arith.constant 0.000000e+00 : f32
        %parallel_loop3A_141 = vector.broadcast %parallel_loop3A_140 : f32 to vector<16xf32>
        %parallel_loop3A_142 = arith.index_cast %parallel_loop3A_139 : i32 to index
        %parallel_loop3A_143 = tpu.vector_load %arg8[%parallel_loop3A_142] {strides = array<i32>} : memref<10000xf32, #tpu.memory_space<vmem>>, vector<16xf32>,
        tpu.vector_store %arg8[%parallel_loop3A_142], %parallel_loop3A_141 {strides = array<i32>} : memref<10000xf32, #tpu.memory_space<vmem>>, vector<16xf32>,
      } {sc.loop_unroll_factor = 8 : i64, sc.parallel_access}
      %parallel_loop3A_61 = arith.constant 0 : i32
      %parallel_loop3A_62 = arith.constant 10000 : i32
      %parallel_loop3A_63 = arith.constant 16 : i32
      scf.for %parallel_loop3A_139 = %parallel_loop3A_61 to %parallel_loop3A_62 step %parallel_loop3A_63  : i32 {
        %parallel_loop3A_140 = arith.constant 0.000000e+00 : f32
        %parallel_loop3A_141 = vector.broadcast %parallel_loop3A_140 : f32 to vector<16xf32>
        %parallel_loop3A_142 = arith.index_cast %parallel_loop3A_139 : i32 to index
        %parallel_loop3A_143 = tpu.vector_load %arg9[%parallel_loop3A_142] {strides = array<i32>} : memref<10000xf32, #tpu.memory_space<vmem>>, vector<16xf32>,
        tpu.vector_store %arg9[%parallel_loop3A_142], %parallel_loop3A_141 {strides = array<i32>} : memref<10000xf32, #tpu.memory_space<vmem>>, vector<16xf32>,
      } {sc.loop_unroll_factor = 8 : i64, sc.parallel_access}
      %mul3A_64 = arith.constant 2 : i32
      %mul3A_65 = arith.muli %select_n3A, %mul3A_64 : i32
      %add3A_66 = arith.constant 0 : i32
      %add3A_67 = arith.addi %mul3A_65, %add3A_66 : i32
      %dma_wait3A = arith.constant 0 : i32
      %dma_wait3A_68 = tpu.memref_slice %arg2[%add3A_67, %dma_wait3A] : memref<20x10000xf32, #tpu.memory_space<hbm>> -> memref<1x10000xf32, #tpu.memory_space<hbm>>
      %dma_wait3A_69 = tpu.memref_squeeze %dma_wait3A_68 : memref<1x10000xf32, #tpu.memory_space<hbm>> -> memref<10000xf32, #tpu.memory_space<hbm>>
      %dma_wait3A_70 = arith.constant 0 : i32
      %dma_wait3A_71 = tpu.memref_slice %arg2[%add3A_67, %dma_wait3A_70] : memref<20x10000xf32, #tpu.memory_space<hbm>> -> memref<1x10000xf32, #tpu.memory_space<hbm>>
      %dma_wait3A_72 = tpu.memref_squeeze %dma_wait3A_71 : memref<1x10000xf32, #tpu.memory_space<hbm>> -> memref<10000xf32, #tpu.memory_space<hbm>>
      tpu.wait_dma2 semaphore(%arg16 : memref<!tpu.dma_semaphore, #tpu.memory_space<semaphore_mem>>) src(%dma_wait3A_72 : memref<10000xf32, #tpu.memory_space<hbm>>) dst(%arg6 : memref<10000xf32, #tpu.memory_space<vmem>>)
      %mul3A_73 = arith.constant 2 : i32
      %mul3A_74 = arith.muli %select_n3A, %mul3A_73 : i32
      %add3A_75 = arith.constant 1 : i32
      %add3A_76 = arith.addi %mul3A_74, %add3A_75 : i32
      %dma_wait3A_77 = arith.constant 0 : i32
      %dma_wait3A_78 = tpu.memref_slice %arg2[%add3A_76, %dma_wait3A_77] : memref<20x10000xf32, #tpu.memory_space<hbm>> -> memref<1x10000xf32, #tpu.memory_space<hbm>>
      %dma_wait3A_79 = tpu.memref_squeeze %dma_wait3A_78 : memref<1x10000xf32, #tpu.memory_space<hbm>> -> memref<10000xf32, #tpu.memory_space<hbm>>
      %dma_wait3A_80 = arith.constant 0 : i32
      %dma_wait3A_81 = tpu.memref_slice %arg2[%add3A_76, %dma_wait3A_80] : memref<20x10000xf32, #tpu.memory_space<hbm>> -> memref<1x10000xf32, #tpu.memory_space<hbm>>
      %dma_wait3A_82 = tpu.memref_squeeze %dma_wait3A_81 : memref<1x10000xf32, #tpu.memory_space<hbm>> -> memref<10000xf32, #tpu.memory_space<hbm>>
      tpu.wait_dma2 semaphore(%arg16 : memref<!tpu.dma_semaphore, #tpu.memory_space<semaphore_mem>>) src(%dma_wait3A_82 : memref<10000xf32, #tpu.memory_space<hbm>>) dst(%arg7 : memref<10000xf32, #tpu.memory_space<vmem>>)
      %scan3A = arith.constant 0 : i32
      %scan3A_83 = arith.constant 6 : i32
      %scan3A_84 = arith.addi %scan3A, %scan3A_83 : i32
      %scan3A_85 = arith.constant 1 : i32
      scf.for %scan3A_139 = %scan3A to %scan3A_84 step %scan3A_85  : i32 {
        %mul3A_140 = arith.constant 18688 : i32
        %mul3A_141 = arith.muli %scan3A_139, %mul3A_140 : i32
        %add3A_142 = arith.constant 0 : i32
        %add3A_143 = arith.addi %add3A_142, %mul3A_141 : i32
        %add3A_144 = arith.addi %mul3A_35, %add3A_143 : i32
        %add3A_145 = arith.constant 9344 : i32
        %add3A_146 = arith.addi %add3A_144, %add3A_145 : i32
        %dma_start3A_147 = tpu.memref_slice %arg3[%add3A_146] : memref<336384xi32, #tpu.memory_space<hbm>> -> memref<9344xi32, #tpu.memory_space<hbm>>
        %dma_start3A_148 = tpu.memref_slice %arg3[%add3A_146] : memref<336384xi32, #tpu.memory_space<hbm>> -> memref<9344xi32, #tpu.memory_space<hbm>>
        tpu.enqueue_dma source(%dma_start3A_148 : memref<9344xi32, #tpu.memory_space<hbm>>) target(%arg12 : memref<9344xi32, #tpu.memory_space<vmem>>) target_semaphore(%arg15 : memref<!tpu.dma_semaphore, #tpu.memory_space<semaphore_mem>>)
        %dma_start3A_149 = tpu.memref_slice %arg4[%add3A_146] : memref<336384xf32, #tpu.memory_space<hbm>> -> memref<9344xf32, #tpu.memory_space<hbm>>
        %dma_start3A_150 = tpu.memref_slice %arg4[%add3A_146] : memref<336384xf32, #tpu.memory_space<hbm>> -> memref<9344xf32, #tpu.memory_space<hbm>>
        tpu.enqueue_dma source(%dma_start3A_150 : memref<9344xf32, #tpu.memory_space<hbm>>) target(%arg13 : memref<9344xf32, #tpu.memory_space<vmem>>) target_semaphore(%arg15 : memref<!tpu.dma_semaphore, #tpu.memory_space<semaphore_mem>>)
        %dma_wait3A_151 = arith.constant 0 : i32
        %dma_wait3A_152 = tpu.memref_slice %arg3[%dma_wait3A_151] : memref<336384xi32, #tpu.memory_space<hbm>> -> memref<9344xi32, #tpu.memory_space<hbm>>
        %dma_wait3A_153 = arith.constant 0 : i32
        %dma_wait3A_154 = tpu.memref_slice %arg3[%dma_wait3A_153] : memref<336384xi32, #tpu.memory_space<hbm>> -> memref<9344xi32, #tpu.memory_space<hbm>>
        tpu.wait_dma2 semaphore(%arg14 : memref<!tpu.dma_semaphore, #tpu.memory_space<semaphore_mem>>) src(%dma_wait3A_154 : memref<9344xi32, #tpu.memory_space<hbm>>) dst(%arg10 : memref<9344xi32, #tpu.memory_space<vmem>>)
        %dma_wait3A_155 = arith.constant 0 : i32
        %dma_wait3A_156 = tpu.memref_slice %arg4[%dma_wait3A_155] : memref<336384xf32, #tpu.memory_space<hbm>> -> memref<9344xf32, #tpu.memory_space<hbm>>
        %dma_wait3A_157 = arith.constant 0 : i32
        %dma_wait3A_158 = tpu.memref_slice %arg4[%dma_wait3A_157] : memref<336384xf32, #tpu.memory_space<hbm>> -> memref<9344xf32, #tpu.memory_space<hbm>>
        tpu.wait_dma2 semaphore(%arg14 : memref<!tpu.dma_semaphore, #tpu.memory_space<semaphore_mem>>) src(%dma_wait3A_158 : memref<9344xf32, #tpu.memory_space<hbm>>) dst(%arg11 : memref<9344xf32, #tpu.memory_space<vmem>>)
        %parallel_loop3A_159 = arith.constant 0 : i32
        %parallel_loop3A_160 = arith.constant 9344 : i32
        %parallel_loop3A_161 = arith.constant 16 : i32
        scf.for %parallel_loop3A_180 = %parallel_loop3A_159 to %parallel_loop3A_160 step %parallel_loop3A_161  : i32 {
          %parallel_loop3A_181 = arith.index_cast %parallel_loop3A_180 : i32 to index
          %parallel_loop3A_182 = tpu.vector_load %arg10[%parallel_loop3A_181] {strides = array<i32>} : memref<9344xi32, #tpu.memory_space<vmem>>, vector<16xi32>,
          %parallel_loop3A_183 = arith.index_cast %parallel_loop3A_180 : i32 to index
          %parallel_loop3A_184 = tpu.vector_load %arg11[%parallel_loop3A_183] {strides = array<i32>} : memref<9344xf32, #tpu.memory_space<vmem>>, vector<16xf32>,
          %parallel_loop3A_185 = arith.constant 16383 : i32
          %parallel_loop3A_186 = vector.broadcast %parallel_loop3A_185 : i32 to vector<16xi32>
          %parallel_loop3A_187 = arith.andi %parallel_loop3A_182, %parallel_loop3A_186 : vector<16xi32>
          %parallel_loop3A_188 = arith.constant 14 : i32
          %parallel_loop3A_189 = vector.broadcast %parallel_loop3A_188 : i32 to vector<16xi32>
          %parallel_loop3A_190 = arith.shrui %parallel_loop3A_182, %parallel_loop3A_189 : vector<16xi32>
          %parallel_loop3A_191 = tpu.vector_load_idx %arg6[%parallel_loop3A_187] : memref<10000xf32, #tpu.memory_space<vmem>>[vector<16xi32>], vector<16xf32>,
          %parallel_loop3A_192 = arith.mulf %parallel_loop3A_191, %parallel_loop3A_184 : vector<16xf32>
          tpu.vector_store_idx %arg8[%parallel_loop3A_190], %parallel_loop3A_192 {add = true} : memref<10000xf32, #tpu.memory_space<vmem>>[vector<16xi32>], vector<16xf32>,
          %parallel_loop3A_193 = tpu.vector_load_idx %arg7[%parallel_loop3A_187] : memref<10000xf32, #tpu.memory_space<vmem>>[vector<16xi32>], vector<16xf32>,
          %parallel_loop3A_194 = arith.mulf %parallel_loop3A_193, %parallel_loop3A_184 : vector<16xf32>
          tpu.vector_store_idx %arg9[%parallel_loop3A_190], %parallel_loop3A_194 {add = true} : memref<10000xf32, #tpu.memory_space<vmem>>[vector<16xi32>], vector<16xf32>,
        } {sc.loop_unroll_factor = 4 : i64, sc.parallel_access}
        %add3A_162 = arith.constant 18688 : i32
        %add3A_163 = arith.addi %add3A_143, %add3A_162 : i32
        %lt3A_164 = arith.constant 112128 : i32
        %lt3A_165 = arith.cmpi slt, %add3A_163, %lt3A_164 : i32
        %convert_element_type3A_166 = arith.extui %lt3A_165 : i1 to i32
        %cond3A_167 = arith.constant 0 : i32
        %cond3A_168 = arith.cmpi ne, %convert_element_type3A_166, %cond3A_167 : i32
        scf.if %cond3A_168 {
          %add3A_180 = arith.addi %mul3A_35, %add3A_143 : i32
          %add3A_181 = arith.constant 18688 : i32
          %add3A_182 = arith.addi %add3A_180, %add3A_181 : i32
          %dma_start3A_183 = tpu.memref_slice %arg3[%add3A_182] : memref<336384xi32, #tpu.memory_space<hbm>> -> memref<9344xi32, #tpu.memory_space<hbm>>
          %dma_start3A_184 = tpu.memref_slice %arg3[%add3A_182] : memref<336384xi32, #tpu.memory_space<hbm>> -> memref<9344xi32, #tpu.memory_space<hbm>>
          tpu.enqueue_dma source(%dma_start3A_184 : memref<9344xi32, #tpu.memory_space<hbm>>) target(%arg10 : memref<9344xi32, #tpu.memory_space<vmem>>) target_semaphore(%arg14 : memref<!tpu.dma_semaphore, #tpu.memory_space<semaphore_mem>>)
          %dma_start3A_185 = tpu.memref_slice %arg4[%add3A_182] : memref<336384xf32, #tpu.memory_space<hbm>> -> memref<9344xf32, #tpu.memory_space<hbm>>
          %dma_start3A_186 = tpu.memref_slice %arg4[%add3A_182] : memref<336384xf32, #tpu.memory_space<hbm>> -> memref<9344xf32, #tpu.memory_space<hbm>>
          tpu.enqueue_dma source(%dma_start3A_186 : memref<9344xf32, #tpu.memory_space<hbm>>) target(%arg11 : memref<9344xf32, #tpu.memory_space<vmem>>) target_semaphore(%arg14 : memref<!tpu.dma_semaphore, #tpu.memory_space<semaphore_mem>>)
        } else {
        }
        %dma_wait3A_169 = arith.constant 0 : i32
        %dma_wait3A_170 = tpu.memref_slice %arg3[%dma_wait3A_169] : memref<336384xi32, #tpu.memory_space<hbm>> -> memref<9344xi32, #tpu.memory_space<hbm>>
        %dma_wait3A_171 = arith.constant 0 : i32
        %dma_wait3A_172 = tpu.memref_slice %arg3[%dma_wait3A_171] : memref<336384xi32, #tpu.memory_space<hbm>> -> memref<9344xi32, #tpu.memory_space<hbm>>
        tpu.wait_dma2 semaphore(%arg15 : memref<!tpu.dma_semaphore, #tpu.memory_space<semaphore_mem>>) src(%dma_wait3A_172 : memref<9344xi32, #tpu.memory_space<hbm>>) dst(%arg12 : memref<9344xi32, #tpu.memory_space<vmem>>)
        %dma_wait3A_173 = arith.constant 0 : i32
        %dma_wait3A_174 = tpu.memref_slice %arg4[%dma_wait3A_173] : memref<336384xf32, #tpu.memory_space<hbm>> -> memref<9344xf32, #tpu.memory_space<hbm>>
        %dma_wait3A_175 = arith.constant 0 : i32
        %dma_wait3A_176 = tpu.memref_slice %arg4[%dma_wait3A_175] : memref<336384xf32, #tpu.memory_space<hbm>> -> memref<9344xf32, #tpu.memory_space<hbm>>
        tpu.wait_dma2 semaphore(%arg15 : memref<!tpu.dma_semaphore, #tpu.memory_space<semaphore_mem>>) src(%dma_wait3A_176 : memref<9344xf32, #tpu.memory_space<hbm>>) dst(%arg13 : memref<9344xf32, #tpu.memory_space<vmem>>)
        %parallel_loop3A_177 = arith.constant 0 : i32
        %parallel_loop3A_178 = arith.constant 9344 : i32
        %parallel_loop3A_179 = arith.constant 16 : i32
        scf.for %parallel_loop3A_180 = %parallel_loop3A_177 to %parallel_loop3A_178 step %parallel_loop3A_179  : i32 {
          %parallel_loop3A_181 = arith.index_cast %parallel_loop3A_180 : i32 to index
          %parallel_loop3A_182 = tpu.vector_load %arg12[%parallel_loop3A_181] {strides = array<i32>} : memref<9344xi32, #tpu.memory_space<vmem>>, vector<16xi32>,
          %parallel_loop3A_183 = arith.index_cast %parallel_loop3A_180 : i32 to index
          %parallel_loop3A_184 = tpu.vector_load %arg13[%parallel_loop3A_183] {strides = array<i32>} : memref<9344xf32, #tpu.memory_space<vmem>>, vector<16xf32>,
          %parallel_loop3A_185 = arith.constant 16383 : i32
          %parallel_loop3A_186 = vector.broadcast %parallel_loop3A_185 : i32 to vector<16xi32>
          %parallel_loop3A_187 = arith.andi %parallel_loop3A_182, %parallel_loop3A_186 : vector<16xi32>
          %parallel_loop3A_188 = arith.constant 14 : i32
          %parallel_loop3A_189 = vector.broadcast %parallel_loop3A_188 : i32 to vector<16xi32>
          %parallel_loop3A_190 = arith.shrui %parallel_loop3A_182, %parallel_loop3A_189 : vector<16xi32>
          %parallel_loop3A_191 = tpu.vector_load_idx %arg6[%parallel_loop3A_187] : memref<10000xf32, #tpu.memory_space<vmem>>[vector<16xi32>], vector<16xf32>,
          %parallel_loop3A_192 = arith.mulf %parallel_loop3A_191, %parallel_loop3A_184 : vector<16xf32>
          tpu.vector_store_idx %arg8[%parallel_loop3A_190], %parallel_loop3A_192 {add = true} : memref<10000xf32, #tpu.memory_space<vmem>>[vector<16xi32>], vector<16xf32>,
          %parallel_loop3A_193 = tpu.vector_load_idx %arg7[%parallel_loop3A_187] : memref<10000xf32, #tpu.memory_space<vmem>>[vector<16xi32>], vector<16xf32>,
          %parallel_loop3A_194 = arith.mulf %parallel_loop3A_193, %parallel_loop3A_184 : vector<16xf32>
          tpu.vector_store_idx %arg9[%parallel_loop3A_190], %parallel_loop3A_194 {add = true} : memref<10000xf32, #tpu.memory_space<vmem>>[vector<16xi32>], vector<16xf32>,
        } {sc.loop_unroll_factor = 4 : i64, sc.parallel_access}
      }
      %scan3A_86 = arith.constant 6 : i32
      %mul3A_87 = arith.constant 20 : i32
      %mul3A_88 = arith.muli %select_n3A_33, %mul3A_87 : i32
      %mul3A_89 = arith.constant 2 : i32
      %mul3A_90 = arith.muli %select_n3A, %mul3A_89 : i32
      %add3A_91 = arith.addi %mul3A_88, %mul3A_90 : i32
      %add3A_92 = arith.constant 0 : i32
      %add3A_93 = arith.addi %add3A_91, %add3A_92 : i32
      %dma_start3A_94 = arith.constant 0 : i32
      %dma_start3A_95 = tpu.memref_slice %arg5[%add3A_93, %dma_start3A_94] : memref<60x10000xf32, #tpu.memory_space<hbm>> -> memref<1x10000xf32, #tpu.memory_space<hbm>>
      %dma_start3A_96 = tpu.memref_squeeze %dma_start3A_95 : memref<1x10000xf32, #tpu.memory_space<hbm>> -> memref<10000xf32, #tpu.memory_space<hbm>>
      %dma_start3A_97 = arith.constant 0 : i32
      %dma_start3A_98 = tpu.memref_slice %arg5[%add3A_93, %dma_start3A_97] : memref<60x10000xf32, #tpu.memory_space<hbm>> -> memref<1x10000xf32, #tpu.memory_space<hbm>>
      %dma_start3A_99 = tpu.memref_squeeze %dma_start3A_98 : memref<1x10000xf32, #tpu.memory_space<hbm>> -> memref<10000xf32, #tpu.memory_space<hbm>>
      tpu.enqueue_dma source(%arg8 : memref<10000xf32, #tpu.memory_space<vmem>>) target(%dma_start3A_99 : memref<10000xf32, #tpu.memory_space<hbm>>) target_semaphore(%arg16 : memref<!tpu.dma_semaphore, #tpu.memory_space<semaphore_mem>>)
      %mul3A_100 = arith.constant 20 : i32
      %mul3A_101 = arith.muli %select_n3A_33, %mul3A_100 : i32
      %mul3A_102 = arith.constant 2 : i32
      %mul3A_103 = arith.muli %select_n3A, %mul3A_102 : i32
      %add3A_104 = arith.addi %mul3A_101, %mul3A_103 : i32
      %add3A_105 = arith.constant 1 : i32
      %add3A_106 = arith.addi %add3A_104, %add3A_105 : i32
      %dma_start3A_107 = arith.constant 0 : i32
      %dma_start3A_108 = tpu.memref_slice %arg5[%add3A_106, %dma_start3A_107] : memref<60x10000xf32, #tpu.memory_space<hbm>> -> memref<1x10000xf32, #tpu.memory_space<hbm>>
      %dma_start3A_109 = tpu.memref_squeeze %dma_start3A_108 : memref<1x10000xf32, #tpu.memory_space<hbm>> -> memref<10000xf32, #tpu.memory_space<hbm>>
      %dma_start3A_110 = arith.constant 0 : i32
      %dma_start3A_111 = tpu.memref_slice %arg5[%add3A_106, %dma_start3A_110] : memref<60x10000xf32, #tpu.memory_space<hbm>> -> memref<1x10000xf32, #tpu.memory_space<hbm>>
      %dma_start3A_112 = tpu.memref_squeeze %dma_start3A_111 : memref<1x10000xf32, #tpu.memory_space<hbm>> -> memref<10000xf32, #tpu.memory_space<hbm>>
      tpu.enqueue_dma source(%arg9 : memref<10000xf32, #tpu.memory_space<vmem>>) target(%dma_start3A_112 : memref<10000xf32, #tpu.memory_space<hbm>>) target_semaphore(%arg16 : memref<!tpu.dma_semaphore, #tpu.memory_space<semaphore_mem>>)
      %mul3A_113 = arith.constant 20 : i32
      %mul3A_114 = arith.muli %select_n3A_33, %mul3A_113 : i32
      %mul3A_115 = arith.constant 2 : i32
      %mul3A_116 = arith.muli %select_n3A, %mul3A_115 : i32
      %add3A_117 = arith.addi %mul3A_114, %mul3A_116 : i32
      %add3A_118 = arith.constant 0 : i32
      %add3A_119 = arith.addi %add3A_117, %add3A_118 : i32
      %dma_wait3A_120 = arith.constant 0 : i32
      %dma_wait3A_121 = tpu.memref_slice %arg5[%add3A_119, %dma_wait3A_120] : memref<60x10000xf32, #tpu.memory_space<hbm>> -> memref<1x10000xf32, #tpu.memory_space<hbm>>
      %dma_wait3A_122 = tpu.memref_squeeze %dma_wait3A_121 : memref<1x10000xf32, #tpu.memory_space<hbm>> -> memref<10000xf32, #tpu.memory_space<hbm>>
      %dma_wait3A_123 = arith.constant 0 : i32
      %dma_wait3A_124 = tpu.memref_slice %arg5[%add3A_119, %dma_wait3A_123] : memref<60x10000xf32, #tpu.memory_space<hbm>> -> memref<1x10000xf32, #tpu.memory_space<hbm>>
      %dma_wait3A_125 = tpu.memref_squeeze %dma_wait3A_124 : memref<1x10000xf32, #tpu.memory_space<hbm>> -> memref<10000xf32, #tpu.memory_space<hbm>>
      tpu.wait_dma2 semaphore(%arg16 : memref<!tpu.dma_semaphore, #tpu.memory_space<semaphore_mem>>) src(%arg8 : memref<10000xf32, #tpu.memory_space<vmem>>) dst(%dma_wait3A_125 : memref<10000xf32, #tpu.memory_space<hbm>>)
      %mul3A_126 = arith.constant 20 : i32
      %mul3A_127 = arith.muli %select_n3A_33, %mul3A_126 : i32
      %mul3A_128 = arith.constant 2 : i32
      %mul3A_129 = arith.muli %select_n3A, %mul3A_128 : i32
      %add3A_130 = arith.addi %mul3A_127, %mul3A_129 : i32
      %add3A_131 = arith.constant 1 : i32
      %add3A_132 = arith.addi %add3A_130, %add3A_131 : i32
      %dma_wait3A_133 = arith.constant 0 : i32
      %dma_wait3A_134 = tpu.memref_slice %arg5[%add3A_132, %dma_wait3A_133] : memref<60x10000xf32, #tpu.memory_space<hbm>> -> memref<1x10000xf32, #tpu.memory_space<hbm>>
      %dma_wait3A_135 = tpu.memref_squeeze %dma_wait3A_134 : memref<1x10000xf32, #tpu.memory_space<hbm>> -> memref<10000xf32, #tpu.memory_space<hbm>>
      %dma_wait3A_136 = arith.constant 0 : i32
      %dma_wait3A_137 = tpu.memref_slice %arg5[%add3A_132, %dma_wait3A_136] : memref<60x10000xf32, #tpu.memory_space<hbm>> -> memref<1x10000xf32, #tpu.memory_space<hbm>>
      %dma_wait3A_138 = tpu.memref_squeeze %dma_wait3A_137 : memref<1x10000xf32, #tpu.memory_space<hbm>> -> memref<10000xf32, #tpu.memory_space<hbm>>
      tpu.wait_dma2 semaphore(%arg16 : memref<!tpu.dma_semaphore, #tpu.memory_space<semaphore_mem>>) src(%arg9 : memref<10000xf32, #tpu.memory_space<vmem>>) dst(%dma_wait3A_138 : memref<10000xf32, #tpu.memory_space<hbm>>)
    } else {
    }
    return
  }
}

module attributes {stable_mosaic.version = 14 : i64} {
  func.func @body(%arg0: memref<60x10000xf32, #tpu.memory_space<vmem>>, %arg1: memref<20x10000xf32, #tpu.memory_space<vmem>>, %arg2: memref<1x10000xf32, #tpu.memory_space<vmem>>, %arg3: memref<20x1xf32, #tpu.memory_space<vmem>>, %arg4: memref<20x20xf32, #tpu.memory_space<vmem>>, %arg5: memref<20x10000xf32, #tpu.memory_space<vmem>>) attributes {dimension_semantics = [], scalar_prefetch = 0 : i64, scratch_operands = 0 : i64, tpu.core_type = #tpu.core_type<tc>} {
    %get3A = arith.constant 0 : index
    %get3A_0 = arith.constant 0 : index
    %get3A_1 = vector.load %arg1[%get3A, %get3A_0] : memref<20x10000xf32, #tpu.memory_space<vmem>>, vector<20x10000xf32>
    %get3A_2 = arith.constant 0 : index
    %get3A_3 = arith.constant 0 : index
    %get3A_4 = vector.load %arg2[%get3A_2, %get3A_3] : memref<1x10000xf32, #tpu.memory_space<vmem>>, vector<1x10000xf32>
    %get3A_5 = arith.constant 0 : index
    %get3A_6 = arith.constant 0 : index
    %get3A_7 = vector.load %arg3[%get3A_5, %get3A_6] : memref<20x1xf32, #tpu.memory_space<vmem>>, vector<20x1xf32>
    %get3A_8 = arith.constant 0 : index
    %get3A_9 = arith.constant 0 : index
    %get3A_10 = vector.load %arg0[%get3A_8, %get3A_9] : memref<60x10000xf32, #tpu.memory_space<vmem>>, vector<20x10000xf32>
    %get3A_11 = arith.constant 20 : index
    %get3A_12 = arith.constant 0 : index
    %get3A_13 = vector.load %arg0[%get3A_11, %get3A_12] : memref<60x10000xf32, #tpu.memory_space<vmem>>, vector<20x10000xf32>
    %add3A = arith.addf %get3A_10, %get3A_13 : vector<20x10000xf32>
    %get3A_14 = arith.constant 40 : index
    %get3A_15 = arith.constant 0 : index
    %get3A_16 = vector.load %arg0[%get3A_14, %get3A_15] : memref<60x10000xf32, #tpu.memory_space<vmem>>, vector<20x10000xf32>
    %add3A_17 = arith.addf %add3A, %get3A_16 : vector<20x10000xf32>
    %mul3A = arith.mulf %get3A_4, %get3A_4 : vector<1x10000xf32>
    %mul3A_18 = vector.broadcast %mul3A : vector<1x10000xf32> to vector<20x10000xf32>
    %mul3A_19 = arith.mulf %mul3A_18, %get3A_1 : vector<20x10000xf32>
    %add3A_20 = arith.addf %add3A_17, %mul3A_19 : vector<20x10000xf32>
    %add3A_21 = vector.broadcast %get3A_7 : vector<20x1xf32> to vector<20x10000xf32>
    %add3A_22 = arith.addf %add3A_20, %add3A_21 : vector<20x10000xf32>
    %mul3A_23 = arith.mulf %add3A_22, %add3A_22 : vector<20x10000xf32>
    %reduce_sum3A = arith.constant dense<0.000000e+00> : vector<10000xf32>
    %reduce_sum3A_24 = vector.multi_reduction <add>, %mul3A_23, %reduce_sum3A [0] : vector<20x10000xf32> to vector<10000xf32>
    %broadcast_in_dim3A = vector.shape_cast %reduce_sum3A_24 : vector<10000xf32> to vector<1x10000xf32>
    %sqrt3A = math.sqrt %broadcast_in_dim3A : vector<1x10000xf32>
    %max3A = arith.constant 9.99999996E-13 : f32
    %max3A_25 = vector.broadcast %max3A : f32 to vector<1x10000xf32>
    %max3A_26 = arith.maximumf %sqrt3A, %max3A_25 : vector<1x10000xf32>
    %div3A = vector.broadcast %max3A_26 : vector<1x10000xf32> to vector<20x10000xf32>
    %div3A_27 = arith.divf %add3A_22, %div3A : vector<20x10000xf32>
    %max3A_28 = arith.constant 0.000000e+00 : f32
    %max3A_29 = vector.broadcast %max3A_28 : f32 to vector<20x10000xf32>
    %max3A_30 = arith.maximumf %div3A_27, %max3A_29 : vector<20x10000xf32>
    %get3A_31 = arith.constant 0 : index
    %get3A_32 = arith.constant 0 : index
    %get3A_33 = vector.load %arg4[%get3A_31, %get3A_32] : memref<20x20xf32, #tpu.memory_space<vmem>>, vector<20x20xf32>
    %dot_general3A = arith.constant dense<0.000000e+00> : vector<20x10000xf32>
    %dot_general3A_34 = tpu.matmul %get3A_33, %max3A_30, %dot_general3A {dimension_numbers = #tpu.dot_dimension_numbers<[0], [0], [1], [1], [0, 1, 1, 1], [], []>, transpose_lhs_hint = false} : vector<20x20xf32>, vector<20x10000xf32>, vector<20x10000xf32> -> vector<20x10000xf32>
    %swap3A = arith.constant 0 : index
    %swap3A_35 = arith.constant 0 : index
    %swap3A_36 = vector.load %arg5[%swap3A, %swap3A_35] : memref<20x10000xf32, #tpu.memory_space<vmem>>, vector<20x10000xf32>
    tpu.vector_store %arg5[%swap3A, %swap3A_35], %dot_general3A_34 {strides = array<i32>} : memref<20x10000xf32, #tpu.memory_space<vmem>>, vector<20x10000xf32>,
    return
  }
}

module attributes {stable_mosaic.version = 14 : i64} {
  func.func @body(%arg0: memref<32x10000xf32, #tpu.memory_space<vmem>>, %arg1: memref<10000x128xf32, #tpu.memory_space<vmem>>, %arg2: memref<128x20xf32, #tpu.memory_space<vmem>>, %arg3: memref<1x10000xf32, #tpu.memory_space<vmem>>, %arg4: memref<20x10000xf32, #tpu.memory_space<vmem>>) attributes {dimension_semantics = [], scalar_prefetch = 0 : i64, scratch_operands = 0 : i64, tpu.core_type = #tpu.core_type<tc>} {
    %get3A = arith.constant 0 : index
    %get3A_0 = arith.constant 0 : index
    %get3A_1 = vector.load %arg0[%get3A, %get3A_0] : memref<32x10000xf32, #tpu.memory_space<vmem>>, vector<32x10000xf32>
    %reduce_sum3A = arith.constant dense<0.000000e+00> : vector<10000xf32>
    %reduce_sum3A_2 = vector.multi_reduction <add>, %get3A_1, %reduce_sum3A [0] : vector<32x10000xf32> to vector<10000xf32>
    %broadcast_in_dim3A = vector.shape_cast %reduce_sum3A_2 : vector<10000xf32> to vector<1x10000xf32>
    %add3A = arith.constant 1.000000e+00 : f32
    %add3A_3 = vector.broadcast %add3A : f32 to vector<1x10000xf32>
    %add3A_4 = arith.addf %broadcast_in_dim3A, %add3A_3 : vector<1x10000xf32>
    %gt3A = arith.constant 0.000000e+00 : f32
    %gt3A_5 = vector.broadcast %gt3A : f32 to vector<1x10000xf32>
    %gt3A_6 = arith.cmpf ogt, %add3A_4, %gt3A_5 : vector<1x10000xf32>
    %sqrt3A = math.sqrt %add3A_4 : vector<1x10000xf32>
    %div3A = arith.constant 1.000000e+00 : f32
    %div3A_7 = vector.broadcast %div3A : f32 to vector<1x10000xf32>
    %div3A_8 = arith.divf %div3A_7, %sqrt3A : vector<1x10000xf32>
    %jit3A = arith.constant 0.000000e+00 : f32
    %broadcast_in_dim3A_9 = vector.broadcast %jit3A : f32 to vector<1x10000xf32>
    %select_n3A = arith.select %gt3A_6, %div3A_8, %broadcast_in_dim3A_9 : vector<1x10000xi1>, vector<1x10000xf32>
    %swap3A = arith.constant 0 : index
    %swap3A_10 = arith.constant 0 : index
    %swap3A_11 = vector.load %arg3[%swap3A, %swap3A_10] : memref<1x10000xf32, #tpu.memory_space<vmem>>, vector<1x10000xf32>
    tpu.vector_store %arg3[%swap3A, %swap3A_10], %select_n3A {strides = array<i32>} : memref<1x10000xf32, #tpu.memory_space<vmem>>, vector<1x10000xf32>,
    %get3A_12 = arith.constant 0 : index
    %get3A_13 = arith.constant 0 : index
    %get3A_14 = vector.load %arg2[%get3A_12, %get3A_13] : memref<128x20xf32, #tpu.memory_space<vmem>>, vector<128x20xf32>
    %get3A_15 = arith.constant 0 : index
    %get3A_16 = arith.constant 0 : index
    %get3A_17 = vector.load %arg1[%get3A_15, %get3A_16] : memref<10000x128xf32, #tpu.memory_space<vmem>>, vector<10000x128xf32>
    %dot_general3A = arith.constant dense<0.000000e+00> : vector<20x10000xf32>
    %dot_general3A_18 = tpu.matmul %get3A_14, %get3A_17, %dot_general3A {dimension_numbers = #tpu.dot_dimension_numbers<[0], [1], [1], [0], [0, 1, 1, 0], [], []>, transpose_lhs_hint = false} : vector<128x20xf32>, vector<10000x128xf32>, vector<20x10000xf32> -> vector<20x10000xf32>
    %swap3A_19 = arith.constant 0 : index
    %swap3A_20 = arith.constant 0 : index
    %swap3A_21 = vector.load %arg4[%swap3A_19, %swap3A_20] : memref<20x10000xf32, #tpu.memory_space<vmem>>, vector<20x10000xf32>
    tpu.vector_store %arg4[%swap3A_19, %swap3A_20], %dot_general3A_18 {strides = array<i32>} : memref<20x10000xf32, #tpu.memory_space<vmem>>, vector<20x10000xf32>,
    return
  }
}

module attributes {stable_mosaic.version = 14 : i64} {
  func.func @body(%arg0: memref<60x10000xf32, #tpu.memory_space<vmem>>, %arg1: memref<20x10000xf32, #tpu.memory_space<vmem>>, %arg2: memref<1x10000xf32, #tpu.memory_space<vmem>>, %arg3: memref<20x1xf32, #tpu.memory_space<vmem>>, %arg4: memref<1x10000xi32, #tpu.memory_space<vmem>>, %arg5: memref<40x10xf32, #tpu.memory_space<vmem>>, %arg6: memref<10xf32, #tpu.memory_space<vmem>>, %arg7: memref<64x10xf32, #tpu.memory_space<vmem>>, %arg8: memref<64x40xf32, #tpu.memory_space<vmem>>) attributes {dimension_semantics = [], scalar_prefetch = 0 : i64, scratch_operands = 1 : i64, tpu.core_type = #tpu.core_type<tc>} {
    %get3A = arith.constant 0 : index
    %get3A_0 = arith.constant 0 : index
    %get3A_1 = vector.load %arg1[%get3A, %get3A_0] : memref<20x10000xf32, #tpu.memory_space<vmem>>, vector<20x10000xf32>
    %get3A_2 = arith.constant 0 : index
    %get3A_3 = arith.constant 0 : index
    %get3A_4 = vector.load %arg2[%get3A_2, %get3A_3] : memref<1x10000xf32, #tpu.memory_space<vmem>>, vector<1x10000xf32>
    %get3A_5 = arith.constant 0 : index
    %get3A_6 = arith.constant 0 : index
    %get3A_7 = vector.load %arg3[%get3A_5, %get3A_6] : memref<20x1xf32, #tpu.memory_space<vmem>>, vector<20x1xf32>
    %get3A_8 = arith.constant 0 : index
    %get3A_9 = arith.constant 0 : index
    %get3A_10 = vector.load %arg0[%get3A_8, %get3A_9] : memref<60x10000xf32, #tpu.memory_space<vmem>>, vector<20x10000xf32>
    %get3A_11 = arith.constant 20 : index
    %get3A_12 = arith.constant 0 : index
    %get3A_13 = vector.load %arg0[%get3A_11, %get3A_12] : memref<60x10000xf32, #tpu.memory_space<vmem>>, vector<20x10000xf32>
    %add3A = arith.addf %get3A_10, %get3A_13 : vector<20x10000xf32>
    %get3A_14 = arith.constant 40 : index
    %get3A_15 = arith.constant 0 : index
    %get3A_16 = vector.load %arg0[%get3A_14, %get3A_15] : memref<60x10000xf32, #tpu.memory_space<vmem>>, vector<20x10000xf32>
    %add3A_17 = arith.addf %add3A, %get3A_16 : vector<20x10000xf32>
    %mul3A = arith.mulf %get3A_4, %get3A_4 : vector<1x10000xf32>
    %mul3A_18 = vector.broadcast %mul3A : vector<1x10000xf32> to vector<20x10000xf32>
    %mul3A_19 = arith.mulf %mul3A_18, %get3A_1 : vector<20x10000xf32>
    %add3A_20 = arith.addf %add3A_17, %mul3A_19 : vector<20x10000xf32>
    %add3A_21 = vector.broadcast %get3A_7 : vector<20x1xf32> to vector<20x10000xf32>
    %add3A_22 = arith.addf %add3A_20, %add3A_21 : vector<20x10000xf32>
    %mul3A_23 = arith.mulf %add3A_22, %add3A_22 : vector<20x10000xf32>
    %reduce_sum3A = arith.constant dense<0.000000e+00> : vector<10000xf32>
    %reduce_sum3A_24 = vector.multi_reduction <add>, %mul3A_23, %reduce_sum3A [0] : vector<20x10000xf32> to vector<10000xf32>
    %broadcast_in_dim3A = vector.shape_cast %reduce_sum3A_24 : vector<10000xf32> to vector<1x10000xf32>
    %sqrt3A = math.sqrt %broadcast_in_dim3A : vector<1x10000xf32>
    %max3A = arith.constant 9.99999996E-13 : f32
    %max3A_25 = vector.broadcast %max3A : f32 to vector<1x10000xf32>
    %max3A_26 = arith.maximumf %sqrt3A, %max3A_25 : vector<1x10000xf32>
    %div3A = vector.broadcast %max3A_26 : vector<1x10000xf32> to vector<20x10000xf32>
    %div3A_27 = arith.divf %add3A_22, %div3A : vector<20x10000xf32>
    %max3A_28 = arith.constant 0.000000e+00 : f32
    %max3A_29 = vector.broadcast %max3A_28 : f32 to vector<20x10000xf32>
    %max3A_30 = arith.maximumf %div3A_27, %max3A_29 : vector<20x10000xf32>
    %get3A_31 = arith.constant 0 : index
    %get3A_32 = arith.constant 0 : index
    %get3A_33 = vector.load %arg4[%get3A_31, %get3A_32] : memref<1x10000xi32, #tpu.memory_space<vmem>>, vector<1x10000xi32>
    %iota3A = tpu.iota {dimensions = array<i32: 0>} : vector<64x1xi32>
    %eq3A = vector.broadcast %get3A_33 : vector<1x10000xi32> to vector<64x10000xi32>
    %eq3A_34 = vector.broadcast %iota3A : vector<64x1xi32> to vector<64x10000xi32>
    %eq3A_35 = arith.cmpi eq, %eq3A, %eq3A_34 : vector<64x10000xi32>
    %convert_element_type3A = arith.extui %eq3A_35 : vector<64x10000xi1> to vector<64x10000xi32>
    %convert_element_type3A_36 = arith.sitofp %convert_element_type3A : vector<64x10000xi32> to vector<64x10000xf32>
    %reduce_sum3A_37 = arith.constant dense<0.000000e+00> : vector<64xf32>
    %reduce_sum3A_38 = vector.multi_reduction <add>, %convert_element_type3A_36, %reduce_sum3A_37 [1] : vector<64x10000xf32> to vector<64xf32>
    %dot_general3A = arith.constant dense<0.000000e+00> : vector<20x64xf32>
    %dot_general3A_39 = tpu.matmul %max3A_30, %convert_element_type3A_36, %dot_general3A {dimension_numbers = #tpu.dot_dimension_numbers<[1], [1], [0], [0], [0, 0, 1, 0], [], []>, transpose_lhs_hint = false} : vector<20x10000xf32>, vector<64x10000xf32>, vector<20x64xf32> -> vector<20x64xf32>
    %max3A_40 = arith.constant 1.000000e+00 : f32
    %max3A_41 = vector.broadcast %max3A_40 : f32 to vector<64xf32>
    %max3A_42 = arith.maximumf %reduce_sum3A_38, %max3A_41 : vector<64xf32>
    %broadcast_in_dim3A_43 = vector.shape_cast %max3A_42 : vector<64xf32> to vector<1x64xf32>
    %div3A_44 = vector.broadcast %broadcast_in_dim3A_43 : vector<1x64xf32> to vector<20x64xf32>
    %div3A_45 = arith.divf %dot_general3A_39, %div3A_44 : vector<20x64xf32>
    %eq3A_46 = arith.constant 0 : i32
    %eq3A_47 = vector.broadcast %eq3A_46 : i32 to vector<1x10000xi32>
    %eq3A_48 = arith.cmpi eq, %get3A_33, %eq3A_47 : vector<1x10000xi32>
    %jit3A = arith.constant 0.000000e+00 : f32
    %broadcast_in_dim3A_49 = vector.shape_cast %eq3A_48 : vector<1x10000xi1> to vector<1x10000xi1>
    %broadcast_in_dim3A_50 = vector.broadcast %broadcast_in_dim3A_49 : vector<1x10000xi1> to vector<20x10000xi1>
    %broadcast_in_dim3A_51 = vector.broadcast %jit3A : f32 to vector<20x10000xf32>
    %select_n3A = arith.select %broadcast_in_dim3A_50, %max3A_30, %broadcast_in_dim3A_51 : vector<20x10000xi1>, vector<20x10000xf32>
    %reduce_max3A = arith.constant dense<0xFF800000> : vector<20xf32>
    %reduce_max3A_52 = vector.multi_reduction <maximumf>, %select_n3A, %reduce_max3A [1] : vector<20x10000xf32> to vector<20xf32>
    %swap3A = arith.constant 0 : index
    %swap3A_53 = arith.constant 0 : index
    %swap3A_54 = vector.load %arg8[%swap3A, %swap3A_53] : memref<64x40xf32, #tpu.memory_space<vmem>>, vector<1x20xf32>
    %swap3A_55 = vector.shape_cast %swap3A_54 : vector<1x20xf32> to vector<20xf32>
    %swap3A_56 = vector.shape_cast %reduce_max3A_52 : vector<20xf32> to vector<1x20xf32>
    tpu.vector_store %arg8[%swap3A, %swap3A_53], %swap3A_56 {strides = array<i32>} : memref<64x40xf32, #tpu.memory_space<vmem>>, vector<1x20xf32>,
    %slice3A = vector.extract_strided_slice %div3A_45 {offsets = [0, 0], sizes = [20, 1], strides = [1, 1]} : vector<20x64xf32> to vector<20x1xf32>
    %squeeze3A = vector.shape_cast %slice3A : vector<20x1xf32> to vector<20xf32>
    %swap3A_57 = arith.constant 0 : index
    %swap3A_58 = arith.constant 20 : index
    %swap3A_59 = vector.load %arg8[%swap3A_57, %swap3A_58] : memref<64x40xf32, #tpu.memory_space<vmem>>, vector<1x20xf32>
    %swap3A_60 = vector.shape_cast %swap3A_59 : vector<1x20xf32> to vector<20xf32>
    %swap3A_61 = vector.shape_cast %squeeze3A : vector<20xf32> to vector<1x20xf32>
    tpu.vector_store %arg8[%swap3A_57, %swap3A_58], %swap3A_61 {strides = array<i32>} : memref<64x40xf32, #tpu.memory_space<vmem>>, vector<1x20xf32>,
    %eq3A_62 = arith.constant 1 : i32
    %eq3A_63 = vector.broadcast %eq3A_62 : i32 to vector<1x10000xi32>
    %eq3A_64 = arith.cmpi eq, %get3A_33, %eq3A_63 : vector<1x10000xi32>
    %jit3A_65 = arith.constant 0.000000e+00 : f32
    %broadcast_in_dim3A_66 = vector.shape_cast %eq3A_64 : vector<1x10000xi1> to vector<1x10000xi1>
    %broadcast_in_dim3A_67 = vector.broadcast %broadcast_in_dim3A_66 : vector<1x10000xi1> to vector<20x10000xi1>
    %broadcast_in_dim3A_68 = vector.broadcast %jit3A_65 : f32 to vector<20x10000xf32>
    %select_n3A_69 = arith.select %broadcast_in_dim3A_67, %max3A_30, %broadcast_in_dim3A_68 : vector<20x10000xi1>, vector<20x10000xf32>
    %reduce_max3A_70 = arith.constant dense<0xFF800000> : vector<20xf32>
    %reduce_max3A_71 = vector.multi_reduction <maximumf>, %select_n3A_69, %reduce_max3A_70 [1] : vector<20x10000xf32> to vector<20xf32>
    %swap3A_72 = arith.constant 1 : index
    %swap3A_73 = arith.constant 0 : index
    %swap3A_74 = vector.load %arg8[%swap3A_72, %swap3A_73] : memref<64x40xf32, #tpu.memory_space<vmem>>, vector<1x20xf32>
    %swap3A_75 = vector.shape_cast %swap3A_74 : vector<1x20xf32> to vector<20xf32>
    %swap3A_76 = vector.shape_cast %reduce_max3A_71 : vector<20xf32> to vector<1x20xf32>
    tpu.vector_store %arg8[%swap3A_72, %swap3A_73], %swap3A_76 {strides = array<i32>} : memref<64x40xf32, #tpu.memory_space<vmem>>, vector<1x20xf32>,
    %slice3A_77 = vector.extract_strided_slice %div3A_45 {offsets = [0, 1], sizes = [20, 1], strides = [1, 1]} : vector<20x64xf32> to vector<20x1xf32>
    %squeeze3A_78 = vector.shape_cast %slice3A_77 : vector<20x1xf32> to vector<20xf32>
    %swap3A_79 = arith.constant 1 : index
    %swap3A_80 = arith.constant 20 : index
    %swap3A_81 = vector.load %arg8[%swap3A_79, %swap3A_80] : memref<64x40xf32, #tpu.memory_space<vmem>>, vector<1x20xf32>
    %swap3A_82 = vector.shape_cast %swap3A_81 : vector<1x20xf32> to vector<20xf32>
    %swap3A_83 = vector.shape_cast %squeeze3A_78 : vector<20xf32> to vector<1x20xf32>
    tpu.vector_store %arg8[%swap3A_79, %swap3A_80], %swap3A_83 {strides = array<i32>} : memref<64x40xf32, #tpu.memory_space<vmem>>, vector<1x20xf32>,
    %eq3A_84 = arith.constant 2 : i32
    %eq3A_85 = vector.broadcast %eq3A_84 : i32 to vector<1x10000xi32>
    %eq3A_86 = arith.cmpi eq, %get3A_33, %eq3A_85 : vector<1x10000xi32>
    %jit3A_87 = arith.constant 0.000000e+00 : f32
    %broadcast_in_dim3A_88 = vector.shape_cast %eq3A_86 : vector<1x10000xi1> to vector<1x10000xi1>
    %broadcast_in_dim3A_89 = vector.broadcast %broadcast_in_dim3A_88 : vector<1x10000xi1> to vector<20x10000xi1>
    %broadcast_in_dim3A_90 = vector.broadcast %jit3A_87 : f32 to vector<20x10000xf32>
    %select_n3A_91 = arith.select %broadcast_in_dim3A_89, %max3A_30, %broadcast_in_dim3A_90 : vector<20x10000xi1>, vector<20x10000xf32>
    %reduce_max3A_92 = arith.constant dense<0xFF800000> : vector<20xf32>
    %reduce_max3A_93 = vector.multi_reduction <maximumf>, %select_n3A_91, %reduce_max3A_92 [1] : vector<20x10000xf32> to vector<20xf32>
    %swap3A_94 = arith.constant 2 : index
    %swap3A_95 = arith.constant 0 : index
    %swap3A_96 = vector.load %arg8[%swap3A_94, %swap3A_95] : memref<64x40xf32, #tpu.memory_space<vmem>>, vector<1x20xf32>
    %swap3A_97 = vector.shape_cast %swap3A_96 : vector<1x20xf32> to vector<20xf32>
    %swap3A_98 = vector.shape_cast %reduce_max3A_93 : vector<20xf32> to vector<1x20xf32>
    tpu.vector_store %arg8[%swap3A_94, %swap3A_95], %swap3A_98 {strides = array<i32>} : memref<64x40xf32, #tpu.memory_space<vmem>>, vector<1x20xf32>,
    %slice3A_99 = vector.extract_strided_slice %div3A_45 {offsets = [0, 2], sizes = [20, 1], strides = [1, 1]} : vector<20x64xf32> to vector<20x1xf32>
    %squeeze3A_100 = vector.shape_cast %slice3A_99 : vector<20x1xf32> to vector<20xf32>
    %swap3A_101 = arith.constant 2 : index
    %swap3A_102 = arith.constant 20 : index
    %swap3A_103 = vector.load %arg8[%swap3A_101, %swap3A_102] : memref<64x40xf32, #tpu.memory_space<vmem>>, vector<1x20xf32>
    %swap3A_104 = vector.shape_cast %swap3A_103 : vector<1x20xf32> to vector<20xf32>
    %swap3A_105 = vector.shape_cast %squeeze3A_100 : vector<20xf32> to vector<1x20xf32>
    tpu.vector_store %arg8[%swap3A_101, %swap3A_102], %swap3A_105 {strides = array<i32>} : memref<64x40xf32, #tpu.memory_space<vmem>>, vector<1x20xf32>,
    %eq3A_106 = arith.constant 3 : i32
    %eq3A_107 = vector.broadcast %eq3A_106 : i32 to vector<1x10000xi32>
    %eq3A_108 = arith.cmpi eq, %get3A_33, %eq3A_107 : vector<1x10000xi32>
    %jit3A_109 = arith.constant 0.000000e+00 : f32
    %broadcast_in_dim3A_110 = vector.shape_cast %eq3A_108 : vector<1x10000xi1> to vector<1x10000xi1>
    %broadcast_in_dim3A_111 = vector.broadcast %broadcast_in_dim3A_110 : vector<1x10000xi1> to vector<20x10000xi1>
    %broadcast_in_dim3A_112 = vector.broadcast %jit3A_109 : f32 to vector<20x10000xf32>
    %select_n3A_113 = arith.select %broadcast_in_dim3A_111, %max3A_30, %broadcast_in_dim3A_112 : vector<20x10000xi1>, vector<20x10000xf32>
    %reduce_max3A_114 = arith.constant dense<0xFF800000> : vector<20xf32>
    %reduce_max3A_115 = vector.multi_reduction <maximumf>, %select_n3A_113, %reduce_max3A_114 [1] : vector<20x10000xf32> to vector<20xf32>
    %swap3A_116 = arith.constant 3 : index
    %swap3A_117 = arith.constant 0 : index
    %swap3A_118 = vector.load %arg8[%swap3A_116, %swap3A_117] : memref<64x40xf32, #tpu.memory_space<vmem>>, vector<1x20xf32>
    %swap3A_119 = vector.shape_cast %swap3A_118 : vector<1x20xf32> to vector<20xf32>
    %swap3A_120 = vector.shape_cast %reduce_max3A_115 : vector<20xf32> to vector<1x20xf32>
    tpu.vector_store %arg8[%swap3A_116, %swap3A_117], %swap3A_120 {strides = array<i32>} : memref<64x40xf32, #tpu.memory_space<vmem>>, vector<1x20xf32>,
    %slice3A_121 = vector.extract_strided_slice %div3A_45 {offsets = [0, 3], sizes = [20, 1], strides = [1, 1]} : vector<20x64xf32> to vector<20x1xf32>
    %squeeze3A_122 = vector.shape_cast %slice3A_121 : vector<20x1xf32> to vector<20xf32>
    %swap3A_123 = arith.constant 3 : index
    %swap3A_124 = arith.constant 20 : index
    %swap3A_125 = vector.load %arg8[%swap3A_123, %swap3A_124] : memref<64x40xf32, #tpu.memory_space<vmem>>, vector<1x20xf32>
    %swap3A_126 = vector.shape_cast %swap3A_125 : vector<1x20xf32> to vector<20xf32>
    %swap3A_127 = vector.shape_cast %squeeze3A_122 : vector<20xf32> to vector<1x20xf32>
    tpu.vector_store %arg8[%swap3A_123, %swap3A_124], %swap3A_127 {strides = array<i32>} : memref<64x40xf32, #tpu.memory_space<vmem>>, vector<1x20xf32>,
    %eq3A_128 = arith.constant 4 : i32
    %eq3A_129 = vector.broadcast %eq3A_128 : i32 to vector<1x10000xi32>
    %eq3A_130 = arith.cmpi eq, %get3A_33, %eq3A_129 : vector<1x10000xi32>
    %jit3A_131 = arith.constant 0.000000e+00 : f32
    %broadcast_in_dim3A_132 = vector.shape_cast %eq3A_130 : vector<1x10000xi1> to vector<1x10000xi1>
    %broadcast_in_dim3A_133 = vector.broadcast %broadcast_in_dim3A_132 : vector<1x10000xi1> to vector<20x10000xi1>
    %broadcast_in_dim3A_134 = vector.broadcast %jit3A_131 : f32 to vector<20x10000xf32>
    %select_n3A_135 = arith.select %broadcast_in_dim3A_133, %max3A_30, %broadcast_in_dim3A_134 : vector<20x10000xi1>, vector<20x10000xf32>
    %reduce_max3A_136 = arith.constant dense<0xFF800000> : vector<20xf32>
    %reduce_max3A_137 = vector.multi_reduction <maximumf>, %select_n3A_135, %reduce_max3A_136 [1] : vector<20x10000xf32> to vector<20xf32>
    %swap3A_138 = arith.constant 4 : index
    %swap3A_139 = arith.constant 0 : index
    %swap3A_140 = vector.load %arg8[%swap3A_138, %swap3A_139] : memref<64x40xf32, #tpu.memory_space<vmem>>, vector<1x20xf32>
    %swap3A_141 = vector.shape_cast %swap3A_140 : vector<1x20xf32> to vector<20xf32>
    %swap3A_142 = vector.shape_cast %reduce_max3A_137 : vector<20xf32> to vector<1x20xf32>
    tpu.vector_store %arg8[%swap3A_138, %swap3A_139], %swap3A_142 {strides = array<i32>} : memref<64x40xf32, #tpu.memory_space<vmem>>, vector<1x20xf32>,
    %slice3A_143 = vector.extract_strided_slice %div3A_45 {offsets = [0, 4], sizes = [20, 1], strides = [1, 1]} : vector<20x64xf32> to vector<20x1xf32>
    %squeeze3A_144 = vector.shape_cast %slice3A_143 : vector<20x1xf32> to vector<20xf32>
    %swap3A_145 = arith.constant 4 : index
    %swap3A_146 = arith.constant 20 : index
    %swap3A_147 = vector.load %arg8[%swap3A_145, %swap3A_146] : memref<64x40xf32, #tpu.memory_space<vmem>>, vector<1x20xf32>
    %swap3A_148 = vector.shape_cast %swap3A_147 : vector<1x20xf32> to vector<20xf32>
    %swap3A_149 = vector.shape_cast %squeeze3A_144 : vector<20xf32> to vector<1x20xf32>
    tpu.vector_store %arg8[%swap3A_145, %swap3A_146], %swap3A_149 {strides = array<i32>} : memref<64x40xf32, #tpu.memory_space<vmem>>, vector<1x20xf32>,
    %eq3A_150 = arith.constant 5 : i32
    %eq3A_151 = vector.broadcast %eq3A_150 : i32 to vector<1x10000xi32>
    %eq3A_152 = arith.cmpi eq, %get3A_33, %eq3A_151 : vector<1x10000xi32>
    %jit3A_153 = arith.constant 0.000000e+00 : f32
    %broadcast_in_dim3A_154 = vector.shape_cast %eq3A_152 : vector<1x10000xi1> to vector<1x10000xi1>
    %broadcast_in_dim3A_155 = vector.broadcast %broadcast_in_dim3A_154 : vector<1x10000xi1> to vector<20x10000xi1>
    %broadcast_in_dim3A_156 = vector.broadcast %jit3A_153 : f32 to vector<20x10000xf32>
    %select_n3A_157 = arith.select %broadcast_in_dim3A_155, %max3A_30, %broadcast_in_dim3A_156 : vector<20x10000xi1>, vector<20x10000xf32>
    %reduce_max3A_158 = arith.constant dense<0xFF800000> : vector<20xf32>
    %reduce_max3A_159 = vector.multi_reduction <maximumf>, %select_n3A_157, %reduce_max3A_158 [1] : vector<20x10000xf32> to vector<20xf32>
    %swap3A_160 = arith.constant 5 : index
    %swap3A_161 = arith.constant 0 : index
    %swap3A_162 = vector.load %arg8[%swap3A_160, %swap3A_161] : memref<64x40xf32, #tpu.memory_space<vmem>>, vector<1x20xf32>
    %swap3A_163 = vector.shape_cast %swap3A_162 : vector<1x20xf32> to vector<20xf32>
    %swap3A_164 = vector.shape_cast %reduce_max3A_159 : vector<20xf32> to vector<1x20xf32>
    tpu.vector_store %arg8[%swap3A_160, %swap3A_161], %swap3A_164 {strides = array<i32>} : memref<64x40xf32, #tpu.memory_space<vmem>>, vector<1x20xf32>,
    %slice3A_165 = vector.extract_strided_slice %div3A_45 {offsets = [0, 5], sizes = [20, 1], strides = [1, 1]} : vector<20x64xf32> to vector<20x1xf32>
    %squeeze3A_166 = vector.shape_cast %slice3A_165 : vector<20x1xf32> to vector<20xf32>
    %swap3A_167 = arith.constant 5 : index
    %swap3A_168 = arith.constant 20 : index
    %swap3A_169 = vector.load %arg8[%swap3A_167, %swap3A_168] : memref<64x40xf32, #tpu.memory_space<vmem>>, vector<1x20xf32>
    %swap3A_170 = vector.shape_cast %swap3A_169 : vector<1x20xf32> to vector<20xf32>
    %swap3A_171 = vector.shape_cast %squeeze3A_166 : vector<20xf32> to vector<1x20xf32>
    tpu.vector_store %arg8[%swap3A_167, %swap3A_168], %swap3A_171 {strides = array<i32>} : memref<64x40xf32, #tpu.memory_space<vmem>>, vector<1x20xf32>,
    %eq3A_172 = arith.constant 6 : i32
    %eq3A_173 = vector.broadcast %eq3A_172 : i32 to vector<1x10000xi32>
    %eq3A_174 = arith.cmpi eq, %get3A_33, %eq3A_173 : vector<1x10000xi32>
    %jit3A_175 = arith.constant 0.000000e+00 : f32
    %broadcast_in_dim3A_176 = vector.shape_cast %eq3A_174 : vector<1x10000xi1> to vector<1x10000xi1>
    %broadcast_in_dim3A_177 = vector.broadcast %broadcast_in_dim3A_176 : vector<1x10000xi1> to vector<20x10000xi1>
    %broadcast_in_dim3A_178 = vector.broadcast %jit3A_175 : f32 to vector<20x10000xf32>
    %select_n3A_179 = arith.select %broadcast_in_dim3A_177, %max3A_30, %broadcast_in_dim3A_178 : vector<20x10000xi1>, vector<20x10000xf32>
    %reduce_max3A_180 = arith.constant dense<0xFF800000> : vector<20xf32>
    %reduce_max3A_181 = vector.multi_reduction <maximumf>, %select_n3A_179, %reduce_max3A_180 [1] : vector<20x10000xf32> to vector<20xf32>
    %swap3A_182 = arith.constant 6 : index
    %swap3A_183 = arith.constant 0 : index
    %swap3A_184 = vector.load %arg8[%swap3A_182, %swap3A_183] : memref<64x40xf32, #tpu.memory_space<vmem>>, vector<1x20xf32>
    %swap3A_185 = vector.shape_cast %swap3A_184 : vector<1x20xf32> to vector<20xf32>
    %swap3A_186 = vector.shape_cast %reduce_max3A_181 : vector<20xf32> to vector<1x20xf32>
    tpu.vector_store %arg8[%swap3A_182, %swap3A_183], %swap3A_186 {strides = array<i32>} : memref<64x40xf32, #tpu.memory_space<vmem>>, vector<1x20xf32>,
    %slice3A_187 = vector.extract_strided_slice %div3A_45 {offsets = [0, 6], sizes = [20, 1], strides = [1, 1]} : vector<20x64xf32> to vector<20x1xf32>
    %squeeze3A_188 = vector.shape_cast %slice3A_187 : vector<20x1xf32> to vector<20xf32>
    %swap3A_189 = arith.constant 6 : index
    %swap3A_190 = arith.constant 20 : index
    %swap3A_191 = vector.load %arg8[%swap3A_189, %swap3A_190] : memref<64x40xf32, #tpu.memory_space<vmem>>, vector<1x20xf32>
    %swap3A_192 = vector.shape_cast %swap3A_191 : vector<1x20xf32> to vector<20xf32>
    %swap3A_193 = vector.shape_cast %squeeze3A_188 : vector<20xf32> to vector<1x20xf32>
    tpu.vector_store %arg8[%swap3A_189, %swap3A_190], %swap3A_193 {strides = array<i32>} : memref<64x40xf32, #tpu.memory_space<vmem>>, vector<1x20xf32>,
    %eq3A_194 = arith.constant 7 : i32
    %eq3A_195 = vector.broadcast %eq3A_194 : i32 to vector<1x10000xi32>
    %eq3A_196 = arith.cmpi eq, %get3A_33, %eq3A_195 : vector<1x10000xi32>
    %jit3A_197 = arith.constant 0.000000e+00 : f32
    %broadcast_in_dim3A_198 = vector.shape_cast %eq3A_196 : vector<1x10000xi1> to vector<1x10000xi1>
    %broadcast_in_dim3A_199 = vector.broadcast %broadcast_in_dim3A_198 : vector<1x10000xi1> to vector<20x10000xi1>
    %broadcast_in_dim3A_200 = vector.broadcast %jit3A_197 : f32 to vector<20x10000xf32>
    %select_n3A_201 = arith.select %broadcast_in_dim3A_199, %max3A_30, %broadcast_in_dim3A_200 : vector<20x10000xi1>, vector<20x10000xf32>
    %reduce_max3A_202 = arith.constant dense<0xFF800000> : vector<20xf32>
    %reduce_max3A_203 = vector.multi_reduction <maximumf>, %select_n3A_201, %reduce_max3A_202 [1] : vector<20x10000xf32> to vector<20xf32>
    %swap3A_204 = arith.constant 7 : index
    %swap3A_205 = arith.constant 0 : index
    %swap3A_206 = vector.load %arg8[%swap3A_204, %swap3A_205] : memref<64x40xf32, #tpu.memory_space<vmem>>, vector<1x20xf32>
    %swap3A_207 = vector.shape_cast %swap3A_206 : vector<1x20xf32> to vector<20xf32>
    %swap3A_208 = vector.shape_cast %reduce_max3A_203 : vector<20xf32> to vector<1x20xf32>
    tpu.vector_store %arg8[%swap3A_204, %swap3A_205], %swap3A_208 {strides = array<i32>} : memref<64x40xf32, #tpu.memory_space<vmem>>, vector<1x20xf32>,
    %slice3A_209 = vector.extract_strided_slice %div3A_45 {offsets = [0, 7], sizes = [20, 1], strides = [1, 1]} : vector<20x64xf32> to vector<20x1xf32>
    %squeeze3A_210 = vector.shape_cast %slice3A_209 : vector<20x1xf32> to vector<20xf32>
    %swap3A_211 = arith.constant 7 : index
    %swap3A_212 = arith.constant 20 : index
    %swap3A_213 = vector.load %arg8[%swap3A_211, %swap3A_212] : memref<64x40xf32, #tpu.memory_space<vmem>>, vector<1x20xf32>
    %swap3A_214 = vector.shape_cast %swap3A_213 : vector<1x20xf32> to vector<20xf32>
    %swap3A_215 = vector.shape_cast %squeeze3A_210 : vector<20xf32> to vector<1x20xf32>
    tpu.vector_store %arg8[%swap3A_211, %swap3A_212], %swap3A_215 {strides = array<i32>} : memref<64x40xf32, #tpu.memory_space<vmem>>, vector<1x20xf32>,
    %eq3A_216 = arith.constant 8 : i32
    %eq3A_217 = vector.broadcast %eq3A_216 : i32 to vector<1x10000xi32>
    %eq3A_218 = arith.cmpi eq, %get3A_33, %eq3A_217 : vector<1x10000xi32>
    %jit3A_219 = arith.constant 0.000000e+00 : f32
    %broadcast_in_dim3A_220 = vector.shape_cast %eq3A_218 : vector<1x10000xi1> to vector<1x10000xi1>
    %broadcast_in_dim3A_221 = vector.broadcast %broadcast_in_dim3A_220 : vector<1x10000xi1> to vector<20x10000xi1>
    %broadcast_in_dim3A_222 = vector.broadcast %jit3A_219 : f32 to vector<20x10000xf32>
    %select_n3A_223 = arith.select %broadcast_in_dim3A_221, %max3A_30, %broadcast_in_dim3A_222 : vector<20x10000xi1>, vector<20x10000xf32>
    %reduce_max3A_224 = arith.constant dense<0xFF800000> : vector<20xf32>
    %reduce_max3A_225 = vector.multi_reduction <maximumf>, %select_n3A_223, %reduce_max3A_224 [1] : vector<20x10000xf32> to vector<20xf32>
    %swap3A_226 = arith.constant 8 : index
    %swap3A_227 = arith.constant 0 : index
    %swap3A_228 = vector.load %arg8[%swap3A_226, %swap3A_227] : memref<64x40xf32, #tpu.memory_space<vmem>>, vector<1x20xf32>
    %swap3A_229 = vector.shape_cast %swap3A_228 : vector<1x20xf32> to vector<20xf32>
    %swap3A_230 = vector.shape_cast %reduce_max3A_225 : vector<20xf32> to vector<1x20xf32>
    tpu.vector_store %arg8[%swap3A_226, %swap3A_227], %swap3A_230 {strides = array<i32>} : memref<64x40xf32, #tpu.memory_space<vmem>>, vector<1x20xf32>,
    %slice3A_231 = vector.extract_strided_slice %div3A_45 {offsets = [0, 8], sizes = [20, 1], strides = [1, 1]} : vector<20x64xf32> to vector<20x1xf32>
    %squeeze3A_232 = vector.shape_cast %slice3A_231 : vector<20x1xf32> to vector<20xf32>
    %swap3A_233 = arith.constant 8 : index
    %swap3A_234 = arith.constant 20 : index
    %swap3A_235 = vector.load %arg8[%swap3A_233, %swap3A_234] : memref<64x40xf32, #tpu.memory_space<vmem>>, vector<1x20xf32>
    %swap3A_236 = vector.shape_cast %swap3A_235 : vector<1x20xf32> to vector<20xf32>
    %swap3A_237 = vector.shape_cast %squeeze3A_232 : vector<20xf32> to vector<1x20xf32>
    tpu.vector_store %arg8[%swap3A_233, %swap3A_234], %swap3A_237 {strides = array<i32>} : memref<64x40xf32, #tpu.memory_space<vmem>>, vector<1x20xf32>,
    %eq3A_238 = arith.constant 9 : i32
    %eq3A_239 = vector.broadcast %eq3A_238 : i32 to vector<1x10000xi32>
    %eq3A_240 = arith.cmpi eq, %get3A_33, %eq3A_239 : vector<1x10000xi32>
    %jit3A_241 = arith.constant 0.000000e+00 : f32
    %broadcast_in_dim3A_242 = vector.shape_cast %eq3A_240 : vector<1x10000xi1> to vector<1x10000xi1>
    %broadcast_in_dim3A_243 = vector.broadcast %broadcast_in_dim3A_242 : vector<1x10000xi1> to vector<20x10000xi1>
    %broadcast_in_dim3A_244 = vector.broadcast %jit3A_241 : f32 to vector<20x10000xf32>
    %select_n3A_245 = arith.select %broadcast_in_dim3A_243, %max3A_30, %broadcast_in_dim3A_244 : vector<20x10000xi1>, vector<20x10000xf32>
    %reduce_max3A_246 = arith.constant dense<0xFF800000> : vector<20xf32>
    %reduce_max3A_247 = vector.multi_reduction <maximumf>, %select_n3A_245, %reduce_max3A_246 [1] : vector<20x10000xf32> to vector<20xf32>
    %swap3A_248 = arith.constant 9 : index
    %swap3A_249 = arith.constant 0 : index
    %swap3A_250 = vector.load %arg8[%swap3A_248, %swap3A_249] : memref<64x40xf32, #tpu.memory_space<vmem>>, vector<1x20xf32>
    %swap3A_251 = vector.shape_cast %swap3A_250 : vector<1x20xf32> to vector<20xf32>
    %swap3A_252 = vector.shape_cast %reduce_max3A_247 : vector<20xf32> to vector<1x20xf32>
    tpu.vector_store %arg8[%swap3A_248, %swap3A_249], %swap3A_252 {strides = array<i32>} : memref<64x40xf32, #tpu.memory_space<vmem>>, vector<1x20xf32>,
    %slice3A_253 = vector.extract_strided_slice %div3A_45 {offsets = [0, 9], sizes = [20, 1], strides = [1, 1]} : vector<20x64xf32> to vector<20x1xf32>
    %squeeze3A_254 = vector.shape_cast %slice3A_253 : vector<20x1xf32> to vector<20xf32>
    %swap3A_255 = arith.constant 9 : index
    %swap3A_256 = arith.constant 20 : index
    %swap3A_257 = vector.load %arg8[%swap3A_255, %swap3A_256] : memref<64x40xf32, #tpu.memory_space<vmem>>, vector<1x20xf32>
    %swap3A_258 = vector.shape_cast %swap3A_257 : vector<1x20xf32> to vector<20xf32>
    %swap3A_259 = vector.shape_cast %squeeze3A_254 : vector<20xf32> to vector<1x20xf32>
    tpu.vector_store %arg8[%swap3A_255, %swap3A_256], %swap3A_259 {strides = array<i32>} : memref<64x40xf32, #tpu.memory_space<vmem>>, vector<1x20xf32>,
    %eq3A_260 = arith.constant 10 : i32
    %eq3A_261 = vector.broadcast %eq3A_260 : i32 to vector<1x10000xi32>
    %eq3A_262 = arith.cmpi eq, %get3A_33, %eq3A_261 : vector<1x10000xi32>
    %jit3A_263 = arith.constant 0.000000e+00 : f32
    %broadcast_in_dim3A_264 = vector.shape_cast %eq3A_262 : vector<1x10000xi1> to vector<1x10000xi1>
    %broadcast_in_dim3A_265 = vector.broadcast %broadcast_in_dim3A_264 : vector<1x10000xi1> to vector<20x10000xi1>
    %broadcast_in_dim3A_266 = vector.broadcast %jit3A_263 : f32 to vector<20x10000xf32>
    %select_n3A_267 = arith.select %broadcast_in_dim3A_265, %max3A_30, %broadcast_in_dim3A_266 : vector<20x10000xi1>, vector<20x10000xf32>
    %reduce_max3A_268 = arith.constant dense<0xFF800000> : vector<20xf32>
    %reduce_max3A_269 = vector.multi_reduction <maximumf>, %select_n3A_267, %reduce_max3A_268 [1] : vector<20x10000xf32> to vector<20xf32>
    %swap3A_270 = arith.constant 10 : index
    %swap3A_271 = arith.constant 0 : index
    %swap3A_272 = vector.load %arg8[%swap3A_270, %swap3A_271] : memref<64x40xf32, #tpu.memory_space<vmem>>, vector<1x20xf32>
    %swap3A_273 = vector.shape_cast %swap3A_272 : vector<1x20xf32> to vector<20xf32>
    %swap3A_274 = vector.shape_cast %reduce_max3A_269 : vector<20xf32> to vector<1x20xf32>
    tpu.vector_store %arg8[%swap3A_270, %swap3A_271], %swap3A_274 {strides = array<i32>} : memref<64x40xf32, #tpu.memory_space<vmem>>, vector<1x20xf32>,
    %slice3A_275 = vector.extract_strided_slice %div3A_45 {offsets = [0, 10], sizes = [20, 1], strides = [1, 1]} : vector<20x64xf32> to vector<20x1xf32>
    %squeeze3A_276 = vector.shape_cast %slice3A_275 : vector<20x1xf32> to vector<20xf32>
    %swap3A_277 = arith.constant 10 : index
    %swap3A_278 = arith.constant 20 : index
    %swap3A_279 = vector.load %arg8[%swap3A_277, %swap3A_278] : memref<64x40xf32, #tpu.memory_space<vmem>>, vector<1x20xf32>
    %swap3A_280 = vector.shape_cast %swap3A_279 : vector<1x20xf32> to vector<20xf32>
    %swap3A_281 = vector.shape_cast %squeeze3A_276 : vector<20xf32> to vector<1x20xf32>
    tpu.vector_store %arg8[%swap3A_277, %swap3A_278], %swap3A_281 {strides = array<i32>} : memref<64x40xf32, #tpu.memory_space<vmem>>, vector<1x20xf32>,
    %eq3A_282 = arith.constant 11 : i32
    %eq3A_283 = vector.broadcast %eq3A_282 : i32 to vector<1x10000xi32>
    %eq3A_284 = arith.cmpi eq, %get3A_33, %eq3A_283 : vector<1x10000xi32>
    %jit3A_285 = arith.constant 0.000000e+00 : f32
    %broadcast_in_dim3A_286 = vector.shape_cast %eq3A_284 : vector<1x10000xi1> to vector<1x10000xi1>
    %broadcast_in_dim3A_287 = vector.broadcast %broadcast_in_dim3A_286 : vector<1x10000xi1> to vector<20x10000xi1>
    %broadcast_in_dim3A_288 = vector.broadcast %jit3A_285 : f32 to vector<20x10000xf32>
    %select_n3A_289 = arith.select %broadcast_in_dim3A_287, %max3A_30, %broadcast_in_dim3A_288 : vector<20x10000xi1>, vector<20x10000xf32>
    %reduce_max3A_290 = arith.constant dense<0xFF800000> : vector<20xf32>
    %reduce_max3A_291 = vector.multi_reduction <maximumf>, %select_n3A_289, %reduce_max3A_290 [1] : vector<20x10000xf32> to vector<20xf32>
    %swap3A_292 = arith.constant 11 : index
    %swap3A_293 = arith.constant 0 : index
    %swap3A_294 = vector.load %arg8[%swap3A_292, %swap3A_293] : memref<64x40xf32, #tpu.memory_space<vmem>>, vector<1x20xf32>
    %swap3A_295 = vector.shape_cast %swap3A_294 : vector<1x20xf32> to vector<20xf32>
    %swap3A_296 = vector.shape_cast %reduce_max3A_291 : vector<20xf32> to vector<1x20xf32>
    tpu.vector_store %arg8[%swap3A_292, %swap3A_293], %swap3A_296 {strides = array<i32>} : memref<64x40xf32, #tpu.memory_space<vmem>>, vector<1x20xf32>,
    %slice3A_297 = vector.extract_strided_slice %div3A_45 {offsets = [0, 11], sizes = [20, 1], strides = [1, 1]} : vector<20x64xf32> to vector<20x1xf32>
    %squeeze3A_298 = vector.shape_cast %slice3A_297 : vector<20x1xf32> to vector<20xf32>
    %swap3A_299 = arith.constant 11 : index
    %swap3A_300 = arith.constant 20 : index
    %swap3A_301 = vector.load %arg8[%swap3A_299, %swap3A_300] : memref<64x40xf32, #tpu.memory_space<vmem>>, vector<1x20xf32>
    %swap3A_302 = vector.shape_cast %swap3A_301 : vector<1x20xf32> to vector<20xf32>
    %swap3A_303 = vector.shape_cast %squeeze3A_298 : vector<20xf32> to vector<1x20xf32>
    tpu.vector_store %arg8[%swap3A_299, %swap3A_300], %swap3A_303 {strides = array<i32>} : memref<64x40xf32, #tpu.memory_space<vmem>>, vector<1x20xf32>,
    %eq3A_304 = arith.constant 12 : i32
    %eq3A_305 = vector.broadcast %eq3A_304 : i32 to vector<1x10000xi32>
    %eq3A_306 = arith.cmpi eq, %get3A_33, %eq3A_305 : vector<1x10000xi32>
    %jit3A_307 = arith.constant 0.000000e+00 : f32
    %broadcast_in_dim3A_308 = vector.shape_cast %eq3A_306 : vector<1x10000xi1> to vector<1x10000xi1>
    %broadcast_in_dim3A_309 = vector.broadcast %broadcast_in_dim3A_308 : vector<1x10000xi1> to vector<20x10000xi1>
    %broadcast_in_dim3A_310 = vector.broadcast %jit3A_307 : f32 to vector<20x10000xf32>
    %select_n3A_311 = arith.select %broadcast_in_dim3A_309, %max3A_30, %broadcast_in_dim3A_310 : vector<20x10000xi1>, vector<20x10000xf32>
    %reduce_max3A_312 = arith.constant dense<0xFF800000> : vector<20xf32>
    %reduce_max3A_313 = vector.multi_reduction <maximumf>, %select_n3A_311, %reduce_max3A_312 [1] : vector<20x10000xf32> to vector<20xf32>
    %swap3A_314 = arith.constant 12 : index
    %swap3A_315 = arith.constant 0 : index
    %swap3A_316 = vector.load %arg8[%swap3A_314, %swap3A_315] : memref<64x40xf32, #tpu.memory_space<vmem>>, vector<1x20xf32>
    %swap3A_317 = vector.shape_cast %swap3A_316 : vector<1x20xf32> to vector<20xf32>
    %swap3A_318 = vector.shape_cast %reduce_max3A_313 : vector<20xf32> to vector<1x20xf32>
    tpu.vector_store %arg8[%swap3A_314, %swap3A_315], %swap3A_318 {strides = array<i32>} : memref<64x40xf32, #tpu.memory_space<vmem>>, vector<1x20xf32>,
    %slice3A_319 = vector.extract_strided_slice %div3A_45 {offsets = [0, 12], sizes = [20, 1], strides = [1, 1]} : vector<20x64xf32> to vector<20x1xf32>
    %squeeze3A_320 = vector.shape_cast %slice3A_319 : vector<20x1xf32> to vector<20xf32>
    %swap3A_321 = arith.constant 12 : index
    %swap3A_322 = arith.constant 20 : index
    %swap3A_323 = vector.load %arg8[%swap3A_321, %swap3A_322] : memref<64x40xf32, #tpu.memory_space<vmem>>, vector<1x20xf32>
    %swap3A_324 = vector.shape_cast %swap3A_323 : vector<1x20xf32> to vector<20xf32>
    %swap3A_325 = vector.shape_cast %squeeze3A_320 : vector<20xf32> to vector<1x20xf32>
    tpu.vector_store %arg8[%swap3A_321, %swap3A_322], %swap3A_325 {strides = array<i32>} : memref<64x40xf32, #tpu.memory_space<vmem>>, vector<1x20xf32>,
    %eq3A_326 = arith.constant 13 : i32
    %eq3A_327 = vector.broadcast %eq3A_326 : i32 to vector<1x10000xi32>
    %eq3A_328 = arith.cmpi eq, %get3A_33, %eq3A_327 : vector<1x10000xi32>
    %jit3A_329 = arith.constant 0.000000e+00 : f32
    %broadcast_in_dim3A_330 = vector.shape_cast %eq3A_328 : vector<1x10000xi1> to vector<1x10000xi1>
    %broadcast_in_dim3A_331 = vector.broadcast %broadcast_in_dim3A_330 : vector<1x10000xi1> to vector<20x10000xi1>
    %broadcast_in_dim3A_332 = vector.broadcast %jit3A_329 : f32 to vector<20x10000xf32>
    %select_n3A_333 = arith.select %broadcast_in_dim3A_331, %max3A_30, %broadcast_in_dim3A_332 : vector<20x10000xi1>, vector<20x10000xf32>
    %reduce_max3A_334 = arith.constant dense<0xFF800000> : vector<20xf32>
    %reduce_max3A_335 = vector.multi_reduction <maximumf>, %select_n3A_333, %reduce_max3A_334 [1] : vector<20x10000xf32> to vector<20xf32>
    %swap3A_336 = arith.constant 13 : index
    %swap3A_337 = arith.constant 0 : index
    %swap3A_338 = vector.load %arg8[%swap3A_336, %swap3A_337] : memref<64x40xf32, #tpu.memory_space<vmem>>, vector<1x20xf32>
    %swap3A_339 = vector.shape_cast %swap3A_338 : vector<1x20xf32> to vector<20xf32>
    %swap3A_340 = vector.shape_cast %reduce_max3A_335 : vector<20xf32> to vector<1x20xf32>
    tpu.vector_store %arg8[%swap3A_336, %swap3A_337], %swap3A_340 {strides = array<i32>} : memref<64x40xf32, #tpu.memory_space<vmem>>, vector<1x20xf32>,
    %slice3A_341 = vector.extract_strided_slice %div3A_45 {offsets = [0, 13], sizes = [20, 1], strides = [1, 1]} : vector<20x64xf32> to vector<20x1xf32>
    %squeeze3A_342 = vector.shape_cast %slice3A_341 : vector<20x1xf32> to vector<20xf32>
    %swap3A_343 = arith.constant 13 : index
    %swap3A_344 = arith.constant 20 : index
    %swap3A_345 = vector.load %arg8[%swap3A_343, %swap3A_344] : memref<64x40xf32, #tpu.memory_space<vmem>>, vector<1x20xf32>
    %swap3A_346 = vector.shape_cast %swap3A_345 : vector<1x20xf32> to vector<20xf32>
    %swap3A_347 = vector.shape_cast %squeeze3A_342 : vector<20xf32> to vector<1x20xf32>
    tpu.vector_store %arg8[%swap3A_343, %swap3A_344], %swap3A_347 {strides = array<i32>} : memref<64x40xf32, #tpu.memory_space<vmem>>, vector<1x20xf32>,
    %eq3A_348 = arith.constant 14 : i32
    %eq3A_349 = vector.broadcast %eq3A_348 : i32 to vector<1x10000xi32>
    %eq3A_350 = arith.cmpi eq, %get3A_33, %eq3A_349 : vector<1x10000xi32>
    %jit3A_351 = arith.constant 0.000000e+00 : f32
    %broadcast_in_dim3A_352 = vector.shape_cast %eq3A_350 : vector<1x10000xi1> to vector<1x10000xi1>
    %broadcast_in_dim3A_353 = vector.broadcast %broadcast_in_dim3A_352 : vector<1x10000xi1> to vector<20x10000xi1>
    %broadcast_in_dim3A_354 = vector.broadcast %jit3A_351 : f32 to vector<20x10000xf32>
    %select_n3A_355 = arith.select %broadcast_in_dim3A_353, %max3A_30, %broadcast_in_dim3A_354 : vector<20x10000xi1>, vector<20x10000xf32>
    %reduce_max3A_356 = arith.constant dense<0xFF800000> : vector<20xf32>
    %reduce_max3A_357 = vector.multi_reduction <maximumf>, %select_n3A_355, %reduce_max3A_356 [1] : vector<20x10000xf32> to vector<20xf32>
    %swap3A_358 = arith.constant 14 : index
    %swap3A_359 = arith.constant 0 : index
    %swap3A_360 = vector.load %arg8[%swap3A_358, %swap3A_359] : memref<64x40xf32, #tpu.memory_space<vmem>>, vector<1x20xf32>
    %swap3A_361 = vector.shape_cast %swap3A_360 : vector<1x20xf32> to vector<20xf32>
    %swap3A_362 = vector.shape_cast %reduce_max3A_357 : vector<20xf32> to vector<1x20xf32>
    tpu.vector_store %arg8[%swap3A_358, %swap3A_359], %swap3A_362 {strides = array<i32>} : memref<64x40xf32, #tpu.memory_space<vmem>>, vector<1x20xf32>,
    %slice3A_363 = vector.extract_strided_slice %div3A_45 {offsets = [0, 14], sizes = [20, 1], strides = [1, 1]} : vector<20x64xf32> to vector<20x1xf32>
    %squeeze3A_364 = vector.shape_cast %slice3A_363 : vector<20x1xf32> to vector<20xf32>
    %swap3A_365 = arith.constant 14 : index
    %swap3A_366 = arith.constant 20 : index
    %swap3A_367 = vector.load %arg8[%swap3A_365, %swap3A_366] : memref<64x40xf32, #tpu.memory_space<vmem>>, vector<1x20xf32>
    %swap3A_368 = vector.shape_cast %swap3A_367 : vector<1x20xf32> to vector<20xf32>
    %swap3A_369 = vector.shape_cast %squeeze3A_364 : vector<20xf32> to vector<1x20xf32>
    tpu.vector_store %arg8[%swap3A_365, %swap3A_366], %swap3A_369 {strides = array<i32>} : memref<64x40xf32, #tpu.memory_space<vmem>>, vector<1x20xf32>,
    %eq3A_370 = arith.constant 15 : i32
    %eq3A_371 = vector.broadcast %eq3A_370 : i32 to vector<1x10000xi32>
    %eq3A_372 = arith.cmpi eq, %get3A_33, %eq3A_371 : vector<1x10000xi32>
    %jit3A_373 = arith.constant 0.000000e+00 : f32
    %broadcast_in_dim3A_374 = vector.shape_cast %eq3A_372 : vector<1x10000xi1> to vector<1x10000xi1>
    %broadcast_in_dim3A_375 = vector.broadcast %broadcast_in_dim3A_374 : vector<1x10000xi1> to vector<20x10000xi1>
    %broadcast_in_dim3A_376 = vector.broadcast %jit3A_373 : f32 to vector<20x10000xf32>
    %select_n3A_377 = arith.select %broadcast_in_dim3A_375, %max3A_30, %broadcast_in_dim3A_376 : vector<20x10000xi1>, vector<20x10000xf32>
    %reduce_max3A_378 = arith.constant dense<0xFF800000> : vector<20xf32>
    %reduce_max3A_379 = vector.multi_reduction <maximumf>, %select_n3A_377, %reduce_max3A_378 [1] : vector<20x10000xf32> to vector<20xf32>
    %swap3A_380 = arith.constant 15 : index
    %swap3A_381 = arith.constant 0 : index
    %swap3A_382 = vector.load %arg8[%swap3A_380, %swap3A_381] : memref<64x40xf32, #tpu.memory_space<vmem>>, vector<1x20xf32>
    %swap3A_383 = vector.shape_cast %swap3A_382 : vector<1x20xf32> to vector<20xf32>
    %swap3A_384 = vector.shape_cast %reduce_max3A_379 : vector<20xf32> to vector<1x20xf32>
    tpu.vector_store %arg8[%swap3A_380, %swap3A_381], %swap3A_384 {strides = array<i32>} : memref<64x40xf32, #tpu.memory_space<vmem>>, vector<1x20xf32>,
    %slice3A_385 = vector.extract_strided_slice %div3A_45 {offsets = [0, 15], sizes = [20, 1], strides = [1, 1]} : vector<20x64xf32> to vector<20x1xf32>
    %squeeze3A_386 = vector.shape_cast %slice3A_385 : vector<20x1xf32> to vector<20xf32>
    %swap3A_387 = arith.constant 15 : index
    %swap3A_388 = arith.constant 20 : index
    %swap3A_389 = vector.load %arg8[%swap3A_387, %swap3A_388] : memref<64x40xf32, #tpu.memory_space<vmem>>, vector<1x20xf32>
    %swap3A_390 = vector.shape_cast %swap3A_389 : vector<1x20xf32> to vector<20xf32>
    %swap3A_391 = vector.shape_cast %squeeze3A_386 : vector<20xf32> to vector<1x20xf32>
    tpu.vector_store %arg8[%swap3A_387, %swap3A_388], %swap3A_391 {strides = array<i32>} : memref<64x40xf32, #tpu.memory_space<vmem>>, vector<1x20xf32>,
    %eq3A_392 = arith.constant 16 : i32
    %eq3A_393 = vector.broadcast %eq3A_392 : i32 to vector<1x10000xi32>
    %eq3A_394 = arith.cmpi eq, %get3A_33, %eq3A_393 : vector<1x10000xi32>
    %jit3A_395 = arith.constant 0.000000e+00 : f32
    %broadcast_in_dim3A_396 = vector.shape_cast %eq3A_394 : vector<1x10000xi1> to vector<1x10000xi1>
    %broadcast_in_dim3A_397 = vector.broadcast %broadcast_in_dim3A_396 : vector<1x10000xi1> to vector<20x10000xi1>
    %broadcast_in_dim3A_398 = vector.broadcast %jit3A_395 : f32 to vector<20x10000xf32>
    %select_n3A_399 = arith.select %broadcast_in_dim3A_397, %max3A_30, %broadcast_in_dim3A_398 : vector<20x10000xi1>, vector<20x10000xf32>
    %reduce_max3A_400 = arith.constant dense<0xFF800000> : vector<20xf32>
    %reduce_max3A_401 = vector.multi_reduction <maximumf>, %select_n3A_399, %reduce_max3A_400 [1] : vector<20x10000xf32> to vector<20xf32>
    %swap3A_402 = arith.constant 16 : index
    %swap3A_403 = arith.constant 0 : index
    %swap3A_404 = vector.load %arg8[%swap3A_402, %swap3A_403] : memref<64x40xf32, #tpu.memory_space<vmem>>, vector<1x20xf32>
    %swap3A_405 = vector.shape_cast %swap3A_404 : vector<1x20xf32> to vector<20xf32>
    %swap3A_406 = vector.shape_cast %reduce_max3A_401 : vector<20xf32> to vector<1x20xf32>
    tpu.vector_store %arg8[%swap3A_402, %swap3A_403], %swap3A_406 {strides = array<i32>} : memref<64x40xf32, #tpu.memory_space<vmem>>, vector<1x20xf32>,
    %slice3A_407 = vector.extract_strided_slice %div3A_45 {offsets = [0, 16], sizes = [20, 1], strides = [1, 1]} : vector<20x64xf32> to vector<20x1xf32>
    %squeeze3A_408 = vector.shape_cast %slice3A_407 : vector<20x1xf32> to vector<20xf32>
    %swap3A_409 = arith.constant 16 : index
    %swap3A_410 = arith.constant 20 : index
    %swap3A_411 = vector.load %arg8[%swap3A_409, %swap3A_410] : memref<64x40xf32, #tpu.memory_space<vmem>>, vector<1x20xf32>
    %swap3A_412 = vector.shape_cast %swap3A_411 : vector<1x20xf32> to vector<20xf32>
    %swap3A_413 = vector.shape_cast %squeeze3A_408 : vector<20xf32> to vector<1x20xf32>
    tpu.vector_store %arg8[%swap3A_409, %swap3A_410], %swap3A_413 {strides = array<i32>} : memref<64x40xf32, #tpu.memory_space<vmem>>, vector<1x20xf32>,
    %eq3A_414 = arith.constant 17 : i32
    %eq3A_415 = vector.broadcast %eq3A_414 : i32 to vector<1x10000xi32>
    %eq3A_416 = arith.cmpi eq, %get3A_33, %eq3A_415 : vector<1x10000xi32>
    %jit3A_417 = arith.constant 0.000000e+00 : f32
    %broadcast_in_dim3A_418 = vector.shape_cast %eq3A_416 : vector<1x10000xi1> to vector<1x10000xi1>
    %broadcast_in_dim3A_419 = vector.broadcast %broadcast_in_dim3A_418 : vector<1x10000xi1> to vector<20x10000xi1>
    %broadcast_in_dim3A_420 = vector.broadcast %jit3A_417 : f32 to vector<20x10000xf32>
    %select_n3A_421 = arith.select %broadcast_in_dim3A_419, %max3A_30, %broadcast_in_dim3A_420 : vector<20x10000xi1>, vector<20x10000xf32>
    %reduce_max3A_422 = arith.constant dense<0xFF800000> : vector<20xf32>
    %reduce_max3A_423 = vector.multi_reduction <maximumf>, %select_n3A_421, %reduce_max3A_422 [1] : vector<20x10000xf32> to vector<20xf32>
    %swap3A_424 = arith.constant 17 : index
    %swap3A_425 = arith.constant 0 : index
    %swap3A_426 = vector.load %arg8[%swap3A_424, %swap3A_425] : memref<64x40xf32, #tpu.memory_space<vmem>>, vector<1x20xf32>
    %swap3A_427 = vector.shape_cast %swap3A_426 : vector<1x20xf32> to vector<20xf32>
    %swap3A_428 = vector.shape_cast %reduce_max3A_423 : vector<20xf32> to vector<1x20xf32>
    tpu.vector_store %arg8[%swap3A_424, %swap3A_425], %swap3A_428 {strides = array<i32>} : memref<64x40xf32, #tpu.memory_space<vmem>>, vector<1x20xf32>,
    %slice3A_429 = vector.extract_strided_slice %div3A_45 {offsets = [0, 17], sizes = [20, 1], strides = [1, 1]} : vector<20x64xf32> to vector<20x1xf32>
    %squeeze3A_430 = vector.shape_cast %slice3A_429 : vector<20x1xf32> to vector<20xf32>
    %swap3A_431 = arith.constant 17 : index
    %swap3A_432 = arith.constant 20 : index
    %swap3A_433 = vector.load %arg8[%swap3A_431, %swap3A_432] : memref<64x40xf32, #tpu.memory_space<vmem>>, vector<1x20xf32>
    %swap3A_434 = vector.shape_cast %swap3A_433 : vector<1x20xf32> to vector<20xf32>
    %swap3A_435 = vector.shape_cast %squeeze3A_430 : vector<20xf32> to vector<1x20xf32>
    tpu.vector_store %arg8[%swap3A_431, %swap3A_432], %swap3A_435 {strides = array<i32>} : memref<64x40xf32, #tpu.memory_space<vmem>>, vector<1x20xf32>,
    %eq3A_436 = arith.constant 18 : i32
    %eq3A_437 = vector.broadcast %eq3A_436 : i32 to vector<1x10000xi32>
    %eq3A_438 = arith.cmpi eq, %get3A_33, %eq3A_437 : vector<1x10000xi32>
    %jit3A_439 = arith.constant 0.000000e+00 : f32
    %broadcast_in_dim3A_440 = vector.shape_cast %eq3A_438 : vector<1x10000xi1> to vector<1x10000xi1>
    %broadcast_in_dim3A_441 = vector.broadcast %broadcast_in_dim3A_440 : vector<1x10000xi1> to vector<20x10000xi1>
    %broadcast_in_dim3A_442 = vector.broadcast %jit3A_439 : f32 to vector<20x10000xf32>
    %select_n3A_443 = arith.select %broadcast_in_dim3A_441, %max3A_30, %broadcast_in_dim3A_442 : vector<20x10000xi1>, vector<20x10000xf32>
    %reduce_max3A_444 = arith.constant dense<0xFF800000> : vector<20xf32>
    %reduce_max3A_445 = vector.multi_reduction <maximumf>, %select_n3A_443, %reduce_max3A_444 [1] : vector<20x10000xf32> to vector<20xf32>
    %swap3A_446 = arith.constant 18 : index
    %swap3A_447 = arith.constant 0 : index
    %swap3A_448 = vector.load %arg8[%swap3A_446, %swap3A_447] : memref<64x40xf32, #tpu.memory_space<vmem>>, vector<1x20xf32>
    %swap3A_449 = vector.shape_cast %swap3A_448 : vector<1x20xf32> to vector<20xf32>
    %swap3A_450 = vector.shape_cast %reduce_max3A_445 : vector<20xf32> to vector<1x20xf32>
    tpu.vector_store %arg8[%swap3A_446, %swap3A_447], %swap3A_450 {strides = array<i32>} : memref<64x40xf32, #tpu.memory_space<vmem>>, vector<1x20xf32>,
    %slice3A_451 = vector.extract_strided_slice %div3A_45 {offsets = [0, 18], sizes = [20, 1], strides = [1, 1]} : vector<20x64xf32> to vector<20x1xf32>
    %squeeze3A_452 = vector.shape_cast %slice3A_451 : vector<20x1xf32> to vector<20xf32>
    %swap3A_453 = arith.constant 18 : index
    %swap3A_454 = arith.constant 20 : index
    %swap3A_455 = vector.load %arg8[%swap3A_453, %swap3A_454] : memref<64x40xf32, #tpu.memory_space<vmem>>, vector<1x20xf32>
    %swap3A_456 = vector.shape_cast %swap3A_455 : vector<1x20xf32> to vector<20xf32>
    %swap3A_457 = vector.shape_cast %squeeze3A_452 : vector<20xf32> to vector<1x20xf32>
    tpu.vector_store %arg8[%swap3A_453, %swap3A_454], %swap3A_457 {strides = array<i32>} : memref<64x40xf32, #tpu.memory_space<vmem>>, vector<1x20xf32>,
    %eq3A_458 = arith.constant 19 : i32
    %eq3A_459 = vector.broadcast %eq3A_458 : i32 to vector<1x10000xi32>
    %eq3A_460 = arith.cmpi eq, %get3A_33, %eq3A_459 : vector<1x10000xi32>
    %jit3A_461 = arith.constant 0.000000e+00 : f32
    %broadcast_in_dim3A_462 = vector.shape_cast %eq3A_460 : vector<1x10000xi1> to vector<1x10000xi1>
    %broadcast_in_dim3A_463 = vector.broadcast %broadcast_in_dim3A_462 : vector<1x10000xi1> to vector<20x10000xi1>
    %broadcast_in_dim3A_464 = vector.broadcast %jit3A_461 : f32 to vector<20x10000xf32>
    %select_n3A_465 = arith.select %broadcast_in_dim3A_463, %max3A_30, %broadcast_in_dim3A_464 : vector<20x10000xi1>, vector<20x10000xf32>
    %reduce_max3A_466 = arith.constant dense<0xFF800000> : vector<20xf32>
    %reduce_max3A_467 = vector.multi_reduction <maximumf>, %select_n3A_465, %reduce_max3A_466 [1] : vector<20x10000xf32> to vector<20xf32>
    %swap3A_468 = arith.constant 19 : index
    %swap3A_469 = arith.constant 0 : index
    %swap3A_470 = vector.load %arg8[%swap3A_468, %swap3A_469] : memref<64x40xf32, #tpu.memory_space<vmem>>, vector<1x20xf32>
    %swap3A_471 = vector.shape_cast %swap3A_470 : vector<1x20xf32> to vector<20xf32>
    %swap3A_472 = vector.shape_cast %reduce_max3A_467 : vector<20xf32> to vector<1x20xf32>
    tpu.vector_store %arg8[%swap3A_468, %swap3A_469], %swap3A_472 {strides = array<i32>} : memref<64x40xf32, #tpu.memory_space<vmem>>, vector<1x20xf32>,
    %slice3A_473 = vector.extract_strided_slice %div3A_45 {offsets = [0, 19], sizes = [20, 1], strides = [1, 1]} : vector<20x64xf32> to vector<20x1xf32>
    %squeeze3A_474 = vector.shape_cast %slice3A_473 : vector<20x1xf32> to vector<20xf32>
    %swap3A_475 = arith.constant 19 : index
    %swap3A_476 = arith.constant 20 : index
    %swap3A_477 = vector.load %arg8[%swap3A_475, %swap3A_476] : memref<64x40xf32, #tpu.memory_space<vmem>>, vector<1x20xf32>
    %swap3A_478 = vector.shape_cast %swap3A_477 : vector<1x20xf32> to vector<20xf32>
    %swap3A_479 = vector.shape_cast %squeeze3A_474 : vector<20xf32> to vector<1x20xf32>
    tpu.vector_store %arg8[%swap3A_475, %swap3A_476], %swap3A_479 {strides = array<i32>} : memref<64x40xf32, #tpu.memory_space<vmem>>, vector<1x20xf32>,
    %eq3A_480 = arith.constant 20 : i32
    %eq3A_481 = vector.broadcast %eq3A_480 : i32 to vector<1x10000xi32>
    %eq3A_482 = arith.cmpi eq, %get3A_33, %eq3A_481 : vector<1x10000xi32>
    %jit3A_483 = arith.constant 0.000000e+00 : f32
    %broadcast_in_dim3A_484 = vector.shape_cast %eq3A_482 : vector<1x10000xi1> to vector<1x10000xi1>
    %broadcast_in_dim3A_485 = vector.broadcast %broadcast_in_dim3A_484 : vector<1x10000xi1> to vector<20x10000xi1>
    %broadcast_in_dim3A_486 = vector.broadcast %jit3A_483 : f32 to vector<20x10000xf32>
    %select_n3A_487 = arith.select %broadcast_in_dim3A_485, %max3A_30, %broadcast_in_dim3A_486 : vector<20x10000xi1>, vector<20x10000xf32>
    %reduce_max3A_488 = arith.constant dense<0xFF800000> : vector<20xf32>
    %reduce_max3A_489 = vector.multi_reduction <maximumf>, %select_n3A_487, %reduce_max3A_488 [1] : vector<20x10000xf32> to vector<20xf32>
    %swap3A_490 = arith.constant 20 : index
    %swap3A_491 = arith.constant 0 : index
    %swap3A_492 = vector.load %arg8[%swap3A_490, %swap3A_491] : memref<64x40xf32, #tpu.memory_space<vmem>>, vector<1x20xf32>
    %swap3A_493 = vector.shape_cast %swap3A_492 : vector<1x20xf32> to vector<20xf32>
    %swap3A_494 = vector.shape_cast %reduce_max3A_489 : vector<20xf32> to vector<1x20xf32>
    tpu.vector_store %arg8[%swap3A_490, %swap3A_491], %swap3A_494 {strides = array<i32>} : memref<64x40xf32, #tpu.memory_space<vmem>>, vector<1x20xf32>,
    %slice3A_495 = vector.extract_strided_slice %div3A_45 {offsets = [0, 20], sizes = [20, 1], strides = [1, 1]} : vector<20x64xf32> to vector<20x1xf32>
    %squeeze3A_496 = vector.shape_cast %slice3A_495 : vector<20x1xf32> to vector<20xf32>
    %swap3A_497 = arith.constant 20 : index
    %swap3A_498 = arith.constant 20 : index
    %swap3A_499 = vector.load %arg8[%swap3A_497, %swap3A_498] : memref<64x40xf32, #tpu.memory_space<vmem>>, vector<1x20xf32>
    %swap3A_500 = vector.shape_cast %swap3A_499 : vector<1x20xf32> to vector<20xf32>
    %swap3A_501 = vector.shape_cast %squeeze3A_496 : vector<20xf32> to vector<1x20xf32>
    tpu.vector_store %arg8[%swap3A_497, %swap3A_498], %swap3A_501 {strides = array<i32>} : memref<64x40xf32, #tpu.memory_space<vmem>>, vector<1x20xf32>,
    %eq3A_502 = arith.constant 21 : i32
    %eq3A_503 = vector.broadcast %eq3A_502 : i32 to vector<1x10000xi32>
    %eq3A_504 = arith.cmpi eq, %get3A_33, %eq3A_503 : vector<1x10000xi32>
    %jit3A_505 = arith.constant 0.000000e+00 : f32
    %broadcast_in_dim3A_506 = vector.shape_cast %eq3A_504 : vector<1x10000xi1> to vector<1x10000xi1>
    %broadcast_in_dim3A_507 = vector.broadcast %broadcast_in_dim3A_506 : vector<1x10000xi1> to vector<20x10000xi1>
    %broadcast_in_dim3A_508 = vector.broadcast %jit3A_505 : f32 to vector<20x10000xf32>
    %select_n3A_509 = arith.select %broadcast_in_dim3A_507, %max3A_30, %broadcast_in_dim3A_508 : vector<20x10000xi1>, vector<20x10000xf32>
    %reduce_max3A_510 = arith.constant dense<0xFF800000> : vector<20xf32>
    %reduce_max3A_511 = vector.multi_reduction <maximumf>, %select_n3A_509, %reduce_max3A_510 [1] : vector<20x10000xf32> to vector<20xf32>
    %swap3A_512 = arith.constant 21 : index
    %swap3A_513 = arith.constant 0 : index
    %swap3A_514 = vector.load %arg8[%swap3A_512, %swap3A_513] : memref<64x40xf32, #tpu.memory_space<vmem>>, vector<1x20xf32>
    %swap3A_515 = vector.shape_cast %swap3A_514 : vector<1x20xf32> to vector<20xf32>
    %swap3A_516 = vector.shape_cast %reduce_max3A_511 : vector<20xf32> to vector<1x20xf32>
    tpu.vector_store %arg8[%swap3A_512, %swap3A_513], %swap3A_516 {strides = array<i32>} : memref<64x40xf32, #tpu.memory_space<vmem>>, vector<1x20xf32>,
    %slice3A_517 = vector.extract_strided_slice %div3A_45 {offsets = [0, 21], sizes = [20, 1], strides = [1, 1]} : vector<20x64xf32> to vector<20x1xf32>
    %squeeze3A_518 = vector.shape_cast %slice3A_517 : vector<20x1xf32> to vector<20xf32>
    %swap3A_519 = arith.constant 21 : index
    %swap3A_520 = arith.constant 20 : index
    %swap3A_521 = vector.load %arg8[%swap3A_519, %swap3A_520] : memref<64x40xf32, #tpu.memory_space<vmem>>, vector<1x20xf32>
    %swap3A_522 = vector.shape_cast %swap3A_521 : vector<1x20xf32> to vector<20xf32>
    %swap3A_523 = vector.shape_cast %squeeze3A_518 : vector<20xf32> to vector<1x20xf32>
    tpu.vector_store %arg8[%swap3A_519, %swap3A_520], %swap3A_523 {strides = array<i32>} : memref<64x40xf32, #tpu.memory_space<vmem>>, vector<1x20xf32>,
    %eq3A_524 = arith.constant 22 : i32
    %eq3A_525 = vector.broadcast %eq3A_524 : i32 to vector<1x10000xi32>
    %eq3A_526 = arith.cmpi eq, %get3A_33, %eq3A_525 : vector<1x10000xi32>
    %jit3A_527 = arith.constant 0.000000e+00 : f32
    %broadcast_in_dim3A_528 = vector.shape_cast %eq3A_526 : vector<1x10000xi1> to vector<1x10000xi1>
    %broadcast_in_dim3A_529 = vector.broadcast %broadcast_in_dim3A_528 : vector<1x10000xi1> to vector<20x10000xi1>
    %broadcast_in_dim3A_530 = vector.broadcast %jit3A_527 : f32 to vector<20x10000xf32>
    %select_n3A_531 = arith.select %broadcast_in_dim3A_529, %max3A_30, %broadcast_in_dim3A_530 : vector<20x10000xi1>, vector<20x10000xf32>
    %reduce_max3A_532 = arith.constant dense<0xFF800000> : vector<20xf32>
    %reduce_max3A_533 = vector.multi_reduction <maximumf>, %select_n3A_531, %reduce_max3A_532 [1] : vector<20x10000xf32> to vector<20xf32>
    %swap3A_534 = arith.constant 22 : index
    %swap3A_535 = arith.constant 0 : index
    %swap3A_536 = vector.load %arg8[%swap3A_534, %swap3A_535] : memref<64x40xf32, #tpu.memory_space<vmem>>, vector<1x20xf32>
    %swap3A_537 = vector.shape_cast %swap3A_536 : vector<1x20xf32> to vector<20xf32>
    %swap3A_538 = vector.shape_cast %reduce_max3A_533 : vector<20xf32> to vector<1x20xf32>
    tpu.vector_store %arg8[%swap3A_534, %swap3A_535], %swap3A_538 {strides = array<i32>} : memref<64x40xf32, #tpu.memory_space<vmem>>, vector<1x20xf32>,
    %slice3A_539 = vector.extract_strided_slice %div3A_45 {offsets = [0, 22], sizes = [20, 1], strides = [1, 1]} : vector<20x64xf32> to vector<20x1xf32>
    %squeeze3A_540 = vector.shape_cast %slice3A_539 : vector<20x1xf32> to vector<20xf32>
    %swap3A_541 = arith.constant 22 : index
    %swap3A_542 = arith.constant 20 : index
    %swap3A_543 = vector.load %arg8[%swap3A_541, %swap3A_542] : memref<64x40xf32, #tpu.memory_space<vmem>>, vector<1x20xf32>
    %swap3A_544 = vector.shape_cast %swap3A_543 : vector<1x20xf32> to vector<20xf32>
    %swap3A_545 = vector.shape_cast %squeeze3A_540 : vector<20xf32> to vector<1x20xf32>
    tpu.vector_store %arg8[%swap3A_541, %swap3A_542], %swap3A_545 {strides = array<i32>} : memref<64x40xf32, #tpu.memory_space<vmem>>, vector<1x20xf32>,
    %eq3A_546 = arith.constant 23 : i32
    %eq3A_547 = vector.broadcast %eq3A_546 : i32 to vector<1x10000xi32>
    %eq3A_548 = arith.cmpi eq, %get3A_33, %eq3A_547 : vector<1x10000xi32>
    %jit3A_549 = arith.constant 0.000000e+00 : f32
    %broadcast_in_dim3A_550 = vector.shape_cast %eq3A_548 : vector<1x10000xi1> to vector<1x10000xi1>
    %broadcast_in_dim3A_551 = vector.broadcast %broadcast_in_dim3A_550 : vector<1x10000xi1> to vector<20x10000xi1>
    %broadcast_in_dim3A_552 = vector.broadcast %jit3A_549 : f32 to vector<20x10000xf32>
    %select_n3A_553 = arith.select %broadcast_in_dim3A_551, %max3A_30, %broadcast_in_dim3A_552 : vector<20x10000xi1>, vector<20x10000xf32>
    %reduce_max3A_554 = arith.constant dense<0xFF800000> : vector<20xf32>
    %reduce_max3A_555 = vector.multi_reduction <maximumf>, %select_n3A_553, %reduce_max3A_554 [1] : vector<20x10000xf32> to vector<20xf32>
    %swap3A_556 = arith.constant 23 : index
    %swap3A_557 = arith.constant 0 : index
    %swap3A_558 = vector.load %arg8[%swap3A_556, %swap3A_557] : memref<64x40xf32, #tpu.memory_space<vmem>>, vector<1x20xf32>
    %swap3A_559 = vector.shape_cast %swap3A_558 : vector<1x20xf32> to vector<20xf32>
    %swap3A_560 = vector.shape_cast %reduce_max3A_555 : vector<20xf32> to vector<1x20xf32>
    tpu.vector_store %arg8[%swap3A_556, %swap3A_557], %swap3A_560 {strides = array<i32>} : memref<64x40xf32, #tpu.memory_space<vmem>>, vector<1x20xf32>,
    %slice3A_561 = vector.extract_strided_slice %div3A_45 {offsets = [0, 23], sizes = [20, 1], strides = [1, 1]} : vector<20x64xf32> to vector<20x1xf32>
    %squeeze3A_562 = vector.shape_cast %slice3A_561 : vector<20x1xf32> to vector<20xf32>
    %swap3A_563 = arith.constant 23 : index
    %swap3A_564 = arith.constant 20 : index
    %swap3A_565 = vector.load %arg8[%swap3A_563, %swap3A_564] : memref<64x40xf32, #tpu.memory_space<vmem>>, vector<1x20xf32>
    %swap3A_566 = vector.shape_cast %swap3A_565 : vector<1x20xf32> to vector<20xf32>
    %swap3A_567 = vector.shape_cast %squeeze3A_562 : vector<20xf32> to vector<1x20xf32>
    tpu.vector_store %arg8[%swap3A_563, %swap3A_564], %swap3A_567 {strides = array<i32>} : memref<64x40xf32, #tpu.memory_space<vmem>>, vector<1x20xf32>,
    %eq3A_568 = arith.constant 24 : i32
    %eq3A_569 = vector.broadcast %eq3A_568 : i32 to vector<1x10000xi32>
    %eq3A_570 = arith.cmpi eq, %get3A_33, %eq3A_569 : vector<1x10000xi32>
    %jit3A_571 = arith.constant 0.000000e+00 : f32
    %broadcast_in_dim3A_572 = vector.shape_cast %eq3A_570 : vector<1x10000xi1> to vector<1x10000xi1>
    %broadcast_in_dim3A_573 = vector.broadcast %broadcast_in_dim3A_572 : vector<1x10000xi1> to vector<20x10000xi1>
    %broadcast_in_dim3A_574 = vector.broadcast %jit3A_571 : f32 to vector<20x10000xf32>
    %select_n3A_575 = arith.select %broadcast_in_dim3A_573, %max3A_30, %broadcast_in_dim3A_574 : vector<20x10000xi1>, vector<20x10000xf32>
    %reduce_max3A_576 = arith.constant dense<0xFF800000> : vector<20xf32>
    %reduce_max3A_577 = vector.multi_reduction <maximumf>, %select_n3A_575, %reduce_max3A_576 [1] : vector<20x10000xf32> to vector<20xf32>
    %swap3A_578 = arith.constant 24 : index
    %swap3A_579 = arith.constant 0 : index
    %swap3A_580 = vector.load %arg8[%swap3A_578, %swap3A_579] : memref<64x40xf32, #tpu.memory_space<vmem>>, vector<1x20xf32>
    %swap3A_581 = vector.shape_cast %swap3A_580 : vector<1x20xf32> to vector<20xf32>
    %swap3A_582 = vector.shape_cast %reduce_max3A_577 : vector<20xf32> to vector<1x20xf32>
    tpu.vector_store %arg8[%swap3A_578, %swap3A_579], %swap3A_582 {strides = array<i32>} : memref<64x40xf32, #tpu.memory_space<vmem>>, vector<1x20xf32>,
    %slice3A_583 = vector.extract_strided_slice %div3A_45 {offsets = [0, 24], sizes = [20, 1], strides = [1, 1]} : vector<20x64xf32> to vector<20x1xf32>
    %squeeze3A_584 = vector.shape_cast %slice3A_583 : vector<20x1xf32> to vector<20xf32>
    %swap3A_585 = arith.constant 24 : index
    %swap3A_586 = arith.constant 20 : index
    %swap3A_587 = vector.load %arg8[%swap3A_585, %swap3A_586] : memref<64x40xf32, #tpu.memory_space<vmem>>, vector<1x20xf32>
    %swap3A_588 = vector.shape_cast %swap3A_587 : vector<1x20xf32> to vector<20xf32>
    %swap3A_589 = vector.shape_cast %squeeze3A_584 : vector<20xf32> to vector<1x20xf32>
    tpu.vector_store %arg8[%swap3A_585, %swap3A_586], %swap3A_589 {strides = array<i32>} : memref<64x40xf32, #tpu.memory_space<vmem>>, vector<1x20xf32>,
    %eq3A_590 = arith.constant 25 : i32
    %eq3A_591 = vector.broadcast %eq3A_590 : i32 to vector<1x10000xi32>
    %eq3A_592 = arith.cmpi eq, %get3A_33, %eq3A_591 : vector<1x10000xi32>
    %jit3A_593 = arith.constant 0.000000e+00 : f32
    %broadcast_in_dim3A_594 = vector.shape_cast %eq3A_592 : vector<1x10000xi1> to vector<1x10000xi1>
    %broadcast_in_dim3A_595 = vector.broadcast %broadcast_in_dim3A_594 : vector<1x10000xi1> to vector<20x10000xi1>
    %broadcast_in_dim3A_596 = vector.broadcast %jit3A_593 : f32 to vector<20x10000xf32>
    %select_n3A_597 = arith.select %broadcast_in_dim3A_595, %max3A_30, %broadcast_in_dim3A_596 : vector<20x10000xi1>, vector<20x10000xf32>
    %reduce_max3A_598 = arith.constant dense<0xFF800000> : vector<20xf32>
    %reduce_max3A_599 = vector.multi_reduction <maximumf>, %select_n3A_597, %reduce_max3A_598 [1] : vector<20x10000xf32> to vector<20xf32>
    %swap3A_600 = arith.constant 25 : index
    %swap3A_601 = arith.constant 0 : index
    %swap3A_602 = vector.load %arg8[%swap3A_600, %swap3A_601] : memref<64x40xf32, #tpu.memory_space<vmem>>, vector<1x20xf32>
    %swap3A_603 = vector.shape_cast %swap3A_602 : vector<1x20xf32> to vector<20xf32>
    %swap3A_604 = vector.shape_cast %reduce_max3A_599 : vector<20xf32> to vector<1x20xf32>
    tpu.vector_store %arg8[%swap3A_600, %swap3A_601], %swap3A_604 {strides = array<i32>} : memref<64x40xf32, #tpu.memory_space<vmem>>, vector<1x20xf32>,
    %slice3A_605 = vector.extract_strided_slice %div3A_45 {offsets = [0, 25], sizes = [20, 1], strides = [1, 1]} : vector<20x64xf32> to vector<20x1xf32>
    %squeeze3A_606 = vector.shape_cast %slice3A_605 : vector<20x1xf32> to vector<20xf32>
    %swap3A_607 = arith.constant 25 : index
    %swap3A_608 = arith.constant 20 : index
    %swap3A_609 = vector.load %arg8[%swap3A_607, %swap3A_608] : memref<64x40xf32, #tpu.memory_space<vmem>>, vector<1x20xf32>
    %swap3A_610 = vector.shape_cast %swap3A_609 : vector<1x20xf32> to vector<20xf32>
    %swap3A_611 = vector.shape_cast %squeeze3A_606 : vector<20xf32> to vector<1x20xf32>
    tpu.vector_store %arg8[%swap3A_607, %swap3A_608], %swap3A_611 {strides = array<i32>} : memref<64x40xf32, #tpu.memory_space<vmem>>, vector<1x20xf32>,
    %eq3A_612 = arith.constant 26 : i32
    %eq3A_613 = vector.broadcast %eq3A_612 : i32 to vector<1x10000xi32>
    %eq3A_614 = arith.cmpi eq, %get3A_33, %eq3A_613 : vector<1x10000xi32>
    %jit3A_615 = arith.constant 0.000000e+00 : f32
    %broadcast_in_dim3A_616 = vector.shape_cast %eq3A_614 : vector<1x10000xi1> to vector<1x10000xi1>
    %broadcast_in_dim3A_617 = vector.broadcast %broadcast_in_dim3A_616 : vector<1x10000xi1> to vector<20x10000xi1>
    %broadcast_in_dim3A_618 = vector.broadcast %jit3A_615 : f32 to vector<20x10000xf32>
    %select_n3A_619 = arith.select %broadcast_in_dim3A_617, %max3A_30, %broadcast_in_dim3A_618 : vector<20x10000xi1>, vector<20x10000xf32>
    %reduce_max3A_620 = arith.constant dense<0xFF800000> : vector<20xf32>
    %reduce_max3A_621 = vector.multi_reduction <maximumf>, %select_n3A_619, %reduce_max3A_620 [1] : vector<20x10000xf32> to vector<20xf32>
    %swap3A_622 = arith.constant 26 : index
    %swap3A_623 = arith.constant 0 : index
    %swap3A_624 = vector.load %arg8[%swap3A_622, %swap3A_623] : memref<64x40xf32, #tpu.memory_space<vmem>>, vector<1x20xf32>
    %swap3A_625 = vector.shape_cast %swap3A_624 : vector<1x20xf32> to vector<20xf32>
    %swap3A_626 = vector.shape_cast %reduce_max3A_621 : vector<20xf32> to vector<1x20xf32>
    tpu.vector_store %arg8[%swap3A_622, %swap3A_623], %swap3A_626 {strides = array<i32>} : memref<64x40xf32, #tpu.memory_space<vmem>>, vector<1x20xf32>,
    %slice3A_627 = vector.extract_strided_slice %div3A_45 {offsets = [0, 26], sizes = [20, 1], strides = [1, 1]} : vector<20x64xf32> to vector<20x1xf32>
    %squeeze3A_628 = vector.shape_cast %slice3A_627 : vector<20x1xf32> to vector<20xf32>
    %swap3A_629 = arith.constant 26 : index
    %swap3A_630 = arith.constant 20 : index
    %swap3A_631 = vector.load %arg8[%swap3A_629, %swap3A_630] : memref<64x40xf32, #tpu.memory_space<vmem>>, vector<1x20xf32>
    %swap3A_632 = vector.shape_cast %swap3A_631 : vector<1x20xf32> to vector<20xf32>
    %swap3A_633 = vector.shape_cast %squeeze3A_628 : vector<20xf32> to vector<1x20xf32>
    tpu.vector_store %arg8[%swap3A_629, %swap3A_630], %swap3A_633 {strides = array<i32>} : memref<64x40xf32, #tpu.memory_space<vmem>>, vector<1x20xf32>,
    %eq3A_634 = arith.constant 27 : i32
    %eq3A_635 = vector.broadcast %eq3A_634 : i32 to vector<1x10000xi32>
    %eq3A_636 = arith.cmpi eq, %get3A_33, %eq3A_635 : vector<1x10000xi32>
    %jit3A_637 = arith.constant 0.000000e+00 : f32
    %broadcast_in_dim3A_638 = vector.shape_cast %eq3A_636 : vector<1x10000xi1> to vector<1x10000xi1>
    %broadcast_in_dim3A_639 = vector.broadcast %broadcast_in_dim3A_638 : vector<1x10000xi1> to vector<20x10000xi1>
    %broadcast_in_dim3A_640 = vector.broadcast %jit3A_637 : f32 to vector<20x10000xf32>
    %select_n3A_641 = arith.select %broadcast_in_dim3A_639, %max3A_30, %broadcast_in_dim3A_640 : vector<20x10000xi1>, vector<20x10000xf32>
    %reduce_max3A_642 = arith.constant dense<0xFF800000> : vector<20xf32>
    %reduce_max3A_643 = vector.multi_reduction <maximumf>, %select_n3A_641, %reduce_max3A_642 [1] : vector<20x10000xf32> to vector<20xf32>
    %swap3A_644 = arith.constant 27 : index
    %swap3A_645 = arith.constant 0 : index
    %swap3A_646 = vector.load %arg8[%swap3A_644, %swap3A_645] : memref<64x40xf32, #tpu.memory_space<vmem>>, vector<1x20xf32>
    %swap3A_647 = vector.shape_cast %swap3A_646 : vector<1x20xf32> to vector<20xf32>
    %swap3A_648 = vector.shape_cast %reduce_max3A_643 : vector<20xf32> to vector<1x20xf32>
    tpu.vector_store %arg8[%swap3A_644, %swap3A_645], %swap3A_648 {strides = array<i32>} : memref<64x40xf32, #tpu.memory_space<vmem>>, vector<1x20xf32>,
    %slice3A_649 = vector.extract_strided_slice %div3A_45 {offsets = [0, 27], sizes = [20, 1], strides = [1, 1]} : vector<20x64xf32> to vector<20x1xf32>
    %squeeze3A_650 = vector.shape_cast %slice3A_649 : vector<20x1xf32> to vector<20xf32>
    %swap3A_651 = arith.constant 27 : index
    %swap3A_652 = arith.constant 20 : index
    %swap3A_653 = vector.load %arg8[%swap3A_651, %swap3A_652] : memref<64x40xf32, #tpu.memory_space<vmem>>, vector<1x20xf32>
    %swap3A_654 = vector.shape_cast %swap3A_653 : vector<1x20xf32> to vector<20xf32>
    %swap3A_655 = vector.shape_cast %squeeze3A_650 : vector<20xf32> to vector<1x20xf32>
    tpu.vector_store %arg8[%swap3A_651, %swap3A_652], %swap3A_655 {strides = array<i32>} : memref<64x40xf32, #tpu.memory_space<vmem>>, vector<1x20xf32>,
    %eq3A_656 = arith.constant 28 : i32
    %eq3A_657 = vector.broadcast %eq3A_656 : i32 to vector<1x10000xi32>
    %eq3A_658 = arith.cmpi eq, %get3A_33, %eq3A_657 : vector<1x10000xi32>
    %jit3A_659 = arith.constant 0.000000e+00 : f32
    %broadcast_in_dim3A_660 = vector.shape_cast %eq3A_658 : vector<1x10000xi1> to vector<1x10000xi1>
    %broadcast_in_dim3A_661 = vector.broadcast %broadcast_in_dim3A_660 : vector<1x10000xi1> to vector<20x10000xi1>
    %broadcast_in_dim3A_662 = vector.broadcast %jit3A_659 : f32 to vector<20x10000xf32>
    %select_n3A_663 = arith.select %broadcast_in_dim3A_661, %max3A_30, %broadcast_in_dim3A_662 : vector<20x10000xi1>, vector<20x10000xf32>
    %reduce_max3A_664 = arith.constant dense<0xFF800000> : vector<20xf32>
    %reduce_max3A_665 = vector.multi_reduction <maximumf>, %select_n3A_663, %reduce_max3A_664 [1] : vector<20x10000xf32> to vector<20xf32>
    %swap3A_666 = arith.constant 28 : index
    %swap3A_667 = arith.constant 0 : index
    %swap3A_668 = vector.load %arg8[%swap3A_666, %swap3A_667] : memref<64x40xf32, #tpu.memory_space<vmem>>, vector<1x20xf32>
    %swap3A_669 = vector.shape_cast %swap3A_668 : vector<1x20xf32> to vector<20xf32>
    %swap3A_670 = vector.shape_cast %reduce_max3A_665 : vector<20xf32> to vector<1x20xf32>
    tpu.vector_store %arg8[%swap3A_666, %swap3A_667], %swap3A_670 {strides = array<i32>} : memref<64x40xf32, #tpu.memory_space<vmem>>, vector<1x20xf32>,
    %slice3A_671 = vector.extract_strided_slice %div3A_45 {offsets = [0, 28], sizes = [20, 1], strides = [1, 1]} : vector<20x64xf32> to vector<20x1xf32>
    %squeeze3A_672 = vector.shape_cast %slice3A_671 : vector<20x1xf32> to vector<20xf32>
    %swap3A_673 = arith.constant 28 : index
    %swap3A_674 = arith.constant 20 : index
    %swap3A_675 = vector.load %arg8[%swap3A_673, %swap3A_674] : memref<64x40xf32, #tpu.memory_space<vmem>>, vector<1x20xf32>
    %swap3A_676 = vector.shape_cast %swap3A_675 : vector<1x20xf32> to vector<20xf32>
    %swap3A_677 = vector.shape_cast %squeeze3A_672 : vector<20xf32> to vector<1x20xf32>
    tpu.vector_store %arg8[%swap3A_673, %swap3A_674], %swap3A_677 {strides = array<i32>} : memref<64x40xf32, #tpu.memory_space<vmem>>, vector<1x20xf32>,
    %eq3A_678 = arith.constant 29 : i32
    %eq3A_679 = vector.broadcast %eq3A_678 : i32 to vector<1x10000xi32>
    %eq3A_680 = arith.cmpi eq, %get3A_33, %eq3A_679 : vector<1x10000xi32>
    %jit3A_681 = arith.constant 0.000000e+00 : f32
    %broadcast_in_dim3A_682 = vector.shape_cast %eq3A_680 : vector<1x10000xi1> to vector<1x10000xi1>
    %broadcast_in_dim3A_683 = vector.broadcast %broadcast_in_dim3A_682 : vector<1x10000xi1> to vector<20x10000xi1>
    %broadcast_in_dim3A_684 = vector.broadcast %jit3A_681 : f32 to vector<20x10000xf32>
    %select_n3A_685 = arith.select %broadcast_in_dim3A_683, %max3A_30, %broadcast_in_dim3A_684 : vector<20x10000xi1>, vector<20x10000xf32>
    %reduce_max3A_686 = arith.constant dense<0xFF800000> : vector<20xf32>
    %reduce_max3A_687 = vector.multi_reduction <maximumf>, %select_n3A_685, %reduce_max3A_686 [1] : vector<20x10000xf32> to vector<20xf32>
    %swap3A_688 = arith.constant 29 : index
    %swap3A_689 = arith.constant 0 : index
    %swap3A_690 = vector.load %arg8[%swap3A_688, %swap3A_689] : memref<64x40xf32, #tpu.memory_space<vmem>>, vector<1x20xf32>
    %swap3A_691 = vector.shape_cast %swap3A_690 : vector<1x20xf32> to vector<20xf32>
    %swap3A_692 = vector.shape_cast %reduce_max3A_687 : vector<20xf32> to vector<1x20xf32>
    tpu.vector_store %arg8[%swap3A_688, %swap3A_689], %swap3A_692 {strides = array<i32>} : memref<64x40xf32, #tpu.memory_space<vmem>>, vector<1x20xf32>,
    %slice3A_693 = vector.extract_strided_slice %div3A_45 {offsets = [0, 29], sizes = [20, 1], strides = [1, 1]} : vector<20x64xf32> to vector<20x1xf32>
    %squeeze3A_694 = vector.shape_cast %slice3A_693 : vector<20x1xf32> to vector<20xf32>
    %swap3A_695 = arith.constant 29 : index
    %swap3A_696 = arith.constant 20 : index
    %swap3A_697 = vector.load %arg8[%swap3A_695, %swap3A_696] : memref<64x40xf32, #tpu.memory_space<vmem>>, vector<1x20xf32>
    %swap3A_698 = vector.shape_cast %swap3A_697 : vector<1x20xf32> to vector<20xf32>
    %swap3A_699 = vector.shape_cast %squeeze3A_694 : vector<20xf32> to vector<1x20xf32>
    tpu.vector_store %arg8[%swap3A_695, %swap3A_696], %swap3A_699 {strides = array<i32>} : memref<64x40xf32, #tpu.memory_space<vmem>>, vector<1x20xf32>,
    %eq3A_700 = arith.constant 30 : i32
    %eq3A_701 = vector.broadcast %eq3A_700 : i32 to vector<1x10000xi32>
    %eq3A_702 = arith.cmpi eq, %get3A_33, %eq3A_701 : vector<1x10000xi32>
    %jit3A_703 = arith.constant 0.000000e+00 : f32
    %broadcast_in_dim3A_704 = vector.shape_cast %eq3A_702 : vector<1x10000xi1> to vector<1x10000xi1>
    %broadcast_in_dim3A_705 = vector.broadcast %broadcast_in_dim3A_704 : vector<1x10000xi1> to vector<20x10000xi1>
    %broadcast_in_dim3A_706 = vector.broadcast %jit3A_703 : f32 to vector<20x10000xf32>
    %select_n3A_707 = arith.select %broadcast_in_dim3A_705, %max3A_30, %broadcast_in_dim3A_706 : vector<20x10000xi1>, vector<20x10000xf32>
    %reduce_max3A_708 = arith.constant dense<0xFF800000> : vector<20xf32>
    %reduce_max3A_709 = vector.multi_reduction <maximumf>, %select_n3A_707, %reduce_max3A_708 [1] : vector<20x10000xf32> to vector<20xf32>
    %swap3A_710 = arith.constant 30 : index
    %swap3A_711 = arith.constant 0 : index
    %swap3A_712 = vector.load %arg8[%swap3A_710, %swap3A_711] : memref<64x40xf32, #tpu.memory_space<vmem>>, vector<1x20xf32>
    %swap3A_713 = vector.shape_cast %swap3A_712 : vector<1x20xf32> to vector<20xf32>
    %swap3A_714 = vector.shape_cast %reduce_max3A_709 : vector<20xf32> to vector<1x20xf32>
    tpu.vector_store %arg8[%swap3A_710, %swap3A_711], %swap3A_714 {strides = array<i32>} : memref<64x40xf32, #tpu.memory_space<vmem>>, vector<1x20xf32>,
    %slice3A_715 = vector.extract_strided_slice %div3A_45 {offsets = [0, 30], sizes = [20, 1], strides = [1, 1]} : vector<20x64xf32> to vector<20x1xf32>
    %squeeze3A_716 = vector.shape_cast %slice3A_715 : vector<20x1xf32> to vector<20xf32>
    %swap3A_717 = arith.constant 30 : index
    %swap3A_718 = arith.constant 20 : index
    %swap3A_719 = vector.load %arg8[%swap3A_717, %swap3A_718] : memref<64x40xf32, #tpu.memory_space<vmem>>, vector<1x20xf32>
    %swap3A_720 = vector.shape_cast %swap3A_719 : vector<1x20xf32> to vector<20xf32>
    %swap3A_721 = vector.shape_cast %squeeze3A_716 : vector<20xf32> to vector<1x20xf32>
    tpu.vector_store %arg8[%swap3A_717, %swap3A_718], %swap3A_721 {strides = array<i32>} : memref<64x40xf32, #tpu.memory_space<vmem>>, vector<1x20xf32>,
    %eq3A_722 = arith.constant 31 : i32
    %eq3A_723 = vector.broadcast %eq3A_722 : i32 to vector<1x10000xi32>
    %eq3A_724 = arith.cmpi eq, %get3A_33, %eq3A_723 : vector<1x10000xi32>
    %jit3A_725 = arith.constant 0.000000e+00 : f32
    %broadcast_in_dim3A_726 = vector.shape_cast %eq3A_724 : vector<1x10000xi1> to vector<1x10000xi1>
    %broadcast_in_dim3A_727 = vector.broadcast %broadcast_in_dim3A_726 : vector<1x10000xi1> to vector<20x10000xi1>
    %broadcast_in_dim3A_728 = vector.broadcast %jit3A_725 : f32 to vector<20x10000xf32>
    %select_n3A_729 = arith.select %broadcast_in_dim3A_727, %max3A_30, %broadcast_in_dim3A_728 : vector<20x10000xi1>, vector<20x10000xf32>
    %reduce_max3A_730 = arith.constant dense<0xFF800000> : vector<20xf32>
    %reduce_max3A_731 = vector.multi_reduction <maximumf>, %select_n3A_729, %reduce_max3A_730 [1] : vector<20x10000xf32> to vector<20xf32>
    %swap3A_732 = arith.constant 31 : index
    %swap3A_733 = arith.constant 0 : index
    %swap3A_734 = vector.load %arg8[%swap3A_732, %swap3A_733] : memref<64x40xf32, #tpu.memory_space<vmem>>, vector<1x20xf32>
    %swap3A_735 = vector.shape_cast %swap3A_734 : vector<1x20xf32> to vector<20xf32>
    %swap3A_736 = vector.shape_cast %reduce_max3A_731 : vector<20xf32> to vector<1x20xf32>
    tpu.vector_store %arg8[%swap3A_732, %swap3A_733], %swap3A_736 {strides = array<i32>} : memref<64x40xf32, #tpu.memory_space<vmem>>, vector<1x20xf32>,
    %slice3A_737 = vector.extract_strided_slice %div3A_45 {offsets = [0, 31], sizes = [20, 1], strides = [1, 1]} : vector<20x64xf32> to vector<20x1xf32>
    %squeeze3A_738 = vector.shape_cast %slice3A_737 : vector<20x1xf32> to vector<20xf32>
    %swap3A_739 = arith.constant 31 : index
    %swap3A_740 = arith.constant 20 : index
    %swap3A_741 = vector.load %arg8[%swap3A_739, %swap3A_740] : memref<64x40xf32, #tpu.memory_space<vmem>>, vector<1x20xf32>
    %swap3A_742 = vector.shape_cast %swap3A_741 : vector<1x20xf32> to vector<20xf32>
    %swap3A_743 = vector.shape_cast %squeeze3A_738 : vector<20xf32> to vector<1x20xf32>
    tpu.vector_store %arg8[%swap3A_739, %swap3A_740], %swap3A_743 {strides = array<i32>} : memref<64x40xf32, #tpu.memory_space<vmem>>, vector<1x20xf32>,
    %eq3A_744 = arith.constant 32 : i32
    %eq3A_745 = vector.broadcast %eq3A_744 : i32 to vector<1x10000xi32>
    %eq3A_746 = arith.cmpi eq, %get3A_33, %eq3A_745 : vector<1x10000xi32>
    %jit3A_747 = arith.constant 0.000000e+00 : f32
    %broadcast_in_dim3A_748 = vector.shape_cast %eq3A_746 : vector<1x10000xi1> to vector<1x10000xi1>
    %broadcast_in_dim3A_749 = vector.broadcast %broadcast_in_dim3A_748 : vector<1x10000xi1> to vector<20x10000xi1>
    %broadcast_in_dim3A_750 = vector.broadcast %jit3A_747 : f32 to vector<20x10000xf32>
    %select_n3A_751 = arith.select %broadcast_in_dim3A_749, %max3A_30, %broadcast_in_dim3A_750 : vector<20x10000xi1>, vector<20x10000xf32>
    %reduce_max3A_752 = arith.constant dense<0xFF800000> : vector<20xf32>
    %reduce_max3A_753 = vector.multi_reduction <maximumf>, %select_n3A_751, %reduce_max3A_752 [1] : vector<20x10000xf32> to vector<20xf32>
    %swap3A_754 = arith.constant 32 : index
    %swap3A_755 = arith.constant 0 : index
    %swap3A_756 = vector.load %arg8[%swap3A_754, %swap3A_755] : memref<64x40xf32, #tpu.memory_space<vmem>>, vector<1x20xf32>
    %swap3A_757 = vector.shape_cast %swap3A_756 : vector<1x20xf32> to vector<20xf32>
    %swap3A_758 = vector.shape_cast %reduce_max3A_753 : vector<20xf32> to vector<1x20xf32>
    tpu.vector_store %arg8[%swap3A_754, %swap3A_755], %swap3A_758 {strides = array<i32>} : memref<64x40xf32, #tpu.memory_space<vmem>>, vector<1x20xf32>,
    %slice3A_759 = vector.extract_strided_slice %div3A_45 {offsets = [0, 32], sizes = [20, 1], strides = [1, 1]} : vector<20x64xf32> to vector<20x1xf32>
    %squeeze3A_760 = vector.shape_cast %slice3A_759 : vector<20x1xf32> to vector<20xf32>
    %swap3A_761 = arith.constant 32 : index
    %swap3A_762 = arith.constant 20 : index
    %swap3A_763 = vector.load %arg8[%swap3A_761, %swap3A_762] : memref<64x40xf32, #tpu.memory_space<vmem>>, vector<1x20xf32>
    %swap3A_764 = vector.shape_cast %swap3A_763 : vector<1x20xf32> to vector<20xf32>
    %swap3A_765 = vector.shape_cast %squeeze3A_760 : vector<20xf32> to vector<1x20xf32>
    tpu.vector_store %arg8[%swap3A_761, %swap3A_762], %swap3A_765 {strides = array<i32>} : memref<64x40xf32, #tpu.memory_space<vmem>>, vector<1x20xf32>,
    %eq3A_766 = arith.constant 33 : i32
    %eq3A_767 = vector.broadcast %eq3A_766 : i32 to vector<1x10000xi32>
    %eq3A_768 = arith.cmpi eq, %get3A_33, %eq3A_767 : vector<1x10000xi32>
    %jit3A_769 = arith.constant 0.000000e+00 : f32
    %broadcast_in_dim3A_770 = vector.shape_cast %eq3A_768 : vector<1x10000xi1> to vector<1x10000xi1>
    %broadcast_in_dim3A_771 = vector.broadcast %broadcast_in_dim3A_770 : vector<1x10000xi1> to vector<20x10000xi1>
    %broadcast_in_dim3A_772 = vector.broadcast %jit3A_769 : f32 to vector<20x10000xf32>
    %select_n3A_773 = arith.select %broadcast_in_dim3A_771, %max3A_30, %broadcast_in_dim3A_772 : vector<20x10000xi1>, vector<20x10000xf32>
    %reduce_max3A_774 = arith.constant dense<0xFF800000> : vector<20xf32>
    %reduce_max3A_775 = vector.multi_reduction <maximumf>, %select_n3A_773, %reduce_max3A_774 [1] : vector<20x10000xf32> to vector<20xf32>
    %swap3A_776 = arith.constant 33 : index
    %swap3A_777 = arith.constant 0 : index
    %swap3A_778 = vector.load %arg8[%swap3A_776, %swap3A_777] : memref<64x40xf32, #tpu.memory_space<vmem>>, vector<1x20xf32>
    %swap3A_779 = vector.shape_cast %swap3A_778 : vector<1x20xf32> to vector<20xf32>
    %swap3A_780 = vector.shape_cast %reduce_max3A_775 : vector<20xf32> to vector<1x20xf32>
    tpu.vector_store %arg8[%swap3A_776, %swap3A_777], %swap3A_780 {strides = array<i32>} : memref<64x40xf32, #tpu.memory_space<vmem>>, vector<1x20xf32>,
    %slice3A_781 = vector.extract_strided_slice %div3A_45 {offsets = [0, 33], sizes = [20, 1], strides = [1, 1]} : vector<20x64xf32> to vector<20x1xf32>
    %squeeze3A_782 = vector.shape_cast %slice3A_781 : vector<20x1xf32> to vector<20xf32>
    %swap3A_783 = arith.constant 33 : index
    %swap3A_784 = arith.constant 20 : index
    %swap3A_785 = vector.load %arg8[%swap3A_783, %swap3A_784] : memref<64x40xf32, #tpu.memory_space<vmem>>, vector<1x20xf32>
    %swap3A_786 = vector.shape_cast %swap3A_785 : vector<1x20xf32> to vector<20xf32>
    %swap3A_787 = vector.shape_cast %squeeze3A_782 : vector<20xf32> to vector<1x20xf32>
    tpu.vector_store %arg8[%swap3A_783, %swap3A_784], %swap3A_787 {strides = array<i32>} : memref<64x40xf32, #tpu.memory_space<vmem>>, vector<1x20xf32>,
    %eq3A_788 = arith.constant 34 : i32
    %eq3A_789 = vector.broadcast %eq3A_788 : i32 to vector<1x10000xi32>
    %eq3A_790 = arith.cmpi eq, %get3A_33, %eq3A_789 : vector<1x10000xi32>
    %jit3A_791 = arith.constant 0.000000e+00 : f32
    %broadcast_in_dim3A_792 = vector.shape_cast %eq3A_790 : vector<1x10000xi1> to vector<1x10000xi1>
    %broadcast_in_dim3A_793 = vector.broadcast %broadcast_in_dim3A_792 : vector<1x10000xi1> to vector<20x10000xi1>
    %broadcast_in_dim3A_794 = vector.broadcast %jit3A_791 : f32 to vector<20x10000xf32>
    %select_n3A_795 = arith.select %broadcast_in_dim3A_793, %max3A_30, %broadcast_in_dim3A_794 : vector<20x10000xi1>, vector<20x10000xf32>
    %reduce_max3A_796 = arith.constant dense<0xFF800000> : vector<20xf32>
    %reduce_max3A_797 = vector.multi_reduction <maximumf>, %select_n3A_795, %reduce_max3A_796 [1] : vector<20x10000xf32> to vector<20xf32>
    %swap3A_798 = arith.constant 34 : index
    %swap3A_799 = arith.constant 0 : index
    %swap3A_800 = vector.load %arg8[%swap3A_798, %swap3A_799] : memref<64x40xf32, #tpu.memory_space<vmem>>, vector<1x20xf32>
    %swap3A_801 = vector.shape_cast %swap3A_800 : vector<1x20xf32> to vector<20xf32>
    %swap3A_802 = vector.shape_cast %reduce_max3A_797 : vector<20xf32> to vector<1x20xf32>
    tpu.vector_store %arg8[%swap3A_798, %swap3A_799], %swap3A_802 {strides = array<i32>} : memref<64x40xf32, #tpu.memory_space<vmem>>, vector<1x20xf32>,
    %slice3A_803 = vector.extract_strided_slice %div3A_45 {offsets = [0, 34], sizes = [20, 1], strides = [1, 1]} : vector<20x64xf32> to vector<20x1xf32>
    %squeeze3A_804 = vector.shape_cast %slice3A_803 : vector<20x1xf32> to vector<20xf32>
    %swap3A_805 = arith.constant 34 : index
    %swap3A_806 = arith.constant 20 : index
    %swap3A_807 = vector.load %arg8[%swap3A_805, %swap3A_806] : memref<64x40xf32, #tpu.memory_space<vmem>>, vector<1x20xf32>
    %swap3A_808 = vector.shape_cast %swap3A_807 : vector<1x20xf32> to vector<20xf32>
    %swap3A_809 = vector.shape_cast %squeeze3A_804 : vector<20xf32> to vector<1x20xf32>
    tpu.vector_store %arg8[%swap3A_805, %swap3A_806], %swap3A_809 {strides = array<i32>} : memref<64x40xf32, #tpu.memory_space<vmem>>, vector<1x20xf32>,
    %eq3A_810 = arith.constant 35 : i32
    %eq3A_811 = vector.broadcast %eq3A_810 : i32 to vector<1x10000xi32>
    %eq3A_812 = arith.cmpi eq, %get3A_33, %eq3A_811 : vector<1x10000xi32>
    %jit3A_813 = arith.constant 0.000000e+00 : f32
    %broadcast_in_dim3A_814 = vector.shape_cast %eq3A_812 : vector<1x10000xi1> to vector<1x10000xi1>
    %broadcast_in_dim3A_815 = vector.broadcast %broadcast_in_dim3A_814 : vector<1x10000xi1> to vector<20x10000xi1>
    %broadcast_in_dim3A_816 = vector.broadcast %jit3A_813 : f32 to vector<20x10000xf32>
    %select_n3A_817 = arith.select %broadcast_in_dim3A_815, %max3A_30, %broadcast_in_dim3A_816 : vector<20x10000xi1>, vector<20x10000xf32>
    %reduce_max3A_818 = arith.constant dense<0xFF800000> : vector<20xf32>
    %reduce_max3A_819 = vector.multi_reduction <maximumf>, %select_n3A_817, %reduce_max3A_818 [1] : vector<20x10000xf32> to vector<20xf32>
    %swap3A_820 = arith.constant 35 : index
    %swap3A_821 = arith.constant 0 : index
    %swap3A_822 = vector.load %arg8[%swap3A_820, %swap3A_821] : memref<64x40xf32, #tpu.memory_space<vmem>>, vector<1x20xf32>
    %swap3A_823 = vector.shape_cast %swap3A_822 : vector<1x20xf32> to vector<20xf32>
    %swap3A_824 = vector.shape_cast %reduce_max3A_819 : vector<20xf32> to vector<1x20xf32>
    tpu.vector_store %arg8[%swap3A_820, %swap3A_821], %swap3A_824 {strides = array<i32>} : memref<64x40xf32, #tpu.memory_space<vmem>>, vector<1x20xf32>,
    %slice3A_825 = vector.extract_strided_slice %div3A_45 {offsets = [0, 35], sizes = [20, 1], strides = [1, 1]} : vector<20x64xf32> to vector<20x1xf32>
    %squeeze3A_826 = vector.shape_cast %slice3A_825 : vector<20x1xf32> to vector<20xf32>
    %swap3A_827 = arith.constant 35 : index
    %swap3A_828 = arith.constant 20 : index
    %swap3A_829 = vector.load %arg8[%swap3A_827, %swap3A_828] : memref<64x40xf32, #tpu.memory_space<vmem>>, vector<1x20xf32>
    %swap3A_830 = vector.shape_cast %swap3A_829 : vector<1x20xf32> to vector<20xf32>
    %swap3A_831 = vector.shape_cast %squeeze3A_826 : vector<20xf32> to vector<1x20xf32>
    tpu.vector_store %arg8[%swap3A_827, %swap3A_828], %swap3A_831 {strides = array<i32>} : memref<64x40xf32, #tpu.memory_space<vmem>>, vector<1x20xf32>,
    %eq3A_832 = arith.constant 36 : i32
    %eq3A_833 = vector.broadcast %eq3A_832 : i32 to vector<1x10000xi32>
    %eq3A_834 = arith.cmpi eq, %get3A_33, %eq3A_833 : vector<1x10000xi32>
    %jit3A_835 = arith.constant 0.000000e+00 : f32
    %broadcast_in_dim3A_836 = vector.shape_cast %eq3A_834 : vector<1x10000xi1> to vector<1x10000xi1>
    %broadcast_in_dim3A_837 = vector.broadcast %broadcast_in_dim3A_836 : vector<1x10000xi1> to vector<20x10000xi1>
    %broadcast_in_dim3A_838 = vector.broadcast %jit3A_835 : f32 to vector<20x10000xf32>
    %select_n3A_839 = arith.select %broadcast_in_dim3A_837, %max3A_30, %broadcast_in_dim3A_838 : vector<20x10000xi1>, vector<20x10000xf32>
    %reduce_max3A_840 = arith.constant dense<0xFF800000> : vector<20xf32>
    %reduce_max3A_841 = vector.multi_reduction <maximumf>, %select_n3A_839, %reduce_max3A_840 [1] : vector<20x10000xf32> to vector<20xf32>
    %swap3A_842 = arith.constant 36 : index
    %swap3A_843 = arith.constant 0 : index
    %swap3A_844 = vector.load %arg8[%swap3A_842, %swap3A_843] : memref<64x40xf32, #tpu.memory_space<vmem>>, vector<1x20xf32>
    %swap3A_845 = vector.shape_cast %swap3A_844 : vector<1x20xf32> to vector<20xf32>
    %swap3A_846 = vector.shape_cast %reduce_max3A_841 : vector<20xf32> to vector<1x20xf32>
    tpu.vector_store %arg8[%swap3A_842, %swap3A_843], %swap3A_846 {strides = array<i32>} : memref<64x40xf32, #tpu.memory_space<vmem>>, vector<1x20xf32>,
    %slice3A_847 = vector.extract_strided_slice %div3A_45 {offsets = [0, 36], sizes = [20, 1], strides = [1, 1]} : vector<20x64xf32> to vector<20x1xf32>
    %squeeze3A_848 = vector.shape_cast %slice3A_847 : vector<20x1xf32> to vector<20xf32>
    %swap3A_849 = arith.constant 36 : index
    %swap3A_850 = arith.constant 20 : index
    %swap3A_851 = vector.load %arg8[%swap3A_849, %swap3A_850] : memref<64x40xf32, #tpu.memory_space<vmem>>, vector<1x20xf32>
    %swap3A_852 = vector.shape_cast %swap3A_851 : vector<1x20xf32> to vector<20xf32>
    %swap3A_853 = vector.shape_cast %squeeze3A_848 : vector<20xf32> to vector<1x20xf32>
    tpu.vector_store %arg8[%swap3A_849, %swap3A_850], %swap3A_853 {strides = array<i32>} : memref<64x40xf32, #tpu.memory_space<vmem>>, vector<1x20xf32>,
    %eq3A_854 = arith.constant 37 : i32
    %eq3A_855 = vector.broadcast %eq3A_854 : i32 to vector<1x10000xi32>
    %eq3A_856 = arith.cmpi eq, %get3A_33, %eq3A_855 : vector<1x10000xi32>
    %jit3A_857 = arith.constant 0.000000e+00 : f32
    %broadcast_in_dim3A_858 = vector.shape_cast %eq3A_856 : vector<1x10000xi1> to vector<1x10000xi1>
    %broadcast_in_dim3A_859 = vector.broadcast %broadcast_in_dim3A_858 : vector<1x10000xi1> to vector<20x10000xi1>
    %broadcast_in_dim3A_860 = vector.broadcast %jit3A_857 : f32 to vector<20x10000xf32>
    %select_n3A_861 = arith.select %broadcast_in_dim3A_859, %max3A_30, %broadcast_in_dim3A_860 : vector<20x10000xi1>, vector<20x10000xf32>
    %reduce_max3A_862 = arith.constant dense<0xFF800000> : vector<20xf32>
    %reduce_max3A_863 = vector.multi_reduction <maximumf>, %select_n3A_861, %reduce_max3A_862 [1] : vector<20x10000xf32> to vector<20xf32>
    %swap3A_864 = arith.constant 37 : index
    %swap3A_865 = arith.constant 0 : index
    %swap3A_866 = vector.load %arg8[%swap3A_864, %swap3A_865] : memref<64x40xf32, #tpu.memory_space<vmem>>, vector<1x20xf32>
    %swap3A_867 = vector.shape_cast %swap3A_866 : vector<1x20xf32> to vector<20xf32>
    %swap3A_868 = vector.shape_cast %reduce_max3A_863 : vector<20xf32> to vector<1x20xf32>
    tpu.vector_store %arg8[%swap3A_864, %swap3A_865], %swap3A_868 {strides = array<i32>} : memref<64x40xf32, #tpu.memory_space<vmem>>, vector<1x20xf32>,
    %slice3A_869 = vector.extract_strided_slice %div3A_45 {offsets = [0, 37], sizes = [20, 1], strides = [1, 1]} : vector<20x64xf32> to vector<20x1xf32>
    %squeeze3A_870 = vector.shape_cast %slice3A_869 : vector<20x1xf32> to vector<20xf32>
    %swap3A_871 = arith.constant 37 : index
    %swap3A_872 = arith.constant 20 : index
    %swap3A_873 = vector.load %arg8[%swap3A_871, %swap3A_872] : memref<64x40xf32, #tpu.memory_space<vmem>>, vector<1x20xf32>
    %swap3A_874 = vector.shape_cast %swap3A_873 : vector<1x20xf32> to vector<20xf32>
    %swap3A_875 = vector.shape_cast %squeeze3A_870 : vector<20xf32> to vector<1x20xf32>
    tpu.vector_store %arg8[%swap3A_871, %swap3A_872], %swap3A_875 {strides = array<i32>} : memref<64x40xf32, #tpu.memory_space<vmem>>, vector<1x20xf32>,
    %eq3A_876 = arith.constant 38 : i32
    %eq3A_877 = vector.broadcast %eq3A_876 : i32 to vector<1x10000xi32>
    %eq3A_878 = arith.cmpi eq, %get3A_33, %eq3A_877 : vector<1x10000xi32>
    %jit3A_879 = arith.constant 0.000000e+00 : f32
    %broadcast_in_dim3A_880 = vector.shape_cast %eq3A_878 : vector<1x10000xi1> to vector<1x10000xi1>
    %broadcast_in_dim3A_881 = vector.broadcast %broadcast_in_dim3A_880 : vector<1x10000xi1> to vector<20x10000xi1>
    %broadcast_in_dim3A_882 = vector.broadcast %jit3A_879 : f32 to vector<20x10000xf32>
    %select_n3A_883 = arith.select %broadcast_in_dim3A_881, %max3A_30, %broadcast_in_dim3A_882 : vector<20x10000xi1>, vector<20x10000xf32>
    %reduce_max3A_884 = arith.constant dense<0xFF800000> : vector<20xf32>
    %reduce_max3A_885 = vector.multi_reduction <maximumf>, %select_n3A_883, %reduce_max3A_884 [1] : vector<20x10000xf32> to vector<20xf32>
    %swap3A_886 = arith.constant 38 : index
    %swap3A_887 = arith.constant 0 : index
    %swap3A_888 = vector.load %arg8[%swap3A_886, %swap3A_887] : memref<64x40xf32, #tpu.memory_space<vmem>>, vector<1x20xf32>
    %swap3A_889 = vector.shape_cast %swap3A_888 : vector<1x20xf32> to vector<20xf32>
    %swap3A_890 = vector.shape_cast %reduce_max3A_885 : vector<20xf32> to vector<1x20xf32>
    tpu.vector_store %arg8[%swap3A_886, %swap3A_887], %swap3A_890 {strides = array<i32>} : memref<64x40xf32, #tpu.memory_space<vmem>>, vector<1x20xf32>,
    %slice3A_891 = vector.extract_strided_slice %div3A_45 {offsets = [0, 38], sizes = [20, 1], strides = [1, 1]} : vector<20x64xf32> to vector<20x1xf32>
    %squeeze3A_892 = vector.shape_cast %slice3A_891 : vector<20x1xf32> to vector<20xf32>
    %swap3A_893 = arith.constant 38 : index
    %swap3A_894 = arith.constant 20 : index
    %swap3A_895 = vector.load %arg8[%swap3A_893, %swap3A_894] : memref<64x40xf32, #tpu.memory_space<vmem>>, vector<1x20xf32>
    %swap3A_896 = vector.shape_cast %swap3A_895 : vector<1x20xf32> to vector<20xf32>
    %swap3A_897 = vector.shape_cast %squeeze3A_892 : vector<20xf32> to vector<1x20xf32>
    tpu.vector_store %arg8[%swap3A_893, %swap3A_894], %swap3A_897 {strides = array<i32>} : memref<64x40xf32, #tpu.memory_space<vmem>>, vector<1x20xf32>,
    %eq3A_898 = arith.constant 39 : i32
    %eq3A_899 = vector.broadcast %eq3A_898 : i32 to vector<1x10000xi32>
    %eq3A_900 = arith.cmpi eq, %get3A_33, %eq3A_899 : vector<1x10000xi32>
    %jit3A_901 = arith.constant 0.000000e+00 : f32
    %broadcast_in_dim3A_902 = vector.shape_cast %eq3A_900 : vector<1x10000xi1> to vector<1x10000xi1>
    %broadcast_in_dim3A_903 = vector.broadcast %broadcast_in_dim3A_902 : vector<1x10000xi1> to vector<20x10000xi1>
    %broadcast_in_dim3A_904 = vector.broadcast %jit3A_901 : f32 to vector<20x10000xf32>
    %select_n3A_905 = arith.select %broadcast_in_dim3A_903, %max3A_30, %broadcast_in_dim3A_904 : vector<20x10000xi1>, vector<20x10000xf32>
    %reduce_max3A_906 = arith.constant dense<0xFF800000> : vector<20xf32>
    %reduce_max3A_907 = vector.multi_reduction <maximumf>, %select_n3A_905, %reduce_max3A_906 [1] : vector<20x10000xf32> to vector<20xf32>
    %swap3A_908 = arith.constant 39 : index
    %swap3A_909 = arith.constant 0 : index
    %swap3A_910 = vector.load %arg8[%swap3A_908, %swap3A_909] : memref<64x40xf32, #tpu.memory_space<vmem>>, vector<1x20xf32>
    %swap3A_911 = vector.shape_cast %swap3A_910 : vector<1x20xf32> to vector<20xf32>
    %swap3A_912 = vector.shape_cast %reduce_max3A_907 : vector<20xf32> to vector<1x20xf32>
    tpu.vector_store %arg8[%swap3A_908, %swap3A_909], %swap3A_912 {strides = array<i32>} : memref<64x40xf32, #tpu.memory_space<vmem>>, vector<1x20xf32>,
    %slice3A_913 = vector.extract_strided_slice %div3A_45 {offsets = [0, 39], sizes = [20, 1], strides = [1, 1]} : vector<20x64xf32> to vector<20x1xf32>
    %squeeze3A_914 = vector.shape_cast %slice3A_913 : vector<20x1xf32> to vector<20xf32>
    %swap3A_915 = arith.constant 39 : index
    %swap3A_916 = arith.constant 20 : index
    %swap3A_917 = vector.load %arg8[%swap3A_915, %swap3A_916] : memref<64x40xf32, #tpu.memory_space<vmem>>, vector<1x20xf32>
    %swap3A_918 = vector.shape_cast %swap3A_917 : vector<1x20xf32> to vector<20xf32>
    %swap3A_919 = vector.shape_cast %squeeze3A_914 : vector<20xf32> to vector<1x20xf32>
    tpu.vector_store %arg8[%swap3A_915, %swap3A_916], %swap3A_919 {strides = array<i32>} : memref<64x40xf32, #tpu.memory_space<vmem>>, vector<1x20xf32>,
    %eq3A_920 = arith.constant 40 : i32
    %eq3A_921 = vector.broadcast %eq3A_920 : i32 to vector<1x10000xi32>
    %eq3A_922 = arith.cmpi eq, %get3A_33, %eq3A_921 : vector<1x10000xi32>
    %jit3A_923 = arith.constant 0.000000e+00 : f32
    %broadcast_in_dim3A_924 = vector.shape_cast %eq3A_922 : vector<1x10000xi1> to vector<1x10000xi1>
    %broadcast_in_dim3A_925 = vector.broadcast %broadcast_in_dim3A_924 : vector<1x10000xi1> to vector<20x10000xi1>
    %broadcast_in_dim3A_926 = vector.broadcast %jit3A_923 : f32 to vector<20x10000xf32>
    %select_n3A_927 = arith.select %broadcast_in_dim3A_925, %max3A_30, %broadcast_in_dim3A_926 : vector<20x10000xi1>, vector<20x10000xf32>
    %reduce_max3A_928 = arith.constant dense<0xFF800000> : vector<20xf32>
    %reduce_max3A_929 = vector.multi_reduction <maximumf>, %select_n3A_927, %reduce_max3A_928 [1] : vector<20x10000xf32> to vector<20xf32>
    %swap3A_930 = arith.constant 40 : index
    %swap3A_931 = arith.constant 0 : index
    %swap3A_932 = vector.load %arg8[%swap3A_930, %swap3A_931] : memref<64x40xf32, #tpu.memory_space<vmem>>, vector<1x20xf32>
    %swap3A_933 = vector.shape_cast %swap3A_932 : vector<1x20xf32> to vector<20xf32>
    %swap3A_934 = vector.shape_cast %reduce_max3A_929 : vector<20xf32> to vector<1x20xf32>
    tpu.vector_store %arg8[%swap3A_930, %swap3A_931], %swap3A_934 {strides = array<i32>} : memref<64x40xf32, #tpu.memory_space<vmem>>, vector<1x20xf32>,
    %slice3A_935 = vector.extract_strided_slice %div3A_45 {offsets = [0, 40], sizes = [20, 1], strides = [1, 1]} : vector<20x64xf32> to vector<20x1xf32>
    %squeeze3A_936 = vector.shape_cast %slice3A_935 : vector<20x1xf32> to vector<20xf32>
    %swap3A_937 = arith.constant 40 : index
    %swap3A_938 = arith.constant 20 : index
    %swap3A_939 = vector.load %arg8[%swap3A_937, %swap3A_938] : memref<64x40xf32, #tpu.memory_space<vmem>>, vector<1x20xf32>
    %swap3A_940 = vector.shape_cast %swap3A_939 : vector<1x20xf32> to vector<20xf32>
    %swap3A_941 = vector.shape_cast %squeeze3A_936 : vector<20xf32> to vector<1x20xf32>
    tpu.vector_store %arg8[%swap3A_937, %swap3A_938], %swap3A_941 {strides = array<i32>} : memref<64x40xf32, #tpu.memory_space<vmem>>, vector<1x20xf32>,
    %eq3A_942 = arith.constant 41 : i32
    %eq3A_943 = vector.broadcast %eq3A_942 : i32 to vector<1x10000xi32>
    %eq3A_944 = arith.cmpi eq, %get3A_33, %eq3A_943 : vector<1x10000xi32>
    %jit3A_945 = arith.constant 0.000000e+00 : f32
    %broadcast_in_dim3A_946 = vector.shape_cast %eq3A_944 : vector<1x10000xi1> to vector<1x10000xi1>
    %broadcast_in_dim3A_947 = vector.broadcast %broadcast_in_dim3A_946 : vector<1x10000xi1> to vector<20x10000xi1>
    %broadcast_in_dim3A_948 = vector.broadcast %jit3A_945 : f32 to vector<20x10000xf32>
    %select_n3A_949 = arith.select %broadcast_in_dim3A_947, %max3A_30, %broadcast_in_dim3A_948 : vector<20x10000xi1>, vector<20x10000xf32>
    %reduce_max3A_950 = arith.constant dense<0xFF800000> : vector<20xf32>
    %reduce_max3A_951 = vector.multi_reduction <maximumf>, %select_n3A_949, %reduce_max3A_950 [1] : vector<20x10000xf32> to vector<20xf32>
    %swap3A_952 = arith.constant 41 : index
    %swap3A_953 = arith.constant 0 : index
    %swap3A_954 = vector.load %arg8[%swap3A_952, %swap3A_953] : memref<64x40xf32, #tpu.memory_space<vmem>>, vector<1x20xf32>
    %swap3A_955 = vector.shape_cast %swap3A_954 : vector<1x20xf32> to vector<20xf32>
    %swap3A_956 = vector.shape_cast %reduce_max3A_951 : vector<20xf32> to vector<1x20xf32>
    tpu.vector_store %arg8[%swap3A_952, %swap3A_953], %swap3A_956 {strides = array<i32>} : memref<64x40xf32, #tpu.memory_space<vmem>>, vector<1x20xf32>,
    %slice3A_957 = vector.extract_strided_slice %div3A_45 {offsets = [0, 41], sizes = [20, 1], strides = [1, 1]} : vector<20x64xf32> to vector<20x1xf32>
    %squeeze3A_958 = vector.shape_cast %slice3A_957 : vector<20x1xf32> to vector<20xf32>
    %swap3A_959 = arith.constant 41 : index
    %swap3A_960 = arith.constant 20 : index
    %swap3A_961 = vector.load %arg8[%swap3A_959, %swap3A_960] : memref<64x40xf32, #tpu.memory_space<vmem>>, vector<1x20xf32>
    %swap3A_962 = vector.shape_cast %swap3A_961 : vector<1x20xf32> to vector<20xf32>
    %swap3A_963 = vector.shape_cast %squeeze3A_958 : vector<20xf32> to vector<1x20xf32>
    tpu.vector_store %arg8[%swap3A_959, %swap3A_960], %swap3A_963 {strides = array<i32>} : memref<64x40xf32, #tpu.memory_space<vmem>>, vector<1x20xf32>,
    %eq3A_964 = arith.constant 42 : i32
    %eq3A_965 = vector.broadcast %eq3A_964 : i32 to vector<1x10000xi32>
    %eq3A_966 = arith.cmpi eq, %get3A_33, %eq3A_965 : vector<1x10000xi32>
    %jit3A_967 = arith.constant 0.000000e+00 : f32
    %broadcast_in_dim3A_968 = vector.shape_cast %eq3A_966 : vector<1x10000xi1> to vector<1x10000xi1>
    %broadcast_in_dim3A_969 = vector.broadcast %broadcast_in_dim3A_968 : vector<1x10000xi1> to vector<20x10000xi1>
    %broadcast_in_dim3A_970 = vector.broadcast %jit3A_967 : f32 to vector<20x10000xf32>
    %select_n3A_971 = arith.select %broadcast_in_dim3A_969, %max3A_30, %broadcast_in_dim3A_970 : vector<20x10000xi1>, vector<20x10000xf32>
    %reduce_max3A_972 = arith.constant dense<0xFF800000> : vector<20xf32>
    %reduce_max3A_973 = vector.multi_reduction <maximumf>, %select_n3A_971, %reduce_max3A_972 [1] : vector<20x10000xf32> to vector<20xf32>
    %swap3A_974 = arith.constant 42 : index
    %swap3A_975 = arith.constant 0 : index
    %swap3A_976 = vector.load %arg8[%swap3A_974, %swap3A_975] : memref<64x40xf32, #tpu.memory_space<vmem>>, vector<1x20xf32>
    %swap3A_977 = vector.shape_cast %swap3A_976 : vector<1x20xf32> to vector<20xf32>
    %swap3A_978 = vector.shape_cast %reduce_max3A_973 : vector<20xf32> to vector<1x20xf32>
    tpu.vector_store %arg8[%swap3A_974, %swap3A_975], %swap3A_978 {strides = array<i32>} : memref<64x40xf32, #tpu.memory_space<vmem>>, vector<1x20xf32>,
    %slice3A_979 = vector.extract_strided_slice %div3A_45 {offsets = [0, 42], sizes = [20, 1], strides = [1, 1]} : vector<20x64xf32> to vector<20x1xf32>
    %squeeze3A_980 = vector.shape_cast %slice3A_979 : vector<20x1xf32> to vector<20xf32>
    %swap3A_981 = arith.constant 42 : index
    %swap3A_982 = arith.constant 20 : index
    %swap3A_983 = vector.load %arg8[%swap3A_981, %swap3A_982] : memref<64x40xf32, #tpu.memory_space<vmem>>, vector<1x20xf32>
    %swap3A_984 = vector.shape_cast %swap3A_983 : vector<1x20xf32> to vector<20xf32>
    %swap3A_985 = vector.shape_cast %squeeze3A_980 : vector<20xf32> to vector<1x20xf32>
    tpu.vector_store %arg8[%swap3A_981, %swap3A_982], %swap3A_985 {strides = array<i32>} : memref<64x40xf32, #tpu.memory_space<vmem>>, vector<1x20xf32>,
    %eq3A_986 = arith.constant 43 : i32
    %eq3A_987 = vector.broadcast %eq3A_986 : i32 to vector<1x10000xi32>
    %eq3A_988 = arith.cmpi eq, %get3A_33, %eq3A_987 : vector<1x10000xi32>
    %jit3A_989 = arith.constant 0.000000e+00 : f32
    %broadcast_in_dim3A_990 = vector.shape_cast %eq3A_988 : vector<1x10000xi1> to vector<1x10000xi1>
    %broadcast_in_dim3A_991 = vector.broadcast %broadcast_in_dim3A_990 : vector<1x10000xi1> to vector<20x10000xi1>
    %broadcast_in_dim3A_992 = vector.broadcast %jit3A_989 : f32 to vector<20x10000xf32>
    %select_n3A_993 = arith.select %broadcast_in_dim3A_991, %max3A_30, %broadcast_in_dim3A_992 : vector<20x10000xi1>, vector<20x10000xf32>
    %reduce_max3A_994 = arith.constant dense<0xFF800000> : vector<20xf32>
    %reduce_max3A_995 = vector.multi_reduction <maximumf>, %select_n3A_993, %reduce_max3A_994 [1] : vector<20x10000xf32> to vector<20xf32>
    %swap3A_996 = arith.constant 43 : index
    %swap3A_997 = arith.constant 0 : index
    %swap3A_998 = vector.load %arg8[%swap3A_996, %swap3A_997] : memref<64x40xf32, #tpu.memory_space<vmem>>, vector<1x20xf32>
    %swap3A_999 = vector.shape_cast %swap3A_998 : vector<1x20xf32> to vector<20xf32>
    %swap3A_1000 = vector.shape_cast %reduce_max3A_995 : vector<20xf32> to vector<1x20xf32>
    tpu.vector_store %arg8[%swap3A_996, %swap3A_997], %swap3A_1000 {strides = array<i32>} : memref<64x40xf32, #tpu.memory_space<vmem>>, vector<1x20xf32>,
    %slice3A_1001 = vector.extract_strided_slice %div3A_45 {offsets = [0, 43], sizes = [20, 1], strides = [1, 1]} : vector<20x64xf32> to vector<20x1xf32>
    %squeeze3A_1002 = vector.shape_cast %slice3A_1001 : vector<20x1xf32> to vector<20xf32>
    %swap3A_1003 = arith.constant 43 : index
    %swap3A_1004 = arith.constant 20 : index
    %swap3A_1005 = vector.load %arg8[%swap3A_1003, %swap3A_1004] : memref<64x40xf32, #tpu.memory_space<vmem>>, vector<1x20xf32>
    %swap3A_1006 = vector.shape_cast %swap3A_1005 : vector<1x20xf32> to vector<20xf32>
    %swap3A_1007 = vector.shape_cast %squeeze3A_1002 : vector<20xf32> to vector<1x20xf32>
    tpu.vector_store %arg8[%swap3A_1003, %swap3A_1004], %swap3A_1007 {strides = array<i32>} : memref<64x40xf32, #tpu.memory_space<vmem>>, vector<1x20xf32>,
    %eq3A_1008 = arith.constant 44 : i32
    %eq3A_1009 = vector.broadcast %eq3A_1008 : i32 to vector<1x10000xi32>
    %eq3A_1010 = arith.cmpi eq, %get3A_33, %eq3A_1009 : vector<1x10000xi32>
    %jit3A_1011 = arith.constant 0.000000e+00 : f32
    %broadcast_in_dim3A_1012 = vector.shape_cast %eq3A_1010 : vector<1x10000xi1> to vector<1x10000xi1>
    %broadcast_in_dim3A_1013 = vector.broadcast %broadcast_in_dim3A_1012 : vector<1x10000xi1> to vector<20x10000xi1>
    %broadcast_in_dim3A_1014 = vector.broadcast %jit3A_1011 : f32 to vector<20x10000xf32>
    %select_n3A_1015 = arith.select %broadcast_in_dim3A_1013, %max3A_30, %broadcast_in_dim3A_1014 : vector<20x10000xi1>, vector<20x10000xf32>
    %reduce_max3A_1016 = arith.constant dense<0xFF800000> : vector<20xf32>
    %reduce_max3A_1017 = vector.multi_reduction <maximumf>, %select_n3A_1015, %reduce_max3A_1016 [1] : vector<20x10000xf32> to vector<20xf32>
    %swap3A_1018 = arith.constant 44 : index
    %swap3A_1019 = arith.constant 0 : index
    %swap3A_1020 = vector.load %arg8[%swap3A_1018, %swap3A_1019] : memref<64x40xf32, #tpu.memory_space<vmem>>, vector<1x20xf32>
    %swap3A_1021 = vector.shape_cast %swap3A_1020 : vector<1x20xf32> to vector<20xf32>
    %swap3A_1022 = vector.shape_cast %reduce_max3A_1017 : vector<20xf32> to vector<1x20xf32>
    tpu.vector_store %arg8[%swap3A_1018, %swap3A_1019], %swap3A_1022 {strides = array<i32>} : memref<64x40xf32, #tpu.memory_space<vmem>>, vector<1x20xf32>,
    %slice3A_1023 = vector.extract_strided_slice %div3A_45 {offsets = [0, 44], sizes = [20, 1], strides = [1, 1]} : vector<20x64xf32> to vector<20x1xf32>
    %squeeze3A_1024 = vector.shape_cast %slice3A_1023 : vector<20x1xf32> to vector<20xf32>
    %swap3A_1025 = arith.constant 44 : index
    %swap3A_1026 = arith.constant 20 : index
    %swap3A_1027 = vector.load %arg8[%swap3A_1025, %swap3A_1026] : memref<64x40xf32, #tpu.memory_space<vmem>>, vector<1x20xf32>
    %swap3A_1028 = vector.shape_cast %swap3A_1027 : vector<1x20xf32> to vector<20xf32>
    %swap3A_1029 = vector.shape_cast %squeeze3A_1024 : vector<20xf32> to vector<1x20xf32>
    tpu.vector_store %arg8[%swap3A_1025, %swap3A_1026], %swap3A_1029 {strides = array<i32>} : memref<64x40xf32, #tpu.memory_space<vmem>>, vector<1x20xf32>,
    %eq3A_1030 = arith.constant 45 : i32
    %eq3A_1031 = vector.broadcast %eq3A_1030 : i32 to vector<1x10000xi32>
    %eq3A_1032 = arith.cmpi eq, %get3A_33, %eq3A_1031 : vector<1x10000xi32>
    %jit3A_1033 = arith.constant 0.000000e+00 : f32
    %broadcast_in_dim3A_1034 = vector.shape_cast %eq3A_1032 : vector<1x10000xi1> to vector<1x10000xi1>
    %broadcast_in_dim3A_1035 = vector.broadcast %broadcast_in_dim3A_1034 : vector<1x10000xi1> to vector<20x10000xi1>
    %broadcast_in_dim3A_1036 = vector.broadcast %jit3A_1033 : f32 to vector<20x10000xf32>
    %select_n3A_1037 = arith.select %broadcast_in_dim3A_1035, %max3A_30, %broadcast_in_dim3A_1036 : vector<20x10000xi1>, vector<20x10000xf32>
    %reduce_max3A_1038 = arith.constant dense<0xFF800000> : vector<20xf32>
    %reduce_max3A_1039 = vector.multi_reduction <maximumf>, %select_n3A_1037, %reduce_max3A_1038 [1] : vector<20x10000xf32> to vector<20xf32>
    %swap3A_1040 = arith.constant 45 : index
    %swap3A_1041 = arith.constant 0 : index
    %swap3A_1042 = vector.load %arg8[%swap3A_1040, %swap3A_1041] : memref<64x40xf32, #tpu.memory_space<vmem>>, vector<1x20xf32>
    %swap3A_1043 = vector.shape_cast %swap3A_1042 : vector<1x20xf32> to vector<20xf32>
    %swap3A_1044 = vector.shape_cast %reduce_max3A_1039 : vector<20xf32> to vector<1x20xf32>
    tpu.vector_store %arg8[%swap3A_1040, %swap3A_1041], %swap3A_1044 {strides = array<i32>} : memref<64x40xf32, #tpu.memory_space<vmem>>, vector<1x20xf32>,
    %slice3A_1045 = vector.extract_strided_slice %div3A_45 {offsets = [0, 45], sizes = [20, 1], strides = [1, 1]} : vector<20x64xf32> to vector<20x1xf32>
    %squeeze3A_1046 = vector.shape_cast %slice3A_1045 : vector<20x1xf32> to vector<20xf32>
    %swap3A_1047 = arith.constant 45 : index
    %swap3A_1048 = arith.constant 20 : index
    %swap3A_1049 = vector.load %arg8[%swap3A_1047, %swap3A_1048] : memref<64x40xf32, #tpu.memory_space<vmem>>, vector<1x20xf32>
    %swap3A_1050 = vector.shape_cast %swap3A_1049 : vector<1x20xf32> to vector<20xf32>
    %swap3A_1051 = vector.shape_cast %squeeze3A_1046 : vector<20xf32> to vector<1x20xf32>
    tpu.vector_store %arg8[%swap3A_1047, %swap3A_1048], %swap3A_1051 {strides = array<i32>} : memref<64x40xf32, #tpu.memory_space<vmem>>, vector<1x20xf32>,
    %eq3A_1052 = arith.constant 46 : i32
    %eq3A_1053 = vector.broadcast %eq3A_1052 : i32 to vector<1x10000xi32>
    %eq3A_1054 = arith.cmpi eq, %get3A_33, %eq3A_1053 : vector<1x10000xi32>
    %jit3A_1055 = arith.constant 0.000000e+00 : f32
    %broadcast_in_dim3A_1056 = vector.shape_cast %eq3A_1054 : vector<1x10000xi1> to vector<1x10000xi1>
    %broadcast_in_dim3A_1057 = vector.broadcast %broadcast_in_dim3A_1056 : vector<1x10000xi1> to vector<20x10000xi1>
    %broadcast_in_dim3A_1058 = vector.broadcast %jit3A_1055 : f32 to vector<20x10000xf32>
    %select_n3A_1059 = arith.select %broadcast_in_dim3A_1057, %max3A_30, %broadcast_in_dim3A_1058 : vector<20x10000xi1>, vector<20x10000xf32>
    %reduce_max3A_1060 = arith.constant dense<0xFF800000> : vector<20xf32>
    %reduce_max3A_1061 = vector.multi_reduction <maximumf>, %select_n3A_1059, %reduce_max3A_1060 [1] : vector<20x10000xf32> to vector<20xf32>
    %swap3A_1062 = arith.constant 46 : index
    %swap3A_1063 = arith.constant 0 : index
    %swap3A_1064 = vector.load %arg8[%swap3A_1062, %swap3A_1063] : memref<64x40xf32, #tpu.memory_space<vmem>>, vector<1x20xf32>
    %swap3A_1065 = vector.shape_cast %swap3A_1064 : vector<1x20xf32> to vector<20xf32>
    %swap3A_1066 = vector.shape_cast %reduce_max3A_1061 : vector<20xf32> to vector<1x20xf32>
    tpu.vector_store %arg8[%swap3A_1062, %swap3A_1063], %swap3A_1066 {strides = array<i32>} : memref<64x40xf32, #tpu.memory_space<vmem>>, vector<1x20xf32>,
    %slice3A_1067 = vector.extract_strided_slice %div3A_45 {offsets = [0, 46], sizes = [20, 1], strides = [1, 1]} : vector<20x64xf32> to vector<20x1xf32>
    %squeeze3A_1068 = vector.shape_cast %slice3A_1067 : vector<20x1xf32> to vector<20xf32>
    %swap3A_1069 = arith.constant 46 : index
    %swap3A_1070 = arith.constant 20 : index
    %swap3A_1071 = vector.load %arg8[%swap3A_1069, %swap3A_1070] : memref<64x40xf32, #tpu.memory_space<vmem>>, vector<1x20xf32>
    %swap3A_1072 = vector.shape_cast %swap3A_1071 : vector<1x20xf32> to vector<20xf32>
    %swap3A_1073 = vector.shape_cast %squeeze3A_1068 : vector<20xf32> to vector<1x20xf32>
    tpu.vector_store %arg8[%swap3A_1069, %swap3A_1070], %swap3A_1073 {strides = array<i32>} : memref<64x40xf32, #tpu.memory_space<vmem>>, vector<1x20xf32>,
    %eq3A_1074 = arith.constant 47 : i32
    %eq3A_1075 = vector.broadcast %eq3A_1074 : i32 to vector<1x10000xi32>
    %eq3A_1076 = arith.cmpi eq, %get3A_33, %eq3A_1075 : vector<1x10000xi32>
    %jit3A_1077 = arith.constant 0.000000e+00 : f32
    %broadcast_in_dim3A_1078 = vector.shape_cast %eq3A_1076 : vector<1x10000xi1> to vector<1x10000xi1>
    %broadcast_in_dim3A_1079 = vector.broadcast %broadcast_in_dim3A_1078 : vector<1x10000xi1> to vector<20x10000xi1>
    %broadcast_in_dim3A_1080 = vector.broadcast %jit3A_1077 : f32 to vector<20x10000xf32>
    %select_n3A_1081 = arith.select %broadcast_in_dim3A_1079, %max3A_30, %broadcast_in_dim3A_1080 : vector<20x10000xi1>, vector<20x10000xf32>
    %reduce_max3A_1082 = arith.constant dense<0xFF800000> : vector<20xf32>
    %reduce_max3A_1083 = vector.multi_reduction <maximumf>, %select_n3A_1081, %reduce_max3A_1082 [1] : vector<20x10000xf32> to vector<20xf32>
    %swap3A_1084 = arith.constant 47 : index
    %swap3A_1085 = arith.constant 0 : index
    %swap3A_1086 = vector.load %arg8[%swap3A_1084, %swap3A_1085] : memref<64x40xf32, #tpu.memory_space<vmem>>, vector<1x20xf32>
    %swap3A_1087 = vector.shape_cast %swap3A_1086 : vector<1x20xf32> to vector<20xf32>
    %swap3A_1088 = vector.shape_cast %reduce_max3A_1083 : vector<20xf32> to vector<1x20xf32>
    tpu.vector_store %arg8[%swap3A_1084, %swap3A_1085], %swap3A_1088 {strides = array<i32>} : memref<64x40xf32, #tpu.memory_space<vmem>>, vector<1x20xf32>,
    %slice3A_1089 = vector.extract_strided_slice %div3A_45 {offsets = [0, 47], sizes = [20, 1], strides = [1, 1]} : vector<20x64xf32> to vector<20x1xf32>
    %squeeze3A_1090 = vector.shape_cast %slice3A_1089 : vector<20x1xf32> to vector<20xf32>
    %swap3A_1091 = arith.constant 47 : index
    %swap3A_1092 = arith.constant 20 : index
    %swap3A_1093 = vector.load %arg8[%swap3A_1091, %swap3A_1092] : memref<64x40xf32, #tpu.memory_space<vmem>>, vector<1x20xf32>
    %swap3A_1094 = vector.shape_cast %swap3A_1093 : vector<1x20xf32> to vector<20xf32>
    %swap3A_1095 = vector.shape_cast %squeeze3A_1090 : vector<20xf32> to vector<1x20xf32>
    tpu.vector_store %arg8[%swap3A_1091, %swap3A_1092], %swap3A_1095 {strides = array<i32>} : memref<64x40xf32, #tpu.memory_space<vmem>>, vector<1x20xf32>,
    %eq3A_1096 = arith.constant 48 : i32
    %eq3A_1097 = vector.broadcast %eq3A_1096 : i32 to vector<1x10000xi32>
    %eq3A_1098 = arith.cmpi eq, %get3A_33, %eq3A_1097 : vector<1x10000xi32>
    %jit3A_1099 = arith.constant 0.000000e+00 : f32
    %broadcast_in_dim3A_1100 = vector.shape_cast %eq3A_1098 : vector<1x10000xi1> to vector<1x10000xi1>
    %broadcast_in_dim3A_1101 = vector.broadcast %broadcast_in_dim3A_1100 : vector<1x10000xi1> to vector<20x10000xi1>
    %broadcast_in_dim3A_1102 = vector.broadcast %jit3A_1099 : f32 to vector<20x10000xf32>
    %select_n3A_1103 = arith.select %broadcast_in_dim3A_1101, %max3A_30, %broadcast_in_dim3A_1102 : vector<20x10000xi1>, vector<20x10000xf32>
    %reduce_max3A_1104 = arith.constant dense<0xFF800000> : vector<20xf32>
    %reduce_max3A_1105 = vector.multi_reduction <maximumf>, %select_n3A_1103, %reduce_max3A_1104 [1] : vector<20x10000xf32> to vector<20xf32>
    %swap3A_1106 = arith.constant 48 : index
    %swap3A_1107 = arith.constant 0 : index
    %swap3A_1108 = vector.load %arg8[%swap3A_1106, %swap3A_1107] : memref<64x40xf32, #tpu.memory_space<vmem>>, vector<1x20xf32>
    %swap3A_1109 = vector.shape_cast %swap3A_1108 : vector<1x20xf32> to vector<20xf32>
    %swap3A_1110 = vector.shape_cast %reduce_max3A_1105 : vector<20xf32> to vector<1x20xf32>
    tpu.vector_store %arg8[%swap3A_1106, %swap3A_1107], %swap3A_1110 {strides = array<i32>} : memref<64x40xf32, #tpu.memory_space<vmem>>, vector<1x20xf32>,
    %slice3A_1111 = vector.extract_strided_slice %div3A_45 {offsets = [0, 48], sizes = [20, 1], strides = [1, 1]} : vector<20x64xf32> to vector<20x1xf32>
    %squeeze3A_1112 = vector.shape_cast %slice3A_1111 : vector<20x1xf32> to vector<20xf32>
    %swap3A_1113 = arith.constant 48 : index
    %swap3A_1114 = arith.constant 20 : index
    %swap3A_1115 = vector.load %arg8[%swap3A_1113, %swap3A_1114] : memref<64x40xf32, #tpu.memory_space<vmem>>, vector<1x20xf32>
    %swap3A_1116 = vector.shape_cast %swap3A_1115 : vector<1x20xf32> to vector<20xf32>
    %swap3A_1117 = vector.shape_cast %squeeze3A_1112 : vector<20xf32> to vector<1x20xf32>
    tpu.vector_store %arg8[%swap3A_1113, %swap3A_1114], %swap3A_1117 {strides = array<i32>} : memref<64x40xf32, #tpu.memory_space<vmem>>, vector<1x20xf32>,
    %eq3A_1118 = arith.constant 49 : i32
    %eq3A_1119 = vector.broadcast %eq3A_1118 : i32 to vector<1x10000xi32>
    %eq3A_1120 = arith.cmpi eq, %get3A_33, %eq3A_1119 : vector<1x10000xi32>
    %jit3A_1121 = arith.constant 0.000000e+00 : f32
    %broadcast_in_dim3A_1122 = vector.shape_cast %eq3A_1120 : vector<1x10000xi1> to vector<1x10000xi1>
    %broadcast_in_dim3A_1123 = vector.broadcast %broadcast_in_dim3A_1122 : vector<1x10000xi1> to vector<20x10000xi1>
    %broadcast_in_dim3A_1124 = vector.broadcast %jit3A_1121 : f32 to vector<20x10000xf32>
    %select_n3A_1125 = arith.select %broadcast_in_dim3A_1123, %max3A_30, %broadcast_in_dim3A_1124 : vector<20x10000xi1>, vector<20x10000xf32>
    %reduce_max3A_1126 = arith.constant dense<0xFF800000> : vector<20xf32>
    %reduce_max3A_1127 = vector.multi_reduction <maximumf>, %select_n3A_1125, %reduce_max3A_1126 [1] : vector<20x10000xf32> to vector<20xf32>
    %swap3A_1128 = arith.constant 49 : index
    %swap3A_1129 = arith.constant 0 : index
    %swap3A_1130 = vector.load %arg8[%swap3A_1128, %swap3A_1129] : memref<64x40xf32, #tpu.memory_space<vmem>>, vector<1x20xf32>
    %swap3A_1131 = vector.shape_cast %swap3A_1130 : vector<1x20xf32> to vector<20xf32>
    %swap3A_1132 = vector.shape_cast %reduce_max3A_1127 : vector<20xf32> to vector<1x20xf32>
    tpu.vector_store %arg8[%swap3A_1128, %swap3A_1129], %swap3A_1132 {strides = array<i32>} : memref<64x40xf32, #tpu.memory_space<vmem>>, vector<1x20xf32>,
    %slice3A_1133 = vector.extract_strided_slice %div3A_45 {offsets = [0, 49], sizes = [20, 1], strides = [1, 1]} : vector<20x64xf32> to vector<20x1xf32>
    %squeeze3A_1134 = vector.shape_cast %slice3A_1133 : vector<20x1xf32> to vector<20xf32>
    %swap3A_1135 = arith.constant 49 : index
    %swap3A_1136 = arith.constant 20 : index
    %swap3A_1137 = vector.load %arg8[%swap3A_1135, %swap3A_1136] : memref<64x40xf32, #tpu.memory_space<vmem>>, vector<1x20xf32>
    %swap3A_1138 = vector.shape_cast %swap3A_1137 : vector<1x20xf32> to vector<20xf32>
    %swap3A_1139 = vector.shape_cast %squeeze3A_1134 : vector<20xf32> to vector<1x20xf32>
    tpu.vector_store %arg8[%swap3A_1135, %swap3A_1136], %swap3A_1139 {strides = array<i32>} : memref<64x40xf32, #tpu.memory_space<vmem>>, vector<1x20xf32>,
    %eq3A_1140 = arith.constant 50 : i32
    %eq3A_1141 = vector.broadcast %eq3A_1140 : i32 to vector<1x10000xi32>
    %eq3A_1142 = arith.cmpi eq, %get3A_33, %eq3A_1141 : vector<1x10000xi32>
    %jit3A_1143 = arith.constant 0.000000e+00 : f32
    %broadcast_in_dim3A_1144 = vector.shape_cast %eq3A_1142 : vector<1x10000xi1> to vector<1x10000xi1>
    %broadcast_in_dim3A_1145 = vector.broadcast %broadcast_in_dim3A_1144 : vector<1x10000xi1> to vector<20x10000xi1>
    %broadcast_in_dim3A_1146 = vector.broadcast %jit3A_1143 : f32 to vector<20x10000xf32>
    %select_n3A_1147 = arith.select %broadcast_in_dim3A_1145, %max3A_30, %broadcast_in_dim3A_1146 : vector<20x10000xi1>, vector<20x10000xf32>
    %reduce_max3A_1148 = arith.constant dense<0xFF800000> : vector<20xf32>
    %reduce_max3A_1149 = vector.multi_reduction <maximumf>, %select_n3A_1147, %reduce_max3A_1148 [1] : vector<20x10000xf32> to vector<20xf32>
    %swap3A_1150 = arith.constant 50 : index
    %swap3A_1151 = arith.constant 0 : index
    %swap3A_1152 = vector.load %arg8[%swap3A_1150, %swap3A_1151] : memref<64x40xf32, #tpu.memory_space<vmem>>, vector<1x20xf32>
    %swap3A_1153 = vector.shape_cast %swap3A_1152 : vector<1x20xf32> to vector<20xf32>
    %swap3A_1154 = vector.shape_cast %reduce_max3A_1149 : vector<20xf32> to vector<1x20xf32>
    tpu.vector_store %arg8[%swap3A_1150, %swap3A_1151], %swap3A_1154 {strides = array<i32>} : memref<64x40xf32, #tpu.memory_space<vmem>>, vector<1x20xf32>,
    %slice3A_1155 = vector.extract_strided_slice %div3A_45 {offsets = [0, 50], sizes = [20, 1], strides = [1, 1]} : vector<20x64xf32> to vector<20x1xf32>
    %squeeze3A_1156 = vector.shape_cast %slice3A_1155 : vector<20x1xf32> to vector<20xf32>
    %swap3A_1157 = arith.constant 50 : index
    %swap3A_1158 = arith.constant 20 : index
    %swap3A_1159 = vector.load %arg8[%swap3A_1157, %swap3A_1158] : memref<64x40xf32, #tpu.memory_space<vmem>>, vector<1x20xf32>
    %swap3A_1160 = vector.shape_cast %swap3A_1159 : vector<1x20xf32> to vector<20xf32>
    %swap3A_1161 = vector.shape_cast %squeeze3A_1156 : vector<20xf32> to vector<1x20xf32>
    tpu.vector_store %arg8[%swap3A_1157, %swap3A_1158], %swap3A_1161 {strides = array<i32>} : memref<64x40xf32, #tpu.memory_space<vmem>>, vector<1x20xf32>,
    %eq3A_1162 = arith.constant 51 : i32
    %eq3A_1163 = vector.broadcast %eq3A_1162 : i32 to vector<1x10000xi32>
    %eq3A_1164 = arith.cmpi eq, %get3A_33, %eq3A_1163 : vector<1x10000xi32>
    %jit3A_1165 = arith.constant 0.000000e+00 : f32
    %broadcast_in_dim3A_1166 = vector.shape_cast %eq3A_1164 : vector<1x10000xi1> to vector<1x10000xi1>
    %broadcast_in_dim3A_1167 = vector.broadcast %broadcast_in_dim3A_1166 : vector<1x10000xi1> to vector<20x10000xi1>
    %broadcast_in_dim3A_1168 = vector.broadcast %jit3A_1165 : f32 to vector<20x10000xf32>
    %select_n3A_1169 = arith.select %broadcast_in_dim3A_1167, %max3A_30, %broadcast_in_dim3A_1168 : vector<20x10000xi1>, vector<20x10000xf32>
    %reduce_max3A_1170 = arith.constant dense<0xFF800000> : vector<20xf32>
    %reduce_max3A_1171 = vector.multi_reduction <maximumf>, %select_n3A_1169, %reduce_max3A_1170 [1] : vector<20x10000xf32> to vector<20xf32>
    %swap3A_1172 = arith.constant 51 : index
    %swap3A_1173 = arith.constant 0 : index
    %swap3A_1174 = vector.load %arg8[%swap3A_1172, %swap3A_1173] : memref<64x40xf32, #tpu.memory_space<vmem>>, vector<1x20xf32>
    %swap3A_1175 = vector.shape_cast %swap3A_1174 : vector<1x20xf32> to vector<20xf32>
    %swap3A_1176 = vector.shape_cast %reduce_max3A_1171 : vector<20xf32> to vector<1x20xf32>
    tpu.vector_store %arg8[%swap3A_1172, %swap3A_1173], %swap3A_1176 {strides = array<i32>} : memref<64x40xf32, #tpu.memory_space<vmem>>, vector<1x20xf32>,
    %slice3A_1177 = vector.extract_strided_slice %div3A_45 {offsets = [0, 51], sizes = [20, 1], strides = [1, 1]} : vector<20x64xf32> to vector<20x1xf32>
    %squeeze3A_1178 = vector.shape_cast %slice3A_1177 : vector<20x1xf32> to vector<20xf32>
    %swap3A_1179 = arith.constant 51 : index
    %swap3A_1180 = arith.constant 20 : index
    %swap3A_1181 = vector.load %arg8[%swap3A_1179, %swap3A_1180] : memref<64x40xf32, #tpu.memory_space<vmem>>, vector<1x20xf32>
    %swap3A_1182 = vector.shape_cast %swap3A_1181 : vector<1x20xf32> to vector<20xf32>
    %swap3A_1183 = vector.shape_cast %squeeze3A_1178 : vector<20xf32> to vector<1x20xf32>
    tpu.vector_store %arg8[%swap3A_1179, %swap3A_1180], %swap3A_1183 {strides = array<i32>} : memref<64x40xf32, #tpu.memory_space<vmem>>, vector<1x20xf32>,
    %eq3A_1184 = arith.constant 52 : i32
    %eq3A_1185 = vector.broadcast %eq3A_1184 : i32 to vector<1x10000xi32>
    %eq3A_1186 = arith.cmpi eq, %get3A_33, %eq3A_1185 : vector<1x10000xi32>
    %jit3A_1187 = arith.constant 0.000000e+00 : f32
    %broadcast_in_dim3A_1188 = vector.shape_cast %eq3A_1186 : vector<1x10000xi1> to vector<1x10000xi1>
    %broadcast_in_dim3A_1189 = vector.broadcast %broadcast_in_dim3A_1188 : vector<1x10000xi1> to vector<20x10000xi1>
    %broadcast_in_dim3A_1190 = vector.broadcast %jit3A_1187 : f32 to vector<20x10000xf32>
    %select_n3A_1191 = arith.select %broadcast_in_dim3A_1189, %max3A_30, %broadcast_in_dim3A_1190 : vector<20x10000xi1>, vector<20x10000xf32>
    %reduce_max3A_1192 = arith.constant dense<0xFF800000> : vector<20xf32>
    %reduce_max3A_1193 = vector.multi_reduction <maximumf>, %select_n3A_1191, %reduce_max3A_1192 [1] : vector<20x10000xf32> to vector<20xf32>
    %swap3A_1194 = arith.constant 52 : index
    %swap3A_1195 = arith.constant 0 : index
    %swap3A_1196 = vector.load %arg8[%swap3A_1194, %swap3A_1195] : memref<64x40xf32, #tpu.memory_space<vmem>>, vector<1x20xf32>
    %swap3A_1197 = vector.shape_cast %swap3A_1196 : vector<1x20xf32> to vector<20xf32>
    %swap3A_1198 = vector.shape_cast %reduce_max3A_1193 : vector<20xf32> to vector<1x20xf32>
    tpu.vector_store %arg8[%swap3A_1194, %swap3A_1195], %swap3A_1198 {strides = array<i32>} : memref<64x40xf32, #tpu.memory_space<vmem>>, vector<1x20xf32>,
    %slice3A_1199 = vector.extract_strided_slice %div3A_45 {offsets = [0, 52], sizes = [20, 1], strides = [1, 1]} : vector<20x64xf32> to vector<20x1xf32>
    %squeeze3A_1200 = vector.shape_cast %slice3A_1199 : vector<20x1xf32> to vector<20xf32>
    %swap3A_1201 = arith.constant 52 : index
    %swap3A_1202 = arith.constant 20 : index
    %swap3A_1203 = vector.load %arg8[%swap3A_1201, %swap3A_1202] : memref<64x40xf32, #tpu.memory_space<vmem>>, vector<1x20xf32>
    %swap3A_1204 = vector.shape_cast %swap3A_1203 : vector<1x20xf32> to vector<20xf32>
    %swap3A_1205 = vector.shape_cast %squeeze3A_1200 : vector<20xf32> to vector<1x20xf32>
    tpu.vector_store %arg8[%swap3A_1201, %swap3A_1202], %swap3A_1205 {strides = array<i32>} : memref<64x40xf32, #tpu.memory_space<vmem>>, vector<1x20xf32>,
    %eq3A_1206 = arith.constant 53 : i32
    %eq3A_1207 = vector.broadcast %eq3A_1206 : i32 to vector<1x10000xi32>
    %eq3A_1208 = arith.cmpi eq, %get3A_33, %eq3A_1207 : vector<1x10000xi32>
    %jit3A_1209 = arith.constant 0.000000e+00 : f32
    %broadcast_in_dim3A_1210 = vector.shape_cast %eq3A_1208 : vector<1x10000xi1> to vector<1x10000xi1>
    %broadcast_in_dim3A_1211 = vector.broadcast %broadcast_in_dim3A_1210 : vector<1x10000xi1> to vector<20x10000xi1>
    %broadcast_in_dim3A_1212 = vector.broadcast %jit3A_1209 : f32 to vector<20x10000xf32>
    %select_n3A_1213 = arith.select %broadcast_in_dim3A_1211, %max3A_30, %broadcast_in_dim3A_1212 : vector<20x10000xi1>, vector<20x10000xf32>
    %reduce_max3A_1214 = arith.constant dense<0xFF800000> : vector<20xf32>
    %reduce_max3A_1215 = vector.multi_reduction <maximumf>, %select_n3A_1213, %reduce_max3A_1214 [1] : vector<20x10000xf32> to vector<20xf32>
    %swap3A_1216 = arith.constant 53 : index
    %swap3A_1217 = arith.constant 0 : index
    %swap3A_1218 = vector.load %arg8[%swap3A_1216, %swap3A_1217] : memref<64x40xf32, #tpu.memory_space<vmem>>, vector<1x20xf32>
    %swap3A_1219 = vector.shape_cast %swap3A_1218 : vector<1x20xf32> to vector<20xf32>
    %swap3A_1220 = vector.shape_cast %reduce_max3A_1215 : vector<20xf32> to vector<1x20xf32>
    tpu.vector_store %arg8[%swap3A_1216, %swap3A_1217], %swap3A_1220 {strides = array<i32>} : memref<64x40xf32, #tpu.memory_space<vmem>>, vector<1x20xf32>,
    %slice3A_1221 = vector.extract_strided_slice %div3A_45 {offsets = [0, 53], sizes = [20, 1], strides = [1, 1]} : vector<20x64xf32> to vector<20x1xf32>
    %squeeze3A_1222 = vector.shape_cast %slice3A_1221 : vector<20x1xf32> to vector<20xf32>
    %swap3A_1223 = arith.constant 53 : index
    %swap3A_1224 = arith.constant 20 : index
    %swap3A_1225 = vector.load %arg8[%swap3A_1223, %swap3A_1224] : memref<64x40xf32, #tpu.memory_space<vmem>>, vector<1x20xf32>
    %swap3A_1226 = vector.shape_cast %swap3A_1225 : vector<1x20xf32> to vector<20xf32>
    %swap3A_1227 = vector.shape_cast %squeeze3A_1222 : vector<20xf32> to vector<1x20xf32>
    tpu.vector_store %arg8[%swap3A_1223, %swap3A_1224], %swap3A_1227 {strides = array<i32>} : memref<64x40xf32, #tpu.memory_space<vmem>>, vector<1x20xf32>,
    %eq3A_1228 = arith.constant 54 : i32
    %eq3A_1229 = vector.broadcast %eq3A_1228 : i32 to vector<1x10000xi32>
    %eq3A_1230 = arith.cmpi eq, %get3A_33, %eq3A_1229 : vector<1x10000xi32>
    %jit3A_1231 = arith.constant 0.000000e+00 : f32
    %broadcast_in_dim3A_1232 = vector.shape_cast %eq3A_1230 : vector<1x10000xi1> to vector<1x10000xi1>
    %broadcast_in_dim3A_1233 = vector.broadcast %broadcast_in_dim3A_1232 : vector<1x10000xi1> to vector<20x10000xi1>
    %broadcast_in_dim3A_1234 = vector.broadcast %jit3A_1231 : f32 to vector<20x10000xf32>
    %select_n3A_1235 = arith.select %broadcast_in_dim3A_1233, %max3A_30, %broadcast_in_dim3A_1234 : vector<20x10000xi1>, vector<20x10000xf32>
    %reduce_max3A_1236 = arith.constant dense<0xFF800000> : vector<20xf32>
    %reduce_max3A_1237 = vector.multi_reduction <maximumf>, %select_n3A_1235, %reduce_max3A_1236 [1] : vector<20x10000xf32> to vector<20xf32>
    %swap3A_1238 = arith.constant 54 : index
    %swap3A_1239 = arith.constant 0 : index
    %swap3A_1240 = vector.load %arg8[%swap3A_1238, %swap3A_1239] : memref<64x40xf32, #tpu.memory_space<vmem>>, vector<1x20xf32>
    %swap3A_1241 = vector.shape_cast %swap3A_1240 : vector<1x20xf32> to vector<20xf32>
    %swap3A_1242 = vector.shape_cast %reduce_max3A_1237 : vector<20xf32> to vector<1x20xf32>
    tpu.vector_store %arg8[%swap3A_1238, %swap3A_1239], %swap3A_1242 {strides = array<i32>} : memref<64x40xf32, #tpu.memory_space<vmem>>, vector<1x20xf32>,
    %slice3A_1243 = vector.extract_strided_slice %div3A_45 {offsets = [0, 54], sizes = [20, 1], strides = [1, 1]} : vector<20x64xf32> to vector<20x1xf32>
    %squeeze3A_1244 = vector.shape_cast %slice3A_1243 : vector<20x1xf32> to vector<20xf32>
    %swap3A_1245 = arith.constant 54 : index
    %swap3A_1246 = arith.constant 20 : index
    %swap3A_1247 = vector.load %arg8[%swap3A_1245, %swap3A_1246] : memref<64x40xf32, #tpu.memory_space<vmem>>, vector<1x20xf32>
    %swap3A_1248 = vector.shape_cast %swap3A_1247 : vector<1x20xf32> to vector<20xf32>
    %swap3A_1249 = vector.shape_cast %squeeze3A_1244 : vector<20xf32> to vector<1x20xf32>
    tpu.vector_store %arg8[%swap3A_1245, %swap3A_1246], %swap3A_1249 {strides = array<i32>} : memref<64x40xf32, #tpu.memory_space<vmem>>, vector<1x20xf32>,
    %eq3A_1250 = arith.constant 55 : i32
    %eq3A_1251 = vector.broadcast %eq3A_1250 : i32 to vector<1x10000xi32>
    %eq3A_1252 = arith.cmpi eq, %get3A_33, %eq3A_1251 : vector<1x10000xi32>
    %jit3A_1253 = arith.constant 0.000000e+00 : f32
    %broadcast_in_dim3A_1254 = vector.shape_cast %eq3A_1252 : vector<1x10000xi1> to vector<1x10000xi1>
    %broadcast_in_dim3A_1255 = vector.broadcast %broadcast_in_dim3A_1254 : vector<1x10000xi1> to vector<20x10000xi1>
    %broadcast_in_dim3A_1256 = vector.broadcast %jit3A_1253 : f32 to vector<20x10000xf32>
    %select_n3A_1257 = arith.select %broadcast_in_dim3A_1255, %max3A_30, %broadcast_in_dim3A_1256 : vector<20x10000xi1>, vector<20x10000xf32>
    %reduce_max3A_1258 = arith.constant dense<0xFF800000> : vector<20xf32>
    %reduce_max3A_1259 = vector.multi_reduction <maximumf>, %select_n3A_1257, %reduce_max3A_1258 [1] : vector<20x10000xf32> to vector<20xf32>
    %swap3A_1260 = arith.constant 55 : index
    %swap3A_1261 = arith.constant 0 : index
    %swap3A_1262 = vector.load %arg8[%swap3A_1260, %swap3A_1261] : memref<64x40xf32, #tpu.memory_space<vmem>>, vector<1x20xf32>
    %swap3A_1263 = vector.shape_cast %swap3A_1262 : vector<1x20xf32> to vector<20xf32>
    %swap3A_1264 = vector.shape_cast %reduce_max3A_1259 : vector<20xf32> to vector<1x20xf32>
    tpu.vector_store %arg8[%swap3A_1260, %swap3A_1261], %swap3A_1264 {strides = array<i32>} : memref<64x40xf32, #tpu.memory_space<vmem>>, vector<1x20xf32>,
    %slice3A_1265 = vector.extract_strided_slice %div3A_45 {offsets = [0, 55], sizes = [20, 1], strides = [1, 1]} : vector<20x64xf32> to vector<20x1xf32>
    %squeeze3A_1266 = vector.shape_cast %slice3A_1265 : vector<20x1xf32> to vector<20xf32>
    %swap3A_1267 = arith.constant 55 : index
    %swap3A_1268 = arith.constant 20 : index
    %swap3A_1269 = vector.load %arg8[%swap3A_1267, %swap3A_1268] : memref<64x40xf32, #tpu.memory_space<vmem>>, vector<1x20xf32>
    %swap3A_1270 = vector.shape_cast %swap3A_1269 : vector<1x20xf32> to vector<20xf32>
    %swap3A_1271 = vector.shape_cast %squeeze3A_1266 : vector<20xf32> to vector<1x20xf32>
    tpu.vector_store %arg8[%swap3A_1267, %swap3A_1268], %swap3A_1271 {strides = array<i32>} : memref<64x40xf32, #tpu.memory_space<vmem>>, vector<1x20xf32>,
    %eq3A_1272 = arith.constant 56 : i32
    %eq3A_1273 = vector.broadcast %eq3A_1272 : i32 to vector<1x10000xi32>
    %eq3A_1274 = arith.cmpi eq, %get3A_33, %eq3A_1273 : vector<1x10000xi32>
    %jit3A_1275 = arith.constant 0.000000e+00 : f32
    %broadcast_in_dim3A_1276 = vector.shape_cast %eq3A_1274 : vector<1x10000xi1> to vector<1x10000xi1>
    %broadcast_in_dim3A_1277 = vector.broadcast %broadcast_in_dim3A_1276 : vector<1x10000xi1> to vector<20x10000xi1>
    %broadcast_in_dim3A_1278 = vector.broadcast %jit3A_1275 : f32 to vector<20x10000xf32>
    %select_n3A_1279 = arith.select %broadcast_in_dim3A_1277, %max3A_30, %broadcast_in_dim3A_1278 : vector<20x10000xi1>, vector<20x10000xf32>
    %reduce_max3A_1280 = arith.constant dense<0xFF800000> : vector<20xf32>
    %reduce_max3A_1281 = vector.multi_reduction <maximumf>, %select_n3A_1279, %reduce_max3A_1280 [1] : vector<20x10000xf32> to vector<20xf32>
    %swap3A_1282 = arith.constant 56 : index
    %swap3A_1283 = arith.constant 0 : index
    %swap3A_1284 = vector.load %arg8[%swap3A_1282, %swap3A_1283] : memref<64x40xf32, #tpu.memory_space<vmem>>, vector<1x20xf32>
    %swap3A_1285 = vector.shape_cast %swap3A_1284 : vector<1x20xf32> to vector<20xf32>
    %swap3A_1286 = vector.shape_cast %reduce_max3A_1281 : vector<20xf32> to vector<1x20xf32>
    tpu.vector_store %arg8[%swap3A_1282, %swap3A_1283], %swap3A_1286 {strides = array<i32>} : memref<64x40xf32, #tpu.memory_space<vmem>>, vector<1x20xf32>,
    %slice3A_1287 = vector.extract_strided_slice %div3A_45 {offsets = [0, 56], sizes = [20, 1], strides = [1, 1]} : vector<20x64xf32> to vector<20x1xf32>
    %squeeze3A_1288 = vector.shape_cast %slice3A_1287 : vector<20x1xf32> to vector<20xf32>
    %swap3A_1289 = arith.constant 56 : index
    %swap3A_1290 = arith.constant 20 : index
    %swap3A_1291 = vector.load %arg8[%swap3A_1289, %swap3A_1290] : memref<64x40xf32, #tpu.memory_space<vmem>>, vector<1x20xf32>
    %swap3A_1292 = vector.shape_cast %swap3A_1291 : vector<1x20xf32> to vector<20xf32>
    %swap3A_1293 = vector.shape_cast %squeeze3A_1288 : vector<20xf32> to vector<1x20xf32>
    tpu.vector_store %arg8[%swap3A_1289, %swap3A_1290], %swap3A_1293 {strides = array<i32>} : memref<64x40xf32, #tpu.memory_space<vmem>>, vector<1x20xf32>,
    %eq3A_1294 = arith.constant 57 : i32
    %eq3A_1295 = vector.broadcast %eq3A_1294 : i32 to vector<1x10000xi32>
    %eq3A_1296 = arith.cmpi eq, %get3A_33, %eq3A_1295 : vector<1x10000xi32>
    %jit3A_1297 = arith.constant 0.000000e+00 : f32
    %broadcast_in_dim3A_1298 = vector.shape_cast %eq3A_1296 : vector<1x10000xi1> to vector<1x10000xi1>
    %broadcast_in_dim3A_1299 = vector.broadcast %broadcast_in_dim3A_1298 : vector<1x10000xi1> to vector<20x10000xi1>
    %broadcast_in_dim3A_1300 = vector.broadcast %jit3A_1297 : f32 to vector<20x10000xf32>
    %select_n3A_1301 = arith.select %broadcast_in_dim3A_1299, %max3A_30, %broadcast_in_dim3A_1300 : vector<20x10000xi1>, vector<20x10000xf32>
    %reduce_max3A_1302 = arith.constant dense<0xFF800000> : vector<20xf32>
    %reduce_max3A_1303 = vector.multi_reduction <maximumf>, %select_n3A_1301, %reduce_max3A_1302 [1] : vector<20x10000xf32> to vector<20xf32>
    %swap3A_1304 = arith.constant 57 : index
    %swap3A_1305 = arith.constant 0 : index
    %swap3A_1306 = vector.load %arg8[%swap3A_1304, %swap3A_1305] : memref<64x40xf32, #tpu.memory_space<vmem>>, vector<1x20xf32>
    %swap3A_1307 = vector.shape_cast %swap3A_1306 : vector<1x20xf32> to vector<20xf32>
    %swap3A_1308 = vector.shape_cast %reduce_max3A_1303 : vector<20xf32> to vector<1x20xf32>
    tpu.vector_store %arg8[%swap3A_1304, %swap3A_1305], %swap3A_1308 {strides = array<i32>} : memref<64x40xf32, #tpu.memory_space<vmem>>, vector<1x20xf32>,
    %slice3A_1309 = vector.extract_strided_slice %div3A_45 {offsets = [0, 57], sizes = [20, 1], strides = [1, 1]} : vector<20x64xf32> to vector<20x1xf32>
    %squeeze3A_1310 = vector.shape_cast %slice3A_1309 : vector<20x1xf32> to vector<20xf32>
    %swap3A_1311 = arith.constant 57 : index
    %swap3A_1312 = arith.constant 20 : index
    %swap3A_1313 = vector.load %arg8[%swap3A_1311, %swap3A_1312] : memref<64x40xf32, #tpu.memory_space<vmem>>, vector<1x20xf32>
    %swap3A_1314 = vector.shape_cast %swap3A_1313 : vector<1x20xf32> to vector<20xf32>
    %swap3A_1315 = vector.shape_cast %squeeze3A_1310 : vector<20xf32> to vector<1x20xf32>
    tpu.vector_store %arg8[%swap3A_1311, %swap3A_1312], %swap3A_1315 {strides = array<i32>} : memref<64x40xf32, #tpu.memory_space<vmem>>, vector<1x20xf32>,
    %eq3A_1316 = arith.constant 58 : i32
    %eq3A_1317 = vector.broadcast %eq3A_1316 : i32 to vector<1x10000xi32>
    %eq3A_1318 = arith.cmpi eq, %get3A_33, %eq3A_1317 : vector<1x10000xi32>
    %jit3A_1319 = arith.constant 0.000000e+00 : f32
    %broadcast_in_dim3A_1320 = vector.shape_cast %eq3A_1318 : vector<1x10000xi1> to vector<1x10000xi1>
    %broadcast_in_dim3A_1321 = vector.broadcast %broadcast_in_dim3A_1320 : vector<1x10000xi1> to vector<20x10000xi1>
    %broadcast_in_dim3A_1322 = vector.broadcast %jit3A_1319 : f32 to vector<20x10000xf32>
    %select_n3A_1323 = arith.select %broadcast_in_dim3A_1321, %max3A_30, %broadcast_in_dim3A_1322 : vector<20x10000xi1>, vector<20x10000xf32>
    %reduce_max3A_1324 = arith.constant dense<0xFF800000> : vector<20xf32>
    %reduce_max3A_1325 = vector.multi_reduction <maximumf>, %select_n3A_1323, %reduce_max3A_1324 [1] : vector<20x10000xf32> to vector<20xf32>
    %swap3A_1326 = arith.constant 58 : index
    %swap3A_1327 = arith.constant 0 : index
    %swap3A_1328 = vector.load %arg8[%swap3A_1326, %swap3A_1327] : memref<64x40xf32, #tpu.memory_space<vmem>>, vector<1x20xf32>
    %swap3A_1329 = vector.shape_cast %swap3A_1328 : vector<1x20xf32> to vector<20xf32>
    %swap3A_1330 = vector.shape_cast %reduce_max3A_1325 : vector<20xf32> to vector<1x20xf32>
    tpu.vector_store %arg8[%swap3A_1326, %swap3A_1327], %swap3A_1330 {strides = array<i32>} : memref<64x40xf32, #tpu.memory_space<vmem>>, vector<1x20xf32>,
    %slice3A_1331 = vector.extract_strided_slice %div3A_45 {offsets = [0, 58], sizes = [20, 1], strides = [1, 1]} : vector<20x64xf32> to vector<20x1xf32>
    %squeeze3A_1332 = vector.shape_cast %slice3A_1331 : vector<20x1xf32> to vector<20xf32>
    %swap3A_1333 = arith.constant 58 : index
    %swap3A_1334 = arith.constant 20 : index
    %swap3A_1335 = vector.load %arg8[%swap3A_1333, %swap3A_1334] : memref<64x40xf32, #tpu.memory_space<vmem>>, vector<1x20xf32>
    %swap3A_1336 = vector.shape_cast %swap3A_1335 : vector<1x20xf32> to vector<20xf32>
    %swap3A_1337 = vector.shape_cast %squeeze3A_1332 : vector<20xf32> to vector<1x20xf32>
    tpu.vector_store %arg8[%swap3A_1333, %swap3A_1334], %swap3A_1337 {strides = array<i32>} : memref<64x40xf32, #tpu.memory_space<vmem>>, vector<1x20xf32>,
    %eq3A_1338 = arith.constant 59 : i32
    %eq3A_1339 = vector.broadcast %eq3A_1338 : i32 to vector<1x10000xi32>
    %eq3A_1340 = arith.cmpi eq, %get3A_33, %eq3A_1339 : vector<1x10000xi32>
    %jit3A_1341 = arith.constant 0.000000e+00 : f32
    %broadcast_in_dim3A_1342 = vector.shape_cast %eq3A_1340 : vector<1x10000xi1> to vector<1x10000xi1>
    %broadcast_in_dim3A_1343 = vector.broadcast %broadcast_in_dim3A_1342 : vector<1x10000xi1> to vector<20x10000xi1>
    %broadcast_in_dim3A_1344 = vector.broadcast %jit3A_1341 : f32 to vector<20x10000xf32>
    %select_n3A_1345 = arith.select %broadcast_in_dim3A_1343, %max3A_30, %broadcast_in_dim3A_1344 : vector<20x10000xi1>, vector<20x10000xf32>
    %reduce_max3A_1346 = arith.constant dense<0xFF800000> : vector<20xf32>
    %reduce_max3A_1347 = vector.multi_reduction <maximumf>, %select_n3A_1345, %reduce_max3A_1346 [1] : vector<20x10000xf32> to vector<20xf32>
    %swap3A_1348 = arith.constant 59 : index
    %swap3A_1349 = arith.constant 0 : index
    %swap3A_1350 = vector.load %arg8[%swap3A_1348, %swap3A_1349] : memref<64x40xf32, #tpu.memory_space<vmem>>, vector<1x20xf32>
    %swap3A_1351 = vector.shape_cast %swap3A_1350 : vector<1x20xf32> to vector<20xf32>
    %swap3A_1352 = vector.shape_cast %reduce_max3A_1347 : vector<20xf32> to vector<1x20xf32>
    tpu.vector_store %arg8[%swap3A_1348, %swap3A_1349], %swap3A_1352 {strides = array<i32>} : memref<64x40xf32, #tpu.memory_space<vmem>>, vector<1x20xf32>,
    %slice3A_1353 = vector.extract_strided_slice %div3A_45 {offsets = [0, 59], sizes = [20, 1], strides = [1, 1]} : vector<20x64xf32> to vector<20x1xf32>
    %squeeze3A_1354 = vector.shape_cast %slice3A_1353 : vector<20x1xf32> to vector<20xf32>
    %swap3A_1355 = arith.constant 59 : index
    %swap3A_1356 = arith.constant 20 : index
    %swap3A_1357 = vector.load %arg8[%swap3A_1355, %swap3A_1356] : memref<64x40xf32, #tpu.memory_space<vmem>>, vector<1x20xf32>
    %swap3A_1358 = vector.shape_cast %swap3A_1357 : vector<1x20xf32> to vector<20xf32>
    %swap3A_1359 = vector.shape_cast %squeeze3A_1354 : vector<20xf32> to vector<1x20xf32>
    tpu.vector_store %arg8[%swap3A_1355, %swap3A_1356], %swap3A_1359 {strides = array<i32>} : memref<64x40xf32, #tpu.memory_space<vmem>>, vector<1x20xf32>,
    %eq3A_1360 = arith.constant 60 : i32
    %eq3A_1361 = vector.broadcast %eq3A_1360 : i32 to vector<1x10000xi32>
    %eq3A_1362 = arith.cmpi eq, %get3A_33, %eq3A_1361 : vector<1x10000xi32>
    %jit3A_1363 = arith.constant 0.000000e+00 : f32
    %broadcast_in_dim3A_1364 = vector.shape_cast %eq3A_1362 : vector<1x10000xi1> to vector<1x10000xi1>
    %broadcast_in_dim3A_1365 = vector.broadcast %broadcast_in_dim3A_1364 : vector<1x10000xi1> to vector<20x10000xi1>
    %broadcast_in_dim3A_1366 = vector.broadcast %jit3A_1363 : f32 to vector<20x10000xf32>
    %select_n3A_1367 = arith.select %broadcast_in_dim3A_1365, %max3A_30, %broadcast_in_dim3A_1366 : vector<20x10000xi1>, vector<20x10000xf32>
    %reduce_max3A_1368 = arith.constant dense<0xFF800000> : vector<20xf32>
    %reduce_max3A_1369 = vector.multi_reduction <maximumf>, %select_n3A_1367, %reduce_max3A_1368 [1] : vector<20x10000xf32> to vector<20xf32>
    %swap3A_1370 = arith.constant 60 : index
    %swap3A_1371 = arith.constant 0 : index
    %swap3A_1372 = vector.load %arg8[%swap3A_1370, %swap3A_1371] : memref<64x40xf32, #tpu.memory_space<vmem>>, vector<1x20xf32>
    %swap3A_1373 = vector.shape_cast %swap3A_1372 : vector<1x20xf32> to vector<20xf32>
    %swap3A_1374 = vector.shape_cast %reduce_max3A_1369 : vector<20xf32> to vector<1x20xf32>
    tpu.vector_store %arg8[%swap3A_1370, %swap3A_1371], %swap3A_1374 {strides = array<i32>} : memref<64x40xf32, #tpu.memory_space<vmem>>, vector<1x20xf32>,
    %slice3A_1375 = vector.extract_strided_slice %div3A_45 {offsets = [0, 60], sizes = [20, 1], strides = [1, 1]} : vector<20x64xf32> to vector<20x1xf32>
    %squeeze3A_1376 = vector.shape_cast %slice3A_1375 : vector<20x1xf32> to vector<20xf32>
    %swap3A_1377 = arith.constant 60 : index
    %swap3A_1378 = arith.constant 20 : index
    %swap3A_1379 = vector.load %arg8[%swap3A_1377, %swap3A_1378] : memref<64x40xf32, #tpu.memory_space<vmem>>, vector<1x20xf32>
    %swap3A_1380 = vector.shape_cast %swap3A_1379 : vector<1x20xf32> to vector<20xf32>
    %swap3A_1381 = vector.shape_cast %squeeze3A_1376 : vector<20xf32> to vector<1x20xf32>
    tpu.vector_store %arg8[%swap3A_1377, %swap3A_1378], %swap3A_1381 {strides = array<i32>} : memref<64x40xf32, #tpu.memory_space<vmem>>, vector<1x20xf32>,
    %eq3A_1382 = arith.constant 61 : i32
    %eq3A_1383 = vector.broadcast %eq3A_1382 : i32 to vector<1x10000xi32>
    %eq3A_1384 = arith.cmpi eq, %get3A_33, %eq3A_1383 : vector<1x10000xi32>
    %jit3A_1385 = arith.constant 0.000000e+00 : f32
    %broadcast_in_dim3A_1386 = vector.shape_cast %eq3A_1384 : vector<1x10000xi1> to vector<1x10000xi1>
    %broadcast_in_dim3A_1387 = vector.broadcast %broadcast_in_dim3A_1386 : vector<1x10000xi1> to vector<20x10000xi1>
    %broadcast_in_dim3A_1388 = vector.broadcast %jit3A_1385 : f32 to vector<20x10000xf32>
    %select_n3A_1389 = arith.select %broadcast_in_dim3A_1387, %max3A_30, %broadcast_in_dim3A_1388 : vector<20x10000xi1>, vector<20x10000xf32>
    %reduce_max3A_1390 = arith.constant dense<0xFF800000> : vector<20xf32>
    %reduce_max3A_1391 = vector.multi_reduction <maximumf>, %select_n3A_1389, %reduce_max3A_1390 [1] : vector<20x10000xf32> to vector<20xf32>
    %swap3A_1392 = arith.constant 61 : index
    %swap3A_1393 = arith.constant 0 : index
    %swap3A_1394 = vector.load %arg8[%swap3A_1392, %swap3A_1393] : memref<64x40xf32, #tpu.memory_space<vmem>>, vector<1x20xf32>
    %swap3A_1395 = vector.shape_cast %swap3A_1394 : vector<1x20xf32> to vector<20xf32>
    %swap3A_1396 = vector.shape_cast %reduce_max3A_1391 : vector<20xf32> to vector<1x20xf32>
    tpu.vector_store %arg8[%swap3A_1392, %swap3A_1393], %swap3A_1396 {strides = array<i32>} : memref<64x40xf32, #tpu.memory_space<vmem>>, vector<1x20xf32>,
    %slice3A_1397 = vector.extract_strided_slice %div3A_45 {offsets = [0, 61], sizes = [20, 1], strides = [1, 1]} : vector<20x64xf32> to vector<20x1xf32>
    %squeeze3A_1398 = vector.shape_cast %slice3A_1397 : vector<20x1xf32> to vector<20xf32>
    %swap3A_1399 = arith.constant 61 : index
    %swap3A_1400 = arith.constant 20 : index
    %swap3A_1401 = vector.load %arg8[%swap3A_1399, %swap3A_1400] : memref<64x40xf32, #tpu.memory_space<vmem>>, vector<1x20xf32>
    %swap3A_1402 = vector.shape_cast %swap3A_1401 : vector<1x20xf32> to vector<20xf32>
    %swap3A_1403 = vector.shape_cast %squeeze3A_1398 : vector<20xf32> to vector<1x20xf32>
    tpu.vector_store %arg8[%swap3A_1399, %swap3A_1400], %swap3A_1403 {strides = array<i32>} : memref<64x40xf32, #tpu.memory_space<vmem>>, vector<1x20xf32>,
    %eq3A_1404 = arith.constant 62 : i32
    %eq3A_1405 = vector.broadcast %eq3A_1404 : i32 to vector<1x10000xi32>
    %eq3A_1406 = arith.cmpi eq, %get3A_33, %eq3A_1405 : vector<1x10000xi32>
    %jit3A_1407 = arith.constant 0.000000e+00 : f32
    %broadcast_in_dim3A_1408 = vector.shape_cast %eq3A_1406 : vector<1x10000xi1> to vector<1x10000xi1>
    %broadcast_in_dim3A_1409 = vector.broadcast %broadcast_in_dim3A_1408 : vector<1x10000xi1> to vector<20x10000xi1>
    %broadcast_in_dim3A_1410 = vector.broadcast %jit3A_1407 : f32 to vector<20x10000xf32>
    %select_n3A_1411 = arith.select %broadcast_in_dim3A_1409, %max3A_30, %broadcast_in_dim3A_1410 : vector<20x10000xi1>, vector<20x10000xf32>
    %reduce_max3A_1412 = arith.constant dense<0xFF800000> : vector<20xf32>
    %reduce_max3A_1413 = vector.multi_reduction <maximumf>, %select_n3A_1411, %reduce_max3A_1412 [1] : vector<20x10000xf32> to vector<20xf32>
    %swap3A_1414 = arith.constant 62 : index
    %swap3A_1415 = arith.constant 0 : index
    %swap3A_1416 = vector.load %arg8[%swap3A_1414, %swap3A_1415] : memref<64x40xf32, #tpu.memory_space<vmem>>, vector<1x20xf32>
    %swap3A_1417 = vector.shape_cast %swap3A_1416 : vector<1x20xf32> to vector<20xf32>
    %swap3A_1418 = vector.shape_cast %reduce_max3A_1413 : vector<20xf32> to vector<1x20xf32>
    tpu.vector_store %arg8[%swap3A_1414, %swap3A_1415], %swap3A_1418 {strides = array<i32>} : memref<64x40xf32, #tpu.memory_space<vmem>>, vector<1x20xf32>,
    %slice3A_1419 = vector.extract_strided_slice %div3A_45 {offsets = [0, 62], sizes = [20, 1], strides = [1, 1]} : vector<20x64xf32> to vector<20x1xf32>
    %squeeze3A_1420 = vector.shape_cast %slice3A_1419 : vector<20x1xf32> to vector<20xf32>
    %swap3A_1421 = arith.constant 62 : index
    %swap3A_1422 = arith.constant 20 : index
    %swap3A_1423 = vector.load %arg8[%swap3A_1421, %swap3A_1422] : memref<64x40xf32, #tpu.memory_space<vmem>>, vector<1x20xf32>
    %swap3A_1424 = vector.shape_cast %swap3A_1423 : vector<1x20xf32> to vector<20xf32>
    %swap3A_1425 = vector.shape_cast %squeeze3A_1420 : vector<20xf32> to vector<1x20xf32>
    tpu.vector_store %arg8[%swap3A_1421, %swap3A_1422], %swap3A_1425 {strides = array<i32>} : memref<64x40xf32, #tpu.memory_space<vmem>>, vector<1x20xf32>,
    %eq3A_1426 = arith.constant 63 : i32
    %eq3A_1427 = vector.broadcast %eq3A_1426 : i32 to vector<1x10000xi32>
    %eq3A_1428 = arith.cmpi eq, %get3A_33, %eq3A_1427 : vector<1x10000xi32>
    %jit3A_1429 = arith.constant 0.000000e+00 : f32
    %broadcast_in_dim3A_1430 = vector.shape_cast %eq3A_1428 : vector<1x10000xi1> to vector<1x10000xi1>
    %broadcast_in_dim3A_1431 = vector.broadcast %broadcast_in_dim3A_1430 : vector<1x10000xi1> to vector<20x10000xi1>
    %broadcast_in_dim3A_1432 = vector.broadcast %jit3A_1429 : f32 to vector<20x10000xf32>
    %select_n3A_1433 = arith.select %broadcast_in_dim3A_1431, %max3A_30, %broadcast_in_dim3A_1432 : vector<20x10000xi1>, vector<20x10000xf32>
    %reduce_max3A_1434 = arith.constant dense<0xFF800000> : vector<20xf32>
    %reduce_max3A_1435 = vector.multi_reduction <maximumf>, %select_n3A_1433, %reduce_max3A_1434 [1] : vector<20x10000xf32> to vector<20xf32>
    %swap3A_1436 = arith.constant 63 : index
    %swap3A_1437 = arith.constant 0 : index
    %swap3A_1438 = vector.load %arg8[%swap3A_1436, %swap3A_1437] : memref<64x40xf32, #tpu.memory_space<vmem>>, vector<1x20xf32>
    %swap3A_1439 = vector.shape_cast %swap3A_1438 : vector<1x20xf32> to vector<20xf32>
    %swap3A_1440 = vector.shape_cast %reduce_max3A_1435 : vector<20xf32> to vector<1x20xf32>
    tpu.vector_store %arg8[%swap3A_1436, %swap3A_1437], %swap3A_1440 {strides = array<i32>} : memref<64x40xf32, #tpu.memory_space<vmem>>, vector<1x20xf32>,
    %slice3A_1441 = vector.extract_strided_slice %div3A_45 {offsets = [0, 63], sizes = [20, 1], strides = [1, 1]} : vector<20x64xf32> to vector<20x1xf32>
    %squeeze3A_1442 = vector.shape_cast %slice3A_1441 : vector<20x1xf32> to vector<20xf32>
    %swap3A_1443 = arith.constant 63 : index
    %swap3A_1444 = arith.constant 20 : index
    %swap3A_1445 = vector.load %arg8[%swap3A_1443, %swap3A_1444] : memref<64x40xf32, #tpu.memory_space<vmem>>, vector<1x20xf32>
    %swap3A_1446 = vector.shape_cast %swap3A_1445 : vector<1x20xf32> to vector<20xf32>
    %swap3A_1447 = vector.shape_cast %squeeze3A_1442 : vector<20xf32> to vector<1x20xf32>
    tpu.vector_store %arg8[%swap3A_1443, %swap3A_1444], %swap3A_1447 {strides = array<i32>} : memref<64x40xf32, #tpu.memory_space<vmem>>, vector<1x20xf32>,
    %get3A_1448 = arith.constant 0 : index
    %get3A_1449 = arith.constant 0 : index
    %get3A_1450 = vector.load %arg8[%get3A_1448, %get3A_1449] : memref<64x40xf32, #tpu.memory_space<vmem>>, vector<64x40xf32>
    %get3A_1451 = arith.constant 0 : index
    %get3A_1452 = arith.constant 0 : index
    %get3A_1453 = vector.load %arg5[%get3A_1451, %get3A_1452] : memref<40x10xf32, #tpu.memory_space<vmem>>, vector<40x10xf32>
    %dot_general3A_1454 = arith.constant dense<0.000000e+00> : vector<64x10xf32>
    %dot_general3A_1455 = tpu.matmul %get3A_1450, %get3A_1453, %dot_general3A_1454 {dimension_numbers = #tpu.dot_dimension_numbers<[1], [0], [0], [1], [0, 0, 1, 1], [], []>, transpose_lhs_hint = false} : vector<64x40xf32>, vector<40x10xf32>, vector<64x10xf32> -> vector<64x10xf32>
    %get3A_1456 = arith.constant 0 : index
    %get3A_1457 = vector.load %arg6[%get3A_1456] : memref<10xf32, #tpu.memory_space<vmem>>, vector<10xf32>
    %broadcast_in_dim3A_1458 = vector.shape_cast %get3A_1457 : vector<10xf32> to vector<1x10xf32>
    %add3A_1459 = vector.broadcast %broadcast_in_dim3A_1458 : vector<1x10xf32> to vector<64x10xf32>
    %add3A_1460 = arith.addf %dot_general3A_1455, %add3A_1459 : vector<64x10xf32>
    %swap3A_1461 = arith.constant 0 : index
    %swap3A_1462 = arith.constant 0 : index
    %swap3A_1463 = vector.load %arg7[%swap3A_1461, %swap3A_1462] : memref<64x10xf32, #tpu.memory_space<vmem>>, vector<64x10xf32>
    tpu.vector_store %arg7[%swap3A_1461, %swap3A_1462], %add3A_1460 {strides = array<i32>} : memref<64x10xf32, #tpu.memory_space<vmem>>, vector<64x10xf32>,
    return
  }
}

</mosaic_0001>

<sc_bundles>
// kernel: kernel.11.cloned.1.call-start
scs
__scs_entry_jumppad:
0x0: {  	(pc) =	sbr.rel $0x88, $3  }
0x1: {  	(tag) =	ssettag $0x0;
	lr =	simm.s32 $0x1  }
0x2: {  	[smem:$0x3F95] =	sst lr;
	_ =	strace $0xD0000000  }
0x3: {  	_ = 	snop  }
0x4: {  	_ = 	snop  }
0x5: {  	_ = 	snop  }
0x6: {  	_ = 	snop  }
0x7: {  	_ = 	snop  }
__scs_overlays_trampoline_lowered:
0x8: {  	[smem:$0x3FA4] =	sst s0  }
0x9: {  	[smem:$0x3FA5] =	sst s1  }
0xa: {  	[smem:$0x3FA6] =	sst s2  }
0xb: {  	[smem:$0x3FA7] =	sst s3  }
0xc: {  	[smem:$0x3FA8] =	sst s4  }
0xd: {  	[smem:$0x3FA9] =	sst s5  }
0xe: {  	[smem:$0x3FAA] =	sst s6  }
0xf: {  	[smem:$0x3FAB] =	sst s7  }
0x10: {  	[smem:$0x3FAC] =	sst s8  }
0x11: {  	[smem:$0x3FAD] =	sst s9;
	s0 =	simm.s32 @!p0 $0x0  }
0x12: {  	s1 =	sld [smem:$0x3F93];
	s0 =	simm.s32 @p0 $0x1  }
0x13: {  	[smem:$0x3FAE] =	sst s0;
	s0 =	simm.s32 @!p1 $0x0  }
0x14: {  	s2 =	sld [smem:$0x3F92];
	s0 =	simm.s32 @p1 $0x1  }
0x15: {  	[smem:$0x3FAF] =	sst s0;
	s0 =	simm.s32 @!p2 $0x0  }
0x16: {  	s3 =	sld [smem:$0x3FDB];
	s0 =	simm.s32 @p2 $0x1  }
0x17: {  	s4 =	simm.s32 $0x1BF5;
	[smem:$0x3FB1] =	sst s0  }
0x18: {  	s0 =	sld [smem:$0x3F94];
	_ =	swait.ge [sflag:s4], $0x0  }
0x19: {  	s7 =	sld [smem:$0x3F95]  }
0x1a: {  	s8 =	sadd.s32 $0xFFFFE003, lr  }
0x1b: {  	s9 =	sadd.s32 $0xFFFFFEF7, lr;
	s5 =	simm.s32 $0xFFFFFFFF;
	p2 =	slt.u32 s8, $0xFFFFF086  }
0x1c: {  	p1 =	slt.u32 s9, $0xF7A;
	s5 =	simm.s32 @!p2 $0x0  }
0x1d: {  	s5 =	simm.s32 @p1 $0x1;
	p0 =	seq.s32 s7, s2  }
0x1e: {  	s7 =	smul.u32 @!p0 $0xF7A, s2;
	p2 =	seq.s32 @!p0 s5, $0x0  }
0x1f: {  	s9 =	smul.u32 $0xF7A, s1;
	s8 =	simm.s32 @!p0 $0x1BF5;
	p2 =	por !p2, p0  }
0x20: {  	[sflag:s8] =	ssyncset.s32 @!p0 $0xFFFFF086;
	s6 =	sadd.s32 @!p0 s3, s7;
	s7 =	simm.s32 @!p0 $0x108  }
0x21: {  	s3 =	sadd.s32 s3, s9;
	s6 =	sadd.s32 @!p0 $0x88, s6;
	s7 =	simm.s32 @p2 $0x1082  }
0x22: {  	[simem:s7], [sflag:s8] =	dma.local @!p0 [hbm:s6], $0xF7A  }
0x23: {  	s9 =	sor.u32 $0xD0000000, s2;
	s6 =	simm.s32 $0x108;
	_ =	swait.ge @!p0 [sflag:s8], $0x0  }
0x24: {  	s3 =	sadd.s32 $0x88, s3;
	s6 =	simm.s32 @!p1 $0x1082;
	[sflag:s4] =	ssyncset.s32 $0xFFFFF086  }
0x25: {  	[simem:s6], [sflag:s4] =	dma.local [hbm:s3], $0xF7A  }
0x26: {  	[smem:$0x3F95] =	sst s1;
	(tag) =	ssettag s2;
	_ =	strace s9  }
0x27: {  	s1 =	sld [smem:$0x3FA5]  }
0x28: {  	s2 =	sld [smem:$0x3FA6]  }
0x29: {  	s4 =	sld [smem:$0x3FA8]  }
0x2a: {  	p0 =	seq.s32 s5, $0x0;
	s5 =	sld [smem:$0x3FA9]  }
0x2b: {  	s6 =	sld [smem:$0x3FAA]  }
0x2c: {  	s7 =	sld [smem:$0x3FAB]  }
0x2d: {  	s3 =	simm.s32 $0x108;
	s8 =	sld [smem:$0x3FAC]  }
0x2e: {  	s3 =	simm.s32 @!p0 $0x1082;
	s9 =	sld [smem:$0x3FAD]  }
0x2f: {  	lr =	sadd.s32 s0, s3;
	s0 =	sld [smem:$0x3FA4]  }
0x30: {  	s3 =	sld [smem:$0x3FA7]  }
0x31: {  	[smem:$0x3FB0] =	sst s10  }
0x32: {  	s10 =	sld [smem:$0x3FAE];
	_ =	sdelay $0x3  }
0x33: {  	p0 =	seq.s32 s10, $0x1;
	s10 =	sld [smem:$0x3FB0];
	_ =	sdelay $0x3  }
0x34: {  	[smem:$0x3FB0] =	sst s10  }
0x35: {  	s10 =	sld [smem:$0x3FAF];
	_ =	sdelay $0x3  }
0x36: {  	p1 =	seq.s32 s10, $0x1;
	s10 =	sld [smem:$0x3FB0];
	_ =	sdelay $0x3  }
0x37: {  	[smem:$0x3FB0] =	sst s10  }
0x38: {  	s10 =	sld [smem:$0x3FB1]  }
0x39: {  	_ = 	snop;
	(pc) =	sbr.ind lr, $3  }
0x3a: {  	_ = 	snop  }
0x3b: {  	_ = 	snop  }
0x3c: {  	p2 =	seq.s32 s10, $0x1;
	s10 =	sld [smem:$0x3FB0]  }
0x3d: {  	_ =	shalt  }
0x3e: {  	_ =	shalt  }
0x3f: {  	_ =	shalt  }
0x40: {  	_ =	shalt  }
0x41: {  	_ =	shalt  }
0x42: {  	_ =	shalt  }
0x43: {  	_ =	shalt  }
0x44: {  	_ =	shalt  }
0x45: {  	_ =	shalt  }
0x46: {  	_ =	shalt  }
0x47: {  	_ =	shalt  }
0x48: {  	_ =	shalt  }
0x49: {  	_ =	shalt  }
0x4a: {  	_ =	shalt  }
0x4b: {  	_ =	shalt  }
0x4c: {  	_ =	shalt  }
0x4d: {  	_ =	shalt  }
0x4e: {  	_ =	shalt  }
0x4f: {  	_ =	shalt  }
0x50: {  	_ =	shalt  }
0x51: {  	_ =	shalt  }
0x52: {  	_ =	shalt  }
0x53: {  	_ =	shalt  }
0x54: {  	_ =	shalt  }
0x55: {  	_ =	shalt  }
0x56: {  	_ =	shalt  }
0x57: {  	_ =	shalt  }
0x58: {  	_ =	shalt  }
0x59: {  	_ =	shalt  }
0x5a: {  	_ =	shalt  }
0x5b: {  	_ =	shalt  }
0x5c: {  	_ =	shalt  }
0x5d: {  	_ =	shalt  }
0x5e: {  	_ =	shalt  }
0x5f: {  	_ =	shalt  }
0x60: {  	_ =	shalt  }
0x61: {  	_ =	shalt  }
0x62: {  	_ =	shalt  }
0x63: {  	_ =	shalt  }
0x64: {  	_ =	shalt  }
0x65: {  	_ =	shalt  }
0x66: {  	_ =	shalt  }
0x67: {  	_ =	shalt  }
0x68: {  	_ =	shalt  }
0x69: {  	_ =	shalt  }
0x6a: {  	_ =	shalt  }
0x6b: {  	_ =	shalt  }
0x6c: {  	_ =	shalt  }
0x6d: {  	_ =	shalt  }
0x6e: {  	_ =	shalt  }
0x6f: {  	_ =	shalt  }
0x70: {  	_ =	shalt  }
0x71: {  	_ =	shalt  }
0x72: {  	_ =	shalt  }
0x73: {  	_ =	shalt  }
0x74: {  	_ =	shalt  }
0x75: {  	_ =	shalt  }
0x76: {  	_ =	shalt  }
0x77: {  	_ =	shalt  }
0x78: {  	_ =	shalt  }
0x79: {  	_ =	shalt  }
0x7a: {  	_ =	shalt  }
0x7b: {  	_ =	shalt  }
0x7c: {  	_ =	shalt  }
0x7d: {  	_ =	shalt  }
0x7e: {  	_ =	shalt  }
0x7f: {  	_ =	shalt  }
0x80: {  	_ =	shalt  }
0x81: {  	_ =	shalt  }
0x82: {  	_ =	shalt  }
0x83: {  	_ =	shalt  }
0x84: {  	_ =	shalt  }
0x85: {  	_ =	shalt  }
0x86: {  	_ =	shalt  }
0x87: {  	_ =	shalt  }
.Lfunc_end0:
.L_simem_size_0:
called_computation_lowered:
.L_overlay_start_0:
0x88: {  	s2 =	sld [smem:$0x3FD9]  }
0x89: {  	s3 =	sld [smem:$0x3FFE];
	_ =	sdelay $0x1  }
0x8a: {  	s1 =	srdreg.scid  }
0x8b: {  	s0 =	sand.u32 $0x1, s1  }
0x8c: {  	s17 =	sshll.u32 s0, $0xA;
	s2 =	sadd.s32 s3, s2  }
0x8d: {  	s2 =	sadd.s32 s2, s17  }
0x8e: {  	[smem:$0x3FBC] =	sst s2  }
0x8f: {  	_ = 	snop  }
0x90: {  	s2 =	sld [smem:$0x3FC6];
	(tm) =	ssettm $0x1  }
0x91: {  	s18 =	sld [smem:$0x3FFB];
	_ =	sdelay $0x3  }
0x92: {  	_ =	strace s18  }
0x93: {  	s3 =	sld [smem:$0x3FFC];
	_ =	sdelay $0x3  }
0x94: {  	_ =	strace s3  }
0x95: {  	s3 =	sld [smem:$0x3FFD];
	_ =	sdelay $0x3  }
0x96: {  	_ =	strace s3  }
0x97: {  	_ =	strace $0x8FFFFFFF  }
0x98: {  	s19 =	sld [smem:$0x3FDB];
	_ =	sdelay $0x1  }
0x99: {  	s4 =	simm.s32 $_scs_section_size  }
0x9a: {  	s5 =	simm.s32 $_size__tile_overlayer_lowered;
	s6 =	simm.s32 $_tile_overlayer_lowered  }
0x9b: {  	s22 =	simm.s32 $0x1BFF;
	s21 =	sshll.u32 s6, $0x1;
	s3 =	sadd.s32 s4, s19  }
0x9c: {  	s7 =	simm.s32 $0x0;
	s20 =	sshll.u32 s5, $0x1;
	s5 =	sadd.s32 s21, s3  }
0x9d: {  	[timem:s7], [sflag:s22] =	dma.local [hbm:s5], s20  }
0x9e: {  	_ =	swait.ge [sflag:s22], s20  }
0x9f: {  	s4 =	ssub.s32 $0x0, s20;
	[sflag:s22] =	ssyncset.done $0x0  }
0xa0: {  	[sflag:s22] =	ssyncadd.s32 s4;
	_ =	sdelay $0x1  }
0xa1: {  	s23 =	simm.s32 $0x1B8B  }
0xa2: {  	_ =	swait.ge [sflag:s23], $0x1  }
0xa3: {  	[sflag:s23] =	ssyncset.done $0x0  }
0xa4: {  	s25 =	simm.s32 $0x1B8E;
	s24 =	sld [smem:$0x3FFE];
	[sflag:s23] =	ssyncadd.s32 $0xFFFFFFFF  }
0xa5: {  	s26 =	simm.s32 $execute0_lowered;
	[smem:$0x3FD2] =	sst s25  }
0xa6: {  	s5 =	sshll.u32 s26, $0x1;
	_ =	strace $0x80000046;
	[dreg:$0x1] =	wrdreg $0xFFFFFFFF  }
0xa7: {  	s28 =	simm.s32 $_size_execute0_lowered;
	s3 =	sadd.s32 s3, s5;
	[dreg:$0x0] =	wrdreg $0x0  }
0xa8: {  	s5 =	sshll.u32 s28, $0x1;
	[dreg:$0x2] =	wrdreg s3  }
0xa9: {  	[dreg:$0x3] =	wrdreg s5  }
0xaa: {  	[dreg:$0x4] =	wrdreg $0xC0  }
0xab: {  	_ =	task [dreg:s7], $0x5FFFF  }
0xac: {  	[dreg:$0x1] =	wrdreg $0xFFFFFFFF  }
0xad: {  	[dreg:$0x0] =	wrdreg $0x60  }
0xae: {  	[dreg:$0x2] =	wrdreg s24  }
0xaf: {  	[dreg:$0x3] =	wrdreg s2  }
0xb0: {  	[dreg:$0x4] =	wrdreg $0x9  }
0xb1: {  	_ =	task.clear_ibuf [dreg:s7], $0x5FFFF;
	_ =	strace $0x90000046  }
0xb2: {  	s29 =	simm.s32 $0x9;
	_ =	strace $0x80000048  }
0xb3: {  	_ =	swait.ge [sflag:s29], $0x1  }
0xb4: {  	[sflag:s29] =	ssyncadd.s32 $0xFFFFFFFF  }
0xb5: {  	_ =	strace $0x90000048  }
0xb6: {  	_ =	sfence  }
0xb7: {  	s30 =	sld [smem:$0x0];
	_ =	sdelay $0x2  }
0xb8: {  	s31 =	sshll.u32 s1, $0xD;
	s1 =	sshrl.u32 s1, $0x2  }
0xb9: {  	s3 =	sand.u32 $0x4000, s31;
	s1 =	sadd.s32 s1, s30  }
0xba: {  	s0 =	sor.u32 s3, s0;
	s1 =	sshll.u32 s1, $0x11  }
0xbb: {  	s0 =	sor.u32 s1, s0  }
0xbc: {  	s0 =	sadd.s32 $0x8F2B, s0  }
0xbd: {  	[sflag:s0] =	ssyncadd.remote.s32 $0x1  }
0xbe: {  	_ =	sfence.sel $0xFFFF  }
0xbf: {  	[dreg:$0x0] =	wrdreg $0xFFFFFFFF;
	(pc) =	sbr.abs _section_cstart, $3  }
0xc0: {  	[dreg:$0x1] =	wrdreg $0xFFFFFFFF  }
0xc1: {  	_ =	task.clear_ibuf [dreg:s7], $0x2FFFF;
	_ =	strace $0x9FFFFFFF  }
0xc2: {  	(tm) =	ssettm $0x7FFFFFFF  }
0xc3: {  	_ =	shalt  }
tec
execute0_lowered:
.L_overlay_start_1:
0x0: {  	(tag) =	ssettag $0x1  }
0x1: {  	s3 =	rddreg [dreg:$0x0]  }
0x2: {  	s1 =	srdreg.scid;
	s0 =	stileid.u32  }
0x3: {  	s4 =	rddreg [dreg:$0x1];
	s10 =	simm.s32 $0x80;
	s11 =	simm.s32 $0x400  }
0x4: {  	s12 =	simm.s32 $0x0;
	s5 =	sand.u32 $0x1, s1;
	s2 =	sshll.u32 s0, $0x1  }
0x5: {  	s1 =	rddreg [dreg:$0x2];
	s7 =	sshrl.u32 s0, $0x2;
	s6 =	sor.u32 s5, s2  }
0x6: {  	s2 =	simm.s32 $0x0;
	s7 =	smul.u32 $0x13C00, s7;
	s5 =	ssub.s32 $0x2, s5  }
0x7: {  	s8 =	sshll.u32 s6, $0x7;
	[smem:$0x7FF] =	sst s2;
	s6 =	smul.u32 $0x4E2, s6  }
0x8: {  	s9 =	sshrl.u32 s5, $0x1;
	s8 =	sand.u32 $0x380, s8;
	_ =	strace $0x80000047  }
0x9: {  	s9 =	ssub.s32 s5, s9;
	s7 =	sor.u32 s7, s8;
	s31 =	sadd.s32 s6, s3  }
0xa: {  	s4 =	sadd.s32 s4, s6;
	s6 =	smax.u32 s9, $0x1;
	s7 =	sshrl.u32 s7, $0x3  }
0xb: {  	s8 =	simm.s32 $0x1;
	s9 =	simm.s32 $0x4F00;
	s7 =	sadd.s32 s7, s3  }
0xc: {  	v0 =	vimm.f32 $0.0e+00;
	s3 =	sadd.s32 $0xE200, s31;
	s5 =	sadd.s32 $0x18000, s7;
	s7 =	simm.s32 $0x2780  }
.LBB2_1:
0xd: {  	[tilespmem:s7], [sflag:$0x1] =	stream.linear.gather [hbm4b:s3+s2], $0x2710, $0x38;
	[tilespmem:$0x7680] =	vst v63  }
0xe: {  	_ =	swait.ge [sflag:s8], $0x2710  }
0xf: {  	[sflag:s8] =	ssyncset.done $0x0  }
0x10: {  	[sflag:s8] =	ssyncadd.s32 $0xFFFFD8F0  }
0x11: {  	[tilespmem:s9], [sflag:$0x1] =	stream.linear.gather [hbm4b:s4+s2], $0x2710, $0x38;
	[tilespmem:$0x7680] =	vst v63  }
0x12: {  	_ =	swait.ge [sflag:s8], $0x2710  }
0x13: {  	[sflag:s8] =	ssyncset.done $0x0  }
0x14: {  	s13 =	simm.s32 $0x40;
	[sflag:s8] =	ssyncadd.s32 $0xFFFFD8F0  }
0x15: {  	[tilespmem:s13+$0xFFFFFFC0] =	vst v0  }
0x16: {  	[tilespmem:s13+$0x30] =	vst v0  }
0x17: {  	[tilespmem:s13+$0x20] =	vst v0  }
0x18: {  	[tilespmem:s13+$0x10] =	vst v0  }
0x19: {  	[tilespmem:s13+$0x0] =	vst v0  }
0x1a: {  	[tilespmem:s13+$0xFFFFFFF0] =	vst v0  }
0x1b: {  	s14 =	simm.s32 $0x0;
	[tilespmem:s13+$0xFFFFFFE0] =	vst v0  }
.LBB2_2:
0x1c: {  	s14 =	sadd.s32 $0x80, s14;
	[tilespmem:s13+$0xFFFFFFD0] =	vst v0;
	s13 =	sadd.s32 $0x80, s13  }
0x1d: {  	[tilespmem:s13+$0xFFFFFFC0] =	vst v0;
	p0 =	slt.u32 s14, $0x2680  }
0x1e: {  	[tilespmem:s13+$0x30] =	vst v0  }
.Ltmp0:
0x1f: {  	[tilespmem:s13+$0x20] =	vst v0;
	(pc) =	sbr.rel @p0 .LBB2_2-.Ltmp0, $4  }
0x20: {  	[tilespmem:s13+$0x10] =	vst v0  }
0x21: {  	[tilespmem:s13+$0x0] =	vst v0  }
0x22: {  	[tilespmem:s13+$0xFFFFFFF0] =	vst v0  }
0x23: {  	[tilespmem:s13+$0xFFFFFFE0] =	vst v0  }
0x24: {  	[tilespmem:s13+$0xFFFFFFD0] =	vst v0  }
0x25: {  	s14 =	simm.s32 $0x27C0;
	[tilespmem:$0x2700] =	vst v0  }
0x26: {  	v1 =	vld [tilespmem:s14+$0x30]  }
0x27: {  	v2 =	vld [tilespmem:s14+$0xFFFFFFD0]  }
0x28: {  	s13 =	simm.s32 $0x4F40;
	v3 =	vld [tilespmem:s14+$0xFFFFFFE0]  }
0x29: {  	v4 =	vld [tilespmem:s13+$0x30]  }
0x2a: {  	v5 =	vld [tilespmem:s14+$0xFFFFFFF0]  }
0x2b: {  	v6 =	vld [tilespmem:s14+$0x0]  }
0x2c: {  	v7 =	vld [tilespmem:s14+$0x10]  }
0x2d: {  	v8 =	vld [tilespmem:s14+$0x20]  }
0x2e: {  	v63 =	vld [tilespmem:s13+$0xFFFFFFC0]  }
0x2f: {  	v9 =	vld [tilespmem:s13+$0xFFFFFFD0]  }
0x30: {  	v10 =	vld [tilespmem:s13+$0xFFFFFFE0]  }
0x31: {  	v11 =	vld [tilespmem:s13+$0xFFFFFFF0]  }
0x32: {  	v12 =	vld [tilespmem:s13+$0x0]  }
0x33: {  	v13 =	vld [tilespmem:s13+$0x10]  }
0x34: {  	[tilespmem:v1+s2+$0x0] =	vst.idx.add.f32.msk $0xffff, v4  }
0x35: {  	v1 =	vld [tilespmem:s14+$0xFFFFFFC0]  }
0x36: {  	v14 =	vld [tilespmem:s13+$0x20]  }
0x37: {  	[tilespmem:v2+s2+$0x0] =	vst.idx.add.f32.msk $0xffff, v9  }
0x38: {  	[tilespmem:v3+s2+$0x0] =	vst.idx.add.f32.msk $0xffff, v10  }
0x39: {  	[tilespmem:v5+s2+$0x0] =	vst.idx.add.f32.msk $0xffff, v11  }
0x3a: {  	[tilespmem:v6+s2+$0x0] =	vst.idx.add.f32.msk $0xffff, v12  }
0x3b: {  	[tilespmem:v7+s2+$0x0] =	vst.idx.add.f32.msk $0xffff, v13  }
0x3c: {  	[tilespmem:v8+s2+$0x0] =	vst.idx.add.f32.msk $0xffff, v14  }
0x3d: {  	s15 =	simm.s32 $0x2840;
	s14 =	simm.s32 $0x0;
	[tilespmem:v1+s2+$0x0] =	vst.idx.add.f32.msk $0xffff, v63  }
.LBB2_4:
0x3e: {  	v1 =	vld [tilespmem:s15+$0x30];
	s14 =	sadd.s32 $0x80, s14  }
0x3f: {  	v2 =	vld [tilespmem:s15+$0xFFFFFFD0];
	p0 =	slt.u32 s14, $0x2680  }
0x40: {  	s13 =	sadd.s32 $0x80, s13;
	v3 =	vld [tilespmem:s15+$0xFFFFFFE0]  }
0x41: {  	v4 =	vld [tilespmem:s13+$0x30]  }
0x42: {  	v5 =	vld [tilespmem:s15+$0xFFFFFFF0]  }
0x43: {  	v6 =	vld [tilespmem:s15+$0x0]  }
0x44: {  	v7 =	vld [tilespmem:s15+$0x10]  }
0x45: {  	v8 =	vld [tilespmem:s15+$0x20]  }
0x46: {  	[tilespmem:v1+s2+$0x0] =	vst.idx.add.f32.msk $0xffff, v4  }
0x47: {  	v1 =	vld [tilespmem:s15+$0xFFFFFFC0]  }
0x48: {  	v4 =	vld [tilespmem:s13+$0xFFFFFFC0]  }
0x49: {  	v9 =	vld [tilespmem:s13+$0xFFFFFFD0]  }
0x4a: {  	v10 =	vld [tilespmem:s13+$0xFFFFFFE0]  }
0x4b: {  	v11 =	vld [tilespmem:s13+$0xFFFFFFF0]  }
0x4c: {  	v12 =	vld [tilespmem:s13+$0x0]  }
0x4d: {  	v13 =	vld [tilespmem:s13+$0x10]  }
0x4e: {  	v14 =	vld [tilespmem:s13+$0x20]  }
0x4f: {  	[tilespmem:v1+s2+$0x0] =	vst.idx.add.f32.msk $0xffff, v4  }
0x50: {  	[tilespmem:v2+s2+$0x0] =	vst.idx.add.f32.msk $0xffff, v9  }
.Ltmp1:
0x51: {  	[tilespmem:v3+s2+$0x0] =	vst.idx.add.f32.msk $0xffff, v10;
	(pc) =	sbr.rel @p0 .LBB2_4-.Ltmp1, $4  }
0x52: {  	[tilespmem:v5+s2+$0x0] =	vst.idx.add.f32.msk $0xffff, v11  }
0x53: {  	[tilespmem:v6+s2+$0x0] =	vst.idx.add.f32.msk $0xffff, v12  }
0x54: {  	[tilespmem:v7+s2+$0x0] =	vst.idx.add.f32.msk $0xffff, v13  }
0x55: {  	s15 =	sadd.s32 $0x80, s15;
	[tilespmem:v8+s2+$0x0] =	vst.idx.add.f32.msk $0xffff, v14  }
0x56: {  	v1 =	vld [tilespmem:$0x4E80];
	_ =	sdelay $0x2  }
0x57: {  	v2 =	vld [tilespmem:$0x7600];
	_ =	sdelay $0x2  }
0x58: {  	s12 =	sadd.s32 $0x1, s12  }
0x59: {  	p0 =	sne.s32 s12, s6  }
.Ltmp2:
0x5a: {  	[tilespmem:v1+s2+$0x0] =	vst.idx.add.f32.msk $0xffff, v2;
	(pc) =	sbr.rel @p0 .LBB2_1-.Ltmp2, $4  }
0x5b: {  	[hbm4b:s5+s10] =	stream.strided.scatter [tilespmem:s2], [sflag:$0x1], $0x2780, s11, s10, $0x38;
	[tilespmem:$0x7680] =	vst v63  }
0x5c: {  	_ =	swait.ge [sflag:s8], $0x2780  }
0x5d: {  	[sflag:s8] =	ssyncset.done $0x0  }
0x5e: {  	[sflag:s8] =	ssyncadd.s32 $0xFFFFD880  }
0x5f: {  	_ =	sfence.sel $0x180000  }
0x60: {  	[bflag:$0x0] =	sbarrier.arrive $0xFFFF  }
0x61: {  	p0 =	sne.s32 s0, $0x0;
	_ =	strace $0x90000047  }
0x62: {  	s0 =	sadd.s32 @!p0 $0x100000, s1;
	[bflag:$0x2] =	sbarrier.arrive $0xFFFF  }
0x63: {  	[sflag:s0] =	ssyncadd.tile.s32 @!p0 $0x1;
	_ =	shalt  }
.Lfunc_end2:
_tile_overlayer_lowered:
.L_overlay_start_2:
0x64: {  	(tag) =	ssettag $0x2  }
0x65: {  	s0 =	rddreg [dreg:$0x0];
	s2 =	stileid.u32  }
0x66: {  	s1 =	rddreg [dreg:$0x1];
	p0 =	sne.s32 s2, $0x0  }
0x67: {  	s3 =	rddreg [dreg:$0x2];
	[bflag:$0x3] =	sbarrier.arrive $0xFFFF;
	s2 =	simm.s32 @!p0 $0x1C01  }
0x68: {  	[timem:s3], [sflag:s2] =	dma.local @!p0 [hbm:s0], s1  }
0x69: {  	s0 =	simm.s32 @!p0 $0x1  }
0x6a: {  	_ =	swait.ge @!p0 [sflag:s0], s1  }
0x6b: {  	s1 =	ssub.s32 @!p0 $0x0, s1;
	[sflag:s0] =	ssyncset.done @!p0 $0x0  }
0x6c: {  	[sflag:s0] =	ssyncadd.s32 @!p0 s1  }
0x6d: {  	[bflag:$0x3] =	sbarrier.arrive $0xFFFF  }
0x6e: {  	_ =	shalt  }

// kernel: kernel.14.cloned.1.call-start
scs
__scs_entry_jumppad:
0x0: {  	(pc) =	sbr.rel $0x88, $3  }
0x1: {  	(tag) =	ssettag $0x0;
	lr =	simm.s32 $0x1  }
0x2: {  	[smem:$0x3F95] =	sst lr;
	_ =	strace $0xD0000000  }
0x3: {  	_ = 	snop  }
0x4: {  	_ = 	snop  }
0x5: {  	_ = 	snop  }
0x6: {  	_ = 	snop  }
0x7: {  	_ = 	snop  }
__scs_overlays_trampoline_lowered:
0x8: {  	[smem:$0x3FA4] =	sst s0  }
0x9: {  	[smem:$0x3FA5] =	sst s1  }
0xa: {  	[smem:$0x3FA6] =	sst s2  }
0xb: {  	[smem:$0x3FA7] =	sst s3  }
0xc: {  	[smem:$0x3FA8] =	sst s4  }
0xd: {  	[smem:$0x3FA9] =	sst s5  }
0xe: {  	[smem:$0x3FAA] =	sst s6  }
0xf: {  	[smem:$0x3FAB] =	sst s7  }
0x10: {  	[smem:$0x3FAC] =	sst s8  }
0x11: {  	[smem:$0x3FAD] =	sst s9;
	s0 =	simm.s32 @!p0 $0x0  }
0x12: {  	s1 =	sld [smem:$0x3F93];
	s0 =	simm.s32 @p0 $0x1  }
0x13: {  	[smem:$0x3FAE] =	sst s0;
	s0 =	simm.s32 @!p1 $0x0  }
0x14: {  	s2 =	sld [smem:$0x3F92];
	s0 =	simm.s32 @p1 $0x1  }
0x15: {  	[smem:$0x3FAF] =	sst s0;
	s0 =	simm.s32 @!p2 $0x0  }
0x16: {  	s3 =	sld [smem:$0x3FDB];
	s0 =	simm.s32 @p2 $0x1  }
0x17: {  	s4 =	simm.s32 $0x1BF5;
	[smem:$0x3FB1] =	sst s0  }
0x18: {  	s0 =	sld [smem:$0x3F94];
	_ =	swait.ge [sflag:s4], $0x0  }
0x19: {  	s7 =	sld [smem:$0x3F95]  }
0x1a: {  	s8 =	sadd.s32 $0xFFFFE003, lr  }
0x1b: {  	s9 =	sadd.s32 $0xFFFFFEF7, lr;
	s5 =	simm.s32 $0xFFFFFFFF;
	p2 =	slt.u32 s8, $0xFFFFF086  }
0x1c: {  	p1 =	slt.u32 s9, $0xF7A;
	s5 =	simm.s32 @!p2 $0x0  }
0x1d: {  	s5 =	simm.s32 @p1 $0x1;
	p0 =	seq.s32 s7, s2  }
0x1e: {  	s7 =	smul.u32 @!p0 $0xF7A, s2;
	p2 =	seq.s32 @!p0 s5, $0x0  }
0x1f: {  	s9 =	smul.u32 $0xF7A, s1;
	s8 =	simm.s32 @!p0 $0x1BF5;
	p2 =	por !p2, p0  }
0x20: {  	[sflag:s8] =	ssyncset.s32 @!p0 $0xFFFFF086;
	s6 =	sadd.s32 @!p0 s3, s7;
	s7 =	simm.s32 @!p0 $0x108  }
0x21: {  	s3 =	sadd.s32 s3, s9;
	s6 =	sadd.s32 @!p0 $0x88, s6;
	s7 =	simm.s32 @p2 $0x1082  }
0x22: {  	[simem:s7], [sflag:s8] =	dma.local @!p0 [hbm:s6], $0xF7A  }
0x23: {  	s9 =	sor.u32 $0xD0000000, s2;
	s6 =	simm.s32 $0x108;
	_ =	swait.ge @!p0 [sflag:s8], $0x0  }
0x24: {  	s3 =	sadd.s32 $0x88, s3;
	s6 =	simm.s32 @!p1 $0x1082;
	[sflag:s4] =	ssyncset.s32 $0xFFFFF086  }
0x25: {  	[simem:s6], [sflag:s4] =	dma.local [hbm:s3], $0xF7A  }
0x26: {  	[smem:$0x3F95] =	sst s1;
	(tag) =	ssettag s2;
	_ =	strace s9  }
0x27: {  	s1 =	sld [smem:$0x3FA5]  }
0x28: {  	s2 =	sld [smem:$0x3FA6]  }
0x29: {  	s4 =	sld [smem:$0x3FA8]  }
0x2a: {  	p0 =	seq.s32 s5, $0x0;
	s5 =	sld [smem:$0x3FA9]  }
0x2b: {  	s6 =	sld [smem:$0x3FAA]  }
0x2c: {  	s7 =	sld [smem:$0x3FAB]  }
0x2d: {  	s3 =	simm.s32 $0x108;
	s8 =	sld [smem:$0x3FAC]  }
0x2e: {  	s3 =	simm.s32 @!p0 $0x1082;
	s9 =	sld [smem:$0x3FAD]  }
0x2f: {  	lr =	sadd.s32 s0, s3;
	s0 =	sld [smem:$0x3FA4]  }
0x30: {  	s3 =	sld [smem:$0x3FA7]  }
0x31: {  	[smem:$0x3FB0] =	sst s10  }
0x32: {  	s10 =	sld [smem:$0x3FAE];
	_ =	sdelay $0x3  }
0x33: {  	p0 =	seq.s32 s10, $0x1;
	s10 =	sld [smem:$0x3FB0];
	_ =	sdelay $0x3  }
0x34: {  	[smem:$0x3FB0] =	sst s10  }
0x35: {  	s10 =	sld [smem:$0x3FAF];
	_ =	sdelay $0x3  }
0x36: {  	p1 =	seq.s32 s10, $0x1;
	s10 =	sld [smem:$0x3FB0];
	_ =	sdelay $0x3  }
0x37: {  	[smem:$0x3FB0] =	sst s10  }
0x38: {  	s10 =	sld [smem:$0x3FB1]  }
0x39: {  	_ = 	snop;
	(pc) =	sbr.ind lr, $3  }
0x3a: {  	_ = 	snop  }
0x3b: {  	_ = 	snop  }
0x3c: {  	p2 =	seq.s32 s10, $0x1;
	s10 =	sld [smem:$0x3FB0]  }
0x3d: {  	_ =	shalt  }
0x3e: {  	_ =	shalt  }
0x3f: {  	_ =	shalt  }
0x40: {  	_ =	shalt  }
0x41: {  	_ =	shalt  }
0x42: {  	_ =	shalt  }
0x43: {  	_ =	shalt  }
0x44: {  	_ =	shalt  }
0x45: {  	_ =	shalt  }
0x46: {  	_ =	shalt  }
0x47: {  	_ =	shalt  }
0x48: {  	_ =	shalt  }
0x49: {  	_ =	shalt  }
0x4a: {  	_ =	shalt  }
0x4b: {  	_ =	shalt  }
0x4c: {  	_ =	shalt  }
0x4d: {  	_ =	shalt  }
0x4e: {  	_ =	shalt  }
0x4f: {  	_ =	shalt  }
0x50: {  	_ =	shalt  }
0x51: {  	_ =	shalt  }
0x52: {  	_ =	shalt  }
0x53: {  	_ =	shalt  }
0x54: {  	_ =	shalt  }
0x55: {  	_ =	shalt  }
0x56: {  	_ =	shalt  }
0x57: {  	_ =	shalt  }
0x58: {  	_ =	shalt  }
0x59: {  	_ =	shalt  }
0x5a: {  	_ =	shalt  }
0x5b: {  	_ =	shalt  }
0x5c: {  	_ =	shalt  }
0x5d: {  	_ =	shalt  }
0x5e: {  	_ =	shalt  }
0x5f: {  	_ =	shalt  }
0x60: {  	_ =	shalt  }
0x61: {  	_ =	shalt  }
0x62: {  	_ =	shalt  }
0x63: {  	_ =	shalt  }
0x64: {  	_ =	shalt  }
0x65: {  	_ =	shalt  }
0x66: {  	_ =	shalt  }
0x67: {  	_ =	shalt  }
0x68: {  	_ =	shalt  }
0x69: {  	_ =	shalt  }
0x6a: {  	_ =	shalt  }
0x6b: {  	_ =	shalt  }
0x6c: {  	_ =	shalt  }
0x6d: {  	_ =	shalt  }
0x6e: {  	_ =	shalt  }
0x6f: {  	_ =	shalt  }
0x70: {  	_ =	shalt  }
0x71: {  	_ =	shalt  }
0x72: {  	_ =	shalt  }
0x73: {  	_ =	shalt  }
0x74: {  	_ =	shalt  }
0x75: {  	_ =	shalt  }
0x76: {  	_ =	shalt  }
0x77: {  	_ =	shalt  }
0x78: {  	_ =	shalt  }
0x79: {  	_ =	shalt  }
0x7a: {  	_ =	shalt  }
0x7b: {  	_ =	shalt  }
0x7c: {  	_ =	shalt  }
0x7d: {  	_ =	shalt  }
0x7e: {  	_ =	shalt  }
0x7f: {  	_ =	shalt  }
0x80: {  	_ =	shalt  }
0x81: {  	_ =	shalt  }
0x82: {  	_ =	shalt  }
0x83: {  	_ =	shalt  }
0x84: {  	_ =	shalt  }
0x85: {  	_ =	shalt  }
0x86: {  	_ =	shalt  }
0x87: {  	_ =	shalt  }
.Lfunc_end0:
.L_simem_size_0:
called_computation.1_lowered:
.L_overlay_start_0:
0x88: {  	s2 =	sld [smem:$0x3FD9]  }
0x89: {  	s3 =	sld [smem:$0x3FFE];
	_ =	sdelay $0x1  }
0x8a: {  	s1 =	srdreg.scid  }
0x8b: {  	s0 =	sand.u32 $0x1, s1  }
0x8c: {  	s17 =	sshll.u32 s0, $0xA;
	s2 =	sadd.s32 s3, s2  }
0x8d: {  	s2 =	sadd.s32 s2, s17  }
0x8e: {  	[smem:$0x3FBC] =	sst s2  }
0x8f: {  	_ = 	snop  }
0x90: {  	s2 =	sld [smem:$0x3FC6];
	(tm) =	ssettm $0x1  }
0x91: {  	s18 =	sld [smem:$0x3FFB];
	_ =	sdelay $0x3  }
0x92: {  	_ =	strace s18  }
0x93: {  	s3 =	sld [smem:$0x3FFC];
	_ =	sdelay $0x3  }
0x94: {  	_ =	strace s3  }
0x95: {  	s3 =	sld [smem:$0x3FFD];
	_ =	sdelay $0x3  }
0x96: {  	_ =	strace s3  }
0x97: {  	_ =	strace $0x8FFFFFFF  }
0x98: {  	s19 =	sld [smem:$0x3FDB];
	_ =	sdelay $0x1  }
0x99: {  	s4 =	simm.s32 $_scs_section_size  }
0x9a: {  	s5 =	simm.s32 $_size__tile_overlayer_lowered;
	s6 =	simm.s32 $_tile_overlayer_lowered  }
0x9b: {  	s22 =	simm.s32 $0x1BFF;
	s21 =	sshll.u32 s6, $0x1;
	s3 =	sadd.s32 s4, s19  }
0x9c: {  	s7 =	simm.s32 $0x0;
	s20 =	sshll.u32 s5, $0x1;
	s5 =	sadd.s32 s21, s3  }
0x9d: {  	[timem:s7], [sflag:s22] =	dma.local [hbm:s5], s20  }
0x9e: {  	_ =	swait.ge [sflag:s22], s20  }
0x9f: {  	s4 =	ssub.s32 $0x0, s20;
	[sflag:s22] =	ssyncset.done $0x0  }
0xa0: {  	[sflag:s22] =	ssyncadd.s32 s4;
	_ =	sdelay $0x1  }
0xa1: {  	s23 =	simm.s32 $0x1B8B  }
0xa2: {  	_ =	swait.ge [sflag:s23], $0x1  }
0xa3: {  	[sflag:s23] =	ssyncset.done $0x0  }
0xa4: {  	s25 =	simm.s32 $0x1B8E;
	s24 =	sld [smem:$0x3FFE];
	[sflag:s23] =	ssyncadd.s32 $0xFFFFFFFF  }
0xa5: {  	s26 =	simm.s32 $execute0_lowered;
	[smem:$0x3FD2] =	sst s25  }
0xa6: {  	s5 =	sshll.u32 s26, $0x1;
	_ =	strace $0x80000049;
	[dreg:$0x1] =	wrdreg $0xFFFFFFFF  }
0xa7: {  	s28 =	simm.s32 $_size_execute0_lowered;
	s3 =	sadd.s32 s3, s5;
	[dreg:$0x0] =	wrdreg $0x0  }
0xa8: {  	s5 =	sshll.u32 s28, $0x1;
	[dreg:$0x2] =	wrdreg s3  }
0xa9: {  	[dreg:$0x3] =	wrdreg s5  }
0xaa: {  	[dreg:$0x4] =	wrdreg $0xC0  }
0xab: {  	_ =	task [dreg:s7], $0x5FFFF  }
0xac: {  	[dreg:$0x1] =	wrdreg $0xFFFFFFFF  }
0xad: {  	[dreg:$0x0] =	wrdreg $0x60  }
0xae: {  	[dreg:$0x2] =	wrdreg s24  }
0xaf: {  	[dreg:$0x3] =	wrdreg s2  }
0xb0: {  	[dreg:$0x4] =	wrdreg $0x9  }
0xb1: {  	_ =	task.clear_ibuf [dreg:s7], $0x5FFFF;
	_ =	strace $0x90000049  }
0xb2: {  	s29 =	simm.s32 $0x9;
	_ =	strace $0x8000004B  }
0xb3: {  	_ =	swait.ge [sflag:s29], $0x1  }
0xb4: {  	[sflag:s29] =	ssyncadd.s32 $0xFFFFFFFF  }
0xb5: {  	_ =	strace $0x9000004B  }
0xb6: {  	_ =	sfence  }
0xb7: {  	s30 =	sld [smem:$0x0];
	_ =	sdelay $0x2  }
0xb8: {  	s31 =	sshll.u32 s1, $0xD;
	s1 =	sshrl.u32 s1, $0x2  }
0xb9: {  	s3 =	sand.u32 $0x4000, s31;
	s1 =	sadd.s32 s1, s30  }
0xba: {  	s0 =	sor.u32 s3, s0;
	s1 =	sshll.u32 s1, $0x11  }
0xbb: {  	s0 =	sor.u32 s1, s0  }
0xbc: {  	s0 =	sadd.s32 $0x8F2B, s0  }
0xbd: {  	[sflag:s0] =	ssyncadd.remote.s32 $0x1  }
0xbe: {  	_ =	sfence.sel $0xFFFF  }
0xbf: {  	[dreg:$0x0] =	wrdreg $0xFFFFFFFF;
	(pc) =	sbr.abs _section_cstart, $3  }
0xc0: {  	[dreg:$0x1] =	wrdreg $0xFFFFFFFF  }
0xc1: {  	_ =	task.clear_ibuf [dreg:s7], $0x2FFFF;
	_ =	strace $0x9FFFFFFF  }
0xc2: {  	(tm) =	ssettm $0x7FFFFFFF  }
0xc3: {  	_ =	shalt  }
tec
execute0_lowered:
.L_overlay_start_1:
0x0: {  	(tag) =	ssettag $0x1  }
0x1: {  	s1 =	srdreg.scid;
	s4 =	rddreg [dreg:$0x0]  }
0x2: {  	s0 =	stileid.u32;
	s6 =	rddreg [dreg:$0x1];
	s2 =	simm.s32 $0x0  }
0x3: {  	s14 =	simm.s32 $0x4F00;
	s15 =	simm.s32 $0x7680;
	s16 =	simm.s32 $0x9E00  }
0x4: {  	s17 =	simm.s32 $0xC580;
	s18 =	simm.s32 $0xED00;
	s19 =	simm.s32 $0xEF00  }
0x5: {  	s20 =	simm.s32 $0x0;
	s3 =	sand.u32 $0x1, s1;
	s1 =	rddreg [dreg:$0x2]  }
0x6: {  	s30 =	sshll.u32 s0, $0x1;
	[smem:$0x7FF] =	sst s2;
	s10 =	sadd.s32 $0x1FE00, s4  }
0x7: {  	s12 =	sadd.s32 $0x2A400, s4;
	s7 =	sor.u32 s3, s30;
	s9 =	ssub.s32 $0x2, s3  }
0x8: {  	_ =	strace $0x8000004A;
	s8 =	smul.u32 $0x4E2, s7;
	s11 =	sshrl.u32 s9, $0x1  }
0x9: {  	s3 =	sadd.s32 $0x18000, s4;
	s31 =	sshll.u32 s7, $0x6;
	s11 =	ssub.s32 s9, s11  }
0xa: {  	s13 =	sadd.s32 $0x9C40, s31;
	s5 =	sadd.s32 s8, s4;
	s6 =	sadd.s32 s6, s8  }
0xb: {  	s7 =	sadd.s32 s10, s8;
	s8 =	sadd.s32 s12, s8;
	s9 =	sadd.s32 s10, s13  }
0xc: {  	s10 =	sadd.s32 s12, s13;
	s11 =	smax.u32 s11, $0x1;
	s12 =	simm.s32 $0x1  }
0xd: {  	v0 =	vimm.f32 $0.0e+00;
	v1 =	vimm.s32 $0x0;
	s13 =	simm.s32 $0x2780;
	s4 =	sadd.s32 $0x4400, s5;
	s5 =	sadd.s32 $0xE200, s5  }
.LBB2_1:
0xe: {  	[tilespmem:s2], [sflag:$0x1] =	stream.linear.gather [hbm4b:s3+s2], $0x2780, $0x38;
	[tilespmem:$0xF100] =	vst v63  }
0xf: {  	_ =	swait.ge [sflag:s12], $0x2780  }
0x10: {  	[sflag:s12] =	ssyncset.done $0x0  }
0x11: {  	[sflag:s12] =	ssyncadd.s32 $0xFFFFD880  }
0x12: {  	[tilespmem:s13], [sflag:$0x1] =	stream.linear.gather [hbm4b:s4+s2], $0x2710, $0x38;
	[tilespmem:$0xF100] =	vst v63  }
0x13: {  	_ =	swait.ge [sflag:s12], $0x2710  }
0x14: {  	[sflag:s12] =	ssyncset.done $0x0  }
0x15: {  	[sflag:s12] =	ssyncadd.s32 $0xFFFFD8F0  }
0x16: {  	[tilespmem:s14], [sflag:$0x1] =	stream.linear.gather [hbm4b:s5+s2], $0x2710, $0x38;
	[tilespmem:$0xF100] =	vst v63  }
0x17: {  	_ =	swait.ge [sflag:s12], $0x2710  }
0x18: {  	[sflag:s12] =	ssyncset.done $0x0  }
0x19: {  	[sflag:s12] =	ssyncadd.s32 $0xFFFFD8F0  }
0x1a: {  	[tilespmem:s15], [sflag:$0x1] =	stream.linear.gather [hbm4b:s6+s2], $0x2710, $0x38;
	[tilespmem:$0xF100] =	vst v63  }
0x1b: {  	_ =	swait.ge [sflag:s12], $0x2710  }
0x1c: {  	[sflag:s12] =	ssyncset.done $0x0  }
0x1d: {  	s23 =	simm.s32 $0x27C0;
	[sflag:s12] =	ssyncadd.s32 $0xFFFFD8F0  }
0x1e: {  	v2 =	vld [tilespmem:s23+$0x30]  }
0x1f: {  	s21 =	simm.s32 $0x4F40;
	v3 =	vld [tilespmem:s23+$0xFFFFFFD0]  }
0x20: {  	v4 =	vld [tilespmem:s21+$0x30]  }
0x21: {  	v6 =	vld [tilespmem:s23+$0xFFFFFFE0]  }
0x22: {  	v7 =	vld [tilespmem:s23+$0xFFFFFFF0]  }
0x23: {  	v9 =	vld [tilespmem:s23+$0x0]  }
0x24: {  	v10 =	vld [tilespmem:s23+$0x10]  }
0x25: {  	s22 =	simm.s32 $0x76C0;
	v20 =	vld [tilespmem:s23+$0x20]  }
0x26: {  	v8 =	vld [tilespmem:s22+$0x30]  }
0x27: {  	v12 =	vld [tilespmem:s23+$0xFFFFFFC0]  }
0x28: {  	v13 =	vld [tilespmem:s21+$0xFFFFFFC0]  }
0x29: {  	v14 =	vld [tilespmem:s21+$0xFFFFFFD0]  }
0x2a: {  	v15 =	vld [tilespmem:s21+$0xFFFFFFE0]  }
0x2b: {  	v16 =	vld [tilespmem:s21+$0xFFFFFFF0]  }
0x2c: {  	v17 =	vld [tilespmem:s21+$0x0]  }
0x2d: {  	v21 =	vld [tilespmem:s21+$0x10]  }
0x2e: {  	v22 =	vld [tilespmem:s21+$0x20]  }
0x2f: {  	v28 =	vld [tilespmem:s22+$0xFFFFFFC0]  }
0x30: {  	v29 =	vld [tilespmem:s22+$0xFFFFFFD0]  }
0x31: {  	v30 =	vld [tilespmem:s22+$0xFFFFFFE0]  }
0x32: {  	v31 =	vld [tilespmem:s22+$0xFFFFFFF0]  }
0x33: {  	v32 =	vld [tilespmem:s22+$0x0]  }
0x34: {  	v33 =	vld [tilespmem:s22+$0x10]  }
0x35: {  	v35 =	vld [tilespmem:s22+$0x20]  }
0x36: {  	v5 =	vld.idx.msk [tilespmem:v2+s2+$0x0], $0xffff  }
0x37: {  	v11 =	vld.idx.msk [tilespmem:v4+s2+$0x0], $0xffff  }
0x38: {  	v18 =	vld.idx.msk [tilespmem:v12+s2+$0x0], $0xffff  }
0x39: {  	v19 =	vld.idx.msk [tilespmem:v3+s2+$0x0], $0xffff  }
0x3a: {  	v23 =	vld.idx.msk [tilespmem:v6+s2+$0x0], $0xffff  }
0x3b: {  	v24 =	vld.idx.msk [tilespmem:v7+s2+$0x0], $0xffff  }
0x3c: {  	v25 =	vld.idx.msk [tilespmem:v9+s2+$0x0], $0xffff  }
0x3d: {  	v34 =	vshll.u32 v14, $0xE;
	v26 =	vld.idx.msk [tilespmem:v10+s2+$0x0], $0xffff;
	v5 =	vmul.f32 v5, v8  }
0x3e: {  	v27 =	vld.idx.msk [tilespmem:v20+s2+$0x0], $0xffff;
	v4 =	vshll.u32 v4, $0xE;
	v28 =	vmul.f32 v18, v28;
	v18 =	vmul.f32 v19, v29  }
0x3f: {  	v63 =	vld.idx.msk [tilespmem:v13+s2+$0x0], $0xffff;
	v19 =	vmul.f32 v23, v30;
	v11 =	vmul.f32 v11, v5;
	v5 =	vshll.u32 v13, $0xE  }
0x40: {  	v14 =	vld.idx.msk [tilespmem:v14+s2+$0x0], $0xffff;
	v13 =	vshll.u32 v17, $0xE;
	v8 =	vor.u32 v12, v5;
	v12 =	vor.u32 v2, v4  }
0x41: {  	v5 =	vor.u32 v3, v34;
	v2 =	vshll.u32 v15, $0xE;
	v3 =	vshll.u32 v16, $0xE;
	v15 =	vld.idx.msk [tilespmem:v15+s2+$0x0], $0xffff  }
0x42: {  	s23 =	simm.s32 $0x9E40;
	v6 =	vor.u32 v6, v2;
	v4 =	vor.u32 v7, v3;
	v2 =	vor.u32 v9, v13;
	v13 =	vld.idx.msk [tilespmem:v16+s2+$0x0], $0xffff  }
0x43: {  	s24 =	simm.s32 $0xC5C0;
	[tilespmem:s23+$0x30] =	vst v11;
	v3 =	vshll.u32 v21, $0xE;
	v11 =	vmul.f32 v24, v31;
	v16 =	vld.idx.msk [tilespmem:v17+s2+$0x0], $0xffff;
	v9 =	vmul.f32 v26, v33  }
0x44: {  	v7 =	vshll.u32 v22, $0xE;
	v17 =	vld.idx.msk [tilespmem:v21+s2+$0x0], $0xffff;
	v21 =	vmul.f32 v63, v28;
	v3 =	vor.u32 v10, v3;
	[tilespmem:s24+$0x30] =	vst v12  }
0x45: {  	s25 =	simm.s32 $0x0;
	s26 =	simm.s32 $0x2840;
	v12 =	vmul.f32 v25, v32;
	v7 =	vor.u32 v20, v7;
	v10 =	vmul.f32 v27, v35;
	v20 =	vld.idx.msk [tilespmem:v22+s2+$0x0], $0xffff  }
.LBB2_2:
0x46: {  	v22 =	vld [tilespmem:s26+$0x30];
	v14 =	vmul.f32 v14, v18  }
0x47: {  	s25 =	sadd.s32 $0x80, s25;
	v15 =	vmul.f32 v15, v19;
	s21 =	sadd.s32 $0x80, s21;
	v18 =	vld [tilespmem:s26+$0xFFFFFFD0];
	[tilespmem:s23+$0xFFFFFFC0] =	vst v21  }
0x48: {  	p0 =	slt.u32 s25, $0x2680;
	v19 =	vld [tilespmem:s21+$0x30];
	[tilespmem:s24+$0xFFFFFFC0] =	vst v8;
	v8 =	vmul.f32 v13, v11  }
0x49: {  	v12 =	vmul.f32 v16, v12;
	v11 =	vld [tilespmem:s26+$0xFFFFFFE0];
	[tilespmem:s23+$0xFFFFFFD0] =	vst v14  }
0x4a: {  	v13 =	vld [tilespmem:s26+$0xFFFFFFF0];
	[tilespmem:s24+$0xFFFFFFD0] =	vst v5;
	v5 =	vmul.f32 v17, v9  }
0x4b: {  	v10 =	vmul.f32 v20, v10;
	v9 =	vld [tilespmem:s26+$0x0];
	[tilespmem:s23+$0xFFFFFFE0] =	vst v15  }
0x4c: {  	v14 =	vld [tilespmem:s26+$0x10];
	[tilespmem:s24+$0xFFFFFFE0] =	vst v6  }
0x4d: {  	v15 =	vld [tilespmem:s26+$0x20];
	[tilespmem:s23+$0xFFFFFFF0] =	vst v8  }
0x4e: {  	s22 =	sadd.s32 $0x80, s22;
	v6 =	vld.idx.msk [tilespmem:v22+s2+$0x0], $0xffff;
	[tilespmem:s24+$0xFFFFFFF0] =	vst v4  }
0x4f: {  	v4 =	vld [tilespmem:s22+$0x30];
	[tilespmem:s23+$0x0] =	vst v12  }
0x50: {  	v8 =	vld.idx.msk [tilespmem:v19+s2+$0x0], $0xffff;
	[tilespmem:s24+$0x0] =	vst v2  }
0x51: {  	v2 =	vld [tilespmem:s26+$0xFFFFFFC0];
	[tilespmem:s23+$0x10] =	vst v5  }
0x52: {  	v12 =	vld [tilespmem:s21+$0xFFFFFFC0];
	[tilespmem:s24+$0x10] =	vst v3  }
0x53: {  	v16 =	vld [tilespmem:s21+$0xFFFFFFD0];
	[tilespmem:s23+$0x20] =	vst v10  }
0x54: {  	v10 =	vld [tilespmem:s21+$0xFFFFFFE0];
	v3 =	vmul.f32 v6, v4;
	[tilespmem:s24+$0x20] =	vst v7  }
0x55: {  	v17 =	vld [tilespmem:s21+$0xFFFFFFF0]  }
0x56: {  	v20 =	vld [tilespmem:s21+$0x0];
	v3 =	vmul.f32 v8, v3  }
0x57: {  	v5 =	vshll.u32 v19, $0xE;
	s23 =	sadd.s32 $0x80, s23;
	v4 =	vshll.u32 v12, $0xE;
	v21 =	vld [tilespmem:s21+$0x10]  }
0x58: {  	s24 =	sadd.s32 $0x80, s24;
	v8 =	vor.u32 v2, v4;
	v4 =	vshll.u32 v16, $0xE;
	v23 =	vld [tilespmem:s21+$0x20];
	[tilespmem:s23+$0x30] =	vst v3;
	v3 =	vor.u32 v22, v5  }
0x59: {  	v19 =	vld.idx.msk [tilespmem:v2+s2+$0x0], $0xffff;
	v5 =	vor.u32 v18, v4;
	v2 =	vshll.u32 v10, $0xE;
	[tilespmem:s24+$0x30] =	vst v3  }
0x5a: {  	v18 =	vld.idx.msk [tilespmem:v18+s2+$0x0], $0xffff;
	v6 =	vor.u32 v11, v2;
	v2 =	vshll.u32 v17, $0xE  }
0x5b: {  	v11 =	vld.idx.msk [tilespmem:v11+s2+$0x0], $0xffff;
	v4 =	vor.u32 v13, v2;
	v2 =	vshll.u32 v20, $0xE  }
0x5c: {  	v13 =	vld.idx.msk [tilespmem:v13+s2+$0x0], $0xffff;
	v2 =	vor.u32 v9, v2;
	v3 =	vshll.u32 v21, $0xE  }
0x5d: {  	v9 =	vld.idx.msk [tilespmem:v9+s2+$0x0], $0xffff;
	v3 =	vor.u32 v14, v3;
	v7 =	vshll.u32 v23, $0xE  }
0x5e: {  	v22 =	vld.idx.msk [tilespmem:v14+s2+$0x0], $0xffff;
	v7 =	vor.u32 v15, v7  }
0x5f: {  	v24 =	vld.idx.msk [tilespmem:v15+s2+$0x0], $0xffff  }
0x60: {  	v14 =	vld [tilespmem:s22+$0xFFFFFFC0]  }
0x61: {  	v15 =	vld [tilespmem:s22+$0xFFFFFFD0]  }
0x62: {  	v25 =	vld [tilespmem:s22+$0xFFFFFFE0]  }
0x63: {  	v26 =	vld [tilespmem:s22+$0xFFFFFFF0]  }
0x64: {  	v27 =	vld [tilespmem:s22+$0x0]  }
0x65: {  	v28 =	vmul.f32 v19, v14;
	v29 =	vld [tilespmem:s22+$0x10]  }
0x66: {  	v18 =	vmul.f32 v18, v15;
	v30 =	vld [tilespmem:s22+$0x20]  }
0x67: {  	v31 =	vld.idx.msk [tilespmem:v12+s2+$0x0], $0xffff;
	v19 =	vmul.f32 v11, v25  }
0x68: {  	v14 =	vld.idx.msk [tilespmem:v16+s2+$0x0], $0xffff;
	v11 =	vmul.f32 v13, v26  }
.Ltmp0:
0x69: {  	v15 =	vld.idx.msk [tilespmem:v10+s2+$0x0], $0xffff;
	v12 =	vmul.f32 v9, v27;
	(pc) =	sbr.rel @p0 .LBB2_2-.Ltmp0, $4  }
0x6a: {  	v13 =	vld.idx.msk [tilespmem:v17+s2+$0x0], $0xffff;
	v9 =	vmul.f32 v22, v29  }
0x6b: {  	v16 =	vld.idx.msk [tilespmem:v20+s2+$0x0], $0xffff;
	v10 =	vmul.f32 v24, v30  }
0x6c: {  	v17 =	vld.idx.msk [tilespmem:v21+s2+$0x0], $0xffff  }
0x6d: {  	s26 =	sadd.s32 $0x80, s26;
	v21 =	vmul.f32 v31, v28;
	v20 =	vld.idx.msk [tilespmem:v23+s2+$0x0], $0xffff  }
0x6e: {  	_ = 	snop  }
0x6f: {  	v14 =	vmul.f32 v14, v18;
	[tilespmem:s23+$0xFFFFFFC0] =	vst v21  }
0x70: {  	v60 =	vmul.f32 v15, v19;
	[tilespmem:s24+$0xFFFFFFC0] =	vst v8  }
0x71: {  	[tilespmem:s23+$0xFFFFFFD0] =	vst v14  }
0x72: {  	[tilespmem:s23+$0xFFFFFFE0] =	vst v60  }
0x73: {  	v61 =	vmul.f32 v13, v11;
	[tilespmem:s24+$0xFFFFFFD0] =	vst v5  }
0x74: {  	[tilespmem:s24+$0xFFFFFFE0] =	vst v6  }
0x75: {  	v62 =	vmul.f32 v16, v12;
	[tilespmem:s23+$0xFFFFFFF0] =	vst v61  }
0x76: {  	[tilespmem:s24+$0xFFFFFFF0] =	vst v4  }
0x77: {  	v63 =	vmul.f32 v17, v9;
	[tilespmem:s23+$0x0] =	vst v62  }
0x78: {  	[tilespmem:s24+$0x0] =	vst v2  }
0x79: {  	v2 =	vmul.f32 v20, v10;
	[tilespmem:s23+$0x10] =	vst v63  }
0x7a: {  	[tilespmem:s24+$0x10] =	vst v3  }
0x7b: {  	[tilespmem:s23+$0x20] =	vst v2  }
0x7c: {  	[tilespmem:s24+$0x20] =	vst v7  }
0x7d: {  	v2 =	vld [tilespmem:$0x4E80];
	_ =	sdelay $0x1  }
0x7e: {  	v3 =	vld [tilespmem:$0x7600];
	_ =	sdelay $0x4  }
0x7f: {  	v4 =	vld [tilespmem:$0x9D80]  }
0x80: {  	v5 =	vld.idx.msk [tilespmem:v2+s2+$0x0], $0xffff;
	_ =	sdelay $0x1  }
0x81: {  	v6 =	vld.idx.msk [tilespmem:v3+s2+$0x0], $0xffff;
	_ =	sdelay $0x2  }
0x82: {  	v4 =	vmul.f32 v5, v4  }
0x83: {  	v3 =	vshll.u32 v3, $0xE  }
0x84: {  	v2 =	vor.u32 v2, v3;
	v4 =	vmul.f32 v6, v4  }
0x85: {  	[tilespmem:$0xEC80] =	vst v2  }
0x86: {  	s22 =	simm.s32 $0xED20;
	[tilespmem:$0xC500] =	vst v4  }
0x87: {  	[tilespmem:s22+$0xFFFFFFF0] =	vst v0  }
0x88: {  	[tilespmem:s22+$0x0] =	vst v0  }
0x89: {  	[tilespmem:s22+$0x10] =	vst v0  }
0x8a: {  	s21 =	simm.s32 $0xEF20;
	[tilespmem:s22+$0xFFFFFFE0] =	vst v0  }
0x8b: {  	[tilespmem:s21+$0xFFFFFFF0] =	vst v1  }
0x8c: {  	[tilespmem:s21+$0x0] =	vst v1  }
0x8d: {  	[tilespmem:s21+$0x10] =	vst v1  }
0x8e: {  	s23 =	simm.s32 $0xED60;
	s22 =	simm.s32 $0x0;
	[tilespmem:s21+$0xFFFFFFE0] =	vst v1  }
.LBB2_4:
0x8f: {  	[tilespmem:s23+$0xFFFFFFF0] =	vst v0;
	s21 =	sadd.s32 $0x40, s21  }
0x90: {  	s22 =	sadd.s32 $0x40, s22;
	[tilespmem:s21+$0xFFFFFFF0] =	vst v1  }
0x91: {  	p0 =	slt.u32 s22, $0x1C0;
	[tilespmem:s23+$0x0] =	vst v0  }
.Ltmp1:
0x92: {  	[tilespmem:s21+$0x0] =	vst v1;
	(pc) =	sbr.rel @p0 .LBB2_4-.Ltmp1, $4  }
0x93: {  	[tilespmem:s23+$0x10] =	vst v0  }
0x94: {  	[tilespmem:s21+$0x10] =	vst v1  }
0x95: {  	[tilespmem:s23+$0xFFFFFFE0] =	vst v0  }
0x96: {  	s23 =	sadd.s32 $0x40, s23;
	[tilespmem:s21+$0xFFFFFFE0] =	vst v1  }
0x97: {  	[hbm4b:s7+s2] =	stream.linear.scatter [tilespmem:s16], [sflag:$0x1], $0x2710, $0x38;
	[tilespmem:$0xF100] =	vst v63  }
0x98: {  	_ =	swait.ge [sflag:s12], $0x2710  }
0x99: {  	[sflag:s12] =	ssyncset.done $0x0  }
0x9a: {  	[sflag:s12] =	ssyncadd.s32 $0xFFFFD8F0  }
0x9b: {  	[hbm4b:s8+s2] =	stream.linear.scatter [tilespmem:s17], [sflag:$0x1], $0x2710, $0x38;
	[tilespmem:$0xF100] =	vst v63  }
0x9c: {  	_ =	swait.ge [sflag:s12], $0x2710  }
0x9d: {  	[sflag:s12] =	ssyncset.done $0x0  }
0x9e: {  	[sflag:s12] =	ssyncadd.s32 $0xFFFFD8F0  }
0x9f: {  	[hbm4b:s9+s2] =	stream.linear.scatter [tilespmem:s18], [sflag:$0x1], $0x200, $0x38;
	[tilespmem:$0xF100] =	vst v63  }
0xa0: {  	s20 =	sadd.s32 $0x1, s20;
	_ =	swait.ge [sflag:s12], $0x200  }
0xa1: {  	p0 =	sne.s32 s20, s11;
	[sflag:s12] =	ssyncset.done $0x0  }
.Ltmp2:
0xa2: {  	[sflag:s12] =	ssyncadd.s32 $0xFFFFFE00;
	(pc) =	sbr.rel @p0 .LBB2_1-.Ltmp2, $4  }
0xa3: {  	[hbm4b:s10+s2] =	stream.linear.scatter [tilespmem:s19], [sflag:$0x1], $0x200, $0x38;
	[tilespmem:$0xF100] =	vst v63  }
0xa4: {  	_ =	swait.ge [sflag:s12], $0x200  }
0xa5: {  	[sflag:s12] =	ssyncset.done $0x0  }
0xa6: {  	[sflag:s12] =	ssyncadd.s32 $0xFFFFFE00  }
0xa7: {  	_ =	sfence.sel $0x180000  }
0xa8: {  	[bflag:$0x0] =	sbarrier.arrive $0xFFFF  }
0xa9: {  	p0 =	sne.s32 s0, $0x0;
	_ =	strace $0x9000004A  }
0xaa: {  	s0 =	sadd.s32 @!p0 $0x100000, s1;
	[bflag:$0x2] =	sbarrier.arrive $0xFFFF  }
0xab: {  	[sflag:s0] =	ssyncadd.tile.s32 @!p0 $0x1;
	_ =	shalt  }
.Lfunc_end2:
_tile_overlayer_lowered:
.L_overlay_start_2:
0xac: {  	(tag) =	ssettag $0x2  }
0xad: {  	s0 =	rddreg [dreg:$0x0];
	s2 =	stileid.u32  }
0xae: {  	s1 =	rddreg [dreg:$0x1];
	p0 =	sne.s32 s2, $0x0  }
0xaf: {  	s3 =	rddreg [dreg:$0x2];
	[bflag:$0x3] =	sbarrier.arrive $0xFFFF;
	s2 =	simm.s32 @!p0 $0x1C01  }
0xb0: {  	[timem:s3], [sflag:s2] =	dma.local @!p0 [hbm:s0], s1  }
0xb1: {  	s0 =	simm.s32 @!p0 $0x1  }
0xb2: {  	_ =	swait.ge @!p0 [sflag:s0], s1  }
0xb3: {  	s1 =	ssub.s32 @!p0 $0x0, s1;
	[sflag:s0] =	ssyncset.done @!p0 $0x0  }
0xb4: {  	[sflag:s0] =	ssyncadd.s32 @!p0 s1  }
0xb5: {  	[bflag:$0x3] =	sbarrier.arrive $0xFFFF  }
0xb6: {  	_ =	shalt  }

// kernel: kernel.17.cloned.1.call-start
scs
__scs_entry_jumppad:
0x0: {  	(pc) =	sbr.rel $0x88, $3  }
0x1: {  	(tag) =	ssettag $0x0;
	lr =	simm.s32 $0x1  }
0x2: {  	[smem:$0x3F95] =	sst lr;
	_ =	strace $0xD0000000  }
0x3: {  	_ = 	snop  }
0x4: {  	_ = 	snop  }
0x5: {  	_ = 	snop  }
0x6: {  	_ = 	snop  }
0x7: {  	_ = 	snop  }
__scs_overlays_trampoline_lowered:
0x8: {  	[smem:$0x3FA4] =	sst s0  }
0x9: {  	[smem:$0x3FA5] =	sst s1  }
0xa: {  	[smem:$0x3FA6] =	sst s2  }
0xb: {  	[smem:$0x3FA7] =	sst s3  }
0xc: {  	[smem:$0x3FA8] =	sst s4  }
0xd: {  	[smem:$0x3FA9] =	sst s5  }
0xe: {  	[smem:$0x3FAA] =	sst s6  }
0xf: {  	[smem:$0x3FAB] =	sst s7  }
0x10: {  	[smem:$0x3FAC] =	sst s8  }
0x11: {  	[smem:$0x3FAD] =	sst s9;
	s0 =	simm.s32 @!p0 $0x0  }
0x12: {  	s1 =	sld [smem:$0x3F93];
	s0 =	simm.s32 @p0 $0x1  }
0x13: {  	[smem:$0x3FAE] =	sst s0;
	s0 =	simm.s32 @!p1 $0x0  }
0x14: {  	s2 =	sld [smem:$0x3F92];
	s0 =	simm.s32 @p1 $0x1  }
0x15: {  	[smem:$0x3FAF] =	sst s0;
	s0 =	simm.s32 @!p2 $0x0  }
0x16: {  	s3 =	sld [smem:$0x3FDB];
	s0 =	simm.s32 @p2 $0x1  }
0x17: {  	s4 =	simm.s32 $0x1BF5;
	[smem:$0x3FB1] =	sst s0  }
0x18: {  	s0 =	sld [smem:$0x3F94];
	_ =	swait.ge [sflag:s4], $0x0  }
0x19: {  	s7 =	sld [smem:$0x3F95]  }
0x1a: {  	s8 =	sadd.s32 $0xFFFFE003, lr  }
0x1b: {  	s9 =	sadd.s32 $0xFFFFFEF7, lr;
	s5 =	simm.s32 $0xFFFFFFFF;
	p2 =	slt.u32 s8, $0xFFFFF086  }
0x1c: {  	p1 =	slt.u32 s9, $0xF7A;
	s5 =	simm.s32 @!p2 $0x0  }
0x1d: {  	s5 =	simm.s32 @p1 $0x1;
	p0 =	seq.s32 s7, s2  }
0x1e: {  	s7 =	smul.u32 @!p0 $0xF7A, s2;
	p2 =	seq.s32 @!p0 s5, $0x0  }
0x1f: {  	s9 =	smul.u32 $0xF7A, s1;
	s8 =	simm.s32 @!p0 $0x1BF5;
	p2 =	por !p2, p0  }
0x20: {  	[sflag:s8] =	ssyncset.s32 @!p0 $0xFFFFF086;
	s6 =	sadd.s32 @!p0 s3, s7;
	s7 =	simm.s32 @!p0 $0x108  }
0x21: {  	s3 =	sadd.s32 s3, s9;
	s6 =	sadd.s32 @!p0 $0x88, s6;
	s7 =	simm.s32 @p2 $0x1082  }
0x22: {  	[simem:s7], [sflag:s8] =	dma.local @!p0 [hbm:s6], $0xF7A  }
0x23: {  	s9 =	sor.u32 $0xD0000000, s2;
	s6 =	simm.s32 $0x108;
	_ =	swait.ge @!p0 [sflag:s8], $0x0  }
0x24: {  	s3 =	sadd.s32 $0x88, s3;
	s6 =	simm.s32 @!p1 $0x1082;
	[sflag:s4] =	ssyncset.s32 $0xFFFFF086  }
0x25: {  	[simem:s6], [sflag:s4] =	dma.local [hbm:s3], $0xF7A  }
0x26: {  	[smem:$0x3F95] =	sst s1;
	(tag) =	ssettag s2;
	_ =	strace s9  }
0x27: {  	s1 =	sld [smem:$0x3FA5]  }
0x28: {  	s2 =	sld [smem:$0x3FA6]  }
0x29: {  	s4 =	sld [smem:$0x3FA8]  }
0x2a: {  	p0 =	seq.s32 s5, $0x0;
	s5 =	sld [smem:$0x3FA9]  }
0x2b: {  	s6 =	sld [smem:$0x3FAA]  }
0x2c: {  	s7 =	sld [smem:$0x3FAB]  }
0x2d: {  	s3 =	simm.s32 $0x108;
	s8 =	sld [smem:$0x3FAC]  }
0x2e: {  	s3 =	simm.s32 @!p0 $0x1082;
	s9 =	sld [smem:$0x3FAD]  }
0x2f: {  	lr =	sadd.s32 s0, s3;
	s0 =	sld [smem:$0x3FA4]  }
0x30: {  	s3 =	sld [smem:$0x3FA7]  }
0x31: {  	[smem:$0x3FB0] =	sst s10  }
0x32: {  	s10 =	sld [smem:$0x3FAE];
	_ =	sdelay $0x3  }
0x33: {  	p0 =	seq.s32 s10, $0x1;
	s10 =	sld [smem:$0x3FB0];
	_ =	sdelay $0x3  }
0x34: {  	[smem:$0x3FB0] =	sst s10  }
0x35: {  	s10 =	sld [smem:$0x3FAF];
	_ =	sdelay $0x3  }
0x36: {  	p1 =	seq.s32 s10, $0x1;
	s10 =	sld [smem:$0x3FB0];
	_ =	sdelay $0x3  }
0x37: {  	[smem:$0x3FB0] =	sst s10  }
0x38: {  	s10 =	sld [smem:$0x3FB1]  }
0x39: {  	_ = 	snop;
	(pc) =	sbr.ind lr, $3  }
0x3a: {  	_ = 	snop  }
0x3b: {  	_ = 	snop  }
0x3c: {  	p2 =	seq.s32 s10, $0x1;
	s10 =	sld [smem:$0x3FB0]  }
0x3d: {  	_ =	shalt  }
0x3e: {  	_ =	shalt  }
0x3f: {  	_ =	shalt  }
0x40: {  	_ =	shalt  }
0x41: {  	_ =	shalt  }
0x42: {  	_ =	shalt  }
0x43: {  	_ =	shalt  }
0x44: {  	_ =	shalt  }
0x45: {  	_ =	shalt  }
0x46: {  	_ =	shalt  }
0x47: {  	_ =	shalt  }
0x48: {  	_ =	shalt  }
0x49: {  	_ =	shalt  }
0x4a: {  	_ =	shalt  }
0x4b: {  	_ =	shalt  }
0x4c: {  	_ =	shalt  }
0x4d: {  	_ =	shalt  }
0x4e: {  	_ =	shalt  }
0x4f: {  	_ =	shalt  }
0x50: {  	_ =	shalt  }
0x51: {  	_ =	shalt  }
0x52: {  	_ =	shalt  }
0x53: {  	_ =	shalt  }
0x54: {  	_ =	shalt  }
0x55: {  	_ =	shalt  }
0x56: {  	_ =	shalt  }
0x57: {  	_ =	shalt  }
0x58: {  	_ =	shalt  }
0x59: {  	_ =	shalt  }
0x5a: {  	_ =	shalt  }
0x5b: {  	_ =	shalt  }
0x5c: {  	_ =	shalt  }
0x5d: {  	_ =	shalt  }
0x5e: {  	_ =	shalt  }
0x5f: {  	_ =	shalt  }
0x60: {  	_ =	shalt  }
0x61: {  	_ =	shalt  }
0x62: {  	_ =	shalt  }
0x63: {  	_ =	shalt  }
0x64: {  	_ =	shalt  }
0x65: {  	_ =	shalt  }
0x66: {  	_ =	shalt  }
0x67: {  	_ =	shalt  }
0x68: {  	_ =	shalt  }
0x69: {  	_ =	shalt  }
0x6a: {  	_ =	shalt  }
0x6b: {  	_ =	shalt  }
0x6c: {  	_ =	shalt  }
0x6d: {  	_ =	shalt  }
0x6e: {  	_ =	shalt  }
0x6f: {  	_ =	shalt  }
0x70: {  	_ =	shalt  }
0x71: {  	_ =	shalt  }
0x72: {  	_ =	shalt  }
0x73: {  	_ =	shalt  }
0x74: {  	_ =	shalt  }
0x75: {  	_ =	shalt  }
0x76: {  	_ =	shalt  }
0x77: {  	_ =	shalt  }
0x78: {  	_ =	shalt  }
0x79: {  	_ =	shalt  }
0x7a: {  	_ =	shalt  }
0x7b: {  	_ =	shalt  }
0x7c: {  	_ =	shalt  }
0x7d: {  	_ =	shalt  }
0x7e: {  	_ =	shalt  }
0x7f: {  	_ =	shalt  }
0x80: {  	_ =	shalt  }
0x81: {  	_ =	shalt  }
0x82: {  	_ =	shalt  }
0x83: {  	_ =	shalt  }
0x84: {  	_ =	shalt  }
0x85: {  	_ =	shalt  }
0x86: {  	_ =	shalt  }
0x87: {  	_ =	shalt  }
.Lfunc_end0:
.L_simem_size_0:
called_computation.2_lowered:
.L_overlay_start_0:
0x88: {  	s2 =	sld [smem:$0x3FD9]  }
0x89: {  	s3 =	sld [smem:$0x3FFE];
	_ =	sdelay $0x1  }
0x8a: {  	s1 =	srdreg.scid  }
0x8b: {  	s0 =	sand.u32 $0x1, s1  }
0x8c: {  	s16 =	sshll.u32 s0, $0xA;
	s2 =	sadd.s32 s3, s2  }
0x8d: {  	s2 =	sadd.s32 s2, s16  }
0x8e: {  	[smem:$0x3FBC] =	sst s2  }
0x8f: {  	_ = 	snop  }
0x90: {  	(tm) =	ssettm $0x1  }
0x91: {  	s17 =	sld [smem:$0x3FFB];
	_ =	sdelay $0x3  }
0x92: {  	_ =	strace s17  }
0x93: {  	s2 =	sld [smem:$0x3FFC];
	_ =	sdelay $0x3  }
0x94: {  	_ =	strace s2  }
0x95: {  	s2 =	sld [smem:$0x3FFD];
	_ =	sdelay $0x3  }
0x96: {  	_ =	strace s2  }
0x97: {  	_ =	strace $0x8FFFFFFF  }
0x98: {  	s18 =	sld [smem:$0x3FDB];
	_ =	sdelay $0x1  }
0x99: {  	s19 =	simm.s32 $_scs_section_size  }
0x9a: {  	s4 =	simm.s32 $_size__tile_overlayer_lowered;
	s5 =	simm.s32 $_tile_overlayer_lowered  }
0x9b: {  	s22 =	simm.s32 $0x1BFF;
	s21 =	sshll.u32 s5, $0x1;
	s2 =	sadd.s32 s19, s18  }
0x9c: {  	s6 =	simm.s32 $0x0;
	s20 =	sshll.u32 s4, $0x1;
	s4 =	sadd.s32 s21, s2  }
0x9d: {  	[timem:s6], [sflag:s22] =	dma.local [hbm:s4], s20  }
0x9e: {  	_ =	swait.ge [sflag:s22], s20  }
0x9f: {  	s3 =	ssub.s32 $0x0, s20;
	[sflag:s22] =	ssyncset.done $0x0  }
0xa0: {  	[sflag:s22] =	ssyncadd.s32 s3;
	_ =	sdelay $0x1  }
0xa1: {  	s23 =	simm.s32 $0x1B8B  }
0xa2: {  	_ =	swait.ge [sflag:s23], $0x1  }
0xa3: {  	[sflag:s23] =	ssyncset.done $0x0  }
0xa4: {  	s25 =	simm.s32 $0x1B8E;
	s24 =	sld [smem:$0x3FFE];
	[sflag:s23] =	ssyncadd.s32 $0xFFFFFFFF  }
0xa5: {  	s26 =	simm.s32 $execute0_lowered;
	[smem:$0x3FD2] =	sst s25  }
0xa6: {  	s4 =	sshll.u32 s26, $0x1;
	_ =	strace $0x8000004C;
	[dreg:$0x1] =	wrdreg $0xFFFFFFFF  }
0xa7: {  	s28 =	simm.s32 $_size_execute0_lowered;
	s2 =	sadd.s32 s2, s4;
	[dreg:$0x0] =	wrdreg $0x0  }
0xa8: {  	s4 =	sshll.u32 s28, $0x1;
	[dreg:$0x2] =	wrdreg s2  }
0xa9: {  	[dreg:$0x3] =	wrdreg s4  }
0xaa: {  	[dreg:$0x4] =	wrdreg $0xC0  }
0xab: {  	_ =	task [dreg:s6], $0x5FFFF  }
0xac: {  	[dreg:$0x1] =	wrdreg $0xFFFFFFFF  }
0xad: {  	[dreg:$0x0] =	wrdreg $0x60  }
0xae: {  	[dreg:$0x2] =	wrdreg s24  }
0xaf: {  	[dreg:$0x3] =	wrdreg $0x9  }
0xb0: {  	_ =	task.clear_ibuf [dreg:s6], $0x4FFFF;
	_ =	strace $0x9000004C  }
0xb1: {  	s29 =	simm.s32 $0x9;
	_ =	strace $0x8000004E  }
0xb2: {  	_ =	swait.ge [sflag:s29], $0x1  }
0xb3: {  	[sflag:s29] =	ssyncadd.s32 $0xFFFFFFFF  }
0xb4: {  	_ =	strace $0x9000004E  }
0xb5: {  	_ =	sfence  }
0xb6: {  	s30 =	sld [smem:$0x0];
	_ =	sdelay $0x2  }
0xb7: {  	s31 =	sshll.u32 s1, $0xD;
	s1 =	sshrl.u32 s1, $0x2  }
0xb8: {  	s3 =	sand.u32 $0x4000, s31;
	s1 =	sadd.s32 s1, s30  }
0xb9: {  	s0 =	sor.u32 s3, s0;
	s1 =	sshll.u32 s1, $0x11  }
0xba: {  	s0 =	sor.u32 s1, s0  }
0xbb: {  	s0 =	sadd.s32 $0x8F2B, s0  }
0xbc: {  	[sflag:s0] =	ssyncadd.remote.s32 $0x1  }
0xbd: {  	_ =	sfence.sel $0xFFFF  }
0xbe: {  	[dreg:$0x0] =	wrdreg $0xFFFFFFFF;
	(pc) =	sbr.abs _section_cstart, $3  }
0xbf: {  	[dreg:$0x1] =	wrdreg $0xFFFFFFFF  }
0xc0: {  	_ =	task.clear_ibuf [dreg:s6], $0x2FFFF;
	_ =	strace $0x9FFFFFFF  }
0xc1: {  	(tm) =	ssettm $0x7FFFFFFF  }
tec
execute0_lowered:
.L_overlay_start_1:
0x0: {  	(tag) =	ssettag $0x1  }
0x1: {  	s1 =	stileid.u32  }
0x2: {  	p0 =	seq.s32 s1, $0xF  }
.Ltmp0:
0x3: {  	_ = 	snop;
	(pc) =	sbr.rel @p0 .LBB2_13-.Ltmp0, $4  }
0x4: {  	_ = 	snop  }
0x5: {  	s5 =	rddreg [dreg:$0x0];
	s2 =	simm.s32 $0x0  }
0x6: {  	[smem:$0x7FF] =	sst s2  }
0x7: {  	s0 =	rddreg [dreg:$0x1];
	_ =	strace $0x8000004D  }
0x8: {  	s3 =	srdreg.scid  }
0x9: {  	s26 =	sshll.u32 s1, $0x1;
	s8 =	sand.u32 $0x1, s3  }
0xa: {  	s3 =	sor.u32 s8, s26  }
0xb: {  	s4 =	smul.u32 $0x56, s3;
	_ =	sdelay $0x1  }
0xc: {  	s4 =	sshrl.u32 s4, $0x8  }
0xd: {  	s6 =	smul.u32 $0x3, s4  }
0xe: {  	s9 =	sadd.s32 $0x18600, s5  }
0xf: {  	s14 =	simm.s32 $0xC280;
	s15 =	simm.s32 $0x80;
	s3 =	ssub.s32 s3, s6  }
0x10: {  	s16 =	simm.s32 $0x400;
	s17 =	simm.s32 $0x2780;
	s6 =	sand.u32 $0xFF, s3  }
0x11: {  	s18 =	simm.s32 $0x3;
	s19 =	simm.s32 $0xE700;
	s3 =	smul.u32 $0x14, s6  }
0x12: {  	s20 =	simm.s32 $0x10B80;
	s21 =	simm.s32 $0x1;
	s7 =	sshll.u32 s4, $0x1  }
0x13: {  	s22 =	simm.s32 $0x4F00;
	s23 =	simm.s32 $0x7680;
	s3 =	sadd.s32 s7, s3  }
0x14: {  	s24 =	simm.s32 $0x2;
	s29 =	ssub.s32 $0x2, s8;
	s7 =	sshrl.u32 s3, $0x3  }
0x15: {  	s31 =	sshrl.u32 s29, $0x1;
	s3 =	sshll.u32 s3, $0x7;
	s7 =	smul.u32 $0x13C00, s7  }
0x16: {  	s28 =	sshrl.u32 s4, $0x2;
	s11 =	sshll.u32 s4, $0x8;
	s10 =	sand.u32 $0x300, s3  }
0x17: {  	s4 =	sadd.s32 $0x1FE00, s5;
	s7 =	sor.u32 s10, s7;
	s10 =	smul.u32 $0x13C00, s28  }
0x18: {  	s11 =	sand.u32 $0x300, s11;
	s3 =	sadd.s32 $0x2A400, s5;
	s7 =	sshrl.u32 s7, $0x3  }
0x19: {  	s7 =	sadd.s32 s7, s5;
	s5 =	smul.u32 $0x1B600, s6;
	s10 =	sor.u32 s11, s10  }
0x1a: {  	s25 =	simm.s32 $0x0;
	s13 =	ssub.s32 s29, s31;
	s30 =	sshrl.u32 s10, $0x3  }
0x1b: {  	s6 =	sadd.s32 $0x34A00, s7;
	s8 =	sadd.s32 s9, s30;
	s12 =	sshrl.u32 s5, $0x3  }
0x1c: {  	s7 =	sadd.s32 $0x34A10, s7;
	s9 =	sadd.s32 $0x10, s8;
	s10 =	sadd.s32 s4, s12  }
0x1d: {  	v0 =	vimm.f32 $0.0e+00;
	s11 =	sadd.s32 s3, s12;
	s12 =	smax.u32 s13, $0x1;
	s13 =	simm.s32 $0x9E00  }
.LBB2_2:
0x1e: {  	[tilespmem:s13], [sflag:$0x1] =	stream.linear.gather [hbm4b:s11+s2], $0x2480, $0x38;
	[tilespmem:$0x13000] =	vst v63  }
0x1f: {  	_ = 	snop  }
0x20: {  	[tilespmem:s14], [sflag:$0x1] =	stream.linear.gather [hbm4b:s10+s2], $0x2480, $0x38;
	[tilespmem:$0x13000] =	vst v63  }
0x21: {  	_ = 	snop  }
0x22: {  	[tilespmem:s2], [sflag:$0x3] =	stream.strided.gather [hbm4b:s8+s15], $0x2780, s16, s15, $0x38;
	[tilespmem:$0x13000] =	vst v63  }
0x23: {  	s26 =	simm.s32 $0x4F40  }
0x24: {  	[tilespmem:s17], [sflag:$0x3] =	stream.strided.gather [hbm4b:s9+s15], $0x2780, s16, s15, $0x38;
	[tilespmem:$0x13000] =	vst v63  }
0x25: {  	[tilespmem:s26+$0xFFFFFFC0] =	vst v0  }
0x26: {  	[tilespmem:s26+$0x30] =	vst v0  }
0x27: {  	[tilespmem:s26+$0x20] =	vst v0  }
0x28: {  	[tilespmem:s26+$0x10] =	vst v0  }
0x29: {  	[tilespmem:s26+$0x0] =	vst v0  }
0x2a: {  	[tilespmem:s26+$0xFFFFFFF0] =	vst v0  }
0x2b: {  	s28 =	simm.s32 $0x0;
	[tilespmem:s26+$0xFFFFFFE0] =	vst v0  }
.LBB2_3:
0x2c: {  	s28 =	sadd.s32 $0x80, s28;
	[tilespmem:s26+$0xFFFFFFD0] =	vst v0;
	s26 =	sadd.s32 $0x80, s26  }
0x2d: {  	[tilespmem:s26+$0xFFFFFFC0] =	vst v0;
	p0 =	slt.u32 s28, $0x2680  }
0x2e: {  	[tilespmem:s26+$0x30] =	vst v0  }
.Ltmp1:
0x2f: {  	[tilespmem:s26+$0x20] =	vst v0;
	(pc) =	sbr.rel @p0 .LBB2_3-.Ltmp1, $4  }
0x30: {  	[tilespmem:s26+$0x10] =	vst v0  }
0x31: {  	[tilespmem:s26+$0x0] =	vst v0  }
0x32: {  	[tilespmem:s26+$0xFFFFFFF0] =	vst v0  }
0x33: {  	[tilespmem:s26+$0xFFFFFFE0] =	vst v0  }
0x34: {  	[tilespmem:s26+$0xFFFFFFD0] =	vst v0  }
0x35: {  	s26 =	simm.s32 $0x76C0;
	[tilespmem:$0x7600] =	vst v0  }
0x36: {  	[tilespmem:s26+$0xFFFFFFC0] =	vst v0  }
0x37: {  	[tilespmem:s26+$0x30] =	vst v0  }
0x38: {  	[tilespmem:s26+$0x20] =	vst v0  }
0x39: {  	[tilespmem:s26+$0x10] =	vst v0  }
0x3a: {  	[tilespmem:s26+$0x0] =	vst v0  }
0x3b: {  	[tilespmem:s26+$0xFFFFFFF0] =	vst v0  }
0x3c: {  	s28 =	simm.s32 $0x0;
	[tilespmem:s26+$0xFFFFFFE0] =	vst v0  }
.LBB2_5:
0x3d: {  	s28 =	sadd.s32 $0x80, s28;
	[tilespmem:s26+$0xFFFFFFD0] =	vst v0;
	s26 =	sadd.s32 $0x80, s26  }
0x3e: {  	[tilespmem:s26+$0xFFFFFFC0] =	vst v0;
	p0 =	slt.u32 s28, $0x2680  }
0x3f: {  	[tilespmem:s26+$0x30] =	vst v0  }
.Ltmp2:
0x40: {  	[tilespmem:s26+$0x20] =	vst v0;
	(pc) =	sbr.rel @p0 .LBB2_5-.Ltmp2, $4  }
0x41: {  	[tilespmem:s26+$0x10] =	vst v0  }
0x42: {  	[tilespmem:s26+$0x0] =	vst v0  }
0x43: {  	[tilespmem:s26+$0xFFFFFFF0] =	vst v0  }
0x44: {  	[tilespmem:s26+$0xFFFFFFE0] =	vst v0  }
0x45: {  	[tilespmem:s26+$0xFFFFFFD0] =	vst v0  }
0x46: {  	[tilespmem:$0x9D80] =	vst v0  }
0x47: {  	_ =	swait.ge [sflag:s18], $0x2780  }
0x48: {  	[sflag:s18] =	ssyncset.done $0x0  }
0x49: {  	[sflag:s18] =	ssyncadd.s32 $0xFFFFD880  }
0x4a: {  	_ =	swait.ge [sflag:s18], $0x2780  }
0x4b: {  	[sflag:s18] =	ssyncset.done $0x0  }
0x4c: {  	s26 =	simm.s32 $0x0;
	[sflag:s18] =	ssyncadd.s32 $0xFFFFD880  }
.LBB2_7:
0x4d: {  	s28 =	smul.u32 $0x4900, s26;
	_ =	sdelay $0x1  }
0x4e: {  	s28 =	sadd.s32 s5, s28  }
0x4f: {  	s29 =	sshrl.u32 s28, $0x3  }
0x50: {  	s29 =	sadd.s32 $0x490, s29  }
0x51: {  	s30 =	sadd.s32 s3, s29  }
0x52: {  	[tilespmem:s19], [sflag:$0x2] =	stream.linear.gather [hbm4b:s30+s2], $0x2480, $0x38;
	[tilespmem:$0x13000] =	vst v63  }
0x53: {  	s29 =	sadd.s32 s4, s29  }
0x54: {  	[tilespmem:s20], [sflag:$0x2] =	stream.linear.gather [hbm4b:s29+s2], $0x2480, $0x38;
	[tilespmem:$0x13000] =	vst v63  }
0x55: {  	_ =	swait.ge [sflag:s21], $0x2480  }
0x56: {  	[sflag:s21] =	ssyncset.done $0x0  }
0x57: {  	[sflag:s21] =	ssyncadd.s32 $0xFFFFDB80  }
0x58: {  	_ =	swait.ge [sflag:s21], $0x2480  }
0x59: {  	[sflag:s21] =	ssyncset.done $0x0  }
0x5a: {  	s29 =	simm.s32 $0x9E20;
	[sflag:s21] =	ssyncadd.s32 $0xFFFFDB80  }
0x5b: {  	v1 =	vld [tilespmem:s29+$0x10];
	_ =	sdelay $0x2  }
0x5c: {  	v3 =	vld [tilespmem:s29+$0xFFFFFFE0];
	_ =	sdelay $0x1  }
0x5d: {  	v2 =	vld [tilespmem:s29+$0xFFFFFFF0];
	v4 =	vand.u32 $0x3FFF, v1  }
0x5e: {  	s30 =	simm.s32 $0x9E60;
	v5 =	vld [tilespmem:s29+$0x0]  }
0x5f: {  	v18 =	vld [tilespmem:s30+$0xFFFFFFE0]  }
0x60: {  	s29 =	simm.s32 $0xC2A0;
	v20 =	vld [tilespmem:s30+$0x0];
	v6 =	vand.u32 $0x3FFF, v3  }
0x61: {  	v9 =	vld [tilespmem:s29+$0x10]  }
0x62: {  	v7 =	vand.u32 $0x3FFF, v2;
	v8 =	vld.idx.msk [tilespmem:v4+s2+$0x0], $0xffff  }
0x63: {  	v13 =	vld [tilespmem:s29+$0xFFFFFFE0];
	v10 =	vand.u32 $0x3FFF, v5  }
0x64: {  	v14 =	vld [tilespmem:s29+$0xFFFFFFF0];
	v12 =	vshrl.u32 v1, $0xE  }
0x65: {  	v1 =	vld.idx.msk [tilespmem:v6+s2+$0x0], $0xffff  }
0x66: {  	v17 =	vld [tilespmem:s29+$0x0]  }
0x67: {  	v15 =	vshrl.u32 v3, $0xE;
	v11 =	vld.idx.msk [tilespmem:v7+s2+$0x0], $0xffff;
	v8 =	vmul.f32 v8, v9  }
0x68: {  	v3 =	vld.idx.msk [tilespmem:v10+s2+$0x0], $0xffff  }
0x69: {  	v16 =	vshrl.u32 v2, $0xE;
	[tilespmem:v12+s22+$0x0] =	vst.idx.add.f32.msk $0xffff, v8  }
0x6a: {  	v1 =	vmul.f32 v1, v13;
	v2 =	vld.idx.msk [tilespmem:v4+s17+$0x0], $0xffff  }
0x6b: {  	v4 =	vld [tilespmem:s30+$0x10]  }
0x6c: {  	s29 =	simm.s32 $0xC2E0;
	v8 =	vmul.f32 v11, v14;
	[tilespmem:v15+s22+$0x0] =	vst.idx.add.f32.msk $0xffff, v1  }
0x6d: {  	v11 =	vld [tilespmem:s29+$0x10]  }
0x6e: {  	v1 =	vshrl.u32 v5, $0xE;
	[tilespmem:v16+s22+$0x0] =	vst.idx.add.f32.msk $0xffff, v8  }
0x6f: {  	v8 =	vld [tilespmem:s30+$0xFFFFFFF0]  }
0x70: {  	v21 =	vld.idx.msk [tilespmem:v6+s17+$0x0], $0xffff;
	v19 =	vand.u32 $0x3FFF, v4  }
0x71: {  	v3 =	vmul.f32 v3, v17;
	v5 =	vand.u32 $0x3FFF, v20;
	v22 =	vld.idx.msk [tilespmem:v7+s17+$0x0], $0xffff  }
0x72: {  	v7 =	vld [tilespmem:s29+$0xFFFFFFF0];
	v2 =	vmul.f32 v2, v9  }
0x73: {  	v6 =	vand.u32 $0x3FFF, v18;
	[tilespmem:v1+s22+$0x0] =	vst.idx.add.f32.msk $0xffff, v3  }
0x74: {  	[tilespmem:v12+s23+$0x0] =	vst.idx.add.f32.msk $0xffff, v2;
	v2 =	vand.u32 $0x3FFF, v8  }
0x75: {  	v3 =	vld.idx.msk [tilespmem:v19+s2+$0x0], $0xffff  }
0x76: {  	v61 =	vld.idx.msk [tilespmem:v5+s2+$0x0], $0xffff  }
0x77: {  	v23 =	vld.idx.msk [tilespmem:v10+s17+$0x0], $0xffff;
	v12 =	vshrl.u32 v4, $0xE  }
0x78: {  	v25 =	vld.idx.msk [tilespmem:v6+s2+$0x0], $0xffff  }
0x79: {  	v24 =	vld.idx.msk [tilespmem:v2+s2+$0x0], $0xffff  }
0x7a: {  	v9 =	vld [tilespmem:s29+$0xFFFFFFE0];
	v3 =	vmul.f32 v3, v11  }
0x7b: {  	v10 =	vld [tilespmem:s29+$0x0];
	v4 =	vshrl.u32 v8, $0xE;
	v8 =	vmul.f32 v21, v13  }
0x7c: {  	[tilespmem:v12+s22+$0x0] =	vst.idx.add.f32.msk $0xffff, v3;
	v3 =	vshrl.u32 v18, $0xE  }
0x7d: {  	v13 =	vmul.f32 v22, v14;
	[tilespmem:v15+s23+$0x0] =	vst.idx.add.f32.msk $0xffff, v8  }
0x7e: {  	v63 =	vmul.f32 v24, v7;
	v14 =	vld.idx.msk [tilespmem:v19+s17+$0x0], $0xffff  }
0x7f: {  	[tilespmem:v16+s23+$0x0] =	vst.idx.add.f32.msk $0xffff, v13;
	v62 =	vmul.f32 v25, v9  }
0x80: {  	[tilespmem:v4+s22+$0x0] =	vst.idx.add.f32.msk $0xffff, v63  }
0x81: {  	s31 =	simm.s32 $0x9EA0;
	s30 =	simm.s32 $0x40;
	v8 =	vshrl.u32 v20, $0xE;
	v13 =	vmul.f32 v23, v17;
	v15 =	vmul.f32 v61, v10;
	[tilespmem:v3+s22+$0x0] =	vst.idx.add.f32.msk $0xffff, v62  }
.LBB2_8:
0x82: {  	v16 =	vld [tilespmem:s31+$0x10];
	s30 =	sadd.s32 $0x40, s30  }
0x83: {  	v11 =	vmul.f32 v14, v11;
	v17 =	vld [tilespmem:s31+$0xFFFFFFF0];
	p0 =	slt.u32 s30, $0x2440  }
0x84: {  	v14 =	vld [tilespmem:s31+$0x0]  }
0x85: {  	[tilespmem:v12+s23+$0x0] =	vst.idx.add.f32.msk $0xffff, v11  }
0x86: {  	v11 =	vld [tilespmem:s31+$0xFFFFFFE0]  }
0x87: {  	v18 =	vand.u32 $0x3FFF, v16;
	[tilespmem:v8+s22+$0x0] =	vst.idx.add.f32.msk $0xffff, v15  }
0x88: {  	v19 =	vshrl.u32 v17, $0xE;
	v12 =	vand.u32 $0x3FFF, v17;
	v15 =	vld.idx.msk [tilespmem:v6+s17+$0x0], $0xffff  }
0x89: {  	v17 =	vshrl.u32 v14, $0xE;
	v6 =	vand.u32 $0x3FFF, v14;
	v14 =	vld.idx.msk [tilespmem:v2+s17+$0x0], $0xffff;
	v2 =	vmov v12  }
0x8a: {  	v20 =	vld.idx.msk [tilespmem:v5+s17+$0x0], $0xffff;
	v5 =	vmov v6  }
0x8b: {  	v21 =	vshrl.u32 v11, $0xE;
	v6 =	vand.u32 $0x3FFF, v11;
	[tilespmem:v1+s23+$0x0] =	vst.idx.add.f32.msk $0xffff, v13;
	v1 =	vmovc v8;
	v8 =	vmov v17  }
0x8c: {  	s29 =	sadd.s32 $0x40, s29;
	v17 =	vld.idx.msk [tilespmem:v18+s2+$0x0], $0xffff  }
0x8d: {  	v11 =	vld [tilespmem:s29+$0x10]  }
0x8e: {  	v15 =	vmul.f32 v15, v9;
	v22 =	vld.idx.msk [tilespmem:v12+s2+$0x0], $0xffff  }
0x8f: {  	v12 =	vshrl.u32 v16, $0xE;
	v16 =	vmul.f32 v14, v7;
	v23 =	vld.idx.msk [tilespmem:v5+s2+$0x0], $0xffff  }
0x90: {  	v13 =	vmul.f32 v20, v10;
	v24 =	vld.idx.msk [tilespmem:v6+s2+$0x0], $0xffff  }
0x91: {  	v9 =	vld [tilespmem:s29+$0xFFFFFFE0]  }
0x92: {  	v7 =	vld [tilespmem:s29+$0xFFFFFFF0];
	v14 =	vmul.f32 v17, v11  }
0x93: {  	v10 =	vld [tilespmem:s29+$0x0]  }
0x94: {  	[tilespmem:v12+s22+$0x0] =	vst.idx.add.f32.msk $0xffff, v14  }
.Ltmp3:
0x95: {  	v14 =	vld.idx.msk [tilespmem:v18+s17+$0x0], $0xffff;
	(pc) =	sbr.rel @p0 .LBB2_8-.Ltmp3, $4  }
0x96: {  	v17 =	vmul.f32 v24, v9;
	[tilespmem:v3+s23+$0x0] =	vst.idx.add.f32.msk $0xffff, v15;
	v3 =	vmov v21  }
0x97: {  	v18 =	vmul.f32 v22, v7;
	[tilespmem:v4+s23+$0x0] =	vst.idx.add.f32.msk $0xffff, v16;
	v4 =	vmov v19  }
0x98: {  	[tilespmem:v21+s22+$0x0] =	vst.idx.add.f32.msk $0xffff, v17;
	v15 =	vmul.f32 v23, v10  }
0x99: {  	s31 =	sadd.s32 $0x40, s31;
	[tilespmem:v19+s22+$0x0] =	vst.idx.add.f32.msk $0xffff, v18  }
0x9a: {  	_ =	sdelay $0x3  }
0x9b: {  	[tilespmem:v8+s22+$0x0] =	vst.idx.add.f32.msk $0xffff, v15  }
0x9c: {  	v6 =	vld.idx.msk [tilespmem:v6+s17+$0x0], $0xffff  }
0x9d: {  	v2 =	vld.idx.msk [tilespmem:v2+s17+$0x0], $0xffff  }
0x9e: {  	v5 =	vld.idx.msk [tilespmem:v5+s17+$0x0], $0xffff;
	_ =	sdelay $0x1  }
0x9f: {  	v11 =	vmul.f32 v14, v11  }
0xa0: {  	[tilespmem:v1+s23+$0x0] =	vst.idx.add.f32.msk $0xffff, v13;
	v6 =	vmul.f32 v6, v9  }
0xa1: {  	p0 =	seq.s32 s26, $0x5;
	[tilespmem:v12+s23+$0x0] =	vst.idx.add.f32.msk $0xffff, v11;
	v1 =	vmul.f32 v2, v7  }
0xa2: {  	s28 =	sshrl.u32 @!p0 s28, $0x3;
	v2 =	vmul.f32 v5, v10;
	[tilespmem:v3+s23+$0x0] =	vst.idx.add.f32.msk $0xffff, v6  }
0xa3: {  	s28 =	sadd.s32 @!p0 $0x920, s28;
	[tilespmem:v4+s23+$0x0] =	vst.idx.add.f32.msk $0xffff, v1  }
0xa4: {  	s30 =	simm.s32 @!p0 $0x0;
	s31 =	simm.s32 @!p0 $0x9E00;
	s29 =	sadd.s32 @!p0 s3, s28;
	[tilespmem:v8+s23+$0x0] =	vst.idx.add.f32.msk $0xffff, v2  }
0xa5: {  	[tilespmem:s31], [sflag:$0x1] =	stream.linear.gather @!p0 [hbm4b:s29+s30], $0x2480, $0x38;
	[tilespmem:$0x13000] =	vst v63  }
0xa6: {  	s28 =	sadd.s32 @!p0 s4, s28;
	s29 =	simm.s32 @!p0 $0xC280  }
0xa7: {  	[tilespmem:s29], [sflag:$0x1] =	stream.linear.gather @!p0 [hbm4b:s28+s30], $0x2480, $0x38;
	[tilespmem:$0x13000] =	vst v63  }
0xa8: {  	_ =	swait.ge [sflag:s24], $0x2480  }
0xa9: {  	[sflag:s24] =	ssyncset.done $0x0  }
0xaa: {  	[sflag:s24] =	ssyncadd.s32 $0xFFFFDB80  }
0xab: {  	_ =	swait.ge [sflag:s24], $0x2480  }
0xac: {  	[sflag:s24] =	ssyncset.done $0x0  }
0xad: {  	s28 =	simm.s32 $0xE720;
	[sflag:s24] =	ssyncadd.s32 $0xFFFFDB80  }
0xae: {  	v1 =	vld [tilespmem:s28+$0x10]  }
0xaf: {  	v3 =	vld [tilespmem:s28+$0xFFFFFFE0];
	_ =	sdelay $0x3  }
0xb0: {  	v2 =	vld [tilespmem:s28+$0xFFFFFFF0];
	v4 =	vand.u32 $0x3FFF, v1  }
0xb1: {  	v5 =	vld [tilespmem:s28+$0x0];
	v6 =	vand.u32 $0x3FFF, v3  }
0xb2: {  	s28 =	simm.s32 $0x10BA0  }
0xb3: {  	v9 =	vld [tilespmem:s28+$0x10]  }
0xb4: {  	v13 =	vld [tilespmem:s28+$0xFFFFFFE0]  }
0xb5: {  	v7 =	vand.u32 $0x3FFF, v2;
	v8 =	vld.idx.msk [tilespmem:v4+s2+$0x0], $0xffff  }
0xb6: {  	s29 =	simm.s32 $0xE760;
	v10 =	vand.u32 $0x3FFF, v5;
	v12 =	vshrl.u32 v1, $0xE;
	v1 =	vld.idx.msk [tilespmem:v6+s2+$0x0], $0xffff  }
0xb7: {  	v19 =	vld [tilespmem:s29+$0x0]  }
0xb8: {  	v14 =	vld [tilespmem:s28+$0xFFFFFFF0];
	v15 =	vshrl.u32 v3, $0xE  }
0xb9: {  	v17 =	vld [tilespmem:s28+$0x0]  }
0xba: {  	v11 =	vld.idx.msk [tilespmem:v7+s2+$0x0], $0xffff;
	v8 =	vmul.f32 v8, v9  }
0xbb: {  	v3 =	vld.idx.msk [tilespmem:v10+s2+$0x0], $0xffff;
	v1 =	vmul.f32 v1, v13  }
0xbc: {  	[tilespmem:v12+s22+$0x0] =	vst.idx.add.f32.msk $0xffff, v8  }
0xbd: {  	[tilespmem:v15+s22+$0x0] =	vst.idx.add.f32.msk $0xffff, v1  }
0xbe: {  	v16 =	vshrl.u32 v2, $0xE;
	v2 =	vld.idx.msk [tilespmem:v4+s17+$0x0], $0xffff  }
0xbf: {  	v4 =	vld [tilespmem:s29+$0x10]  }
0xc0: {  	s28 =	simm.s32 $0x10BE0;
	v1 =	vshrl.u32 v5, $0xE;
	v5 =	vld [tilespmem:s29+$0xFFFFFFF0]  }
0xc1: {  	v8 =	vmul.f32 v11, v14;
	v11 =	vld [tilespmem:s28+$0x10]  }
0xc2: {  	v20 =	vld.idx.msk [tilespmem:v6+s17+$0x0], $0xffff  }
0xc3: {  	[tilespmem:v16+s22+$0x0] =	vst.idx.add.f32.msk $0xffff, v8  }
0xc4: {  	v2 =	vmul.f32 v2, v9;
	v9 =	vld [tilespmem:s29+$0xFFFFFFE0];
	v18 =	vand.u32 $0x3FFF, v4  }
0xc5: {  	v8 =	vld [tilespmem:s28+$0xFFFFFFE0]  }
0xc6: {  	v22 =	vld.idx.msk [tilespmem:v7+s17+$0x0], $0xffff  }
0xc7: {  	v7 =	vld [tilespmem:s28+$0xFFFFFFF0]  }
0xc8: {  	v3 =	vmul.f32 v3, v17;
	[tilespmem:v12+s23+$0x0] =	vst.idx.add.f32.msk $0xffff, v2;
	v2 =	vand.u32 $0x3FFF, v5  }
0xc9: {  	v6 =	vand.u32 $0x3FFF, v9;
	v21 =	vld.idx.msk [tilespmem:v18+s2+$0x0], $0xffff  }
0xca: {  	[tilespmem:v1+s22+$0x0] =	vst.idx.add.f32.msk $0xffff, v3;
	v3 =	vand.u32 $0x3FFF, v19  }
0xcb: {  	v23 =	vld.idx.msk [tilespmem:v10+s17+$0x0], $0xffff;
	v12 =	vshrl.u32 v4, $0xE  }
0xcc: {  	v10 =	vld [tilespmem:s28+$0x0]  }
0xcd: {  	v24 =	vld.idx.msk [tilespmem:v2+s2+$0x0], $0xffff  }
0xce: {  	v25 =	vld.idx.msk [tilespmem:v6+s2+$0x0], $0xffff;
	v4 =	vmul.f32 v21, v11  }
0xcf: {  	v5 =	vshrl.u32 v5, $0xE;
	v61 =	vld.idx.msk [tilespmem:v3+s2+$0x0], $0xffff  }
0xd0: {  	[tilespmem:v12+s22+$0x0] =	vst.idx.add.f32.msk $0xffff, v4;
	v4 =	vshrl.u32 v9, $0xE;
	v9 =	vmul.f32 v20, v13  }
0xd1: {  	v13 =	vmul.f32 v22, v14;
	v14 =	vld.idx.msk [tilespmem:v18+s17+$0x0], $0xffff  }
0xd2: {  	v63 =	vmul.f32 v24, v7;
	[tilespmem:v15+s23+$0x0] =	vst.idx.add.f32.msk $0xffff, v9  }
0xd3: {  	[tilespmem:v16+s23+$0x0] =	vst.idx.add.f32.msk $0xffff, v13;
	v62 =	vmul.f32 v25, v8  }
0xd4: {  	[tilespmem:v5+s22+$0x0] =	vst.idx.add.f32.msk $0xffff, v63  }
0xd5: {  	s30 =	simm.s32 $0xE7A0;
	s29 =	simm.s32 $0x40;
	v9 =	vshrl.u32 v19, $0xE;
	v13 =	vmul.f32 v23, v17;
	v15 =	vmul.f32 v61, v10;
	[tilespmem:v4+s22+$0x0] =	vst.idx.add.f32.msk $0xffff, v62  }
.LBB2_10:
0xd6: {  	v16 =	vld [tilespmem:s30+$0x10];
	s29 =	sadd.s32 $0x40, s29  }
0xd7: {  	v11 =	vmul.f32 v14, v11;
	v17 =	vld [tilespmem:s30+$0xFFFFFFF0];
	p0 =	slt.u32 s29, $0x2440  }
0xd8: {  	v14 =	vld [tilespmem:s30+$0x0]  }
0xd9: {  	[tilespmem:v12+s23+$0x0] =	vst.idx.add.f32.msk $0xffff, v11  }
0xda: {  	v11 =	vld [tilespmem:s30+$0xFFFFFFE0]  }
0xdb: {  	v18 =	vand.u32 $0x3FFF, v16;
	[tilespmem:v9+s22+$0x0] =	vst.idx.add.f32.msk $0xffff, v15  }
0xdc: {  	v19 =	vshrl.u32 v17, $0xE;
	v12 =	vand.u32 $0x3FFF, v17;
	v15 =	vld.idx.msk [tilespmem:v6+s17+$0x0], $0xffff  }
0xdd: {  	v17 =	vshrl.u32 v14, $0xE;
	v6 =	vand.u32 $0x3FFF, v14;
	v14 =	vld.idx.msk [tilespmem:v2+s17+$0x0], $0xffff;
	v2 =	vmov v12  }
0xde: {  	v20 =	vld.idx.msk [tilespmem:v3+s17+$0x0], $0xffff;
	v3 =	vmov v6  }
0xdf: {  	v21 =	vshrl.u32 v11, $0xE;
	v6 =	vand.u32 $0x3FFF, v11;
	[tilespmem:v1+s23+$0x0] =	vst.idx.add.f32.msk $0xffff, v13;
	v1 =	vmovc v9;
	v9 =	vmov v17  }
0xe0: {  	s28 =	sadd.s32 $0x40, s28;
	v17 =	vld.idx.msk [tilespmem:v18+s2+$0x0], $0xffff  }
0xe1: {  	v11 =	vld [tilespmem:s28+$0x10]  }
0xe2: {  	v15 =	vmul.f32 v15, v8;
	v22 =	vld.idx.msk [tilespmem:v12+s2+$0x0], $0xffff  }
0xe3: {  	v12 =	vshrl.u32 v16, $0xE;
	v16 =	vmul.f32 v14, v7;
	v23 =	vld.idx.msk [tilespmem:v3+s2+$0x0], $0xffff  }
0xe4: {  	v13 =	vmul.f32 v20, v10;
	v24 =	vld.idx.msk [tilespmem:v6+s2+$0x0], $0xffff  }
0xe5: {  	v8 =	vld [tilespmem:s28+$0xFFFFFFE0]  }
0xe6: {  	v7 =	vld [tilespmem:s28+$0xFFFFFFF0];
	v14 =	vmul.f32 v17, v11  }
0xe7: {  	v10 =	vld [tilespmem:s28+$0x0]  }
0xe8: {  	[tilespmem:v12+s22+$0x0] =	vst.idx.add.f32.msk $0xffff, v14  }
.Ltmp4:
0xe9: {  	v14 =	vld.idx.msk [tilespmem:v18+s17+$0x0], $0xffff;
	(pc) =	sbr.rel @p0 .LBB2_10-.Ltmp4, $4  }
0xea: {  	v17 =	vmul.f32 v24, v8;
	[tilespmem:v4+s23+$0x0] =	vst.idx.add.f32.msk $0xffff, v15;
	v4 =	vmov v21  }
0xeb: {  	v18 =	vmul.f32 v22, v7;
	[tilespmem:v5+s23+$0x0] =	vst.idx.add.f32.msk $0xffff, v16;
	v5 =	vmov v19  }
0xec: {  	[tilespmem:v21+s22+$0x0] =	vst.idx.add.f32.msk $0xffff, v17;
	v15 =	vmul.f32 v23, v10  }
0xed: {  	s30 =	sadd.s32 $0x40, s30;
	[tilespmem:v19+s22+$0x0] =	vst.idx.add.f32.msk $0xffff, v18  }
0xee: {  	_ =	sdelay $0x3  }
0xef: {  	[tilespmem:v9+s22+$0x0] =	vst.idx.add.f32.msk $0xffff, v15  }
0xf0: {  	v6 =	vld.idx.msk [tilespmem:v6+s17+$0x0], $0xffff  }
0xf1: {  	v2 =	vld.idx.msk [tilespmem:v2+s17+$0x0], $0xffff  }
0xf2: {  	v3 =	vld.idx.msk [tilespmem:v3+s17+$0x0], $0xffff  }
0xf3: {  	s26 =	sadd.s32 $0x1, s26  }
0xf4: {  	v11 =	vmul.f32 v14, v11;
	p0 =	sne.s32 s26, $0x6  }
.Ltmp5:
0xf5: {  	[tilespmem:v1+s23+$0x0] =	vst.idx.add.f32.msk $0xffff, v13;
	v6 =	vmul.f32 v6, v8;
	(pc) =	sbr.rel @p0 .LBB2_7-.Ltmp5, $4  }
0xf6: {  	[tilespmem:v12+s23+$0x0] =	vst.idx.add.f32.msk $0xffff, v11;
	v1 =	vmul.f32 v2, v7  }
0xf7: {  	v2 =	vmul.f32 v3, v10;
	[tilespmem:v4+s23+$0x0] =	vst.idx.add.f32.msk $0xffff, v6  }
0xf8: {  	[tilespmem:v5+s23+$0x0] =	vst.idx.add.f32.msk $0xffff, v1  }
0xf9: {  	[tilespmem:v9+s23+$0x0] =	vst.idx.add.f32.msk $0xffff, v2  }
0xfa: {  	[hbm4b:s6+s15] =	stream.strided.scatter [tilespmem:s22], [sflag:$0x3], $0x2780, s16, s15, $0x38;
	[tilespmem:$0x13000] =	vst v63  }
0xfb: {  	s25 =	sadd.s32 $0x1, s25  }
0xfc: {  	[hbm4b:s7+s15] =	stream.strided.scatter [tilespmem:s23], [sflag:$0x3], $0x2780, s16, s15, $0x38;
	[tilespmem:$0x13000] =	vst v63  }
0xfd: {  	p0 =	sne.s32 s25, s12;
	_ =	swait.ge [sflag:s18], $0x2780  }
.Ltmp6:
0xfe: {  	[sflag:s18] =	ssyncset.done $0x0;
	(pc) =	sbr.rel @p0 .LBB2_2-.Ltmp6, $4  }
0xff: {  	[sflag:s18] =	ssyncadd.s32 $0xFFFFD880  }
0x100: {  	_ =	swait.ge [sflag:s18], $0x2780  }
0x101: {  	[sflag:s18] =	ssyncset.done $0x0  }
0x102: {  	[sflag:s18] =	ssyncadd.s32 $0xFFFFD880  }
.LBB2_13:
0x103: {  	_ =	sfence.sel $0x180000  }
0x104: {  	[bflag:$0x0] =	sbarrier.arrive $0xFFFF  }
0x105: {  	p0 =	sne.s32 s1, $0x0;
	_ =	strace $0x9000004D  }
0x106: {  	s0 =	sadd.s32 @!p0 $0x100000, s0;
	[bflag:$0x2] =	sbarrier.arrive $0xFFFF  }
0x107: {  	[sflag:s0] =	ssyncadd.tile.s32 @!p0 $0x1;
	_ =	shalt  }
.Lfunc_end2:
_tile_overlayer_lowered:
.L_overlay_start_2:
0x108: {  	(tag) =	ssettag $0x2  }
0x109: {  	s0 =	rddreg [dreg:$0x0];
	s2 =	stileid.u32  }
0x10a: {  	s1 =	rddreg [dreg:$0x1];
	p0 =	sne.s32 s2, $0x0  }
0x10b: {  	s3 =	rddreg [dreg:$0x2];
	[bflag:$0x3] =	sbarrier.arrive $0xFFFF;
	s2 =	simm.s32 @!p0 $0x1C04  }
0x10c: {  	[timem:s3], [sflag:s2] =	dma.local @!p0 [hbm:s0], s1  }
0x10d: {  	s0 =	simm.s32 @!p0 $0x4  }
0x10e: {  	_ =	swait.ge @!p0 [sflag:s0], s1  }
0x10f: {  	s1 =	ssub.s32 @!p0 $0x0, s1;
	[sflag:s0] =	ssyncset.done @!p0 $0x0  }
0x110: {  	[sflag:s0] =	ssyncadd.s32 @!p0 s1  }
0x111: {  	[bflag:$0x3] =	sbarrier.arrive $0xFFFF  }
0x112: {  	_ =	shalt  }

// kernel: kernel.20.cloned.1.call-start
scs
__scs_entry_jumppad:
0x0: {  	(pc) =	sbr.rel $0x88, $3  }
0x1: {  	(tag) =	ssettag $0x0;
	lr =	simm.s32 $0x1  }
0x2: {  	[smem:$0x3F95] =	sst lr;
	_ =	strace $0xD0000000  }
0x3: {  	_ = 	snop  }
0x4: {  	_ = 	snop  }
0x5: {  	_ = 	snop  }
0x6: {  	_ = 	snop  }
0x7: {  	_ = 	snop  }
__scs_overlays_trampoline_lowered:
0x8: {  	[smem:$0x3FA4] =	sst s0  }
0x9: {  	[smem:$0x3FA5] =	sst s1  }
0xa: {  	[smem:$0x3FA6] =	sst s2  }
0xb: {  	[smem:$0x3FA7] =	sst s3  }
0xc: {  	[smem:$0x3FA8] =	sst s4  }
0xd: {  	[smem:$0x3FA9] =	sst s5  }
0xe: {  	[smem:$0x3FAA] =	sst s6  }
0xf: {  	[smem:$0x3FAB] =	sst s7  }
0x10: {  	[smem:$0x3FAC] =	sst s8  }
0x11: {  	[smem:$0x3FAD] =	sst s9;
	s0 =	simm.s32 @!p0 $0x0  }
0x12: {  	s1 =	sld [smem:$0x3F93];
	s0 =	simm.s32 @p0 $0x1  }
0x13: {  	[smem:$0x3FAE] =	sst s0;
	s0 =	simm.s32 @!p1 $0x0  }
0x14: {  	s2 =	sld [smem:$0x3F92];
	s0 =	simm.s32 @p1 $0x1  }
0x15: {  	[smem:$0x3FAF] =	sst s0;
	s0 =	simm.s32 @!p2 $0x0  }
0x16: {  	s3 =	sld [smem:$0x3FDB];
	s0 =	simm.s32 @p2 $0x1  }
0x17: {  	s4 =	simm.s32 $0x1BF5;
	[smem:$0x3FB1] =	sst s0  }
0x18: {  	s0 =	sld [smem:$0x3F94];
	_ =	swait.ge [sflag:s4], $0x0  }
0x19: {  	s7 =	sld [smem:$0x3F95]  }
0x1a: {  	s8 =	sadd.s32 $0xFFFFE003, lr  }
0x1b: {  	s9 =	sadd.s32 $0xFFFFFEF7, lr;
	s5 =	simm.s32 $0xFFFFFFFF;
	p2 =	slt.u32 s8, $0xFFFFF086  }
0x1c: {  	p1 =	slt.u32 s9, $0xF7A;
	s5 =	simm.s32 @!p2 $0x0  }
0x1d: {  	s5 =	simm.s32 @p1 $0x1;
	p0 =	seq.s32 s7, s2  }
0x1e: {  	s7 =	smul.u32 @!p0 $0xF7A, s2;
	p2 =	seq.s32 @!p0 s5, $0x0  }
0x1f: {  	s9 =	smul.u32 $0xF7A, s1;
	s8 =	simm.s32 @!p0 $0x1BF5;
	p2 =	por !p2, p0  }
0x20: {  	[sflag:s8] =	ssyncset.s32 @!p0 $0xFFFFF086;
	s6 =	sadd.s32 @!p0 s3, s7;
	s7 =	simm.s32 @!p0 $0x108  }
0x21: {  	s3 =	sadd.s32 s3, s9;
	s6 =	sadd.s32 @!p0 $0x88, s6;
	s7 =	simm.s32 @p2 $0x1082  }
0x22: {  	[simem:s7], [sflag:s8] =	dma.local @!p0 [hbm:s6], $0xF7A  }
0x23: {  	s9 =	sor.u32 $0xD0000000, s2;
	s6 =	simm.s32 $0x108;
	_ =	swait.ge @!p0 [sflag:s8], $0x0  }
0x24: {  	s3 =	sadd.s32 $0x88, s3;
	s6 =	simm.s32 @!p1 $0x1082;
	[sflag:s4] =	ssyncset.s32 $0xFFFFF086  }
0x25: {  	[simem:s6], [sflag:s4] =	dma.local [hbm:s3], $0xF7A  }
0x26: {  	[smem:$0x3F95] =	sst s1;
	(tag) =	ssettag s2;
	_ =	strace s9  }
0x27: {  	s1 =	sld [smem:$0x3FA5]  }
0x28: {  	s2 =	sld [smem:$0x3FA6]  }
0x29: {  	s4 =	sld [smem:$0x3FA8]  }
0x2a: {  	p0 =	seq.s32 s5, $0x0;
	s5 =	sld [smem:$0x3FA9]  }
0x2b: {  	s6 =	sld [smem:$0x3FAA]  }
0x2c: {  	s7 =	sld [smem:$0x3FAB]  }
0x2d: {  	s3 =	simm.s32 $0x108;
	s8 =	sld [smem:$0x3FAC]  }
0x2e: {  	s3 =	simm.s32 @!p0 $0x1082;
	s9 =	sld [smem:$0x3FAD]  }
0x2f: {  	lr =	sadd.s32 s0, s3;
	s0 =	sld [smem:$0x3FA4]  }
0x30: {  	s3 =	sld [smem:$0x3FA7]  }
0x31: {  	[smem:$0x3FB0] =	sst s10  }
0x32: {  	s10 =	sld [smem:$0x3FAE];
	_ =	sdelay $0x3  }
0x33: {  	p0 =	seq.s32 s10, $0x1;
	s10 =	sld [smem:$0x3FB0];
	_ =	sdelay $0x3  }
0x34: {  	[smem:$0x3FB0] =	sst s10  }
0x35: {  	s10 =	sld [smem:$0x3FAF];
	_ =	sdelay $0x3  }
0x36: {  	p1 =	seq.s32 s10, $0x1;
	s10 =	sld [smem:$0x3FB0];
	_ =	sdelay $0x3  }
0x37: {  	[smem:$0x3FB0] =	sst s10  }
0x38: {  	s10 =	sld [smem:$0x3FB1]  }
0x39: {  	_ = 	snop;
	(pc) =	sbr.ind lr, $3  }
0x3a: {  	_ = 	snop  }
0x3b: {  	_ = 	snop  }
0x3c: {  	p2 =	seq.s32 s10, $0x1;
	s10 =	sld [smem:$0x3FB0]  }
0x3d: {  	_ =	shalt  }
0x3e: {  	_ =	shalt  }
0x3f: {  	_ =	shalt  }
0x40: {  	_ =	shalt  }
0x41: {  	_ =	shalt  }
0x42: {  	_ =	shalt  }
0x43: {  	_ =	shalt  }
0x44: {  	_ =	shalt  }
0x45: {  	_ =	shalt  }
0x46: {  	_ =	shalt  }
0x47: {  	_ =	shalt  }
0x48: {  	_ =	shalt  }
0x49: {  	_ =	shalt  }
0x4a: {  	_ =	shalt  }
0x4b: {  	_ =	shalt  }
0x4c: {  	_ =	shalt  }
0x4d: {  	_ =	shalt  }
0x4e: {  	_ =	shalt  }
0x4f: {  	_ =	shalt  }
0x50: {  	_ =	shalt  }
0x51: {  	_ =	shalt  }
0x52: {  	_ =	shalt  }
0x53: {  	_ =	shalt  }
0x54: {  	_ =	shalt  }
0x55: {  	_ =	shalt  }
0x56: {  	_ =	shalt  }
0x57: {  	_ =	shalt  }
0x58: {  	_ =	shalt  }
0x59: {  	_ =	shalt  }
0x5a: {  	_ =	shalt  }
0x5b: {  	_ =	shalt  }
0x5c: {  	_ =	shalt  }
0x5d: {  	_ =	shalt  }
0x5e: {  	_ =	shalt  }
0x5f: {  	_ =	shalt  }
0x60: {  	_ =	shalt  }
0x61: {  	_ =	shalt  }
0x62: {  	_ =	shalt  }
0x63: {  	_ =	shalt  }
0x64: {  	_ =	shalt  }
0x65: {  	_ =	shalt  }
0x66: {  	_ =	shalt  }
0x67: {  	_ =	shalt  }
0x68: {  	_ =	shalt  }
0x69: {  	_ =	shalt  }
0x6a: {  	_ =	shalt  }
0x6b: {  	_ =	shalt  }
0x6c: {  	_ =	shalt  }
0x6d: {  	_ =	shalt  }
0x6e: {  	_ =	shalt  }
0x6f: {  	_ =	shalt  }
0x70: {  	_ =	shalt  }
0x71: {  	_ =	shalt  }
0x72: {  	_ =	shalt  }
0x73: {  	_ =	shalt  }
0x74: {  	_ =	shalt  }
0x75: {  	_ =	shalt  }
0x76: {  	_ =	shalt  }
0x77: {  	_ =	shalt  }
0x78: {  	_ =	shalt  }
0x79: {  	_ =	shalt  }
0x7a: {  	_ =	shalt  }
0x7b: {  	_ =	shalt  }
0x7c: {  	_ =	shalt  }
0x7d: {  	_ =	shalt  }
0x7e: {  	_ =	shalt  }
0x7f: {  	_ =	shalt  }
0x80: {  	_ =	shalt  }
0x81: {  	_ =	shalt  }
0x82: {  	_ =	shalt  }
0x83: {  	_ =	shalt  }
0x84: {  	_ =	shalt  }
0x85: {  	_ =	shalt  }
0x86: {  	_ =	shalt  }
0x87: {  	_ =	shalt  }
.Lfunc_end0:
.L_simem_size_0:
called_computation.3_lowered:
.L_overlay_start_0:
0x88: {  	s2 =	sld [smem:$0x3FD9]  }
0x89: {  	s3 =	sld [smem:$0x3FFE];
	_ =	sdelay $0x1  }
0x8a: {  	s1 =	srdreg.scid  }
0x8b: {  	s0 =	sand.u32 $0x1, s1  }
0x8c: {  	s16 =	sshll.u32 s0, $0xA;
	s2 =	sadd.s32 s3, s2  }
0x8d: {  	s2 =	sadd.s32 s2, s16  }
0x8e: {  	[smem:$0x3FBC] =	sst s2  }
0x8f: {  	_ = 	snop  }
0x90: {  	(tm) =	ssettm $0x1  }
0x91: {  	s17 =	sld [smem:$0x3FFB];
	_ =	sdelay $0x3  }
0x92: {  	_ =	strace s17  }
0x93: {  	s2 =	sld [smem:$0x3FFC];
	_ =	sdelay $0x3  }
0x94: {  	_ =	strace s2  }
0x95: {  	s2 =	sld [smem:$0x3FFD];
	_ =	sdelay $0x3  }
0x96: {  	_ =	strace s2  }
0x97: {  	_ =	strace $0x8FFFFFFF  }
0x98: {  	s18 =	sld [smem:$0x3FDB];
	_ =	sdelay $0x1  }
0x99: {  	s19 =	simm.s32 $_scs_section_size  }
0x9a: {  	s4 =	simm.s32 $_size__tile_overlayer_lowered;
	s5 =	simm.s32 $_tile_overlayer_lowered  }
0x9b: {  	s22 =	simm.s32 $0x1BFF;
	s21 =	sshll.u32 s5, $0x1;
	s2 =	sadd.s32 s19, s18  }
0x9c: {  	s6 =	simm.s32 $0x0;
	s20 =	sshll.u32 s4, $0x1;
	s4 =	sadd.s32 s21, s2  }
0x9d: {  	[timem:s6], [sflag:s22] =	dma.local [hbm:s4], s20  }
0x9e: {  	_ =	swait.ge [sflag:s22], s20  }
0x9f: {  	s3 =	ssub.s32 $0x0, s20;
	[sflag:s22] =	ssyncset.done $0x0  }
0xa0: {  	[sflag:s22] =	ssyncadd.s32 s3;
	_ =	sdelay $0x1  }
0xa1: {  	s23 =	simm.s32 $0x1B8B  }
0xa2: {  	_ =	swait.ge [sflag:s23], $0x1  }
0xa3: {  	[sflag:s23] =	ssyncset.done $0x0  }
0xa4: {  	s25 =	simm.s32 $0x1B8E;
	s24 =	sld [smem:$0x3FFE];
	[sflag:s23] =	ssyncadd.s32 $0xFFFFFFFF  }
0xa5: {  	s26 =	simm.s32 $execute0_lowered;
	[smem:$0x3FD2] =	sst s25  }
0xa6: {  	s4 =	sshll.u32 s26, $0x1;
	_ =	strace $0x8000004F;
	[dreg:$0x1] =	wrdreg $0xFFFFFFFF  }
0xa7: {  	s28 =	simm.s32 $_size_execute0_lowered;
	s2 =	sadd.s32 s2, s4;
	[dreg:$0x0] =	wrdreg $0x0  }
0xa8: {  	s4 =	sshll.u32 s28, $0x1;
	[dreg:$0x2] =	wrdreg s2  }
0xa9: {  	[dreg:$0x3] =	wrdreg s4  }
0xaa: {  	[dreg:$0x4] =	wrdreg $0xC0  }
0xab: {  	_ =	task [dreg:s6], $0x5FFFF  }
0xac: {  	[dreg:$0x1] =	wrdreg $0xFFFFFFFF  }
0xad: {  	[dreg:$0x0] =	wrdreg $0x60  }
0xae: {  	[dreg:$0x2] =	wrdreg s24  }
0xaf: {  	[dreg:$0x3] =	wrdreg $0x9  }
0xb0: {  	_ =	task.clear_ibuf [dreg:s6], $0x4FFFF;
	_ =	strace $0x9000004F  }
0xb1: {  	s29 =	simm.s32 $0x9;
	_ =	strace $0x80000051  }
0xb2: {  	_ =	swait.ge [sflag:s29], $0x1  }
0xb3: {  	[sflag:s29] =	ssyncadd.s32 $0xFFFFFFFF  }
0xb4: {  	_ =	strace $0x90000051  }
0xb5: {  	_ =	sfence  }
0xb6: {  	s30 =	sld [smem:$0x0];
	_ =	sdelay $0x2  }
0xb7: {  	s31 =	sshll.u32 s1, $0xD;
	s1 =	sshrl.u32 s1, $0x2  }
0xb8: {  	s3 =	sand.u32 $0x4000, s31;
	s1 =	sadd.s32 s1, s30  }
0xb9: {  	s0 =	sor.u32 s3, s0;
	s1 =	sshll.u32 s1, $0x11  }
0xba: {  	s0 =	sor.u32 s1, s0  }
0xbb: {  	s0 =	sadd.s32 $0x8F2B, s0  }
0xbc: {  	[sflag:s0] =	ssyncadd.remote.s32 $0x1  }
0xbd: {  	_ =	sfence.sel $0xFFFF  }
0xbe: {  	[dreg:$0x0] =	wrdreg $0xFFFFFFFF;
	(pc) =	sbr.abs _section_cstart, $3  }
0xbf: {  	[dreg:$0x1] =	wrdreg $0xFFFFFFFF  }
0xc0: {  	_ =	task.clear_ibuf [dreg:s6], $0x2FFFF;
	_ =	strace $0x9FFFFFFF  }
0xc1: {  	(tm) =	ssettm $0x7FFFFFFF  }
tec
execute0_lowered:
.L_overlay_start_1:
0x0: {  	(tag) =	ssettag $0x1  }
0x1: {  	s1 =	stileid.u32  }
0x2: {  	p0 =	seq.s32 s1, $0xF  }
.Ltmp0:
0x3: {  	_ = 	snop;
	(pc) =	sbr.rel @p0 .LBB2_13-.Ltmp0, $4  }
0x4: {  	_ = 	snop  }
0x5: {  	s5 =	rddreg [dreg:$0x0];
	s2 =	simm.s32 $0x0  }
0x6: {  	[smem:$0x7FF] =	sst s2  }
0x7: {  	s0 =	rddreg [dreg:$0x1];
	_ =	strace $0x80000050  }
0x8: {  	s3 =	srdreg.scid  }
0x9: {  	s26 =	sshll.u32 s1, $0x1;
	s8 =	sand.u32 $0x1, s3  }
0xa: {  	s3 =	sor.u32 s8, s26  }
0xb: {  	s4 =	smul.u32 $0x56, s3;
	_ =	sdelay $0x1  }
0xc: {  	s4 =	sshrl.u32 s4, $0x8  }
0xd: {  	s6 =	smul.u32 $0x3, s4  }
0xe: {  	s9 =	sadd.s32 $0x4400, s5  }
0xf: {  	s14 =	simm.s32 $0xC280;
	s15 =	simm.s32 $0x80;
	s3 =	ssub.s32 s3, s6  }
0x10: {  	s16 =	simm.s32 $0x400;
	s17 =	simm.s32 $0x2780;
	s6 =	sand.u32 $0xFF, s3  }
0x11: {  	s18 =	simm.s32 $0x3;
	s19 =	simm.s32 $0xE700;
	s3 =	smul.u32 $0x14, s6  }
0x12: {  	s20 =	simm.s32 $0x10B80;
	s21 =	simm.s32 $0x1;
	s7 =	sshll.u32 s4, $0x1  }
0x13: {  	s22 =	simm.s32 $0x4F00;
	s23 =	simm.s32 $0x7680;
	s3 =	sadd.s32 s7, s3  }
0x14: {  	s24 =	simm.s32 $0x2;
	s29 =	ssub.s32 $0x2, s8;
	s7 =	sshrl.u32 s3, $0x3  }
0x15: {  	s31 =	sshrl.u32 s29, $0x1;
	s3 =	sshll.u32 s3, $0x7;
	s7 =	smul.u32 $0x13C00, s7  }
0x16: {  	s28 =	sshrl.u32 s4, $0x2;
	s11 =	sshll.u32 s4, $0x8;
	s10 =	sand.u32 $0x300, s3  }
0x17: {  	s4 =	sadd.s32 $0x1FE00, s5;
	s7 =	sor.u32 s10, s7;
	s10 =	smul.u32 $0x13C00, s28  }
0x18: {  	s11 =	sand.u32 $0x300, s11;
	s3 =	sadd.s32 $0x2A400, s5;
	s7 =	sshrl.u32 s7, $0x3  }
0x19: {  	s7 =	sadd.s32 s7, s5;
	s5 =	smul.u32 $0x1B600, s6;
	s10 =	sor.u32 s11, s10  }
0x1a: {  	s25 =	simm.s32 $0x0;
	s13 =	ssub.s32 s29, s31;
	s30 =	sshrl.u32 s10, $0x3  }
0x1b: {  	s6 =	sadd.s32 $0xBC00, s7;
	s8 =	sadd.s32 s9, s30;
	s12 =	sshrl.u32 s5, $0x3  }
0x1c: {  	s7 =	sadd.s32 $0xBC10, s7;
	s9 =	sadd.s32 $0x10, s8;
	s10 =	sadd.s32 s4, s12  }
0x1d: {  	v0 =	vimm.f32 $0.0e+00;
	s11 =	sadd.s32 s3, s12;
	s12 =	smax.u32 s13, $0x1;
	s13 =	simm.s32 $0x9E00  }
.LBB2_2:
0x1e: {  	[tilespmem:s13], [sflag:$0x1] =	stream.linear.gather [hbm4b:s11+s2], $0x2480, $0x38;
	[tilespmem:$0x13000] =	vst v63  }
0x1f: {  	_ = 	snop  }
0x20: {  	[tilespmem:s14], [sflag:$0x1] =	stream.linear.gather [hbm4b:s10+s2], $0x2480, $0x38;
	[tilespmem:$0x13000] =	vst v63  }
0x21: {  	_ = 	snop  }
0x22: {  	[tilespmem:s2], [sflag:$0x3] =	stream.strided.gather [hbm4b:s8+s15], $0x2780, s16, s15, $0x38;
	[tilespmem:$0x13000] =	vst v63  }
0x23: {  	s26 =	simm.s32 $0x4F40  }
0x24: {  	[tilespmem:s17], [sflag:$0x3] =	stream.strided.gather [hbm4b:s9+s15], $0x2780, s16, s15, $0x38;
	[tilespmem:$0x13000] =	vst v63  }
0x25: {  	[tilespmem:s26+$0xFFFFFFC0] =	vst v0  }
0x26: {  	[tilespmem:s26+$0x30] =	vst v0  }
0x27: {  	[tilespmem:s26+$0x20] =	vst v0  }
0x28: {  	[tilespmem:s26+$0x10] =	vst v0  }
0x29: {  	[tilespmem:s26+$0x0] =	vst v0  }
0x2a: {  	[tilespmem:s26+$0xFFFFFFF0] =	vst v0  }
0x2b: {  	s28 =	simm.s32 $0x0;
	[tilespmem:s26+$0xFFFFFFE0] =	vst v0  }
.LBB2_3:
0x2c: {  	s28 =	sadd.s32 $0x80, s28;
	[tilespmem:s26+$0xFFFFFFD0] =	vst v0;
	s26 =	sadd.s32 $0x80, s26  }
0x2d: {  	[tilespmem:s26+$0xFFFFFFC0] =	vst v0;
	p0 =	slt.u32 s28, $0x2680  }
0x2e: {  	[tilespmem:s26+$0x30] =	vst v0  }
.Ltmp1:
0x2f: {  	[tilespmem:s26+$0x20] =	vst v0;
	(pc) =	sbr.rel @p0 .LBB2_3-.Ltmp1, $4  }
0x30: {  	[tilespmem:s26+$0x10] =	vst v0  }
0x31: {  	[tilespmem:s26+$0x0] =	vst v0  }
0x32: {  	[tilespmem:s26+$0xFFFFFFF0] =	vst v0  }
0x33: {  	[tilespmem:s26+$0xFFFFFFE0] =	vst v0  }
0x34: {  	[tilespmem:s26+$0xFFFFFFD0] =	vst v0  }
0x35: {  	s26 =	simm.s32 $0x76C0;
	[tilespmem:$0x7600] =	vst v0  }
0x36: {  	[tilespmem:s26+$0xFFFFFFC0] =	vst v0  }
0x37: {  	[tilespmem:s26+$0x30] =	vst v0  }
0x38: {  	[tilespmem:s26+$0x20] =	vst v0  }
0x39: {  	[tilespmem:s26+$0x10] =	vst v0  }
0x3a: {  	[tilespmem:s26+$0x0] =	vst v0  }
0x3b: {  	[tilespmem:s26+$0xFFFFFFF0] =	vst v0  }
0x3c: {  	s28 =	simm.s32 $0x0;
	[tilespmem:s26+$0xFFFFFFE0] =	vst v0  }
.LBB2_5:
0x3d: {  	s28 =	sadd.s32 $0x80, s28;
	[tilespmem:s26+$0xFFFFFFD0] =	vst v0;
	s26 =	sadd.s32 $0x80, s26  }
0x3e: {  	[tilespmem:s26+$0xFFFFFFC0] =	vst v0;
	p0 =	slt.u32 s28, $0x2680  }
0x3f: {  	[tilespmem:s26+$0x30] =	vst v0  }
.Ltmp2:
0x40: {  	[tilespmem:s26+$0x20] =	vst v0;
	(pc) =	sbr.rel @p0 .LBB2_5-.Ltmp2, $4  }
0x41: {  	[tilespmem:s26+$0x10] =	vst v0  }
0x42: {  	[tilespmem:s26+$0x0] =	vst v0  }
0x43: {  	[tilespmem:s26+$0xFFFFFFF0] =	vst v0  }
0x44: {  	[tilespmem:s26+$0xFFFFFFE0] =	vst v0  }
0x45: {  	[tilespmem:s26+$0xFFFFFFD0] =	vst v0  }
0x46: {  	[tilespmem:$0x9D80] =	vst v0  }
0x47: {  	_ =	swait.ge [sflag:s18], $0x2780  }
0x48: {  	[sflag:s18] =	ssyncset.done $0x0  }
0x49: {  	[sflag:s18] =	ssyncadd.s32 $0xFFFFD880  }
0x4a: {  	_ =	swait.ge [sflag:s18], $0x2780  }
0x4b: {  	[sflag:s18] =	ssyncset.done $0x0  }
0x4c: {  	s26 =	simm.s32 $0x0;
	[sflag:s18] =	ssyncadd.s32 $0xFFFFD880  }
.LBB2_7:
0x4d: {  	s28 =	smul.u32 $0x4900, s26;
	_ =	sdelay $0x1  }
0x4e: {  	s28 =	sadd.s32 s5, s28  }
0x4f: {  	s29 =	sshrl.u32 s28, $0x3  }
0x50: {  	s29 =	sadd.s32 $0x490, s29  }
0x51: {  	s30 =	sadd.s32 s3, s29  }
0x52: {  	[tilespmem:s19], [sflag:$0x2] =	stream.linear.gather [hbm4b:s30+s2], $0x2480, $0x38;
	[tilespmem:$0x13000] =	vst v63  }
0x53: {  	s29 =	sadd.s32 s4, s29  }
0x54: {  	[tilespmem:s20], [sflag:$0x2] =	stream.linear.gather [hbm4b:s29+s2], $0x2480, $0x38;
	[tilespmem:$0x13000] =	vst v63  }
0x55: {  	_ =	swait.ge [sflag:s21], $0x2480  }
0x56: {  	[sflag:s21] =	ssyncset.done $0x0  }
0x57: {  	[sflag:s21] =	ssyncadd.s32 $0xFFFFDB80  }
0x58: {  	_ =	swait.ge [sflag:s21], $0x2480  }
0x59: {  	[sflag:s21] =	ssyncset.done $0x0  }
0x5a: {  	s29 =	simm.s32 $0x9E20;
	[sflag:s21] =	ssyncadd.s32 $0xFFFFDB80  }
0x5b: {  	v1 =	vld [tilespmem:s29+$0x10];
	_ =	sdelay $0x2  }
0x5c: {  	v3 =	vld [tilespmem:s29+$0xFFFFFFE0];
	_ =	sdelay $0x1  }
0x5d: {  	v2 =	vld [tilespmem:s29+$0xFFFFFFF0];
	v4 =	vand.u32 $0x3FFF, v1  }
0x5e: {  	s30 =	simm.s32 $0x9E60;
	v5 =	vld [tilespmem:s29+$0x0]  }
0x5f: {  	v18 =	vld [tilespmem:s30+$0xFFFFFFE0]  }
0x60: {  	s29 =	simm.s32 $0xC2A0;
	v20 =	vld [tilespmem:s30+$0x0];
	v6 =	vand.u32 $0x3FFF, v3  }
0x61: {  	v9 =	vld [tilespmem:s29+$0x10]  }
0x62: {  	v7 =	vand.u32 $0x3FFF, v2;
	v8 =	vld.idx.msk [tilespmem:v4+s2+$0x0], $0xffff  }
0x63: {  	v13 =	vld [tilespmem:s29+$0xFFFFFFE0];
	v10 =	vand.u32 $0x3FFF, v5  }
0x64: {  	v14 =	vld [tilespmem:s29+$0xFFFFFFF0];
	v12 =	vshrl.u32 v1, $0xE  }
0x65: {  	v1 =	vld.idx.msk [tilespmem:v6+s2+$0x0], $0xffff  }
0x66: {  	v17 =	vld [tilespmem:s29+$0x0]  }
0x67: {  	v15 =	vshrl.u32 v3, $0xE;
	v11 =	vld.idx.msk [tilespmem:v7+s2+$0x0], $0xffff;
	v8 =	vmul.f32 v8, v9  }
0x68: {  	v3 =	vld.idx.msk [tilespmem:v10+s2+$0x0], $0xffff  }
0x69: {  	v16 =	vshrl.u32 v2, $0xE;
	[tilespmem:v12+s22+$0x0] =	vst.idx.add.f32.msk $0xffff, v8  }
0x6a: {  	v1 =	vmul.f32 v1, v13;
	v2 =	vld.idx.msk [tilespmem:v4+s17+$0x0], $0xffff  }
0x6b: {  	v4 =	vld [tilespmem:s30+$0x10]  }
0x6c: {  	s29 =	simm.s32 $0xC2E0;
	v8 =	vmul.f32 v11, v14;
	[tilespmem:v15+s22+$0x0] =	vst.idx.add.f32.msk $0xffff, v1  }
0x6d: {  	v11 =	vld [tilespmem:s29+$0x10]  }
0x6e: {  	v1 =	vshrl.u32 v5, $0xE;
	[tilespmem:v16+s22+$0x0] =	vst.idx.add.f32.msk $0xffff, v8  }
0x6f: {  	v8 =	vld [tilespmem:s30+$0xFFFFFFF0]  }
0x70: {  	v21 =	vld.idx.msk [tilespmem:v6+s17+$0x0], $0xffff;
	v19 =	vand.u32 $0x3FFF, v4  }
0x71: {  	v3 =	vmul.f32 v3, v17;
	v5 =	vand.u32 $0x3FFF, v20;
	v22 =	vld.idx.msk [tilespmem:v7+s17+$0x0], $0xffff  }
0x72: {  	v7 =	vld [tilespmem:s29+$0xFFFFFFF0];
	v2 =	vmul.f32 v2, v9  }
0x73: {  	v6 =	vand.u32 $0x3FFF, v18;
	[tilespmem:v1+s22+$0x0] =	vst.idx.add.f32.msk $0xffff, v3  }
0x74: {  	[tilespmem:v12+s23+$0x0] =	vst.idx.add.f32.msk $0xffff, v2;
	v2 =	vand.u32 $0x3FFF, v8  }
0x75: {  	v3 =	vld.idx.msk [tilespmem:v19+s2+$0x0], $0xffff  }
0x76: {  	v61 =	vld.idx.msk [tilespmem:v5+s2+$0x0], $0xffff  }
0x77: {  	v23 =	vld.idx.msk [tilespmem:v10+s17+$0x0], $0xffff;
	v12 =	vshrl.u32 v4, $0xE  }
0x78: {  	v25 =	vld.idx.msk [tilespmem:v6+s2+$0x0], $0xffff  }
0x79: {  	v24 =	vld.idx.msk [tilespmem:v2+s2+$0x0], $0xffff  }
0x7a: {  	v9 =	vld [tilespmem:s29+$0xFFFFFFE0];
	v3 =	vmul.f32 v3, v11  }
0x7b: {  	v10 =	vld [tilespmem:s29+$0x0];
	v4 =	vshrl.u32 v8, $0xE;
	v8 =	vmul.f32 v21, v13  }
0x7c: {  	[tilespmem:v12+s22+$0x0] =	vst.idx.add.f32.msk $0xffff, v3;
	v3 =	vshrl.u32 v18, $0xE  }
0x7d: {  	v13 =	vmul.f32 v22, v14;
	[tilespmem:v15+s23+$0x0] =	vst.idx.add.f32.msk $0xffff, v8  }
0x7e: {  	v63 =	vmul.f32 v24, v7;
	v14 =	vld.idx.msk [tilespmem:v19+s17+$0x0], $0xffff  }
0x7f: {  	[tilespmem:v16+s23+$0x0] =	vst.idx.add.f32.msk $0xffff, v13;
	v62 =	vmul.f32 v25, v9  }
0x80: {  	[tilespmem:v4+s22+$0x0] =	vst.idx.add.f32.msk $0xffff, v63  }
0x81: {  	s31 =	simm.s32 $0x9EA0;
	s30 =	simm.s32 $0x40;
	v8 =	vshrl.u32 v20, $0xE;
	v13 =	vmul.f32 v23, v17;
	v15 =	vmul.f32 v61, v10;
	[tilespmem:v3+s22+$0x0] =	vst.idx.add.f32.msk $0xffff, v62  }
.LBB2_8:
0x82: {  	v16 =	vld [tilespmem:s31+$0x10];
	s30 =	sadd.s32 $0x40, s30  }
0x83: {  	v11 =	vmul.f32 v14, v11;
	v17 =	vld [tilespmem:s31+$0xFFFFFFF0];
	p0 =	slt.u32 s30, $0x2440  }
0x84: {  	v14 =	vld [tilespmem:s31+$0x0]  }
0x85: {  	[tilespmem:v12+s23+$0x0] =	vst.idx.add.f32.msk $0xffff, v11  }
0x86: {  	v11 =	vld [tilespmem:s31+$0xFFFFFFE0]  }
0x87: {  	v18 =	vand.u32 $0x3FFF, v16;
	[tilespmem:v8+s22+$0x0] =	vst.idx.add.f32.msk $0xffff, v15  }
0x88: {  	v19 =	vshrl.u32 v17, $0xE;
	v12 =	vand.u32 $0x3FFF, v17;
	v15 =	vld.idx.msk [tilespmem:v6+s17+$0x0], $0xffff  }
0x89: {  	v17 =	vshrl.u32 v14, $0xE;
	v6 =	vand.u32 $0x3FFF, v14;
	v14 =	vld.idx.msk [tilespmem:v2+s17+$0x0], $0xffff;
	v2 =	vmov v12  }
0x8a: {  	v20 =	vld.idx.msk [tilespmem:v5+s17+$0x0], $0xffff;
	v5 =	vmov v6  }
0x8b: {  	v21 =	vshrl.u32 v11, $0xE;
	v6 =	vand.u32 $0x3FFF, v11;
	[tilespmem:v1+s23+$0x0] =	vst.idx.add.f32.msk $0xffff, v13;
	v1 =	vmovc v8;
	v8 =	vmov v17  }
0x8c: {  	s29 =	sadd.s32 $0x40, s29;
	v17 =	vld.idx.msk [tilespmem:v18+s2+$0x0], $0xffff  }
0x8d: {  	v11 =	vld [tilespmem:s29+$0x10]  }
0x8e: {  	v15 =	vmul.f32 v15, v9;
	v22 =	vld.idx.msk [tilespmem:v12+s2+$0x0], $0xffff  }
0x8f: {  	v12 =	vshrl.u32 v16, $0xE;
	v16 =	vmul.f32 v14, v7;
	v23 =	vld.idx.msk [tilespmem:v5+s2+$0x0], $0xffff  }
0x90: {  	v13 =	vmul.f32 v20, v10;
	v24 =	vld.idx.msk [tilespmem:v6+s2+$0x0], $0xffff  }
0x91: {  	v9 =	vld [tilespmem:s29+$0xFFFFFFE0]  }
0x92: {  	v7 =	vld [tilespmem:s29+$0xFFFFFFF0];
	v14 =	vmul.f32 v17, v11  }
0x93: {  	v10 =	vld [tilespmem:s29+$0x0]  }
0x94: {  	[tilespmem:v12+s22+$0x0] =	vst.idx.add.f32.msk $0xffff, v14  }
.Ltmp3:
0x95: {  	v14 =	vld.idx.msk [tilespmem:v18+s17+$0x0], $0xffff;
	(pc) =	sbr.rel @p0 .LBB2_8-.Ltmp3, $4  }
0x96: {  	v17 =	vmul.f32 v24, v9;
	[tilespmem:v3+s23+$0x0] =	vst.idx.add.f32.msk $0xffff, v15;
	v3 =	vmov v21  }
0x97: {  	v18 =	vmul.f32 v22, v7;
	[tilespmem:v4+s23+$0x0] =	vst.idx.add.f32.msk $0xffff, v16;
	v4 =	vmov v19  }
0x98: {  	[tilespmem:v21+s22+$0x0] =	vst.idx.add.f32.msk $0xffff, v17;
	v15 =	vmul.f32 v23, v10  }
0x99: {  	s31 =	sadd.s32 $0x40, s31;
	[tilespmem:v19+s22+$0x0] =	vst.idx.add.f32.msk $0xffff, v18  }
0x9a: {  	_ =	sdelay $0x3  }
0x9b: {  	[tilespmem:v8+s22+$0x0] =	vst.idx.add.f32.msk $0xffff, v15  }
0x9c: {  	v6 =	vld.idx.msk [tilespmem:v6+s17+$0x0], $0xffff  }
0x9d: {  	v2 =	vld.idx.msk [tilespmem:v2+s17+$0x0], $0xffff  }
0x9e: {  	v5 =	vld.idx.msk [tilespmem:v5+s17+$0x0], $0xffff;
	_ =	sdelay $0x1  }
0x9f: {  	v11 =	vmul.f32 v14, v11  }
0xa0: {  	[tilespmem:v1+s23+$0x0] =	vst.idx.add.f32.msk $0xffff, v13;
	v6 =	vmul.f32 v6, v9  }
0xa1: {  	p0 =	seq.s32 s26, $0x5;
	[tilespmem:v12+s23+$0x0] =	vst.idx.add.f32.msk $0xffff, v11;
	v1 =	vmul.f32 v2, v7  }
0xa2: {  	s28 =	sshrl.u32 @!p0 s28, $0x3;
	v2 =	vmul.f32 v5, v10;
	[tilespmem:v3+s23+$0x0] =	vst.idx.add.f32.msk $0xffff, v6  }
0xa3: {  	s28 =	sadd.s32 @!p0 $0x920, s28;
	[tilespmem:v4+s23+$0x0] =	vst.idx.add.f32.msk $0xffff, v1  }
0xa4: {  	s30 =	simm.s32 @!p0 $0x0;
	s31 =	simm.s32 @!p0 $0x9E00;
	s29 =	sadd.s32 @!p0 s3, s28;
	[tilespmem:v8+s23+$0x0] =	vst.idx.add.f32.msk $0xffff, v2  }
0xa5: {  	[tilespmem:s31], [sflag:$0x1] =	stream.linear.gather @!p0 [hbm4b:s29+s30], $0x2480, $0x38;
	[tilespmem:$0x13000] =	vst v63  }
0xa6: {  	s28 =	sadd.s32 @!p0 s4, s28;
	s29 =	simm.s32 @!p0 $0xC280  }
0xa7: {  	[tilespmem:s29], [sflag:$0x1] =	stream.linear.gather @!p0 [hbm4b:s28+s30], $0x2480, $0x38;
	[tilespmem:$0x13000] =	vst v63  }
0xa8: {  	_ =	swait.ge [sflag:s24], $0x2480  }
0xa9: {  	[sflag:s24] =	ssyncset.done $0x0  }
0xaa: {  	[sflag:s24] =	ssyncadd.s32 $0xFFFFDB80  }
0xab: {  	_ =	swait.ge [sflag:s24], $0x2480  }
0xac: {  	[sflag:s24] =	ssyncset.done $0x0  }
0xad: {  	s28 =	simm.s32 $0xE720;
	[sflag:s24] =	ssyncadd.s32 $0xFFFFDB80  }
0xae: {  	v1 =	vld [tilespmem:s28+$0x10]  }
0xaf: {  	v3 =	vld [tilespmem:s28+$0xFFFFFFE0];
	_ =	sdelay $0x3  }
0xb0: {  	v2 =	vld [tilespmem:s28+$0xFFFFFFF0];
	v4 =	vand.u32 $0x3FFF, v1  }
0xb1: {  	v5 =	vld [tilespmem:s28+$0x0];
	v6 =	vand.u32 $0x3FFF, v3  }
0xb2: {  	s28 =	simm.s32 $0x10BA0  }
0xb3: {  	v9 =	vld [tilespmem:s28+$0x10]  }
0xb4: {  	v13 =	vld [tilespmem:s28+$0xFFFFFFE0]  }
0xb5: {  	v7 =	vand.u32 $0x3FFF, v2;
	v8 =	vld.idx.msk [tilespmem:v4+s2+$0x0], $0xffff  }
0xb6: {  	s29 =	simm.s32 $0xE760;
	v10 =	vand.u32 $0x3FFF, v5;
	v12 =	vshrl.u32 v1, $0xE;
	v1 =	vld.idx.msk [tilespmem:v6+s2+$0x0], $0xffff  }
0xb7: {  	v19 =	vld [tilespmem:s29+$0x0]  }
0xb8: {  	v14 =	vld [tilespmem:s28+$0xFFFFFFF0];
	v15 =	vshrl.u32 v3, $0xE  }
0xb9: {  	v17 =	vld [tilespmem:s28+$0x0]  }
0xba: {  	v11 =	vld.idx.msk [tilespmem:v7+s2+$0x0], $0xffff;
	v8 =	vmul.f32 v8, v9  }
0xbb: {  	v3 =	vld.idx.msk [tilespmem:v10+s2+$0x0], $0xffff;
	v1 =	vmul.f32 v1, v13  }
0xbc: {  	[tilespmem:v12+s22+$0x0] =	vst.idx.add.f32.msk $0xffff, v8  }
0xbd: {  	[tilespmem:v15+s22+$0x0] =	vst.idx.add.f32.msk $0xffff, v1  }
0xbe: {  	v16 =	vshrl.u32 v2, $0xE;
	v2 =	vld.idx.msk [tilespmem:v4+s17+$0x0], $0xffff  }
0xbf: {  	v4 =	vld [tilespmem:s29+$0x10]  }
0xc0: {  	s28 =	simm.s32 $0x10BE0;
	v1 =	vshrl.u32 v5, $0xE;
	v5 =	vld [tilespmem:s29+$0xFFFFFFF0]  }
0xc1: {  	v8 =	vmul.f32 v11, v14;
	v11 =	vld [tilespmem:s28+$0x10]  }
0xc2: {  	v20 =	vld.idx.msk [tilespmem:v6+s17+$0x0], $0xffff  }
0xc3: {  	[tilespmem:v16+s22+$0x0] =	vst.idx.add.f32.msk $0xffff, v8  }
0xc4: {  	v2 =	vmul.f32 v2, v9;
	v9 =	vld [tilespmem:s29+$0xFFFFFFE0];
	v18 =	vand.u32 $0x3FFF, v4  }
0xc5: {  	v8 =	vld [tilespmem:s28+$0xFFFFFFE0]  }
0xc6: {  	v22 =	vld.idx.msk [tilespmem:v7+s17+$0x0], $0xffff  }
0xc7: {  	v7 =	vld [tilespmem:s28+$0xFFFFFFF0]  }
0xc8: {  	v3 =	vmul.f32 v3, v17;
	[tilespmem:v12+s23+$0x0] =	vst.idx.add.f32.msk $0xffff, v2;
	v2 =	vand.u32 $0x3FFF, v5  }
0xc9: {  	v6 =	vand.u32 $0x3FFF, v9;
	v21 =	vld.idx.msk [tilespmem:v18+s2+$0x0], $0xffff  }
0xca: {  	[tilespmem:v1+s22+$0x0] =	vst.idx.add.f32.msk $0xffff, v3;
	v3 =	vand.u32 $0x3FFF, v19  }
0xcb: {  	v23 =	vld.idx.msk [tilespmem:v10+s17+$0x0], $0xffff;
	v12 =	vshrl.u32 v4, $0xE  }
0xcc: {  	v10 =	vld [tilespmem:s28+$0x0]  }
0xcd: {  	v24 =	vld.idx.msk [tilespmem:v2+s2+$0x0], $0xffff  }
0xce: {  	v25 =	vld.idx.msk [tilespmem:v6+s2+$0x0], $0xffff;
	v4 =	vmul.f32 v21, v11  }
0xcf: {  	v5 =	vshrl.u32 v5, $0xE;
	v61 =	vld.idx.msk [tilespmem:v3+s2+$0x0], $0xffff  }
0xd0: {  	[tilespmem:v12+s22+$0x0] =	vst.idx.add.f32.msk $0xffff, v4;
	v4 =	vshrl.u32 v9, $0xE;
	v9 =	vmul.f32 v20, v13  }
0xd1: {  	v13 =	vmul.f32 v22, v14;
	v14 =	vld.idx.msk [tilespmem:v18+s17+$0x0], $0xffff  }
0xd2: {  	v63 =	vmul.f32 v24, v7;
	[tilespmem:v15+s23+$0x0] =	vst.idx.add.f32.msk $0xffff, v9  }
0xd3: {  	[tilespmem:v16+s23+$0x0] =	vst.idx.add.f32.msk $0xffff, v13;
	v62 =	vmul.f32 v25, v8  }
0xd4: {  	[tilespmem:v5+s22+$0x0] =	vst.idx.add.f32.msk $0xffff, v63  }
0xd5: {  	s30 =	simm.s32 $0xE7A0;
	s29 =	simm.s32 $0x40;
	v9 =	vshrl.u32 v19, $0xE;
	v13 =	vmul.f32 v23, v17;
	v15 =	vmul.f32 v61, v10;
	[tilespmem:v4+s22+$0x0] =	vst.idx.add.f32.msk $0xffff, v62  }
.LBB2_10:
0xd6: {  	v16 =	vld [tilespmem:s30+$0x10];
	s29 =	sadd.s32 $0x40, s29  }
0xd7: {  	v11 =	vmul.f32 v14, v11;
	v17 =	vld [tilespmem:s30+$0xFFFFFFF0];
	p0 =	slt.u32 s29, $0x2440  }
0xd8: {  	v14 =	vld [tilespmem:s30+$0x0]  }
0xd9: {  	[tilespmem:v12+s23+$0x0] =	vst.idx.add.f32.msk $0xffff, v11  }
0xda: {  	v11 =	vld [tilespmem:s30+$0xFFFFFFE0]  }
0xdb: {  	v18 =	vand.u32 $0x3FFF, v16;
	[tilespmem:v9+s22+$0x0] =	vst.idx.add.f32.msk $0xffff, v15  }
0xdc: {  	v19 =	vshrl.u32 v17, $0xE;
	v12 =	vand.u32 $0x3FFF, v17;
	v15 =	vld.idx.msk [tilespmem:v6+s17+$0x0], $0xffff  }
0xdd: {  	v17 =	vshrl.u32 v14, $0xE;
	v6 =	vand.u32 $0x3FFF, v14;
	v14 =	vld.idx.msk [tilespmem:v2+s17+$0x0], $0xffff;
	v2 =	vmov v12  }
0xde: {  	v20 =	vld.idx.msk [tilespmem:v3+s17+$0x0], $0xffff;
	v3 =	vmov v6  }
0xdf: {  	v21 =	vshrl.u32 v11, $0xE;
	v6 =	vand.u32 $0x3FFF, v11;
	[tilespmem:v1+s23+$0x0] =	vst.idx.add.f32.msk $0xffff, v13;
	v1 =	vmovc v9;
	v9 =	vmov v17  }
0xe0: {  	s28 =	sadd.s32 $0x40, s28;
	v17 =	vld.idx.msk [tilespmem:v18+s2+$0x0], $0xffff  }
0xe1: {  	v11 =	vld [tilespmem:s28+$0x10]  }
0xe2: {  	v15 =	vmul.f32 v15, v8;
	v22 =	vld.idx.msk [tilespmem:v12+s2+$0x0], $0xffff  }
0xe3: {  	v12 =	vshrl.u32 v16, $0xE;
	v16 =	vmul.f32 v14, v7;
	v23 =	vld.idx.msk [tilespmem:v3+s2+$0x0], $0xffff  }
0xe4: {  	v13 =	vmul.f32 v20, v10;
	v24 =	vld.idx.msk [tilespmem:v6+s2+$0x0], $0xffff  }
0xe5: {  	v8 =	vld [tilespmem:s28+$0xFFFFFFE0]  }
0xe6: {  	v7 =	vld [tilespmem:s28+$0xFFFFFFF0];
	v14 =	vmul.f32 v17, v11  }
0xe7: {  	v10 =	vld [tilespmem:s28+$0x0]  }
0xe8: {  	[tilespmem:v12+s22+$0x0] =	vst.idx.add.f32.msk $0xffff, v14  }
.Ltmp4:
0xe9: {  	v14 =	vld.idx.msk [tilespmem:v18+s17+$0x0], $0xffff;
	(pc) =	sbr.rel @p0 .LBB2_10-.Ltmp4, $4  }
0xea: {  	v17 =	vmul.f32 v24, v8;
	[tilespmem:v4+s23+$0x0] =	vst.idx.add.f32.msk $0xffff, v15;
	v4 =	vmov v21  }
0xeb: {  	v18 =	vmul.f32 v22, v7;
	[tilespmem:v5+s23+$0x0] =	vst.idx.add.f32.msk $0xffff, v16;
	v5 =	vmov v19  }
0xec: {  	[tilespmem:v21+s22+$0x0] =	vst.idx.add.f32.msk $0xffff, v17;
	v15 =	vmul.f32 v23, v10  }
0xed: {  	s30 =	sadd.s32 $0x40, s30;
	[tilespmem:v19+s22+$0x0] =	vst.idx.add.f32.msk $0xffff, v18  }
0xee: {  	_ =	sdelay $0x3  }
0xef: {  	[tilespmem:v9+s22+$0x0] =	vst.idx.add.f32.msk $0xffff, v15  }
0xf0: {  	v6 =	vld.idx.msk [tilespmem:v6+s17+$0x0], $0xffff  }
0xf1: {  	v2 =	vld.idx.msk [tilespmem:v2+s17+$0x0], $0xffff  }
0xf2: {  	v3 =	vld.idx.msk [tilespmem:v3+s17+$0x0], $0xffff  }
0xf3: {  	s26 =	sadd.s32 $0x1, s26  }
0xf4: {  	v11 =	vmul.f32 v14, v11;
	p0 =	sne.s32 s26, $0x6  }
.Ltmp5:
0xf5: {  	[tilespmem:v1+s23+$0x0] =	vst.idx.add.f32.msk $0xffff, v13;
	v6 =	vmul.f32 v6, v8;
	(pc) =	sbr.rel @p0 .LBB2_7-.Ltmp5, $4  }
0xf6: {  	[tilespmem:v12+s23+$0x0] =	vst.idx.add.f32.msk $0xffff, v11;
	v1 =	vmul.f32 v2, v7  }
0xf7: {  	v2 =	vmul.f32 v3, v10;
	[tilespmem:v4+s23+$0x0] =	vst.idx.add.f32.msk $0xffff, v6  }
0xf8: {  	[tilespmem:v5+s23+$0x0] =	vst.idx.add.f32.msk $0xffff, v1  }
0xf9: {  	[tilespmem:v9+s23+$0x0] =	vst.idx.add.f32.msk $0xffff, v2  }
0xfa: {  	[hbm4b:s6+s15] =	stream.strided.scatter [tilespmem:s22], [sflag:$0x3], $0x2780, s16, s15, $0x38;
	[tilespmem:$0x13000] =	vst v63  }
0xfb: {  	s25 =	sadd.s32 $0x1, s25  }
0xfc: {  	[hbm4b:s7+s15] =	stream.strided.scatter [tilespmem:s23], [sflag:$0x3], $0x2780, s16, s15, $0x38;
	[tilespmem:$0x13000] =	vst v63  }
0xfd: {  	p0 =	sne.s32 s25, s12;
	_ =	swait.ge [sflag:s18], $0x2780  }
.Ltmp6:
0xfe: {  	[sflag:s18] =	ssyncset.done $0x0;
	(pc) =	sbr.rel @p0 .LBB2_2-.Ltmp6, $4  }
0xff: {  	[sflag:s18] =	ssyncadd.s32 $0xFFFFD880  }
0x100: {  	_ =	swait.ge [sflag:s18], $0x2780  }
0x101: {  	[sflag:s18] =	ssyncset.done $0x0  }
0x102: {  	[sflag:s18] =	ssyncadd.s32 $0xFFFFD880  }
.LBB2_13:
0x103: {  	_ =	sfence.sel $0x180000  }
0x104: {  	[bflag:$0x0] =	sbarrier.arrive $0xFFFF  }
0x105: {  	p0 =	sne.s32 s1, $0x0;
	_ =	strace $0x90000050  }
0x106: {  	s0 =	sadd.s32 @!p0 $0x100000, s0;
	[bflag:$0x2] =	sbarrier.arrive $0xFFFF  }
0x107: {  	[sflag:s0] =	ssyncadd.tile.s32 @!p0 $0x1;
	_ =	shalt  }
.Lfunc_end2:
_tile_overlayer_lowered:
.L_overlay_start_2:
0x108: {  	(tag) =	ssettag $0x2  }
0x109: {  	s0 =	rddreg [dreg:$0x0];
	s2 =	stileid.u32  }
0x10a: {  	s1 =	rddreg [dreg:$0x1];
	p0 =	sne.s32 s2, $0x0  }
0x10b: {  	s3 =	rddreg [dreg:$0x2];
	[bflag:$0x3] =	sbarrier.arrive $0xFFFF;
	s2 =	simm.s32 @!p0 $0x1C04  }
0x10c: {  	[timem:s3], [sflag:s2] =	dma.local @!p0 [hbm:s0], s1  }
0x10d: {  	s0 =	simm.s32 @!p0 $0x4  }
0x10e: {  	_ =	swait.ge @!p0 [sflag:s0], s1  }
0x10f: {  	s1 =	ssub.s32 @!p0 $0x0, s1;
	[sflag:s0] =	ssyncset.done @!p0 $0x0  }
0x110: {  	[sflag:s0] =	ssyncadd.s32 @!p0 s1  }
0x111: {  	[bflag:$0x3] =	sbarrier.arrive $0xFFFF  }
0x112: {  	_ =	shalt  }

// kernel: kernel.23.cloned.1.call-start
scs
__scs_entry_jumppad:
0x0: {  	(pc) =	sbr.rel $0x88, $3  }
0x1: {  	(tag) =	ssettag $0x0;
	lr =	simm.s32 $0x1  }
0x2: {  	[smem:$0x3F95] =	sst lr;
	_ =	strace $0xD0000000  }
0x3: {  	_ = 	snop  }
0x4: {  	_ = 	snop  }
0x5: {  	_ = 	snop  }
0x6: {  	_ = 	snop  }
0x7: {  	_ = 	snop  }
__scs_overlays_trampoline_lowered:
0x8: {  	[smem:$0x3FA4] =	sst s0  }
0x9: {  	[smem:$0x3FA5] =	sst s1  }
0xa: {  	[smem:$0x3FA6] =	sst s2  }
0xb: {  	[smem:$0x3FA7] =	sst s3  }
0xc: {  	[smem:$0x3FA8] =	sst s4  }
0xd: {  	[smem:$0x3FA9] =	sst s5  }
0xe: {  	[smem:$0x3FAA] =	sst s6  }
0xf: {  	[smem:$0x3FAB] =	sst s7  }
0x10: {  	[smem:$0x3FAC] =	sst s8  }
0x11: {  	[smem:$0x3FAD] =	sst s9;
	s0 =	simm.s32 @!p0 $0x0  }
0x12: {  	s1 =	sld [smem:$0x3F93];
	s0 =	simm.s32 @p0 $0x1  }
0x13: {  	[smem:$0x3FAE] =	sst s0;
	s0 =	simm.s32 @!p1 $0x0  }
0x14: {  	s2 =	sld [smem:$0x3F92];
	s0 =	simm.s32 @p1 $0x1  }
0x15: {  	[smem:$0x3FAF] =	sst s0;
	s0 =	simm.s32 @!p2 $0x0  }
0x16: {  	s3 =	sld [smem:$0x3FDB];
	s0 =	simm.s32 @p2 $0x1  }
0x17: {  	s4 =	simm.s32 $0x1BF5;
	[smem:$0x3FB1] =	sst s0  }
0x18: {  	s0 =	sld [smem:$0x3F94];
	_ =	swait.ge [sflag:s4], $0x0  }
0x19: {  	s7 =	sld [smem:$0x3F95]  }
0x1a: {  	s8 =	sadd.s32 $0xFFFFE003, lr  }
0x1b: {  	s9 =	sadd.s32 $0xFFFFFEF7, lr;
	s5 =	simm.s32 $0xFFFFFFFF;
	p2 =	slt.u32 s8, $0xFFFFF086  }
0x1c: {  	p1 =	slt.u32 s9, $0xF7A;
	s5 =	simm.s32 @!p2 $0x0  }
0x1d: {  	s5 =	simm.s32 @p1 $0x1;
	p0 =	seq.s32 s7, s2  }
0x1e: {  	s7 =	smul.u32 @!p0 $0xF7A, s2;
	p2 =	seq.s32 @!p0 s5, $0x0  }
0x1f: {  	s9 =	smul.u32 $0xF7A, s1;
	s8 =	simm.s32 @!p0 $0x1BF5;
	p2 =	por !p2, p0  }
0x20: {  	[sflag:s8] =	ssyncset.s32 @!p0 $0xFFFFF086;
	s6 =	sadd.s32 @!p0 s3, s7;
	s7 =	simm.s32 @!p0 $0x108  }
0x21: {  	s3 =	sadd.s32 s3, s9;
	s6 =	sadd.s32 @!p0 $0x88, s6;
	s7 =	simm.s32 @p2 $0x1082  }
0x22: {  	[simem:s7], [sflag:s8] =	dma.local @!p0 [hbm:s6], $0xF7A  }
0x23: {  	s9 =	sor.u32 $0xD0000000, s2;
	s6 =	simm.s32 $0x108;
	_ =	swait.ge @!p0 [sflag:s8], $0x0  }
0x24: {  	s3 =	sadd.s32 $0x88, s3;
	s6 =	simm.s32 @!p1 $0x1082;
	[sflag:s4] =	ssyncset.s32 $0xFFFFF086  }
0x25: {  	[simem:s6], [sflag:s4] =	dma.local [hbm:s3], $0xF7A  }
0x26: {  	[smem:$0x3F95] =	sst s1;
	(tag) =	ssettag s2;
	_ =	strace s9  }
0x27: {  	s1 =	sld [smem:$0x3FA5]  }
0x28: {  	s2 =	sld [smem:$0x3FA6]  }
0x29: {  	s4 =	sld [smem:$0x3FA8]  }
0x2a: {  	p0 =	seq.s32 s5, $0x0;
	s5 =	sld [smem:$0x3FA9]  }
0x2b: {  	s6 =	sld [smem:$0x3FAA]  }
0x2c: {  	s7 =	sld [smem:$0x3FAB]  }
0x2d: {  	s3 =	simm.s32 $0x108;
	s8 =	sld [smem:$0x3FAC]  }
0x2e: {  	s3 =	simm.s32 @!p0 $0x1082;
	s9 =	sld [smem:$0x3FAD]  }
0x2f: {  	lr =	sadd.s32 s0, s3;
	s0 =	sld [smem:$0x3FA4]  }
0x30: {  	s3 =	sld [smem:$0x3FA7]  }
0x31: {  	[smem:$0x3FB0] =	sst s10  }
0x32: {  	s10 =	sld [smem:$0x3FAE];
	_ =	sdelay $0x3  }
0x33: {  	p0 =	seq.s32 s10, $0x1;
	s10 =	sld [smem:$0x3FB0];
	_ =	sdelay $0x3  }
0x34: {  	[smem:$0x3FB0] =	sst s10  }
0x35: {  	s10 =	sld [smem:$0x3FAF];
	_ =	sdelay $0x3  }
0x36: {  	p1 =	seq.s32 s10, $0x1;
	s10 =	sld [smem:$0x3FB0];
	_ =	sdelay $0x3  }
0x37: {  	[smem:$0x3FB0] =	sst s10  }
0x38: {  	s10 =	sld [smem:$0x3FB1]  }
0x39: {  	_ = 	snop;
	(pc) =	sbr.ind lr, $3  }
0x3a: {  	_ = 	snop  }
0x3b: {  	_ = 	snop  }
0x3c: {  	p2 =	seq.s32 s10, $0x1;
	s10 =	sld [smem:$0x3FB0]  }
0x3d: {  	_ =	shalt  }
0x3e: {  	_ =	shalt  }
0x3f: {  	_ =	shalt  }
0x40: {  	_ =	shalt  }
0x41: {  	_ =	shalt  }
0x42: {  	_ =	shalt  }
0x43: {  	_ =	shalt  }
0x44: {  	_ =	shalt  }
0x45: {  	_ =	shalt  }
0x46: {  	_ =	shalt  }
0x47: {  	_ =	shalt  }
0x48: {  	_ =	shalt  }
0x49: {  	_ =	shalt  }
0x4a: {  	_ =	shalt  }
0x4b: {  	_ =	shalt  }
0x4c: {  	_ =	shalt  }
0x4d: {  	_ =	shalt  }
0x4e: {  	_ =	shalt  }
0x4f: {  	_ =	shalt  }
0x50: {  	_ =	shalt  }
0x51: {  	_ =	shalt  }
0x52: {  	_ =	shalt  }
0x53: {  	_ =	shalt  }
0x54: {  	_ =	shalt  }
0x55: {  	_ =	shalt  }
0x56: {  	_ =	shalt  }
0x57: {  	_ =	shalt  }
0x58: {  	_ =	shalt  }
0x59: {  	_ =	shalt  }
0x5a: {  	_ =	shalt  }
0x5b: {  	_ =	shalt  }
0x5c: {  	_ =	shalt  }
0x5d: {  	_ =	shalt  }
0x5e: {  	_ =	shalt  }
0x5f: {  	_ =	shalt  }
0x60: {  	_ =	shalt  }
0x61: {  	_ =	shalt  }
0x62: {  	_ =	shalt  }
0x63: {  	_ =	shalt  }
0x64: {  	_ =	shalt  }
0x65: {  	_ =	shalt  }
0x66: {  	_ =	shalt  }
0x67: {  	_ =	shalt  }
0x68: {  	_ =	shalt  }
0x69: {  	_ =	shalt  }
0x6a: {  	_ =	shalt  }
0x6b: {  	_ =	shalt  }
0x6c: {  	_ =	shalt  }
0x6d: {  	_ =	shalt  }
0x6e: {  	_ =	shalt  }
0x6f: {  	_ =	shalt  }
0x70: {  	_ =	shalt  }
0x71: {  	_ =	shalt  }
0x72: {  	_ =	shalt  }
0x73: {  	_ =	shalt  }
0x74: {  	_ =	shalt  }
0x75: {  	_ =	shalt  }
0x76: {  	_ =	shalt  }
0x77: {  	_ =	shalt  }
0x78: {  	_ =	shalt  }
0x79: {  	_ =	shalt  }
0x7a: {  	_ =	shalt  }
0x7b: {  	_ =	shalt  }
0x7c: {  	_ =	shalt  }
0x7d: {  	_ =	shalt  }
0x7e: {  	_ =	shalt  }
0x7f: {  	_ =	shalt  }
0x80: {  	_ =	shalt  }
0x81: {  	_ =	shalt  }
0x82: {  	_ =	shalt  }
0x83: {  	_ =	shalt  }
0x84: {  	_ =	shalt  }
0x85: {  	_ =	shalt  }
0x86: {  	_ =	shalt  }
0x87: {  	_ =	shalt  }
.Lfunc_end0:
.L_simem_size_0:
called_computation.4_lowered:
.L_overlay_start_0:
0x88: {  	s2 =	sld [smem:$0x3FD9]  }
0x89: {  	s3 =	sld [smem:$0x3FFE];
	_ =	sdelay $0x1  }
0x8a: {  	s1 =	srdreg.scid  }
0x8b: {  	s0 =	sand.u32 $0x1, s1  }
0x8c: {  	s16 =	sshll.u32 s0, $0xA;
	s2 =	sadd.s32 s3, s2  }
0x8d: {  	s2 =	sadd.s32 s2, s16  }
0x8e: {  	[smem:$0x3FBC] =	sst s2  }
0x8f: {  	_ = 	snop  }
0x90: {  	(tm) =	ssettm $0x1  }
0x91: {  	s17 =	sld [smem:$0x3FFB];
	_ =	sdelay $0x3  }
0x92: {  	_ =	strace s17  }
0x93: {  	s2 =	sld [smem:$0x3FFC];
	_ =	sdelay $0x3  }
0x94: {  	_ =	strace s2  }
0x95: {  	s2 =	sld [smem:$0x3FFD];
	_ =	sdelay $0x3  }
0x96: {  	_ =	strace s2  }
0x97: {  	_ =	strace $0x8FFFFFFF  }
0x98: {  	s18 =	sld [smem:$0x3FDB];
	_ =	sdelay $0x1  }
0x99: {  	s19 =	simm.s32 $_scs_section_size  }
0x9a: {  	s4 =	simm.s32 $_size__tile_overlayer_lowered;
	s5 =	simm.s32 $_tile_overlayer_lowered  }
0x9b: {  	s22 =	simm.s32 $0x1BFF;
	s21 =	sshll.u32 s5, $0x1;
	s2 =	sadd.s32 s19, s18  }
0x9c: {  	s6 =	simm.s32 $0x0;
	s20 =	sshll.u32 s4, $0x1;
	s4 =	sadd.s32 s21, s2  }
0x9d: {  	[timem:s6], [sflag:s22] =	dma.local [hbm:s4], s20  }
0x9e: {  	_ =	swait.ge [sflag:s22], s20  }
0x9f: {  	s3 =	ssub.s32 $0x0, s20;
	[sflag:s22] =	ssyncset.done $0x0  }
0xa0: {  	[sflag:s22] =	ssyncadd.s32 s3;
	_ =	sdelay $0x1  }
0xa1: {  	s23 =	simm.s32 $0x1B8B  }
0xa2: {  	_ =	swait.ge [sflag:s23], $0x1  }
0xa3: {  	[sflag:s23] =	ssyncset.done $0x0  }
0xa4: {  	s25 =	simm.s32 $0x1B8E;
	s24 =	sld [smem:$0x3FFE];
	[sflag:s23] =	ssyncadd.s32 $0xFFFFFFFF  }
0xa5: {  	s26 =	simm.s32 $execute0_lowered;
	[smem:$0x3FD2] =	sst s25  }
0xa6: {  	s4 =	sshll.u32 s26, $0x1;
	_ =	strace $0x80000052;
	[dreg:$0x1] =	wrdreg $0xFFFFFFFF  }
0xa7: {  	s28 =	simm.s32 $_size_execute0_lowered;
	s2 =	sadd.s32 s2, s4;
	[dreg:$0x0] =	wrdreg $0x0  }
0xa8: {  	s4 =	sshll.u32 s28, $0x1;
	[dreg:$0x2] =	wrdreg s2  }
0xa9: {  	[dreg:$0x3] =	wrdreg s4  }
0xaa: {  	[dreg:$0x4] =	wrdreg $0xC0  }
0xab: {  	_ =	task [dreg:s6], $0x5FFFF  }
0xac: {  	[dreg:$0x1] =	wrdreg $0xFFFFFFFF  }
0xad: {  	[dreg:$0x0] =	wrdreg $0x60  }
0xae: {  	[dreg:$0x2] =	wrdreg s24  }
0xaf: {  	[dreg:$0x3] =	wrdreg $0x9  }
0xb0: {  	_ =	task.clear_ibuf [dreg:s6], $0x4FFFF;
	_ =	strace $0x90000052  }
0xb1: {  	s29 =	simm.s32 $0x9;
	_ =	strace $0x80000054  }
0xb2: {  	_ =	swait.ge [sflag:s29], $0x1  }
0xb3: {  	[sflag:s29] =	ssyncadd.s32 $0xFFFFFFFF  }
0xb4: {  	_ =	strace $0x90000054  }
0xb5: {  	_ =	sfence  }
0xb6: {  	s30 =	sld [smem:$0x0];
	_ =	sdelay $0x2  }
0xb7: {  	s31 =	sshll.u32 s1, $0xD;
	s1 =	sshrl.u32 s1, $0x2  }
0xb8: {  	s3 =	sand.u32 $0x4000, s31;
	s1 =	sadd.s32 s1, s30  }
0xb9: {  	s0 =	sor.u32 s3, s0;
	s1 =	sshll.u32 s1, $0x11  }
0xba: {  	s0 =	sor.u32 s1, s0  }
0xbb: {  	s0 =	sadd.s32 $0x8F2B, s0  }
0xbc: {  	[sflag:s0] =	ssyncadd.remote.s32 $0x1  }
0xbd: {  	_ =	sfence.sel $0xFFFF  }
0xbe: {  	[dreg:$0x0] =	wrdreg $0xFFFFFFFF;
	(pc) =	sbr.abs _section_cstart, $3  }
0xbf: {  	[dreg:$0x1] =	wrdreg $0xFFFFFFFF  }
0xc0: {  	_ =	task.clear_ibuf [dreg:s6], $0x2FFFF;
	_ =	strace $0x9FFFFFFF  }
0xc1: {  	(tm) =	ssettm $0x7FFFFFFF  }
tec
execute0_lowered:
.L_overlay_start_1:
0x0: {  	(tag) =	ssettag $0x1  }
0x1: {  	s1 =	stileid.u32  }
0x2: {  	p0 =	seq.s32 s1, $0xF  }
.Ltmp0:
0x3: {  	_ = 	snop;
	(pc) =	sbr.rel @p0 .LBB2_13-.Ltmp0, $4  }
0x4: {  	_ = 	snop  }
0x5: {  	s5 =	rddreg [dreg:$0x0];
	s2 =	simm.s32 $0x0  }
0x6: {  	[smem:$0x7FF] =	sst s2  }
0x7: {  	s0 =	rddreg [dreg:$0x1];
	_ =	strace $0x80000053  }
0x8: {  	s3 =	srdreg.scid  }
0x9: {  	s26 =	sshll.u32 s1, $0x1;
	s8 =	sand.u32 $0x1, s3  }
0xa: {  	s3 =	sor.u32 s8, s26  }
0xb: {  	s4 =	smul.u32 $0x56, s3;
	_ =	sdelay $0x1  }
0xc: {  	s4 =	sshrl.u32 s4, $0x8  }
0xd: {  	s6 =	smul.u32 $0x3, s4  }
0xe: {  	s9 =	sadd.s32 $0x4400, s5  }
0xf: {  	s14 =	simm.s32 $0xC280;
	s15 =	simm.s32 $0x80;
	s3 =	ssub.s32 s3, s6  }
0x10: {  	s16 =	simm.s32 $0x400;
	s17 =	simm.s32 $0x2780;
	s6 =	sand.u32 $0xFF, s3  }
0x11: {  	s18 =	simm.s32 $0x3;
	s19 =	simm.s32 $0xE700;
	s3 =	smul.u32 $0x14, s6  }
0x12: {  	s20 =	simm.s32 $0x10B80;
	s21 =	simm.s32 $0x1;
	s7 =	sshll.u32 s4, $0x1  }
0x13: {  	s22 =	simm.s32 $0x4F00;
	s23 =	simm.s32 $0x7680;
	s3 =	sadd.s32 s7, s3  }
0x14: {  	s24 =	simm.s32 $0x2;
	s29 =	ssub.s32 $0x2, s8;
	s7 =	sshrl.u32 s3, $0x3  }
0x15: {  	s31 =	sshrl.u32 s29, $0x1;
	s3 =	sshll.u32 s3, $0x7;
	s7 =	smul.u32 $0x13C00, s7  }
0x16: {  	s28 =	sshrl.u32 s4, $0x2;
	s11 =	sshll.u32 s4, $0x8;
	s10 =	sand.u32 $0x300, s3  }
0x17: {  	s4 =	sadd.s32 $0x1FE00, s5;
	s7 =	sor.u32 s10, s7;
	s10 =	smul.u32 $0x13C00, s28  }
0x18: {  	s11 =	sand.u32 $0x300, s11;
	s3 =	sadd.s32 $0x2A400, s5;
	s7 =	sshrl.u32 s7, $0x3  }
0x19: {  	s7 =	sadd.s32 s7, s5;
	s5 =	smul.u32 $0x1B600, s6;
	s10 =	sor.u32 s11, s10  }
0x1a: {  	s25 =	simm.s32 $0x0;
	s13 =	ssub.s32 s29, s31;
	s30 =	sshrl.u32 s10, $0x3  }
0x1b: {  	s6 =	sadd.s32 $0xBC00, s7;
	s8 =	sadd.s32 s9, s30;
	s12 =	sshrl.u32 s5, $0x3  }
0x1c: {  	s7 =	sadd.s32 $0xBC10, s7;
	s9 =	sadd.s32 $0x10, s8;
	s10 =	sadd.s32 s4, s12  }
0x1d: {  	v0 =	vimm.f32 $0.0e+00;
	s11 =	sadd.s32 s3, s12;
	s12 =	smax.u32 s13, $0x1;
	s13 =	simm.s32 $0x9E00  }
.LBB2_2:
0x1e: {  	[tilespmem:s13], [sflag:$0x1] =	stream.linear.gather [hbm4b:s11+s2], $0x2480, $0x38;
	[tilespmem:$0x13000] =	vst v63  }
0x1f: {  	_ = 	snop  }
0x20: {  	[tilespmem:s14], [sflag:$0x1] =	stream.linear.gather [hbm4b:s10+s2], $0x2480, $0x38;
	[tilespmem:$0x13000] =	vst v63  }
0x21: {  	_ = 	snop  }
0x22: {  	[tilespmem:s2], [sflag:$0x3] =	stream.strided.gather [hbm4b:s8+s15], $0x2780, s16, s15, $0x38;
	[tilespmem:$0x13000] =	vst v63  }
0x23: {  	s26 =	simm.s32 $0x4F40  }
0x24: {  	[tilespmem:s17], [sflag:$0x3] =	stream.strided.gather [hbm4b:s9+s15], $0x2780, s16, s15, $0x38;
	[tilespmem:$0x13000] =	vst v63  }
0x25: {  	[tilespmem:s26+$0xFFFFFFC0] =	vst v0  }
0x26: {  	[tilespmem:s26+$0x30] =	vst v0  }
0x27: {  	[tilespmem:s26+$0x20] =	vst v0  }
0x28: {  	[tilespmem:s26+$0x10] =	vst v0  }
0x29: {  	[tilespmem:s26+$0x0] =	vst v0  }
0x2a: {  	[tilespmem:s26+$0xFFFFFFF0] =	vst v0  }
0x2b: {  	s28 =	simm.s32 $0x0;
	[tilespmem:s26+$0xFFFFFFE0] =	vst v0  }
.LBB2_3:
0x2c: {  	s28 =	sadd.s32 $0x80, s28;
	[tilespmem:s26+$0xFFFFFFD0] =	vst v0;
	s26 =	sadd.s32 $0x80, s26  }
0x2d: {  	[tilespmem:s26+$0xFFFFFFC0] =	vst v0;
	p0 =	slt.u32 s28, $0x2680  }
0x2e: {  	[tilespmem:s26+$0x30] =	vst v0  }
.Ltmp1:
0x2f: {  	[tilespmem:s26+$0x20] =	vst v0;
	(pc) =	sbr.rel @p0 .LBB2_3-.Ltmp1, $4  }
0x30: {  	[tilespmem:s26+$0x10] =	vst v0  }
0x31: {  	[tilespmem:s26+$0x0] =	vst v0  }
0x32: {  	[tilespmem:s26+$0xFFFFFFF0] =	vst v0  }
0x33: {  	[tilespmem:s26+$0xFFFFFFE0] =	vst v0  }
0x34: {  	[tilespmem:s26+$0xFFFFFFD0] =	vst v0  }
0x35: {  	s26 =	simm.s32 $0x76C0;
	[tilespmem:$0x7600] =	vst v0  }
0x36: {  	[tilespmem:s26+$0xFFFFFFC0] =	vst v0  }
0x37: {  	[tilespmem:s26+$0x30] =	vst v0  }
0x38: {  	[tilespmem:s26+$0x20] =	vst v0  }
0x39: {  	[tilespmem:s26+$0x10] =	vst v0  }
0x3a: {  	[tilespmem:s26+$0x0] =	vst v0  }
0x3b: {  	[tilespmem:s26+$0xFFFFFFF0] =	vst v0  }
0x3c: {  	s28 =	simm.s32 $0x0;
	[tilespmem:s26+$0xFFFFFFE0] =	vst v0  }
.LBB2_5:
0x3d: {  	s28 =	sadd.s32 $0x80, s28;
	[tilespmem:s26+$0xFFFFFFD0] =	vst v0;
	s26 =	sadd.s32 $0x80, s26  }
0x3e: {  	[tilespmem:s26+$0xFFFFFFC0] =	vst v0;
	p0 =	slt.u32 s28, $0x2680  }
0x3f: {  	[tilespmem:s26+$0x30] =	vst v0  }
.Ltmp2:
0x40: {  	[tilespmem:s26+$0x20] =	vst v0;
	(pc) =	sbr.rel @p0 .LBB2_5-.Ltmp2, $4  }
0x41: {  	[tilespmem:s26+$0x10] =	vst v0  }
0x42: {  	[tilespmem:s26+$0x0] =	vst v0  }
0x43: {  	[tilespmem:s26+$0xFFFFFFF0] =	vst v0  }
0x44: {  	[tilespmem:s26+$0xFFFFFFE0] =	vst v0  }
0x45: {  	[tilespmem:s26+$0xFFFFFFD0] =	vst v0  }
0x46: {  	[tilespmem:$0x9D80] =	vst v0  }
0x47: {  	_ =	swait.ge [sflag:s18], $0x2780  }
0x48: {  	[sflag:s18] =	ssyncset.done $0x0  }
0x49: {  	[sflag:s18] =	ssyncadd.s32 $0xFFFFD880  }
0x4a: {  	_ =	swait.ge [sflag:s18], $0x2780  }
0x4b: {  	[sflag:s18] =	ssyncset.done $0x0  }
0x4c: {  	s26 =	simm.s32 $0x0;
	[sflag:s18] =	ssyncadd.s32 $0xFFFFD880  }
.LBB2_7:
0x4d: {  	s28 =	smul.u32 $0x4900, s26;
	_ =	sdelay $0x1  }
0x4e: {  	s28 =	sadd.s32 s5, s28  }
0x4f: {  	s29 =	sshrl.u32 s28, $0x3  }
0x50: {  	s29 =	sadd.s32 $0x490, s29  }
0x51: {  	s30 =	sadd.s32 s3, s29  }
0x52: {  	[tilespmem:s19], [sflag:$0x2] =	stream.linear.gather [hbm4b:s30+s2], $0x2480, $0x38;
	[tilespmem:$0x13000] =	vst v63  }
0x53: {  	s29 =	sadd.s32 s4, s29  }
0x54: {  	[tilespmem:s20], [sflag:$0x2] =	stream.linear.gather [hbm4b:s29+s2], $0x2480, $0x38;
	[tilespmem:$0x13000] =	vst v63  }
0x55: {  	_ =	swait.ge [sflag:s21], $0x2480  }
0x56: {  	[sflag:s21] =	ssyncset.done $0x0  }
0x57: {  	[sflag:s21] =	ssyncadd.s32 $0xFFFFDB80  }
0x58: {  	_ =	swait.ge [sflag:s21], $0x2480  }
0x59: {  	[sflag:s21] =	ssyncset.done $0x0  }
0x5a: {  	s29 =	simm.s32 $0x9E20;
	[sflag:s21] =	ssyncadd.s32 $0xFFFFDB80  }
0x5b: {  	v1 =	vld [tilespmem:s29+$0x10];
	_ =	sdelay $0x2  }
0x5c: {  	v3 =	vld [tilespmem:s29+$0xFFFFFFE0];
	_ =	sdelay $0x1  }
0x5d: {  	v2 =	vld [tilespmem:s29+$0xFFFFFFF0];
	v4 =	vand.u32 $0x3FFF, v1  }
0x5e: {  	s30 =	simm.s32 $0x9E60;
	v5 =	vld [tilespmem:s29+$0x0]  }
0x5f: {  	v18 =	vld [tilespmem:s30+$0xFFFFFFE0]  }
0x60: {  	s29 =	simm.s32 $0xC2A0;
	v20 =	vld [tilespmem:s30+$0x0];
	v6 =	vand.u32 $0x3FFF, v3  }
0x61: {  	v9 =	vld [tilespmem:s29+$0x10]  }
0x62: {  	v7 =	vand.u32 $0x3FFF, v2;
	v8 =	vld.idx.msk [tilespmem:v4+s2+$0x0], $0xffff  }
0x63: {  	v13 =	vld [tilespmem:s29+$0xFFFFFFE0];
	v10 =	vand.u32 $0x3FFF, v5  }
0x64: {  	v14 =	vld [tilespmem:s29+$0xFFFFFFF0];
	v12 =	vshrl.u32 v1, $0xE  }
0x65: {  	v1 =	vld.idx.msk [tilespmem:v6+s2+$0x0], $0xffff  }
0x66: {  	v17 =	vld [tilespmem:s29+$0x0]  }
0x67: {  	v15 =	vshrl.u32 v3, $0xE;
	v11 =	vld.idx.msk [tilespmem:v7+s2+$0x0], $0xffff;
	v8 =	vmul.f32 v8, v9  }
0x68: {  	v3 =	vld.idx.msk [tilespmem:v10+s2+$0x0], $0xffff  }
0x69: {  	v16 =	vshrl.u32 v2, $0xE;
	[tilespmem:v12+s22+$0x0] =	vst.idx.add.f32.msk $0xffff, v8  }
0x6a: {  	v1 =	vmul.f32 v1, v13;
	v2 =	vld.idx.msk [tilespmem:v4+s17+$0x0], $0xffff  }
0x6b: {  	v4 =	vld [tilespmem:s30+$0x10]  }
0x6c: {  	s29 =	simm.s32 $0xC2E0;
	v8 =	vmul.f32 v11, v14;
	[tilespmem:v15+s22+$0x0] =	vst.idx.add.f32.msk $0xffff, v1  }
0x6d: {  	v11 =	vld [tilespmem:s29+$0x10]  }
0x6e: {  	v1 =	vshrl.u32 v5, $0xE;
	[tilespmem:v16+s22+$0x0] =	vst.idx.add.f32.msk $0xffff, v8  }
0x6f: {  	v8 =	vld [tilespmem:s30+$0xFFFFFFF0]  }
0x70: {  	v21 =	vld.idx.msk [tilespmem:v6+s17+$0x0], $0xffff;
	v19 =	vand.u32 $0x3FFF, v4  }
0x71: {  	v3 =	vmul.f32 v3, v17;
	v5 =	vand.u32 $0x3FFF, v20;
	v22 =	vld.idx.msk [tilespmem:v7+s17+$0x0], $0xffff  }
0x72: {  	v7 =	vld [tilespmem:s29+$0xFFFFFFF0];
	v2 =	vmul.f32 v2, v9  }
0x73: {  	v6 =	vand.u32 $0x3FFF, v18;
	[tilespmem:v1+s22+$0x0] =	vst.idx.add.f32.msk $0xffff, v3  }
0x74: {  	[tilespmem:v12+s23+$0x0] =	vst.idx.add.f32.msk $0xffff, v2;
	v2 =	vand.u32 $0x3FFF, v8  }
0x75: {  	v3 =	vld.idx.msk [tilespmem:v19+s2+$0x0], $0xffff  }
0x76: {  	v61 =	vld.idx.msk [tilespmem:v5+s2+$0x0], $0xffff  }
0x77: {  	v23 =	vld.idx.msk [tilespmem:v10+s17+$0x0], $0xffff;
	v12 =	vshrl.u32 v4, $0xE  }
0x78: {  	v25 =	vld.idx.msk [tilespmem:v6+s2+$0x0], $0xffff  }
0x79: {  	v24 =	vld.idx.msk [tilespmem:v2+s2+$0x0], $0xffff  }
0x7a: {  	v9 =	vld [tilespmem:s29+$0xFFFFFFE0];
	v3 =	vmul.f32 v3, v11  }
0x7b: {  	v10 =	vld [tilespmem:s29+$0x0];
	v4 =	vshrl.u32 v8, $0xE;
	v8 =	vmul.f32 v21, v13  }
0x7c: {  	[tilespmem:v12+s22+$0x0] =	vst.idx.add.f32.msk $0xffff, v3;
	v3 =	vshrl.u32 v18, $0xE  }
0x7d: {  	v13 =	vmul.f32 v22, v14;
	[tilespmem:v15+s23+$0x0] =	vst.idx.add.f32.msk $0xffff, v8  }
0x7e: {  	v63 =	vmul.f32 v24, v7;
	v14 =	vld.idx.msk [tilespmem:v19+s17+$0x0], $0xffff  }
0x7f: {  	[tilespmem:v16+s23+$0x0] =	vst.idx.add.f32.msk $0xffff, v13;
	v62 =	vmul.f32 v25, v9  }
0x80: {  	[tilespmem:v4+s22+$0x0] =	vst.idx.add.f32.msk $0xffff, v63  }
0x81: {  	s31 =	simm.s32 $0x9EA0;
	s30 =	simm.s32 $0x40;
	v8 =	vshrl.u32 v20, $0xE;
	v13 =	vmul.f32 v23, v17;
	v15 =	vmul.f32 v61, v10;
	[tilespmem:v3+s22+$0x0] =	vst.idx.add.f32.msk $0xffff, v62  }
.LBB2_8:
0x82: {  	v16 =	vld [tilespmem:s31+$0x10];
	s30 =	sadd.s32 $0x40, s30  }
0x83: {  	v11 =	vmul.f32 v14, v11;
	v17 =	vld [tilespmem:s31+$0xFFFFFFF0];
	p0 =	slt.u32 s30, $0x2440  }
0x84: {  	v14 =	vld [tilespmem:s31+$0x0]  }
0x85: {  	[tilespmem:v12+s23+$0x0] =	vst.idx.add.f32.msk $0xffff, v11  }
0x86: {  	v11 =	vld [tilespmem:s31+$0xFFFFFFE0]  }
0x87: {  	v18 =	vand.u32 $0x3FFF, v16;
	[tilespmem:v8+s22+$0x0] =	vst.idx.add.f32.msk $0xffff, v15  }
0x88: {  	v19 =	vshrl.u32 v17, $0xE;
	v12 =	vand.u32 $0x3FFF, v17;
	v15 =	vld.idx.msk [tilespmem:v6+s17+$0x0], $0xffff  }
0x89: {  	v17 =	vshrl.u32 v14, $0xE;
	v6 =	vand.u32 $0x3FFF, v14;
	v14 =	vld.idx.msk [tilespmem:v2+s17+$0x0], $0xffff;
	v2 =	vmov v12  }
0x8a: {  	v20 =	vld.idx.msk [tilespmem:v5+s17+$0x0], $0xffff;
	v5 =	vmov v6  }
0x8b: {  	v21 =	vshrl.u32 v11, $0xE;
	v6 =	vand.u32 $0x3FFF, v11;
	[tilespmem:v1+s23+$0x0] =	vst.idx.add.f32.msk $0xffff, v13;
	v1 =	vmovc v8;
	v8 =	vmov v17  }
0x8c: {  	s29 =	sadd.s32 $0x40, s29;
	v17 =	vld.idx.msk [tilespmem:v18+s2+$0x0], $0xffff  }
0x8d: {  	v11 =	vld [tilespmem:s29+$0x10]  }
0x8e: {  	v15 =	vmul.f32 v15, v9;
	v22 =	vld.idx.msk [tilespmem:v12+s2+$0x0], $0xffff  }
0x8f: {  	v12 =	vshrl.u32 v16, $0xE;
	v16 =	vmul.f32 v14, v7;
	v23 =	vld.idx.msk [tilespmem:v5+s2+$0x0], $0xffff  }
0x90: {  	v13 =	vmul.f32 v20, v10;
	v24 =	vld.idx.msk [tilespmem:v6+s2+$0x0], $0xffff  }
0x91: {  	v9 =	vld [tilespmem:s29+$0xFFFFFFE0]  }
0x92: {  	v7 =	vld [tilespmem:s29+$0xFFFFFFF0];
	v14 =	vmul.f32 v17, v11  }
0x93: {  	v10 =	vld [tilespmem:s29+$0x0]  }
0x94: {  	[tilespmem:v12+s22+$0x0] =	vst.idx.add.f32.msk $0xffff, v14  }
.Ltmp3:
0x95: {  	v14 =	vld.idx.msk [tilespmem:v18+s17+$0x0], $0xffff;
	(pc) =	sbr.rel @p0 .LBB2_8-.Ltmp3, $4  }
0x96: {  	v17 =	vmul.f32 v24, v9;
	[tilespmem:v3+s23+$0x0] =	vst.idx.add.f32.msk $0xffff, v15;
	v3 =	vmov v21  }
0x97: {  	v18 =	vmul.f32 v22, v7;
	[tilespmem:v4+s23+$0x0] =	vst.idx.add.f32.msk $0xffff, v16;
	v4 =	vmov v19  }
0x98: {  	[tilespmem:v21+s22+$0x0] =	vst.idx.add.f32.msk $0xffff, v17;
	v15 =	vmul.f32 v23, v10  }
0x99: {  	s31 =	sadd.s32 $0x40, s31;
	[tilespmem:v19+s22+$0x0] =	vst.idx.add.f32.msk $0xffff, v18  }
0x9a: {  	_ =	sdelay $0x3  }
0x9b: {  	[tilespmem:v8+s22+$0x0] =	vst.idx.add.f32.msk $0xffff, v15  }
0x9c: {  	v6 =	vld.idx.msk [tilespmem:v6+s17+$0x0], $0xffff  }
0x9d: {  	v2 =	vld.idx.msk [tilespmem:v2+s17+$0x0], $0xffff  }
0x9e: {  	v5 =	vld.idx.msk [tilespmem:v5+s17+$0x0], $0xffff;
	_ =	sdelay $0x1  }
0x9f: {  	v11 =	vmul.f32 v14, v11  }
0xa0: {  	[tilespmem:v1+s23+$0x0] =	vst.idx.add.f32.msk $0xffff, v13;
	v6 =	vmul.f32 v6, v9  }
0xa1: {  	p0 =	seq.s32 s26, $0x5;
	[tilespmem:v12+s23+$0x0] =	vst.idx.add.f32.msk $0xffff, v11;
	v1 =	vmul.f32 v2, v7  }
0xa2: {  	s28 =	sshrl.u32 @!p0 s28, $0x3;
	v2 =	vmul.f32 v5, v10;
	[tilespmem:v3+s23+$0x0] =	vst.idx.add.f32.msk $0xffff, v6  }
0xa3: {  	s28 =	sadd.s32 @!p0 $0x920, s28;
	[tilespmem:v4+s23+$0x0] =	vst.idx.add.f32.msk $0xffff, v1  }
0xa4: {  	s30 =	simm.s32 @!p0 $0x0;
	s31 =	simm.s32 @!p0 $0x9E00;
	s29 =	sadd.s32 @!p0 s3, s28;
	[tilespmem:v8+s23+$0x0] =	vst.idx.add.f32.msk $0xffff, v2  }
0xa5: {  	[tilespmem:s31], [sflag:$0x1] =	stream.linear.gather @!p0 [hbm4b:s29+s30], $0x2480, $0x38;
	[tilespmem:$0x13000] =	vst v63  }
0xa6: {  	s28 =	sadd.s32 @!p0 s4, s28;
	s29 =	simm.s32 @!p0 $0xC280  }
0xa7: {  	[tilespmem:s29], [sflag:$0x1] =	stream.linear.gather @!p0 [hbm4b:s28+s30], $0x2480, $0x38;
	[tilespmem:$0x13000] =	vst v63  }
0xa8: {  	_ =	swait.ge [sflag:s24], $0x2480  }
0xa9: {  	[sflag:s24] =	ssyncset.done $0x0  }
0xaa: {  	[sflag:s24] =	ssyncadd.s32 $0xFFFFDB80  }
0xab: {  	_ =	swait.ge [sflag:s24], $0x2480  }
0xac: {  	[sflag:s24] =	ssyncset.done $0x0  }
0xad: {  	s28 =	simm.s32 $0xE720;
	[sflag:s24] =	ssyncadd.s32 $0xFFFFDB80  }
0xae: {  	v1 =	vld [tilespmem:s28+$0x10]  }
0xaf: {  	v3 =	vld [tilespmem:s28+$0xFFFFFFE0];
	_ =	sdelay $0x3  }
0xb0: {  	v2 =	vld [tilespmem:s28+$0xFFFFFFF0];
	v4 =	vand.u32 $0x3FFF, v1  }
0xb1: {  	v5 =	vld [tilespmem:s28+$0x0];
	v6 =	vand.u32 $0x3FFF, v3  }
0xb2: {  	s28 =	simm.s32 $0x10BA0  }
0xb3: {  	v9 =	vld [tilespmem:s28+$0x10]  }
0xb4: {  	v13 =	vld [tilespmem:s28+$0xFFFFFFE0]  }
0xb5: {  	v7 =	vand.u32 $0x3FFF, v2;
	v8 =	vld.idx.msk [tilespmem:v4+s2+$0x0], $0xffff  }
0xb6: {  	s29 =	simm.s32 $0xE760;
	v10 =	vand.u32 $0x3FFF, v5;
	v12 =	vshrl.u32 v1, $0xE;
	v1 =	vld.idx.msk [tilespmem:v6+s2+$0x0], $0xffff  }
0xb7: {  	v19 =	vld [tilespmem:s29+$0x0]  }
0xb8: {  	v14 =	vld [tilespmem:s28+$0xFFFFFFF0];
	v15 =	vshrl.u32 v3, $0xE  }
0xb9: {  	v17 =	vld [tilespmem:s28+$0x0]  }
0xba: {  	v11 =	vld.idx.msk [tilespmem:v7+s2+$0x0], $0xffff;
	v8 =	vmul.f32 v8, v9  }
0xbb: {  	v3 =	vld.idx.msk [tilespmem:v10+s2+$0x0], $0xffff;
	v1 =	vmul.f32 v1, v13  }
0xbc: {  	[tilespmem:v12+s22+$0x0] =	vst.idx.add.f32.msk $0xffff, v8  }
0xbd: {  	[tilespmem:v15+s22+$0x0] =	vst.idx.add.f32.msk $0xffff, v1  }
0xbe: {  	v16 =	vshrl.u32 v2, $0xE;
	v2 =	vld.idx.msk [tilespmem:v4+s17+$0x0], $0xffff  }
0xbf: {  	v4 =	vld [tilespmem:s29+$0x10]  }
0xc0: {  	s28 =	simm.s32 $0x10BE0;
	v1 =	vshrl.u32 v5, $0xE;
	v5 =	vld [tilespmem:s29+$0xFFFFFFF0]  }
0xc1: {  	v8 =	vmul.f32 v11, v14;
	v11 =	vld [tilespmem:s28+$0x10]  }
0xc2: {  	v20 =	vld.idx.msk [tilespmem:v6+s17+$0x0], $0xffff  }
0xc3: {  	[tilespmem:v16+s22+$0x0] =	vst.idx.add.f32.msk $0xffff, v8  }
0xc4: {  	v2 =	vmul.f32 v2, v9;
	v9 =	vld [tilespmem:s29+$0xFFFFFFE0];
	v18 =	vand.u32 $0x3FFF, v4  }
0xc5: {  	v8 =	vld [tilespmem:s28+$0xFFFFFFE0]  }
0xc6: {  	v22 =	vld.idx.msk [tilespmem:v7+s17+$0x0], $0xffff  }
0xc7: {  	v7 =	vld [tilespmem:s28+$0xFFFFFFF0]  }
0xc8: {  	v3 =	vmul.f32 v3, v17;
	[tilespmem:v12+s23+$0x0] =	vst.idx.add.f32.msk $0xffff, v2;
	v2 =	vand.u32 $0x3FFF, v5  }
0xc9: {  	v6 =	vand.u32 $0x3FFF, v9;
	v21 =	vld.idx.msk [tilespmem:v18+s2+$0x0], $0xffff  }
0xca: {  	[tilespmem:v1+s22+$0x0] =	vst.idx.add.f32.msk $0xffff, v3;
	v3 =	vand.u32 $0x3FFF, v19  }
0xcb: {  	v23 =	vld.idx.msk [tilespmem:v10+s17+$0x0], $0xffff;
	v12 =	vshrl.u32 v4, $0xE  }
0xcc: {  	v10 =	vld [tilespmem:s28+$0x0]  }
0xcd: {  	v24 =	vld.idx.msk [tilespmem:v2+s2+$0x0], $0xffff  }
0xce: {  	v25 =	vld.idx.msk [tilespmem:v6+s2+$0x0], $0xffff;
	v4 =	vmul.f32 v21, v11  }
0xcf: {  	v5 =	vshrl.u32 v5, $0xE;
	v61 =	vld.idx.msk [tilespmem:v3+s2+$0x0], $0xffff  }
0xd0: {  	[tilespmem:v12+s22+$0x0] =	vst.idx.add.f32.msk $0xffff, v4;
	v4 =	vshrl.u32 v9, $0xE;
	v9 =	vmul.f32 v20, v13  }
0xd1: {  	v13 =	vmul.f32 v22, v14;
	v14 =	vld.idx.msk [tilespmem:v18+s17+$0x0], $0xffff  }
0xd2: {  	v63 =	vmul.f32 v24, v7;
	[tilespmem:v15+s23+$0x0] =	vst.idx.add.f32.msk $0xffff, v9  }
0xd3: {  	[tilespmem:v16+s23+$0x0] =	vst.idx.add.f32.msk $0xffff, v13;
	v62 =	vmul.f32 v25, v8  }
0xd4: {  	[tilespmem:v5+s22+$0x0] =	vst.idx.add.f32.msk $0xffff, v63  }
0xd5: {  	s30 =	simm.s32 $0xE7A0;
	s29 =	simm.s32 $0x40;
	v9 =	vshrl.u32 v19, $0xE;
	v13 =	vmul.f32 v23, v17;
	v15 =	vmul.f32 v61, v10;
	[tilespmem:v4+s22+$0x0] =	vst.idx.add.f32.msk $0xffff, v62  }
.LBB2_10:
0xd6: {  	v16 =	vld [tilespmem:s30+$0x10];
	s29 =	sadd.s32 $0x40, s29  }
0xd7: {  	v11 =	vmul.f32 v14, v11;
	v17 =	vld [tilespmem:s30+$0xFFFFFFF0];
	p0 =	slt.u32 s29, $0x2440  }
0xd8: {  	v14 =	vld [tilespmem:s30+$0x0]  }
0xd9: {  	[tilespmem:v12+s23+$0x0] =	vst.idx.add.f32.msk $0xffff, v11  }
0xda: {  	v11 =	vld [tilespmem:s30+$0xFFFFFFE0]  }
0xdb: {  	v18 =	vand.u32 $0x3FFF, v16;
	[tilespmem:v9+s22+$0x0] =	vst.idx.add.f32.msk $0xffff, v15  }
0xdc: {  	v19 =	vshrl.u32 v17, $0xE;
	v12 =	vand.u32 $0x3FFF, v17;
	v15 =	vld.idx.msk [tilespmem:v6+s17+$0x0], $0xffff  }
0xdd: {  	v17 =	vshrl.u32 v14, $0xE;
	v6 =	vand.u32 $0x3FFF, v14;
	v14 =	vld.idx.msk [tilespmem:v2+s17+$0x0], $0xffff;
	v2 =	vmov v12  }
0xde: {  	v20 =	vld.idx.msk [tilespmem:v3+s17+$0x0], $0xffff;
	v3 =	vmov v6  }
0xdf: {  	v21 =	vshrl.u32 v11, $0xE;
	v6 =	vand.u32 $0x3FFF, v11;
	[tilespmem:v1+s23+$0x0] =	vst.idx.add.f32.msk $0xffff, v13;
	v1 =	vmovc v9;
	v9 =	vmov v17  }
0xe0: {  	s28 =	sadd.s32 $0x40, s28;
	v17 =	vld.idx.msk [tilespmem:v18+s2+$0x0], $0xffff  }
0xe1: {  	v11 =	vld [tilespmem:s28+$0x10]  }
0xe2: {  	v15 =	vmul.f32 v15, v8;
	v22 =	vld.idx.msk [tilespmem:v12+s2+$0x0], $0xffff  }
0xe3: {  	v12 =	vshrl.u32 v16, $0xE;
	v16 =	vmul.f32 v14, v7;
	v23 =	vld.idx.msk [tilespmem:v3+s2+$0x0], $0xffff  }
0xe4: {  	v13 =	vmul.f32 v20, v10;
	v24 =	vld.idx.msk [tilespmem:v6+s2+$0x0], $0xffff  }
0xe5: {  	v8 =	vld [tilespmem:s28+$0xFFFFFFE0]  }
0xe6: {  	v7 =	vld [tilespmem:s28+$0xFFFFFFF0];
	v14 =	vmul.f32 v17, v11  }
0xe7: {  	v10 =	vld [tilespmem:s28+$0x0]  }
0xe8: {  	[tilespmem:v12+s22+$0x0] =	vst.idx.add.f32.msk $0xffff, v14  }
.Ltmp4:
0xe9: {  	v14 =	vld.idx.msk [tilespmem:v18+s17+$0x0], $0xffff;
	(pc) =	sbr.rel @p0 .LBB2_10-.Ltmp4, $4  }
0xea: {  	v17 =	vmul.f32 v24, v8;
	[tilespmem:v4+s23+$0x0] =	vst.idx.add.f32.msk $0xffff, v15;
	v4 =	vmov v21  }
0xeb: {  	v18 =	vmul.f32 v22, v7;
	[tilespmem:v5+s23+$0x0] =	vst.idx.add.f32.msk $0xffff, v16;
	v5 =	vmov v19  }
0xec: {  	[tilespmem:v21+s22+$0x0] =	vst.idx.add.f32.msk $0xffff, v17;
	v15 =	vmul.f32 v23, v10  }
0xed: {  	s30 =	sadd.s32 $0x40, s30;
	[tilespmem:v19+s22+$0x0] =	vst.idx.add.f32.msk $0xffff, v18  }
0xee: {  	_ =	sdelay $0x3  }
0xef: {  	[tilespmem:v9+s22+$0x0] =	vst.idx.add.f32.msk $0xffff, v15  }
0xf0: {  	v6 =	vld.idx.msk [tilespmem:v6+s17+$0x0], $0xffff  }
0xf1: {  	v2 =	vld.idx.msk [tilespmem:v2+s17+$0x0], $0xffff  }
0xf2: {  	v3 =	vld.idx.msk [tilespmem:v3+s17+$0x0], $0xffff  }
0xf3: {  	s26 =	sadd.s32 $0x1, s26  }
0xf4: {  	v11 =	vmul.f32 v14, v11;
	p0 =	sne.s32 s26, $0x6  }
.Ltmp5:
0xf5: {  	[tilespmem:v1+s23+$0x0] =	vst.idx.add.f32.msk $0xffff, v13;
	v6 =	vmul.f32 v6, v8;
	(pc) =	sbr.rel @p0 .LBB2_7-.Ltmp5, $4  }
0xf6: {  	[tilespmem:v12+s23+$0x0] =	vst.idx.add.f32.msk $0xffff, v11;
	v1 =	vmul.f32 v2, v7  }
0xf7: {  	v2 =	vmul.f32 v3, v10;
	[tilespmem:v4+s23+$0x0] =	vst.idx.add.f32.msk $0xffff, v6  }
0xf8: {  	[tilespmem:v5+s23+$0x0] =	vst.idx.add.f32.msk $0xffff, v1  }
0xf9: {  	[tilespmem:v9+s23+$0x0] =	vst.idx.add.f32.msk $0xffff, v2  }
0xfa: {  	[hbm4b:s6+s15] =	stream.strided.scatter [tilespmem:s22], [sflag:$0x3], $0x2780, s16, s15, $0x38;
	[tilespmem:$0x13000] =	vst v63  }
0xfb: {  	s25 =	sadd.s32 $0x1, s25  }
0xfc: {  	[hbm4b:s7+s15] =	stream.strided.scatter [tilespmem:s23], [sflag:$0x3], $0x2780, s16, s15, $0x38;
	[tilespmem:$0x13000] =	vst v63  }
0xfd: {  	p0 =	sne.s32 s25, s12;
	_ =	swait.ge [sflag:s18], $0x2780  }
.Ltmp6:
0xfe: {  	[sflag:s18] =	ssyncset.done $0x0;
	(pc) =	sbr.rel @p0 .LBB2_2-.Ltmp6, $4  }
0xff: {  	[sflag:s18] =	ssyncadd.s32 $0xFFFFD880  }
0x100: {  	_ =	swait.ge [sflag:s18], $0x2780  }
0x101: {  	[sflag:s18] =	ssyncset.done $0x0  }
0x102: {  	[sflag:s18] =	ssyncadd.s32 $0xFFFFD880  }
.LBB2_13:
0x103: {  	_ =	sfence.sel $0x180000  }
0x104: {  	[bflag:$0x0] =	sbarrier.arrive $0xFFFF  }
0x105: {  	p0 =	sne.s32 s1, $0x0;
	_ =	strace $0x90000053  }
0x106: {  	s0 =	sadd.s32 @!p0 $0x100000, s0;
	[bflag:$0x2] =	sbarrier.arrive $0xFFFF  }
0x107: {  	[sflag:s0] =	ssyncadd.tile.s32 @!p0 $0x1;
	_ =	shalt  }
.Lfunc_end2:
_tile_overlayer_lowered:
.L_overlay_start_2:
0x108: {  	(tag) =	ssettag $0x2  }
0x109: {  	s0 =	rddreg [dreg:$0x0];
	s2 =	stileid.u32  }
0x10a: {  	s1 =	rddreg [dreg:$0x1];
	p0 =	sne.s32 s2, $0x0  }
0x10b: {  	s3 =	rddreg [dreg:$0x2];
	[bflag:$0x3] =	sbarrier.arrive $0xFFFF;
	s2 =	simm.s32 @!p0 $0x1C04  }
0x10c: {  	[timem:s3], [sflag:s2] =	dma.local @!p0 [hbm:s0], s1  }
0x10d: {  	s0 =	simm.s32 @!p0 $0x4  }
0x10e: {  	_ =	swait.ge @!p0 [sflag:s0], s1  }
0x10f: {  	s1 =	ssub.s32 @!p0 $0x0, s1;
	[sflag:s0] =	ssyncset.done @!p0 $0x0  }
0x110: {  	[sflag:s0] =	ssyncadd.s32 @!p0 s1  }
0x111: {  	[bflag:$0x3] =	sbarrier.arrive $0xFFFF  }
0x112: {  	_ =	shalt  }

</sc_bundles>
